<compile_context>
chip_gen: v7x
topology: tpu7x:2x2x1
jax: 0.10.2.dev20260603
libtpu: 0.0.44.dev20260713+nightly
codegen_flags: <defaults>
</compile_context>

<pallas_src>
import jax
import jax.numpy as jnp
from jax import lax
from jax.experimental import pallas as pl
from jax.experimental.pallas import tpu as pltpu
from jax.experimental.pallas import tpu_sc as plsc

N = 10000
E = 160000
IN_DIM = 256
HID_DIM = 512
OUT_DIM = 256

NC = 2
NS = 16
B = 128
NB = 80
E_PAD = NS * NB * B
RPT = 640
N_PAD = NS * RPT
C = 64
K = 1
KB = K * B
NG = NB // K
NSLOT = 8
DEPTH = 4

R = 1024
G = 10

NCH1 = IN_DIM // C
NCH2 = HID_DIM // C


def _make_sc_agg(n_chunks, with_cnt):
  mesh = plsc.VectorSubcoreMesh(core_axis_name="c", subcore_axis_name="s")
  out_type = [jax.ShapeDtypeStruct((N_PAD, C), jnp.float32)
              for _ in range(n_chunks)]
  if with_cnt:
    out_type.append(jax.ShapeDtypeStruct((N_PAD,), jnp.float32))
  scratch = [
      pltpu.VMEM((NG, KB), jnp.int32),
      pltpu.VMEM((NG, KB), jnp.int32),
      pltpu.VMEM((NSLOT, KB, C), jnp.float32),
      pltpu.VMEM_SHARED((N_PAD, C), jnp.float32),
      pltpu.SemaphoreType.DMA,
      pltpu.SemaphoreType.DMA,
  ]
  if with_cnt:
    scratch += [
        pltpu.VMEM((KB,), jnp.float32),
        pltpu.VMEM((RPT,), jnp.float32),
        pltpu.VMEM_SHARED((N_PAD,), jnp.float32),
        pltpu.SemaphoreType.DMA,
    ]

  def body(*args):
    a = list(args)
    src_hbm, dst_hbm, z2d_hbm = a[:3]
    a = a[3:]
    if with_cnt:
      ones_hbm, z1d_hbm = a[:2]
      a = a[2:]
    tables = a[:n_chunks]
    a = a[n_chunks:]
    outs = a[:n_chunks]
    a = a[n_chunks:]
    if with_cnt:
      cnt_out = a[0]
      a = a[1:]
    src_v, dst_v, rowsr_v, acc_sh, sem_g, sem_s = a[:6]
    if with_cnt:
      ones_v, z1d_v, cnt_sh, sem_c = a[6:10]

    c = lax.axis_index("c")
    s = lax.axis_index("s")
    row0 = s * RPT

    pltpu.sync_copy(src_hbm.at[s], src_v)
    pltpu.sync_copy(dst_hbm.at[s], dst_v)
    if with_cnt:
      pltpu.sync_copy(ones_hbm, ones_v)
      pltpu.sync_copy(z1d_hbm, z1d_v)

    for k in range(n_chunks):
      @pl.when(c == (k % NC))
      def _chunk(k=k):
        pltpu.sync_copy(z2d_hbm.at[pl.ds(row0, RPT)],
                        acc_sh.at[pl.ds(row0, RPT)])
        if with_cnt and k == 0:
          pltpu.sync_copy(z1d_v, cnt_sh.at[pl.ds(row0, RPT)])
        plsc.subcore_barrier()

        for p in range(DEPTH):
          pltpu.async_copy(tables[k].at[src_v.at[p]],
                           rowsr_v.at[p], sem_g)

        def step(g, carry, k=k):
          @pl.when(g >= DEPTH)
          def _drain():
            pltpu.make_async_copy(
                rowsr_v.at[lax.rem(g - DEPTH, NSLOT)],
                acc_sh.at[dst_v.at[g - DEPTH]], sem_s).wait()

          @pl.when(g + DEPTH < NG)
          def _prefetch():
            pltpu.async_copy(tables[k].at[src_v.at[g + DEPTH]],
                             rowsr_v.at[lax.rem(g + DEPTH, NSLOT)], sem_g)

          pltpu.make_async_copy(tables[k].at[src_v.at[g]],
                                rowsr_v.at[lax.rem(g, NSLOT)], sem_g).wait()
          pltpu.async_copy(rowsr_v.at[lax.rem(g, NSLOT)],
                           acc_sh.at[dst_v.at[g]], sem_s,
                           add=True)
          if with_cnt and k == 0:
            pltpu.async_copy(ones_v, cnt_sh.at[dst_v.at[g]],
                             sem_c, add=True)
          return carry

        lax.fori_loop(0, NG, step, 0)
        for g in range(max(0, NG - DEPTH), NG):
          pltpu.make_async_copy(rowsr_v.at[g % NSLOT],
                                acc_sh.at[dst_v.at[g]],
                                sem_s).wait()
        if with_cnt and k == 0:
          def drain_cnt(g, carry):
            pltpu.make_async_copy(ones_v, cnt_sh.at[dst_v.at[g]],
                                  sem_c).wait()
            return carry
          lax.fori_loop(0, NG, drain_cnt, 0)
        plsc.subcore_barrier()

        pltpu.sync_copy(acc_sh.at[pl.ds(row0, RPT)],
                        outs[k].at[pl.ds(row0, RPT)])
        if with_cnt and k == 0:
          pltpu.sync_copy(cnt_sh.at[pl.ds(row0, RPT)],
                          cnt_out.at[pl.ds(row0, RPT)])

    return None

  return pl.kernel(
      body, out_type=out_type, mesh=mesh, scratch_types=scratch,
      compiler_params=pltpu.CompilerParams(use_tc_tiling_on_sc=False))


_sc_agg_l1 = _make_sc_agg(NCH1, with_cnt=True)
_sc_agg_l2 = _make_sc_agg(NCH2, with_cnt=False)


def _tc_comb1(aggs, cnt, x, wr, wl, bl):

  def bodyfn(*refs):
    a_refs = refs[:NCH1]
    cnt_ref, x_ref, wr_ref, wl_ref, bl_ref = refs[NCH1:NCH1 + 5]
    h_refs = refs[NCH1 + 5:]
    inv = 1.0 / jnp.maximum(cnt_ref[...], 1.0)
    agg = jnp.concatenate([r[...] for r in a_refs], axis=1) * inv
    h = jnp.dot(agg, wl_ref[...], preferred_element_type=jnp.float32)
    h = h + jnp.dot(x_ref[...], wr_ref[...],
                    preferred_element_type=jnp.float32)
    h = jnp.maximum(h + bl_ref[...], 0.0)
    for k, hr in enumerate(h_refs):
      hr[...] = h[:, k * C:(k + 1) * C]

  return pl.pallas_call(
      bodyfn,
      grid=(G,),
      in_specs=[pl.BlockSpec((R, C), lambda i: (i, 0))] * NCH1 + [
          pl.BlockSpec((R, 1), lambda i: (i, 0)),
          pl.BlockSpec((R, IN_DIM), lambda i: (i, 0)),
          pl.BlockSpec((IN_DIM, HID_DIM), lambda i: (0, 0)),
          pl.BlockSpec((IN_DIM, HID_DIM), lambda i: (0, 0)),
          pl.BlockSpec((1, HID_DIM), lambda i: (0, 0)),
      ],
      out_specs=[pl.BlockSpec((R, C), lambda i: (i, 0))] * NCH2,
      out_shape=[jax.ShapeDtypeStruct((N_PAD, C), jnp.float32)] * NCH2,
  )(*aggs, cnt, x, wr, wl, bl)


def _tc_comb2(aggs, cnt, hs, wr, wl, bl):

  def bodyfn(*refs):
    a_refs = refs[:NCH2]
    h_refs = refs[NCH2:2 * NCH2]
    cnt_ref, wr_ref, wl_ref, bl_ref, out_ref = refs[2 * NCH2:2 * NCH2 + 5]
    inv = 1.0 / jnp.maximum(cnt_ref[...], 1.0)
    agg = jnp.concatenate([r[...] for r in a_refs], axis=1) * inv
    h = jnp.concatenate([r[...] for r in h_refs], axis=1)
    o = jnp.dot(agg, wl_ref[...], preferred_element_type=jnp.float32)
    o = o + jnp.dot(h, wr_ref[...], preferred_element_type=jnp.float32)
    out_ref[...] = o + bl_ref[...]

  return pl.pallas_call(
      bodyfn,
      grid=(G,),
      in_specs=[pl.BlockSpec((R, C), lambda i: (i, 0))] * (2 * NCH2) + [
          pl.BlockSpec((R, 1), lambda i: (i, 0)),
          pl.BlockSpec((HID_DIM, OUT_DIM), lambda i: (0, 0)),
          pl.BlockSpec((HID_DIM, OUT_DIM), lambda i: (0, 0)),
          pl.BlockSpec((1, OUT_DIM), lambda i: (0, 0)),
      ],
      out_specs=pl.BlockSpec((R, OUT_DIM), lambda i: (i, 0)),
      out_shape=jax.ShapeDtypeStruct((N, OUT_DIM), jnp.float32),
  )(*aggs, *hs, cnt, wr, wl, bl)


def kernel(x, edge_index, Wl1, bl1, Wr1, Wl2, bl2, Wr2):
  ei = edge_index.astype(jnp.int32)
  npad = E_PAD - E
  pad_iota = jnp.arange(npad, dtype=jnp.int32)
  src = jnp.concatenate(
      [ei[0], pad_iota % N]).reshape(NS, NG, KB)
  dst = jnp.concatenate(
      [ei[1], N + pad_iota % (N_PAD - N)]).reshape(NS, NG, KB)
  z2d = jnp.zeros((N_PAD, C), jnp.float32)
  ones1 = jnp.ones((KB,), jnp.float32)
  z1d = jnp.zeros((RPT,), jnp.float32)

  xc = [x[:, k * C:(k + 1) * C] for k in range(NCH1)]
  *a, cnt = _sc_agg_l1(src, dst, z2d, ones1, z1d, *xc)
  cnt2 = cnt.reshape(N_PAD, 1)

  h = _tc_comb1(a, cnt2, x, Wr1.T, Wl1.T, bl1.reshape(1, -1))

  g = _sc_agg_l2(src, dst, z2d, *h)

  return _tc_comb2(g, cnt2, h, Wr2.T, Wl2.T, bl2.reshape(1, -1))

# --- scband reference (transcript-rebuilt; emitter-appended) ---
"""Pipeline reference for scband-graph-sage-41781441855679 (READ-ONLY COPY).

The authoritative reference and input builder live on the scoring server;
editing this copy changes nothing except your own understanding.
"""

import jax, jax.numpy as jnp
import numpy as np

N_NODES = 10000
IN_DIM = 256
HID_DIM = 512
OUT_DIM = 256
N_EDGES = 160000


def setup_inputs(seed: int = 0) -> dict:
    key = jax.random.key(seed)
    ks = jax.random.split(key, 8)
    x = jax.random.normal(ks[0], (N_NODES, IN_DIM), dtype=jnp.float32)
    edge_index = jax.random.randint(ks[1], (2, N_EDGES), 0, N_NODES, dtype=jnp.int64)
    # SAGEConv params: lin_l (neighbor aggregation, with bias), lin_r (root, no bias)
    s1 = 1.0 / np.sqrt(IN_DIM)
    s2 = 1.0 / np.sqrt(HID_DIM)
    Wl1 = jax.random.uniform(ks[2], (HID_DIM, IN_DIM), jnp.float32, -s1, s1)
    bl1 = jnp.zeros((HID_DIM,), jnp.float32)
    Wr1 = jax.random.uniform(ks[3], (HID_DIM, IN_DIM), jnp.float32, -s1, s1)
    Wl2 = jax.random.uniform(ks[4], (OUT_DIM, HID_DIM), jnp.float32, -s2, s2)
    bl2 = jnp.zeros((OUT_DIM,), jnp.float32)
    Wr2 = jax.random.uniform(ks[5], (OUT_DIM, HID_DIM), jnp.float32, -s2, s2)
    return {"x": x, "edge_index": edge_index, "Wl1": Wl1, "bl1": bl1, "Wr1": Wr1,
            "Wl2": Wl2, "bl2": bl2, "Wr2": Wr2}


def _sage_conv(x, edge_index, Wl, bl, Wr):
    src = edge_index[0]
    dst = edge_index[1]
    msgs = jnp.take(x, src, axis=0)                      # gather neighbor features
    agg = jax.ops.segment_sum(msgs, dst, num_segments=N_NODES)
    cnt = jax.ops.segment_sum(jnp.ones((msgs.shape[0],), jnp.float32), dst,
                              num_segments=N_NODES)
    agg = agg / jnp.clip(cnt, 1.0)[:, None]              # mean aggregation
    return agg @ Wl.T + bl + x @ Wr.T


def reference(x, edge_index, Wl1, bl1, Wr1, Wl2, bl2, Wr2):
    h = _sage_conv(x, edge_index, Wl1, bl1, Wr1)
    h = jax.nn.relu(h)
    # dropout is identity in eval mode
    out = _sage_conv(h, edge_index, Wl2, bl2, Wr2)
    return out

if __name__ == "__main__":
    import jax
    _d = setup_inputs()
    print(jax.jit(kernel)(*tuple(_d.values())))

</pallas_src>

<mosaic_0001>
#map = affine_map<(d0, d1) -> (0, 0, 0)>
#map1 = affine_map<(d0, d1) -> (0, 0)>
module attributes {stable_mosaic.version = 14 : i64} {
  func.func @body(%arg0: i32, %arg1: i32, %arg2: memref<16x80x128xi32, #tpu.memory_space<hbm>>, %arg3: memref<16x80x128xi32, #tpu.memory_space<hbm>>, %arg4: memref<10240x64xf32, #tpu.memory_space<hbm>>, %arg5: memref<10240x64xf32, #tpu.memory_space<hbm>>, %arg6: memref<10240x64xf32, #tpu.memory_space<hbm>>, %arg7: memref<10240x64xf32, #tpu.memory_space<hbm>>, %arg8: memref<10240x64xf32, #tpu.memory_space<hbm>>, %arg9: memref<10240x64xf32, #tpu.memory_space<hbm>>, %arg10: memref<10240x64xf32, #tpu.memory_space<hbm>>, %arg11: memref<10240x64xf32, #tpu.memory_space<hbm>>, %arg12: memref<10240x64xf32, #tpu.memory_space<hbm>>, %arg13: memref<10240x64xf32, #tpu.memory_space<hbm>>, %arg14: memref<10240x64xf32, #tpu.memory_space<hbm>>, %arg15: memref<10240x64xf32, #tpu.memory_space<hbm>>, %arg16: memref<10240x64xf32, #tpu.memory_space<hbm>>, %arg17: memref<10240x64xf32, #tpu.memory_space<hbm>>, %arg18: memref<10240x64xf32, #tpu.memory_space<hbm>>, %arg19: memref<10240x64xf32, #tpu.memory_space<hbm>>, %arg20: memref<10240x64xf32, #tpu.memory_space<hbm>>, %arg21: memref<80x128xi32, #tpu.memory_space<vmem>>, %arg22: memref<80x128xi32, #tpu.memory_space<vmem>>, %arg23: memref<8x128x64xf32, #tpu.memory_space<vmem>>, %arg24: memref<10240x64xf32, #tpu.memory_space<vmem_shared>>, %arg25: memref<!tpu.dma_semaphore, #tpu.memory_space<semaphore_mem>>, %arg26: memref<!tpu.dma_semaphore, #tpu.memory_space<semaphore_mem>>) attributes {dimension_semantics = [#tpu.dimension_semantics<core_parallel>, #tpu.dimension_semantics<subcore_parallel>], iteration_bounds = array<i64: 2, 16>, scalar_prefetch = 0 : i64, scratch_operands = 6 : i64, tpu.core_type = #tpu.core_type<sc_vector_subcore>, window_params = [{transform_indices = #map}, {transform_indices = #map}, {transform_indices = #map1}, {transform_indices = #map1}, {transform_indices = #map1}, {transform_indices = #map1}, {transform_indices = #map1}, {transform_indices = #map1}, {transform_indices = #map1}, {transform_indices = #map1}, {transform_indices = #map1}, {transform_indices = #map1}, {transform_indices = #map1}, {transform_indices = #map1}, {transform_indices = #map1}, {transform_indices = #map1}, {transform_indices = #map1}, {transform_indices = #map1}, {transform_indices = #map1}]} {
    %mul3A = arith.constant 640 : i32
    %mul3A_0 = arith.muli %arg1, %mul3A : i32
    "tpu.region"() ({
      %run_scoped3A = tpu.sem_alloc : memref<!tpu.dma_semaphore, #tpu.memory_space<semaphore_mem>>
      %dma_start3A = arith.constant 0 : i32
      %dma_start3A_38 = arith.constant 0 : i32
      %dma_start3A_39 = tpu.memref_slice %arg2[%arg1, %dma_start3A, %dma_start3A_38] : memref<16x80x128xi32, #tpu.memory_space<hbm>> -> memref<1x80x128xi32, #tpu.memory_space<hbm>>
      %dma_start3A_40 = tpu.memref_squeeze %dma_start3A_39 : memref<1x80x128xi32, #tpu.memory_space<hbm>> -> memref<80x128xi32, #tpu.memory_space<hbm>>
      %dma_start3A_41 = arith.constant 0 : i32
      %dma_start3A_42 = arith.constant 0 : i32
      %dma_start3A_43 = tpu.memref_slice %arg2[%arg1, %dma_start3A_41, %dma_start3A_42] : memref<16x80x128xi32, #tpu.memory_space<hbm>> -> memref<1x80x128xi32, #tpu.memory_space<hbm>>
      %dma_start3A_44 = tpu.memref_squeeze %dma_start3A_43 : memref<1x80x128xi32, #tpu.memory_space<hbm>> -> memref<80x128xi32, #tpu.memory_space<hbm>>
      tpu.enqueue_dma source(%dma_start3A_44 : memref<80x128xi32, #tpu.memory_space<hbm>>) target(%arg21 : memref<80x128xi32, #tpu.memory_space<vmem>>) target_semaphore(%run_scoped3A : memref<!tpu.dma_semaphore, #tpu.memory_space<semaphore_mem>>)
      %dma_wait3A = arith.constant 0 : i32
      %dma_wait3A_45 = arith.constant 0 : i32
      %dma_wait3A_46 = tpu.memref_slice %arg2[%arg1, %dma_wait3A, %dma_wait3A_45] : memref<16x80x128xi32, #tpu.memory_space<hbm>> -> memref<1x80x128xi32, #tpu.memory_space<hbm>>
      %dma_wait3A_47 = tpu.memref_squeeze %dma_wait3A_46 : memref<1x80x128xi32, #tpu.memory_space<hbm>> -> memref<80x128xi32, #tpu.memory_space<hbm>>
      %dma_wait3A_48 = arith.constant 0 : i32
      %dma_wait3A_49 = arith.constant 0 : i32
      %dma_wait3A_50 = tpu.memref_slice %arg2[%arg1, %dma_wait3A_48, %dma_wait3A_49] : memref<16x80x128xi32, #tpu.memory_space<hbm>> -> memref<1x80x128xi32, #tpu.memory_space<hbm>>
      %dma_wait3A_51 = tpu.memref_squeeze %dma_wait3A_50 : memref<1x80x128xi32, #tpu.memory_space<hbm>> -> memref<80x128xi32, #tpu.memory_space<hbm>>
      tpu.wait_dma2 semaphore(%run_scoped3A : memref<!tpu.dma_semaphore, #tpu.memory_space<semaphore_mem>>) src(%dma_wait3A_51 : memref<80x128xi32, #tpu.memory_space<hbm>>) dst(%arg21 : memref<80x128xi32, #tpu.memory_space<vmem>>)
      tpu.yield
    }) : () -> ()
    "tpu.region"() ({
      %run_scoped3A = tpu.sem_alloc : memref<!tpu.dma_semaphore, #tpu.memory_space<semaphore_mem>>
      %dma_start3A = arith.constant 0 : i32
      %dma_start3A_38 = arith.constant 0 : i32
      %dma_start3A_39 = tpu.memref_slice %arg3[%arg1, %dma_start3A, %dma_start3A_38] : memref<16x80x128xi32, #tpu.memory_space<hbm>> -> memref<1x80x128xi32, #tpu.memory_space<hbm>>
      %dma_start3A_40 = tpu.memref_squeeze %dma_start3A_39 : memref<1x80x128xi32, #tpu.memory_space<hbm>> -> memref<80x128xi32, #tpu.memory_space<hbm>>
      %dma_start3A_41 = arith.constant 0 : i32
      %dma_start3A_42 = arith.constant 0 : i32
      %dma_start3A_43 = tpu.memref_slice %arg3[%arg1, %dma_start3A_41, %dma_start3A_42] : memref<16x80x128xi32, #tpu.memory_space<hbm>> -> memref<1x80x128xi32, #tpu.memory_space<hbm>>
      %dma_start3A_44 = tpu.memref_squeeze %dma_start3A_43 : memref<1x80x128xi32, #tpu.memory_space<hbm>> -> memref<80x128xi32, #tpu.memory_space<hbm>>
      tpu.enqueue_dma source(%dma_start3A_44 : memref<80x128xi32, #tpu.memory_space<hbm>>) target(%arg22 : memref<80x128xi32, #tpu.memory_space<vmem>>) target_semaphore(%run_scoped3A : memref<!tpu.dma_semaphore, #tpu.memory_space<semaphore_mem>>)
      %dma_wait3A = arith.constant 0 : i32
      %dma_wait3A_45 = arith.constant 0 : i32
      %dma_wait3A_46 = tpu.memref_slice %arg3[%arg1, %dma_wait3A, %dma_wait3A_45] : memref<16x80x128xi32, #tpu.memory_space<hbm>> -> memref<1x80x128xi32, #tpu.memory_space<hbm>>
      %dma_wait3A_47 = tpu.memref_squeeze %dma_wait3A_46 : memref<1x80x128xi32, #tpu.memory_space<hbm>> -> memref<80x128xi32, #tpu.memory_space<hbm>>
      %dma_wait3A_48 = arith.constant 0 : i32
      %dma_wait3A_49 = arith.constant 0 : i32
      %dma_wait3A_50 = tpu.memref_slice %arg3[%arg1, %dma_wait3A_48, %dma_wait3A_49] : memref<16x80x128xi32, #tpu.memory_space<hbm>> -> memref<1x80x128xi32, #tpu.memory_space<hbm>>
      %dma_wait3A_51 = tpu.memref_squeeze %dma_wait3A_50 : memref<1x80x128xi32, #tpu.memory_space<hbm>> -> memref<80x128xi32, #tpu.memory_space<hbm>>
      tpu.wait_dma2 semaphore(%run_scoped3A : memref<!tpu.dma_semaphore, #tpu.memory_space<semaphore_mem>>) src(%dma_wait3A_51 : memref<80x128xi32, #tpu.memory_space<hbm>>) dst(%arg22 : memref<80x128xi32, #tpu.memory_space<vmem>>)
      tpu.yield
    }) : () -> ()
    %eq3A = arith.constant 0 : i32
    %eq3A_1 = arith.cmpi eq, %arg0, %eq3A : i32
    %convert_element_type3A = arith.extui %eq3A_1 : i1 to i32
    %cond3A = arith.constant 0 : i32
    %cond3A_2 = arith.cmpi ne, %convert_element_type3A, %cond3A : i32
    scf.if %cond3A_2 {
      "tpu.region"() ({
        %run_scoped3A = tpu.sem_alloc : memref<!tpu.dma_semaphore, #tpu.memory_space<semaphore_mem>>
        %dma_start3A_138 = arith.constant 0 : i32
        %dma_start3A_139 = tpu.memref_slice %arg24[%mul3A_0, %dma_start3A_138] : memref<10240x64xf32, #tpu.memory_space<vmem_shared>> -> memref<640x64xf32, #tpu.memory_space<vmem_shared>>
        %dma_start3A_140 = arith.constant 0 : i32
        %dma_start3A_141 = tpu.memref_slice %arg4[%mul3A_0, %dma_start3A_140] : memref<10240x64xf32, #tpu.memory_space<hbm>> -> memref<640x64xf32, #tpu.memory_space<hbm>>
        tpu.enqueue_dma source(%dma_start3A_141 : memref<640x64xf32, #tpu.memory_space<hbm>>) target(%dma_start3A_139 : memref<640x64xf32, #tpu.memory_space<vmem_shared>>) target_semaphore(%run_scoped3A : memref<!tpu.dma_semaphore, #tpu.memory_space<semaphore_mem>>)
        %dma_wait3A_142 = arith.constant 0 : i32
        %dma_wait3A_143 = tpu.memref_slice %arg24[%mul3A_0, %dma_wait3A_142] : memref<10240x64xf32, #tpu.memory_space<vmem_shared>> -> memref<640x64xf32, #tpu.memory_space<vmem_shared>>
        %dma_wait3A_144 = arith.constant 0 : i32
        %dma_wait3A_145 = tpu.memref_slice %arg4[%mul3A_0, %dma_wait3A_144] : memref<10240x64xf32, #tpu.memory_space<hbm>> -> memref<640x64xf32, #tpu.memory_space<hbm>>
        tpu.wait_dma2 semaphore(%run_scoped3A : memref<!tpu.dma_semaphore, #tpu.memory_space<semaphore_mem>>) src(%dma_wait3A_145 : memref<640x64xf32, #tpu.memory_space<hbm>>) dst(%dma_wait3A_143 : memref<640x64xf32, #tpu.memory_space<vmem_shared>>)
        tpu.yield
      }) : () -> ()
      %barrier3A = arith.constant 0 : index
      tpu.barrier barrier_id(%barrier3A)
      %dma_start3A = arith.constant 0 : i32
      %dma_start3A_38 = arith.constant 0 : i32
      %dma_start3A_39 = arith.constant 0 : i32
      %dma_start3A_40 = arith.constant 0 : i32
      %dma_start3A_41 = tpu.memref_slice %arg23[%dma_start3A_38, %dma_start3A_39, %dma_start3A_40] : memref<8x128x64xf32, #tpu.memory_space<vmem>> -> memref<1x128x64xf32, #tpu.memory_space<vmem>>
      %dma_start3A_42 = tpu.memref_squeeze %dma_start3A_41 : memref<1x128x64xf32, #tpu.memory_space<vmem>> -> memref<128x64xf32, #tpu.memory_space<vmem>>
      %dma_start3A_43 = arith.constant 0 : i32
      %dma_start3A_44 = tpu.memref_slice %arg21[%dma_start3A, %dma_start3A_43] : memref<80x128xi32, #tpu.memory_space<vmem>> -> memref<1x128xi32, #tpu.memory_space<vmem>>
      %dma_start3A_45 = tpu.memref_squeeze %dma_start3A_44 : memref<1x128xi32, #tpu.memory_space<vmem>> -> memref<128xi32, #tpu.memory_space<vmem>>
      %dma_start3A_46 = arith.constant 0 : i32
      %dma_start3A_47 = arith.constant 0 : i32
      %dma_start3A_48 = tpu.memref_slice %arg5[%dma_start3A_46, %dma_start3A_47] : memref<10240x64xf32, #tpu.memory_space<hbm>> -> memref<10240x64xf32, #tpu.memory_space<hbm>>
      tpu.enqueue_indirect_dma source(%dma_start3A_48 : memref<10240x64xf32, #tpu.memory_space<hbm>>) target(%dma_start3A_42 : memref<128x64xf32, #tpu.memory_space<vmem>>) offsets(%dma_start3A_45 : memref<128xi32, #tpu.memory_space<vmem>>) semaphore(%arg25 : memref<!tpu.dma_semaphore, #tpu.memory_space<semaphore_mem>>)
      %dma_start3A_49 = arith.constant 1 : i32
      %dma_start3A_50 = arith.constant 1 : i32
      %dma_start3A_51 = arith.constant 0 : i32
      %dma_start3A_52 = arith.constant 0 : i32
      %dma_start3A_53 = tpu.memref_slice %arg23[%dma_start3A_50, %dma_start3A_51, %dma_start3A_52] : memref<8x128x64xf32, #tpu.memory_space<vmem>> -> memref<1x128x64xf32, #tpu.memory_space<vmem>>
      %dma_start3A_54 = tpu.memref_squeeze %dma_start3A_53 : memref<1x128x64xf32, #tpu.memory_space<vmem>> -> memref<128x64xf32, #tpu.memory_space<vmem>>
      %dma_start3A_55 = arith.constant 0 : i32
      %dma_start3A_56 = tpu.memref_slice %arg21[%dma_start3A_49, %dma_start3A_55] : memref<80x128xi32, #tpu.memory_space<vmem>> -> memref<1x128xi32, #tpu.memory_space<vmem>>
      %dma_start3A_57 = tpu.memref_squeeze %dma_start3A_56 : memref<1x128xi32, #tpu.memory_space<vmem>> -> memref<128xi32, #tpu.memory_space<vmem>>
      %dma_start3A_58 = arith.constant 0 : i32
      %dma_start3A_59 = arith.constant 0 : i32
      %dma_start3A_60 = tpu.memref_slice %arg5[%dma_start3A_58, %dma_start3A_59] : memref<10240x64xf32, #tpu.memory_space<hbm>> -> memref<10240x64xf32, #tpu.memory_space<hbm>>
      tpu.enqueue_indirect_dma source(%dma_start3A_60 : memref<10240x64xf32, #tpu.memory_space<hbm>>) target(%dma_start3A_54 : memref<128x64xf32, #tpu.memory_space<vmem>>) offsets(%dma_start3A_57 : memref<128xi32, #tpu.memory_space<vmem>>) semaphore(%arg25 : memref<!tpu.dma_semaphore, #tpu.memory_space<semaphore_mem>>)
      %dma_start3A_61 = arith.constant 2 : i32
      %dma_start3A_62 = arith.constant 2 : i32
      %dma_start3A_63 = arith.constant 0 : i32
      %dma_start3A_64 = arith.constant 0 : i32
      %dma_start3A_65 = tpu.memref_slice %arg23[%dma_start3A_62, %dma_start3A_63, %dma_start3A_64] : memref<8x128x64xf32, #tpu.memory_space<vmem>> -> memref<1x128x64xf32, #tpu.memory_space<vmem>>
      %dma_start3A_66 = tpu.memref_squeeze %dma_start3A_65 : memref<1x128x64xf32, #tpu.memory_space<vmem>> -> memref<128x64xf32, #tpu.memory_space<vmem>>
      %dma_start3A_67 = arith.constant 0 : i32
      %dma_start3A_68 = tpu.memref_slice %arg21[%dma_start3A_61, %dma_start3A_67] : memref<80x128xi32, #tpu.memory_space<vmem>> -> memref<1x128xi32, #tpu.memory_space<vmem>>
      %dma_start3A_69 = tpu.memref_squeeze %dma_start3A_68 : memref<1x128xi32, #tpu.memory_space<vmem>> -> memref<128xi32, #tpu.memory_space<vmem>>
      %dma_start3A_70 = arith.constant 0 : i32
      %dma_start3A_71 = arith.constant 0 : i32
      %dma_start3A_72 = tpu.memref_slice %arg5[%dma_start3A_70, %dma_start3A_71] : memref<10240x64xf32, #tpu.memory_space<hbm>> -> memref<10240x64xf32, #tpu.memory_space<hbm>>
      tpu.enqueue_indirect_dma source(%dma_start3A_72 : memref<10240x64xf32, #tpu.memory_space<hbm>>) target(%dma_start3A_66 : memref<128x64xf32, #tpu.memory_space<vmem>>) offsets(%dma_start3A_69 : memref<128xi32, #tpu.memory_space<vmem>>) semaphore(%arg25 : memref<!tpu.dma_semaphore, #tpu.memory_space<semaphore_mem>>)
      %dma_start3A_73 = arith.constant 3 : i32
      %dma_start3A_74 = arith.constant 3 : i32
      %dma_start3A_75 = arith.constant 0 : i32
      %dma_start3A_76 = arith.constant 0 : i32
      %dma_start3A_77 = tpu.memref_slice %arg23[%dma_start3A_74, %dma_start3A_75, %dma_start3A_76] : memref<8x128x64xf32, #tpu.memory_space<vmem>> -> memref<1x128x64xf32, #tpu.memory_space<vmem>>
      %dma_start3A_78 = tpu.memref_squeeze %dma_start3A_77 : memref<1x128x64xf32, #tpu.memory_space<vmem>> -> memref<128x64xf32, #tpu.memory_space<vmem>>
      %dma_start3A_79 = arith.constant 0 : i32
      %dma_start3A_80 = tpu.memref_slice %arg21[%dma_start3A_73, %dma_start3A_79] : memref<80x128xi32, #tpu.memory_space<vmem>> -> memref<1x128xi32, #tpu.memory_space<vmem>>
      %dma_start3A_81 = tpu.memref_squeeze %dma_start3A_80 : memref<1x128xi32, #tpu.memory_space<vmem>> -> memref<128xi32, #tpu.memory_space<vmem>>
      %dma_start3A_82 = arith.constant 0 : i32
      %dma_start3A_83 = arith.constant 0 : i32
      %dma_start3A_84 = tpu.memref_slice %arg5[%dma_start3A_82, %dma_start3A_83] : memref<10240x64xf32, #tpu.memory_space<hbm>> -> memref<10240x64xf32, #tpu.memory_space<hbm>>
      tpu.enqueue_indirect_dma source(%dma_start3A_84 : memref<10240x64xf32, #tpu.memory_space<hbm>>) target(%dma_start3A_78 : memref<128x64xf32, #tpu.memory_space<vmem>>) offsets(%dma_start3A_81 : memref<128xi32, #tpu.memory_space<vmem>>) semaphore(%arg25 : memref<!tpu.dma_semaphore, #tpu.memory_space<semaphore_mem>>)
      %scan3A = arith.constant 0 : i32
      %scan3A_85 = arith.constant 0 : i32
      %scan3A_86 = arith.constant 80 : i32
      %scan3A_87 = arith.addi %scan3A_85, %scan3A_86 : i32
      %scan3A_88 = arith.constant 1 : i32
      scf.for %scan3A_138 = %scan3A_85 to %scan3A_87 step %scan3A_88  : i32 {
        %ge3A = arith.constant 4 : i32
        %ge3A_139 = arith.cmpi sge, %scan3A_138, %ge3A : i32
        %convert_element_type3A_140 = arith.extui %ge3A_139 : i1 to i32
        %cond3A_141 = arith.constant 0 : i32
        %cond3A_142 = arith.cmpi ne, %convert_element_type3A_140, %cond3A_141 : i32
        scf.if %cond3A_142 {
          %sub3A = arith.constant 4 : i32
          %sub3A_171 = arith.subi %scan3A_138, %sub3A : i32
          %rem3A_172 = arith.constant 8 : i32
          %rem3A_173 = arith.remsi %sub3A_171, %rem3A_172 : i32
          %sub3A_174 = arith.constant 4 : i32
          %sub3A_175 = arith.subi %scan3A_138, %sub3A_174 : i32
          %dma_wait3A_176 = arith.constant 0 : i32
          %dma_wait3A_177 = arith.constant 0 : i32
          %dma_wait3A_178 = tpu.memref_slice %arg23[%rem3A_173, %dma_wait3A_176, %dma_wait3A_177] : memref<8x128x64xf32, #tpu.memory_space<vmem>> -> memref<1x128x64xf32, #tpu.memory_space<vmem>>
          %dma_wait3A_179 = tpu.memref_squeeze %dma_wait3A_178 : memref<1x128x64xf32, #tpu.memory_space<vmem>> -> memref<128x64xf32, #tpu.memory_space<vmem>>
          %dma_wait3A_180 = arith.constant 0 : i32
          %dma_wait3A_181 = tpu.memref_slice %arg22[%sub3A_175, %dma_wait3A_180] : memref<80x128xi32, #tpu.memory_space<vmem>> -> memref<1x128xi32, #tpu.memory_space<vmem>>
          %dma_wait3A_182 = tpu.memref_squeeze %dma_wait3A_181 : memref<1x128xi32, #tpu.memory_space<vmem>> -> memref<128xi32, #tpu.memory_space<vmem>>
          %dma_wait3A_183 = arith.constant 0 : i32
          %dma_wait3A_184 = arith.constant 0 : i32
          %dma_wait3A_185 = tpu.memref_slice %arg24[%dma_wait3A_183, %dma_wait3A_184] : memref<10240x64xf32, #tpu.memory_space<vmem_shared>> -> memref<10240x64xf32, #tpu.memory_space<vmem_shared>>
          tpu.wait_indirect_dma semaphore(%arg26 : memref<!tpu.dma_semaphore, #tpu.memory_space<semaphore_mem>>) src(%dma_wait3A_179 : memref<128x64xf32, #tpu.memory_space<vmem>>) dst(%dma_wait3A_185 : memref<10240x64xf32, #tpu.memory_space<vmem_shared>>)
        } else {
        }
        %add3A = arith.constant 4 : i32
        %add3A_143 = arith.addi %scan3A_138, %add3A : i32
        %lt3A = arith.constant 80 : i32
        %lt3A_144 = arith.cmpi slt, %add3A_143, %lt3A : i32
        %convert_element_type3A_145 = arith.extui %lt3A_144 : i1 to i32
        %cond3A_146 = arith.constant 0 : i32
        %cond3A_147 = arith.cmpi ne, %convert_element_type3A_145, %cond3A_146 : i32
        scf.if %cond3A_147 {
          %add3A_171 = arith.constant 4 : i32
          %add3A_172 = arith.addi %scan3A_138, %add3A_171 : i32
          %add3A_173 = arith.constant 4 : i32
          %add3A_174 = arith.addi %scan3A_138, %add3A_173 : i32
          %rem3A_175 = arith.constant 8 : i32
          %rem3A_176 = arith.remsi %add3A_174, %rem3A_175 : i32
          %dma_start3A_177 = arith.constant 0 : i32
          %dma_start3A_178 = arith.constant 0 : i32
          %dma_start3A_179 = tpu.memref_slice %arg23[%rem3A_176, %dma_start3A_177, %dma_start3A_178] : memref<8x128x64xf32, #tpu.memory_space<vmem>> -> memref<1x128x64xf32, #tpu.memory_space<vmem>>
          %dma_start3A_180 = tpu.memref_squeeze %dma_start3A_179 : memref<1x128x64xf32, #tpu.memory_space<vmem>> -> memref<128x64xf32, #tpu.memory_space<vmem>>
          %dma_start3A_181 = arith.constant 0 : i32
          %dma_start3A_182 = tpu.memref_slice %arg21[%add3A_172, %dma_start3A_181] : memref<80x128xi32, #tpu.memory_space<vmem>> -> memref<1x128xi32, #tpu.memory_space<vmem>>
          %dma_start3A_183 = tpu.memref_squeeze %dma_start3A_182 : memref<1x128xi32, #tpu.memory_space<vmem>> -> memref<128xi32, #tpu.memory_space<vmem>>
          %dma_start3A_184 = arith.constant 0 : i32
          %dma_start3A_185 = arith.constant 0 : i32
          %dma_start3A_186 = tpu.memref_slice %arg5[%dma_start3A_184, %dma_start3A_185] : memref<10240x64xf32, #tpu.memory_space<hbm>> -> memref<10240x64xf32, #tpu.memory_space<hbm>>
          tpu.enqueue_indirect_dma source(%dma_start3A_186 : memref<10240x64xf32, #tpu.memory_space<hbm>>) target(%dma_start3A_180 : memref<128x64xf32, #tpu.memory_space<vmem>>) offsets(%dma_start3A_183 : memref<128xi32, #tpu.memory_space<vmem>>) semaphore(%arg25 : memref<!tpu.dma_semaphore, #tpu.memory_space<semaphore_mem>>)
        } else {
        }
        %rem3A = arith.constant 8 : i32
        %rem3A_148 = arith.remsi %scan3A_138, %rem3A : i32
        %dma_wait3A_149 = arith.constant 0 : i32
        %dma_wait3A_150 = arith.constant 0 : i32
        %dma_wait3A_151 = tpu.memref_slice %arg23[%rem3A_148, %dma_wait3A_149, %dma_wait3A_150] : memref<8x128x64xf32, #tpu.memory_space<vmem>> -> memref<1x128x64xf32, #tpu.memory_space<vmem>>
        %dma_wait3A_152 = tpu.memref_squeeze %dma_wait3A_151 : memref<1x128x64xf32, #tpu.memory_space<vmem>> -> memref<128x64xf32, #tpu.memory_space<vmem>>
        %dma_wait3A_153 = arith.constant 0 : i32
        %dma_wait3A_154 = tpu.memref_slice %arg21[%scan3A_138, %dma_wait3A_153] : memref<80x128xi32, #tpu.memory_space<vmem>> -> memref<1x128xi32, #tpu.memory_space<vmem>>
        %dma_wait3A_155 = tpu.memref_squeeze %dma_wait3A_154 : memref<1x128xi32, #tpu.memory_space<vmem>> -> memref<128xi32, #tpu.memory_space<vmem>>
        %dma_wait3A_156 = arith.constant 0 : i32
        %dma_wait3A_157 = arith.constant 0 : i32
        %dma_wait3A_158 = tpu.memref_slice %arg5[%dma_wait3A_156, %dma_wait3A_157] : memref<10240x64xf32, #tpu.memory_space<hbm>> -> memref<10240x64xf32, #tpu.memory_space<hbm>>
        tpu.wait_indirect_dma semaphore(%arg25 : memref<!tpu.dma_semaphore, #tpu.memory_space<semaphore_mem>>) src(%dma_wait3A_158 : memref<10240x64xf32, #tpu.memory_space<hbm>>) dst(%dma_wait3A_152 : memref<128x64xf32, #tpu.memory_space<vmem>>)
        %rem3A_159 = arith.constant 8 : i32
        %rem3A_160 = arith.remsi %scan3A_138, %rem3A_159 : i32
        %dma_start3A_161 = arith.constant 0 : i32
        %dma_start3A_162 = arith.constant 0 : i32
        %dma_start3A_163 = tpu.memref_slice %arg23[%rem3A_160, %dma_start3A_161, %dma_start3A_162] : memref<8x128x64xf32, #tpu.memory_space<vmem>> -> memref<1x128x64xf32, #tpu.memory_space<vmem>>
        %dma_start3A_164 = tpu.memref_squeeze %dma_start3A_163 : memref<1x128x64xf32, #tpu.memory_space<vmem>> -> memref<128x64xf32, #tpu.memory_space<vmem>>
        %dma_start3A_165 = arith.constant 0 : i32
        %dma_start3A_166 = tpu.memref_slice %arg22[%scan3A_138, %dma_start3A_165] : memref<80x128xi32, #tpu.memory_space<vmem>> -> memref<1x128xi32, #tpu.memory_space<vmem>>
        %dma_start3A_167 = tpu.memref_squeeze %dma_start3A_166 : memref<1x128xi32, #tpu.memory_space<vmem>> -> memref<128xi32, #tpu.memory_space<vmem>>
        %dma_start3A_168 = arith.constant 0 : i32
        %dma_start3A_169 = arith.constant 0 : i32
        %dma_start3A_170 = tpu.memref_slice %arg24[%dma_start3A_168, %dma_start3A_169] : memref<10240x64xf32, #tpu.memory_space<vmem_shared>> -> memref<10240x64xf32, #tpu.memory_space<vmem_shared>>
        tpu.enqueue_indirect_dma source(%dma_start3A_164 : memref<128x64xf32, #tpu.memory_space<vmem>>) target(%dma_start3A_170 : memref<10240x64xf32, #tpu.memory_space<vmem_shared>>) offsets(%dma_start3A_167 : memref<128xi32, #tpu.memory_space<vmem>>) semaphore(%arg26 : memref<!tpu.dma_semaphore, #tpu.memory_space<semaphore_mem>>) {add = true}
      }
      %scan3A_89 = arith.constant 80 : i32
      %dma_wait3A = arith.constant 4 : i32
      %dma_wait3A_90 = arith.constant 76 : i32
      %dma_wait3A_91 = arith.constant 0 : i32
      %dma_wait3A_92 = arith.constant 0 : i32
      %dma_wait3A_93 = tpu.memref_slice %arg23[%dma_wait3A, %dma_wait3A_91, %dma_wait3A_92] : memref<8x128x64xf32, #tpu.memory_space<vmem>> -> memref<1x128x64xf32, #tpu.memory_space<vmem>>
      %dma_wait3A_94 = tpu.memref_squeeze %dma_wait3A_93 : memref<1x128x64xf32, #tpu.memory_space<vmem>> -> memref<128x64xf32, #tpu.memory_space<vmem>>
      %dma_wait3A_95 = arith.constant 0 : i32
      %dma_wait3A_96 = tpu.memref_slice %arg22[%dma_wait3A_90, %dma_wait3A_95] : memref<80x128xi32, #tpu.memory_space<vmem>> -> memref<1x128xi32, #tpu.memory_space<vmem>>
      %dma_wait3A_97 = tpu.memref_squeeze %dma_wait3A_96 : memref<1x128xi32, #tpu.memory_space<vmem>> -> memref<128xi32, #tpu.memory_space<vmem>>
      %dma_wait3A_98 = arith.constant 0 : i32
      %dma_wait3A_99 = arith.constant 0 : i32
      %dma_wait3A_100 = tpu.memref_slice %arg24[%dma_wait3A_98, %dma_wait3A_99] : memref<10240x64xf32, #tpu.memory_space<vmem_shared>> -> memref<10240x64xf32, #tpu.memory_space<vmem_shared>>
      tpu.wait_indirect_dma semaphore(%arg26 : memref<!tpu.dma_semaphore, #tpu.memory_space<semaphore_mem>>) src(%dma_wait3A_94 : memref<128x64xf32, #tpu.memory_space<vmem>>) dst(%dma_wait3A_100 : memref<10240x64xf32, #tpu.memory_space<vmem_shared>>)
      %dma_wait3A_101 = arith.constant 5 : i32
      %dma_wait3A_102 = arith.constant 77 : i32
      %dma_wait3A_103 = arith.constant 0 : i32
      %dma_wait3A_104 = arith.constant 0 : i32
      %dma_wait3A_105 = tpu.memref_slice %arg23[%dma_wait3A_101, %dma_wait3A_103, %dma_wait3A_104] : memref<8x128x64xf32, #tpu.memory_space<vmem>> -> memref<1x128x64xf32, #tpu.memory_space<vmem>>
      %dma_wait3A_106 = tpu.memref_squeeze %dma_wait3A_105 : memref<1x128x64xf32, #tpu.memory_space<vmem>> -> memref<128x64xf32, #tpu.memory_space<vmem>>
      %dma_wait3A_107 = arith.constant 0 : i32
      %dma_wait3A_108 = tpu.memref_slice %arg22[%dma_wait3A_102, %dma_wait3A_107] : memref<80x128xi32, #tpu.memory_space<vmem>> -> memref<1x128xi32, #tpu.memory_space<vmem>>
      %dma_wait3A_109 = tpu.memref_squeeze %dma_wait3A_108 : memref<1x128xi32, #tpu.memory_space<vmem>> -> memref<128xi32, #tpu.memory_space<vmem>>
      %dma_wait3A_110 = arith.constant 0 : i32
      %dma_wait3A_111 = arith.constant 0 : i32
      %dma_wait3A_112 = tpu.memref_slice %arg24[%dma_wait3A_110, %dma_wait3A_111] : memref<10240x64xf32, #tpu.memory_space<vmem_shared>> -> memref<10240x64xf32, #tpu.memory_space<vmem_shared>>
      tpu.wait_indirect_dma semaphore(%arg26 : memref<!tpu.dma_semaphore, #tpu.memory_space<semaphore_mem>>) src(%dma_wait3A_106 : memref<128x64xf32, #tpu.memory_space<vmem>>) dst(%dma_wait3A_112 : memref<10240x64xf32, #tpu.memory_space<vmem_shared>>)
      %dma_wait3A_113 = arith.constant 6 : i32
      %dma_wait3A_114 = arith.constant 78 : i32
      %dma_wait3A_115 = arith.constant 0 : i32
      %dma_wait3A_116 = arith.constant 0 : i32
      %dma_wait3A_117 = tpu.memref_slice %arg23[%dma_wait3A_113, %dma_wait3A_115, %dma_wait3A_116] : memref<8x128x64xf32, #tpu.memory_space<vmem>> -> memref<1x128x64xf32, #tpu.memory_space<vmem>>
      %dma_wait3A_118 = tpu.memref_squeeze %dma_wait3A_117 : memref<1x128x64xf32, #tpu.memory_space<vmem>> -> memref<128x64xf32, #tpu.memory_space<vmem>>
      %dma_wait3A_119 = arith.constant 0 : i32
      %dma_wait3A_120 = tpu.memref_slice %arg22[%dma_wait3A_114, %dma_wait3A_119] : memref<80x128xi32, #tpu.memory_space<vmem>> -> memref<1x128xi32, #tpu.memory_space<vmem>>
      %dma_wait3A_121 = tpu.memref_squeeze %dma_wait3A_120 : memref<1x128xi32, #tpu.memory_space<vmem>> -> memref<128xi32, #tpu.memory_space<vmem>>
      %dma_wait3A_122 = arith.constant 0 : i32
      %dma_wait3A_123 = arith.constant 0 : i32
      %dma_wait3A_124 = tpu.memref_slice %arg24[%dma_wait3A_122, %dma_wait3A_123] : memref<10240x64xf32, #tpu.memory_space<vmem_shared>> -> memref<10240x64xf32, #tpu.memory_space<vmem_shared>>
      tpu.wait_indirect_dma semaphore(%arg26 : memref<!tpu.dma_semaphore, #tpu.memory_space<semaphore_mem>>) src(%dma_wait3A_118 : memref<128x64xf32, #tpu.memory_space<vmem>>) dst(%dma_wait3A_124 : memref<10240x64xf32, #tpu.memory_space<vmem_shared>>)
      %dma_wait3A_125 = arith.constant 7 : i32
      %dma_wait3A_126 = arith.constant 79 : i32
      %dma_wait3A_127 = arith.constant 0 : i32
      %dma_wait3A_128 = arith.constant 0 : i32
      %dma_wait3A_129 = tpu.memref_slice %arg23[%dma_wait3A_125, %dma_wait3A_127, %dma_wait3A_128] : memref<8x128x64xf32, #tpu.memory_space<vmem>> -> memref<1x128x64xf32, #tpu.memory_space<vmem>>
      %dma_wait3A_130 = tpu.memref_squeeze %dma_wait3A_129 : memref<1x128x64xf32, #tpu.memory_space<vmem>> -> memref<128x64xf32, #tpu.memory_space<vmem>>
      %dma_wait3A_131 = arith.constant 0 : i32
      %dma_wait3A_132 = tpu.memref_slice %arg22[%dma_wait3A_126, %dma_wait3A_131] : memref<80x128xi32, #tpu.memory_space<vmem>> -> memref<1x128xi32, #tpu.memory_space<vmem>>
      %dma_wait3A_133 = tpu.memref_squeeze %dma_wait3A_132 : memref<1x128xi32, #tpu.memory_space<vmem>> -> memref<128xi32, #tpu.memory_space<vmem>>
      %dma_wait3A_134 = arith.constant 0 : i32
      %dma_wait3A_135 = arith.constant 0 : i32
      %dma_wait3A_136 = tpu.memref_slice %arg24[%dma_wait3A_134, %dma_wait3A_135] : memref<10240x64xf32, #tpu.memory_space<vmem_shared>> -> memref<10240x64xf32, #tpu.memory_space<vmem_shared>>
      tpu.wait_indirect_dma semaphore(%arg26 : memref<!tpu.dma_semaphore, #tpu.memory_space<semaphore_mem>>) src(%dma_wait3A_130 : memref<128x64xf32, #tpu.memory_space<vmem>>) dst(%dma_wait3A_136 : memref<10240x64xf32, #tpu.memory_space<vmem_shared>>)
      %barrier3A_137 = arith.constant 0 : index
      tpu.barrier barrier_id(%barrier3A_137)
      "tpu.region"() ({
        %run_scoped3A = tpu.sem_alloc : memref<!tpu.dma_semaphore, #tpu.memory_space<semaphore_mem>>
        %dma_start3A_138 = arith.constant 0 : i32
        %dma_start3A_139 = tpu.memref_slice %arg13[%mul3A_0, %dma_start3A_138] : memref<10240x64xf32, #tpu.memory_space<hbm>> -> memref<640x64xf32, #tpu.memory_space<hbm>>
        %dma_start3A_140 = arith.constant 0 : i32
        %dma_start3A_141 = tpu.memref_slice %arg24[%mul3A_0, %dma_start3A_140] : memref<10240x64xf32, #tpu.memory_space<vmem_shared>> -> memref<640x64xf32, #tpu.memory_space<vmem_shared>>
        tpu.enqueue_dma source(%dma_start3A_141 : memref<640x64xf32, #tpu.memory_space<vmem_shared>>) target(%dma_start3A_139 : memref<640x64xf32, #tpu.memory_space<hbm>>) target_semaphore(%run_scoped3A : memref<!tpu.dma_semaphore, #tpu.memory_space<semaphore_mem>>)
        %dma_wait3A_142 = arith.constant 0 : i32
        %dma_wait3A_143 = tpu.memref_slice %arg13[%mul3A_0, %dma_wait3A_142] : memref<10240x64xf32, #tpu.memory_space<hbm>> -> memref<640x64xf32, #tpu.memory_space<hbm>>
        %dma_wait3A_144 = arith.constant 0 : i32
        %dma_wait3A_145 = tpu.memref_slice %arg24[%mul3A_0, %dma_wait3A_144] : memref<10240x64xf32, #tpu.memory_space<vmem_shared>> -> memref<640x64xf32, #tpu.memory_space<vmem_shared>>
        tpu.wait_dma2 semaphore(%run_scoped3A : memref<!tpu.dma_semaphore, #tpu.memory_space<semaphore_mem>>) src(%dma_wait3A_145 : memref<640x64xf32, #tpu.memory_space<vmem_shared>>) dst(%dma_wait3A_143 : memref<640x64xf32, #tpu.memory_space<hbm>>)
        tpu.yield
      }) : () -> ()
    } else {
    }
    %eq3A_3 = arith.constant 1 : i32
    %eq3A_4 = arith.cmpi eq, %arg0, %eq3A_3 : i32
    %convert_element_type3A_5 = arith.extui %eq3A_4 : i1 to i32
    %cond3A_6 = arith.constant 0 : i32
    %cond3A_7 = arith.cmpi ne, %convert_element_type3A_5, %cond3A_6 : i32
    scf.if %cond3A_7 {
      "tpu.region"() ({
        %run_scoped3A = tpu.sem_alloc : memref<!tpu.dma_semaphore, #tpu.memory_space<semaphore_mem>>
        %dma_start3A_138 = arith.constant 0 : i32
        %dma_start3A_139 = tpu.memref_slice %arg24[%mul3A_0, %dma_start3A_138] : memref<10240x64xf32, #tpu.memory_space<vmem_shared>> -> memref<640x64xf32, #tpu.memory_space<vmem_shared>>
        %dma_start3A_140 = arith.constant 0 : i32
        %dma_start3A_141 = tpu.memref_slice %arg4[%mul3A_0, %dma_start3A_140] : memref<10240x64xf32, #tpu.memory_space<hbm>> -> memref<640x64xf32, #tpu.memory_space<hbm>>
        tpu.enqueue_dma source(%dma_start3A_141 : memref<640x64xf32, #tpu.memory_space<hbm>>) target(%dma_start3A_139 : memref<640x64xf32, #tpu.memory_space<vmem_shared>>) target_semaphore(%run_scoped3A : memref<!tpu.dma_semaphore, #tpu.memory_space<semaphore_mem>>)
        %dma_wait3A_142 = arith.constant 0 : i32
        %dma_wait3A_143 = tpu.memref_slice %arg24[%mul3A_0, %dma_wait3A_142] : memref<10240x64xf32, #tpu.memory_space<vmem_shared>> -> memref<640x64xf32, #tpu.memory_space<vmem_shared>>
        %dma_wait3A_144 = arith.constant 0 : i32
        %dma_wait3A_145 = tpu.memref_slice %arg4[%mul3A_0, %dma_wait3A_144] : memref<10240x64xf32, #tpu.memory_space<hbm>> -> memref<640x64xf32, #tpu.memory_space<hbm>>
        tpu.wait_dma2 semaphore(%run_scoped3A : memref<!tpu.dma_semaphore, #tpu.memory_space<semaphore_mem>>) src(%dma_wait3A_145 : memref<640x64xf32, #tpu.memory_space<hbm>>) dst(%dma_wait3A_143 : memref<640x64xf32, #tpu.memory_space<vmem_shared>>)
        tpu.yield
      }) : () -> ()
      %barrier3A = arith.constant 0 : index
      tpu.barrier barrier_id(%barrier3A)
      %dma_start3A = arith.constant 0 : i32
      %dma_start3A_38 = arith.constant 0 : i32
      %dma_start3A_39 = arith.constant 0 : i32
      %dma_start3A_40 = arith.constant 0 : i32
      %dma_start3A_41 = tpu.memref_slice %arg23[%dma_start3A_38, %dma_start3A_39, %dma_start3A_40] : memref<8x128x64xf32, #tpu.memory_space<vmem>> -> memref<1x128x64xf32, #tpu.memory_space<vmem>>
      %dma_start3A_42 = tpu.memref_squeeze %dma_start3A_41 : memref<1x128x64xf32, #tpu.memory_space<vmem>> -> memref<128x64xf32, #tpu.memory_space<vmem>>
      %dma_start3A_43 = arith.constant 0 : i32
      %dma_start3A_44 = tpu.memref_slice %arg21[%dma_start3A, %dma_start3A_43] : memref<80x128xi32, #tpu.memory_space<vmem>> -> memref<1x128xi32, #tpu.memory_space<vmem>>
      %dma_start3A_45 = tpu.memref_squeeze %dma_start3A_44 : memref<1x128xi32, #tpu.memory_space<vmem>> -> memref<128xi32, #tpu.memory_space<vmem>>
      %dma_start3A_46 = arith.constant 0 : i32
      %dma_start3A_47 = arith.constant 0 : i32
      %dma_start3A_48 = tpu.memref_slice %arg6[%dma_start3A_46, %dma_start3A_47] : memref<10240x64xf32, #tpu.memory_space<hbm>> -> memref<10240x64xf32, #tpu.memory_space<hbm>>
      tpu.enqueue_indirect_dma source(%dma_start3A_48 : memref<10240x64xf32, #tpu.memory_space<hbm>>) target(%dma_start3A_42 : memref<128x64xf32, #tpu.memory_space<vmem>>) offsets(%dma_start3A_45 : memref<128xi32, #tpu.memory_space<vmem>>) semaphore(%arg25 : memref<!tpu.dma_semaphore, #tpu.memory_space<semaphore_mem>>)
      %dma_start3A_49 = arith.constant 1 : i32
      %dma_start3A_50 = arith.constant 1 : i32
      %dma_start3A_51 = arith.constant 0 : i32
      %dma_start3A_52 = arith.constant 0 : i32
      %dma_start3A_53 = tpu.memref_slice %arg23[%dma_start3A_50, %dma_start3A_51, %dma_start3A_52] : memref<8x128x64xf32, #tpu.memory_space<vmem>> -> memref<1x128x64xf32, #tpu.memory_space<vmem>>
      %dma_start3A_54 = tpu.memref_squeeze %dma_start3A_53 : memref<1x128x64xf32, #tpu.memory_space<vmem>> -> memref<128x64xf32, #tpu.memory_space<vmem>>
      %dma_start3A_55 = arith.constant 0 : i32
      %dma_start3A_56 = tpu.memref_slice %arg21[%dma_start3A_49, %dma_start3A_55] : memref<80x128xi32, #tpu.memory_space<vmem>> -> memref<1x128xi32, #tpu.memory_space<vmem>>
      %dma_start3A_57 = tpu.memref_squeeze %dma_start3A_56 : memref<1x128xi32, #tpu.memory_space<vmem>> -> memref<128xi32, #tpu.memory_space<vmem>>
      %dma_start3A_58 = arith.constant 0 : i32
      %dma_start3A_59 = arith.constant 0 : i32
      %dma_start3A_60 = tpu.memref_slice %arg6[%dma_start3A_58, %dma_start3A_59] : memref<10240x64xf32, #tpu.memory_space<hbm>> -> memref<10240x64xf32, #tpu.memory_space<hbm>>
      tpu.enqueue_indirect_dma source(%dma_start3A_60 : memref<10240x64xf32, #tpu.memory_space<hbm>>) target(%dma_start3A_54 : memref<128x64xf32, #tpu.memory_space<vmem>>) offsets(%dma_start3A_57 : memref<128xi32, #tpu.memory_space<vmem>>) semaphore(%arg25 : memref<!tpu.dma_semaphore, #tpu.memory_space<semaphore_mem>>)
      %dma_start3A_61 = arith.constant 2 : i32
      %dma_start3A_62 = arith.constant 2 : i32
      %dma_start3A_63 = arith.constant 0 : i32
      %dma_start3A_64 = arith.constant 0 : i32
      %dma_start3A_65 = tpu.memref_slice %arg23[%dma_start3A_62, %dma_start3A_63, %dma_start3A_64] : memref<8x128x64xf32, #tpu.memory_space<vmem>> -> memref<1x128x64xf32, #tpu.memory_space<vmem>>
      %dma_start3A_66 = tpu.memref_squeeze %dma_start3A_65 : memref<1x128x64xf32, #tpu.memory_space<vmem>> -> memref<128x64xf32, #tpu.memory_space<vmem>>
      %dma_start3A_67 = arith.constant 0 : i32
      %dma_start3A_68 = tpu.memref_slice %arg21[%dma_start3A_61, %dma_start3A_67] : memref<80x128xi32, #tpu.memory_space<vmem>> -> memref<1x128xi32, #tpu.memory_space<vmem>>
      %dma_start3A_69 = tpu.memref_squeeze %dma_start3A_68 : memref<1x128xi32, #tpu.memory_space<vmem>> -> memref<128xi32, #tpu.memory_space<vmem>>
      %dma_start3A_70 = arith.constant 0 : i32
      %dma_start3A_71 = arith.constant 0 : i32
      %dma_start3A_72 = tpu.memref_slice %arg6[%dma_start3A_70, %dma_start3A_71] : memref<10240x64xf32, #tpu.memory_space<hbm>> -> memref<10240x64xf32, #tpu.memory_space<hbm>>
      tpu.enqueue_indirect_dma source(%dma_start3A_72 : memref<10240x64xf32, #tpu.memory_space<hbm>>) target(%dma_start3A_66 : memref<128x64xf32, #tpu.memory_space<vmem>>) offsets(%dma_start3A_69 : memref<128xi32, #tpu.memory_space<vmem>>) semaphore(%arg25 : memref<!tpu.dma_semaphore, #tpu.memory_space<semaphore_mem>>)
      %dma_start3A_73 = arith.constant 3 : i32
      %dma_start3A_74 = arith.constant 3 : i32
      %dma_start3A_75 = arith.constant 0 : i32
      %dma_start3A_76 = arith.constant 0 : i32
      %dma_start3A_77 = tpu.memref_slice %arg23[%dma_start3A_74, %dma_start3A_75, %dma_start3A_76] : memref<8x128x64xf32, #tpu.memory_space<vmem>> -> memref<1x128x64xf32, #tpu.memory_space<vmem>>
      %dma_start3A_78 = tpu.memref_squeeze %dma_start3A_77 : memref<1x128x64xf32, #tpu.memory_space<vmem>> -> memref<128x64xf32, #tpu.memory_space<vmem>>
      %dma_start3A_79 = arith.constant 0 : i32
      %dma_start3A_80 = tpu.memref_slice %arg21[%dma_start3A_73, %dma_start3A_79] : memref<80x128xi32, #tpu.memory_space<vmem>> -> memref<1x128xi32, #tpu.memory_space<vmem>>
      %dma_start3A_81 = tpu.memref_squeeze %dma_start3A_80 : memref<1x128xi32, #tpu.memory_space<vmem>> -> memref<128xi32, #tpu.memory_space<vmem>>
      %dma_start3A_82 = arith.constant 0 : i32
      %dma_start3A_83 = arith.constant 0 : i32
      %dma_start3A_84 = tpu.memref_slice %arg6[%dma_start3A_82, %dma_start3A_83] : memref<10240x64xf32, #tpu.memory_space<hbm>> -> memref<10240x64xf32, #tpu.memory_space<hbm>>
      tpu.enqueue_indirect_dma source(%dma_start3A_84 : memref<10240x64xf32, #tpu.memory_space<hbm>>) target(%dma_start3A_78 : memref<128x64xf32, #tpu.memory_space<vmem>>) offsets(%dma_start3A_81 : memref<128xi32, #tpu.memory_space<vmem>>) semaphore(%arg25 : memref<!tpu.dma_semaphore, #tpu.memory_space<semaphore_mem>>)
      %scan3A = arith.constant 0 : i32
      %scan3A_85 = arith.constant 0 : i32
      %scan3A_86 = arith.constant 80 : i32
      %scan3A_87 = arith.addi %scan3A_85, %scan3A_86 : i32
      %scan3A_88 = arith.constant 1 : i32
      scf.for %scan3A_138 = %scan3A_85 to %scan3A_87 step %scan3A_88  : i32 {
        %ge3A = arith.constant 4 : i32
        %ge3A_139 = arith.cmpi sge, %scan3A_138, %ge3A : i32
        %convert_element_type3A_140 = arith.extui %ge3A_139 : i1 to i32
        %cond3A_141 = arith.constant 0 : i32
        %cond3A_142 = arith.cmpi ne, %convert_element_type3A_140, %cond3A_141 : i32
        scf.if %cond3A_142 {
          %sub3A = arith.constant 4 : i32
          %sub3A_171 = arith.subi %scan3A_138, %sub3A : i32
          %rem3A_172 = arith.constant 8 : i32
          %rem3A_173 = arith.remsi %sub3A_171, %rem3A_172 : i32
          %sub3A_174 = arith.constant 4 : i32
          %sub3A_175 = arith.subi %scan3A_138, %sub3A_174 : i32
          %dma_wait3A_176 = arith.constant 0 : i32
          %dma_wait3A_177 = arith.constant 0 : i32
          %dma_wait3A_178 = tpu.memref_slice %arg23[%rem3A_173, %dma_wait3A_176, %dma_wait3A_177] : memref<8x128x64xf32, #tpu.memory_space<vmem>> -> memref<1x128x64xf32, #tpu.memory_space<vmem>>
          %dma_wait3A_179 = tpu.memref_squeeze %dma_wait3A_178 : memref<1x128x64xf32, #tpu.memory_space<vmem>> -> memref<128x64xf32, #tpu.memory_space<vmem>>
          %dma_wait3A_180 = arith.constant 0 : i32
          %dma_wait3A_181 = tpu.memref_slice %arg22[%sub3A_175, %dma_wait3A_180] : memref<80x128xi32, #tpu.memory_space<vmem>> -> memref<1x128xi32, #tpu.memory_space<vmem>>
          %dma_wait3A_182 = tpu.memref_squeeze %dma_wait3A_181 : memref<1x128xi32, #tpu.memory_space<vmem>> -> memref<128xi32, #tpu.memory_space<vmem>>
          %dma_wait3A_183 = arith.constant 0 : i32
          %dma_wait3A_184 = arith.constant 0 : i32
          %dma_wait3A_185 = tpu.memref_slice %arg24[%dma_wait3A_183, %dma_wait3A_184] : memref<10240x64xf32, #tpu.memory_space<vmem_shared>> -> memref<10240x64xf32, #tpu.memory_space<vmem_shared>>
          tpu.wait_indirect_dma semaphore(%arg26 : memref<!tpu.dma_semaphore, #tpu.memory_space<semaphore_mem>>) src(%dma_wait3A_179 : memref<128x64xf32, #tpu.memory_space<vmem>>) dst(%dma_wait3A_185 : memref<10240x64xf32, #tpu.memory_space<vmem_shared>>)
        } else {
        }
        %add3A = arith.constant 4 : i32
        %add3A_143 = arith.addi %scan3A_138, %add3A : i32
        %lt3A = arith.constant 80 : i32
        %lt3A_144 = arith.cmpi slt, %add3A_143, %lt3A : i32
        %convert_element_type3A_145 = arith.extui %lt3A_144 : i1 to i32
        %cond3A_146 = arith.constant 0 : i32
        %cond3A_147 = arith.cmpi ne, %convert_element_type3A_145, %cond3A_146 : i32
        scf.if %cond3A_147 {
          %add3A_171 = arith.constant 4 : i32
          %add3A_172 = arith.addi %scan3A_138, %add3A_171 : i32
          %add3A_173 = arith.constant 4 : i32
          %add3A_174 = arith.addi %scan3A_138, %add3A_173 : i32
          %rem3A_175 = arith.constant 8 : i32
          %rem3A_176 = arith.remsi %add3A_174, %rem3A_175 : i32
          %dma_start3A_177 = arith.constant 0 : i32
          %dma_start3A_178 = arith.constant 0 : i32
          %dma_start3A_179 = tpu.memref_slice %arg23[%rem3A_176, %dma_start3A_177, %dma_start3A_178] : memref<8x128x64xf32, #tpu.memory_space<vmem>> -> memref<1x128x64xf32, #tpu.memory_space<vmem>>
          %dma_start3A_180 = tpu.memref_squeeze %dma_start3A_179 : memref<1x128x64xf32, #tpu.memory_space<vmem>> -> memref<128x64xf32, #tpu.memory_space<vmem>>
          %dma_start3A_181 = arith.constant 0 : i32
          %dma_start3A_182 = tpu.memref_slice %arg21[%add3A_172, %dma_start3A_181] : memref<80x128xi32, #tpu.memory_space<vmem>> -> memref<1x128xi32, #tpu.memory_space<vmem>>
          %dma_start3A_183 = tpu.memref_squeeze %dma_start3A_182 : memref<1x128xi32, #tpu.memory_space<vmem>> -> memref<128xi32, #tpu.memory_space<vmem>>
          %dma_start3A_184 = arith.constant 0 : i32
          %dma_start3A_185 = arith.constant 0 : i32
          %dma_start3A_186 = tpu.memref_slice %arg6[%dma_start3A_184, %dma_start3A_185] : memref<10240x64xf32, #tpu.memory_space<hbm>> -> memref<10240x64xf32, #tpu.memory_space<hbm>>
          tpu.enqueue_indirect_dma source(%dma_start3A_186 : memref<10240x64xf32, #tpu.memory_space<hbm>>) target(%dma_start3A_180 : memref<128x64xf32, #tpu.memory_space<vmem>>) offsets(%dma_start3A_183 : memref<128xi32, #tpu.memory_space<vmem>>) semaphore(%arg25 : memref<!tpu.dma_semaphore, #tpu.memory_space<semaphore_mem>>)
        } else {
        }
        %rem3A = arith.constant 8 : i32
        %rem3A_148 = arith.remsi %scan3A_138, %rem3A : i32
        %dma_wait3A_149 = arith.constant 0 : i32
        %dma_wait3A_150 = arith.constant 0 : i32
        %dma_wait3A_151 = tpu.memref_slice %arg23[%rem3A_148, %dma_wait3A_149, %dma_wait3A_150] : memref<8x128x64xf32, #tpu.memory_space<vmem>> -> memref<1x128x64xf32, #tpu.memory_space<vmem>>
        %dma_wait3A_152 = tpu.memref_squeeze %dma_wait3A_151 : memref<1x128x64xf32, #tpu.memory_space<vmem>> -> memref<128x64xf32, #tpu.memory_space<vmem>>
        %dma_wait3A_153 = arith.constant 0 : i32
        %dma_wait3A_154 = tpu.memref_slice %arg21[%scan3A_138, %dma_wait3A_153] : memref<80x128xi32, #tpu.memory_space<vmem>> -> memref<1x128xi32, #tpu.memory_space<vmem>>
        %dma_wait3A_155 = tpu.memref_squeeze %dma_wait3A_154 : memref<1x128xi32, #tpu.memory_space<vmem>> -> memref<128xi32, #tpu.memory_space<vmem>>
        %dma_wait3A_156 = arith.constant 0 : i32
        %dma_wait3A_157 = arith.constant 0 : i32
        %dma_wait3A_158 = tpu.memref_slice %arg6[%dma_wait3A_156, %dma_wait3A_157] : memref<10240x64xf32, #tpu.memory_space<hbm>> -> memref<10240x64xf32, #tpu.memory_space<hbm>>
        tpu.wait_indirect_dma semaphore(%arg25 : memref<!tpu.dma_semaphore, #tpu.memory_space<semaphore_mem>>) src(%dma_wait3A_158 : memref<10240x64xf32, #tpu.memory_space<hbm>>) dst(%dma_wait3A_152 : memref<128x64xf32, #tpu.memory_space<vmem>>)
        %rem3A_159 = arith.constant 8 : i32
        %rem3A_160 = arith.remsi %scan3A_138, %rem3A_159 : i32
        %dma_start3A_161 = arith.constant 0 : i32
        %dma_start3A_162 = arith.constant 0 : i32
        %dma_start3A_163 = tpu.memref_slice %arg23[%rem3A_160, %dma_start3A_161, %dma_start3A_162] : memref<8x128x64xf32, #tpu.memory_space<vmem>> -> memref<1x128x64xf32, #tpu.memory_space<vmem>>
        %dma_start3A_164 = tpu.memref_squeeze %dma_start3A_163 : memref<1x128x64xf32, #tpu.memory_space<vmem>> -> memref<128x64xf32, #tpu.memory_space<vmem>>
        %dma_start3A_165 = arith.constant 0 : i32
        %dma_start3A_166 = tpu.memref_slice %arg22[%scan3A_138, %dma_start3A_165] : memref<80x128xi32, #tpu.memory_space<vmem>> -> memref<1x128xi32, #tpu.memory_space<vmem>>
        %dma_start3A_167 = tpu.memref_squeeze %dma_start3A_166 : memref<1x128xi32, #tpu.memory_space<vmem>> -> memref<128xi32, #tpu.memory_space<vmem>>
        %dma_start3A_168 = arith.constant 0 : i32
        %dma_start3A_169 = arith.constant 0 : i32
        %dma_start3A_170 = tpu.memref_slice %arg24[%dma_start3A_168, %dma_start3A_169] : memref<10240x64xf32, #tpu.memory_space<vmem_shared>> -> memref<10240x64xf32, #tpu.memory_space<vmem_shared>>
        tpu.enqueue_indirect_dma source(%dma_start3A_164 : memref<128x64xf32, #tpu.memory_space<vmem>>) target(%dma_start3A_170 : memref<10240x64xf32, #tpu.memory_space<vmem_shared>>) offsets(%dma_start3A_167 : memref<128xi32, #tpu.memory_space<vmem>>) semaphore(%arg26 : memref<!tpu.dma_semaphore, #tpu.memory_space<semaphore_mem>>) {add = true}
      }
      %scan3A_89 = arith.constant 80 : i32
      %dma_wait3A = arith.constant 4 : i32
      %dma_wait3A_90 = arith.constant 76 : i32
      %dma_wait3A_91 = arith.constant 0 : i32
      %dma_wait3A_92 = arith.constant 0 : i32
      %dma_wait3A_93 = tpu.memref_slice %arg23[%dma_wait3A, %dma_wait3A_91, %dma_wait3A_92] : memref<8x128x64xf32, #tpu.memory_space<vmem>> -> memref<1x128x64xf32, #tpu.memory_space<vmem>>
      %dma_wait3A_94 = tpu.memref_squeeze %dma_wait3A_93 : memref<1x128x64xf32, #tpu.memory_space<vmem>> -> memref<128x64xf32, #tpu.memory_space<vmem>>
      %dma_wait3A_95 = arith.constant 0 : i32
      %dma_wait3A_96 = tpu.memref_slice %arg22[%dma_wait3A_90, %dma_wait3A_95] : memref<80x128xi32, #tpu.memory_space<vmem>> -> memref<1x128xi32, #tpu.memory_space<vmem>>
      %dma_wait3A_97 = tpu.memref_squeeze %dma_wait3A_96 : memref<1x128xi32, #tpu.memory_space<vmem>> -> memref<128xi32, #tpu.memory_space<vmem>>
      %dma_wait3A_98 = arith.constant 0 : i32
      %dma_wait3A_99 = arith.constant 0 : i32
      %dma_wait3A_100 = tpu.memref_slice %arg24[%dma_wait3A_98, %dma_wait3A_99] : memref<10240x64xf32, #tpu.memory_space<vmem_shared>> -> memref<10240x64xf32, #tpu.memory_space<vmem_shared>>
      tpu.wait_indirect_dma semaphore(%arg26 : memref<!tpu.dma_semaphore, #tpu.memory_space<semaphore_mem>>) src(%dma_wait3A_94 : memref<128x64xf32, #tpu.memory_space<vmem>>) dst(%dma_wait3A_100 : memref<10240x64xf32, #tpu.memory_space<vmem_shared>>)
      %dma_wait3A_101 = arith.constant 5 : i32
      %dma_wait3A_102 = arith.constant 77 : i32
      %dma_wait3A_103 = arith.constant 0 : i32
      %dma_wait3A_104 = arith.constant 0 : i32
      %dma_wait3A_105 = tpu.memref_slice %arg23[%dma_wait3A_101, %dma_wait3A_103, %dma_wait3A_104] : memref<8x128x64xf32, #tpu.memory_space<vmem>> -> memref<1x128x64xf32, #tpu.memory_space<vmem>>
      %dma_wait3A_106 = tpu.memref_squeeze %dma_wait3A_105 : memref<1x128x64xf32, #tpu.memory_space<vmem>> -> memref<128x64xf32, #tpu.memory_space<vmem>>
      %dma_wait3A_107 = arith.constant 0 : i32
      %dma_wait3A_108 = tpu.memref_slice %arg22[%dma_wait3A_102, %dma_wait3A_107] : memref<80x128xi32, #tpu.memory_space<vmem>> -> memref<1x128xi32, #tpu.memory_space<vmem>>
      %dma_wait3A_109 = tpu.memref_squeeze %dma_wait3A_108 : memref<1x128xi32, #tpu.memory_space<vmem>> -> memref<128xi32, #tpu.memory_space<vmem>>
      %dma_wait3A_110 = arith.constant 0 : i32
      %dma_wait3A_111 = arith.constant 0 : i32
      %dma_wait3A_112 = tpu.memref_slice %arg24[%dma_wait3A_110, %dma_wait3A_111] : memref<10240x64xf32, #tpu.memory_space<vmem_shared>> -> memref<10240x64xf32, #tpu.memory_space<vmem_shared>>
      tpu.wait_indirect_dma semaphore(%arg26 : memref<!tpu.dma_semaphore, #tpu.memory_space<semaphore_mem>>) src(%dma_wait3A_106 : memref<128x64xf32, #tpu.memory_space<vmem>>) dst(%dma_wait3A_112 : memref<10240x64xf32, #tpu.memory_space<vmem_shared>>)
      %dma_wait3A_113 = arith.constant 6 : i32
      %dma_wait3A_114 = arith.constant 78 : i32
      %dma_wait3A_115 = arith.constant 0 : i32
      %dma_wait3A_116 = arith.constant 0 : i32
      %dma_wait3A_117 = tpu.memref_slice %arg23[%dma_wait3A_113, %dma_wait3A_115, %dma_wait3A_116] : memref<8x128x64xf32, #tpu.memory_space<vmem>> -> memref<1x128x64xf32, #tpu.memory_space<vmem>>
      %dma_wait3A_118 = tpu.memref_squeeze %dma_wait3A_117 : memref<1x128x64xf32, #tpu.memory_space<vmem>> -> memref<128x64xf32, #tpu.memory_space<vmem>>
      %dma_wait3A_119 = arith.constant 0 : i32
      %dma_wait3A_120 = tpu.memref_slice %arg22[%dma_wait3A_114, %dma_wait3A_119] : memref<80x128xi32, #tpu.memory_space<vmem>> -> memref<1x128xi32, #tpu.memory_space<vmem>>
      %dma_wait3A_121 = tpu.memref_squeeze %dma_wait3A_120 : memref<1x128xi32, #tpu.memory_space<vmem>> -> memref<128xi32, #tpu.memory_space<vmem>>
      %dma_wait3A_122 = arith.constant 0 : i32
      %dma_wait3A_123 = arith.constant 0 : i32
      %dma_wait3A_124 = tpu.memref_slice %arg24[%dma_wait3A_122, %dma_wait3A_123] : memref<10240x64xf32, #tpu.memory_space<vmem_shared>> -> memref<10240x64xf32, #tpu.memory_space<vmem_shared>>
      tpu.wait_indirect_dma semaphore(%arg26 : memref<!tpu.dma_semaphore, #tpu.memory_space<semaphore_mem>>) src(%dma_wait3A_118 : memref<128x64xf32, #tpu.memory_space<vmem>>) dst(%dma_wait3A_124 : memref<10240x64xf32, #tpu.memory_space<vmem_shared>>)
      %dma_wait3A_125 = arith.constant 7 : i32
      %dma_wait3A_126 = arith.constant 79 : i32
      %dma_wait3A_127 = arith.constant 0 : i32
      %dma_wait3A_128 = arith.constant 0 : i32
      %dma_wait3A_129 = tpu.memref_slice %arg23[%dma_wait3A_125, %dma_wait3A_127, %dma_wait3A_128] : memref<8x128x64xf32, #tpu.memory_space<vmem>> -> memref<1x128x64xf32, #tpu.memory_space<vmem>>
      %dma_wait3A_130 = tpu.memref_squeeze %dma_wait3A_129 : memref<1x128x64xf32, #tpu.memory_space<vmem>> -> memref<128x64xf32, #tpu.memory_space<vmem>>
      %dma_wait3A_131 = arith.constant 0 : i32
      %dma_wait3A_132 = tpu.memref_slice %arg22[%dma_wait3A_126, %dma_wait3A_131] : memref<80x128xi32, #tpu.memory_space<vmem>> -> memref<1x128xi32, #tpu.memory_space<vmem>>
      %dma_wait3A_133 = tpu.memref_squeeze %dma_wait3A_132 : memref<1x128xi32, #tpu.memory_space<vmem>> -> memref<128xi32, #tpu.memory_space<vmem>>
      %dma_wait3A_134 = arith.constant 0 : i32
      %dma_wait3A_135 = arith.constant 0 : i32
      %dma_wait3A_136 = tpu.memref_slice %arg24[%dma_wait3A_134, %dma_wait3A_135] : memref<10240x64xf32, #tpu.memory_space<vmem_shared>> -> memref<10240x64xf32, #tpu.memory_space<vmem_shared>>
      tpu.wait_indirect_dma semaphore(%arg26 : memref<!tpu.dma_semaphore, #tpu.memory_space<semaphore_mem>>) src(%dma_wait3A_130 : memref<128x64xf32, #tpu.memory_space<vmem>>) dst(%dma_wait3A_136 : memref<10240x64xf32, #tpu.memory_space<vmem_shared>>)
      %barrier3A_137 = arith.constant 0 : index
      tpu.barrier barrier_id(%barrier3A_137)
      "tpu.region"() ({
        %run_scoped3A = tpu.sem_alloc : memref<!tpu.dma_semaphore, #tpu.memory_space<semaphore_mem>>
        %dma_start3A_138 = arith.constant 0 : i32
        %dma_start3A_139 = tpu.memref_slice %arg14[%mul3A_0, %dma_start3A_138] : memref<10240x64xf32, #tpu.memory_space<hbm>> -> memref<640x64xf32, #tpu.memory_space<hbm>>
        %dma_start3A_140 = arith.constant 0 : i32
        %dma_start3A_141 = tpu.memref_slice %arg24[%mul3A_0, %dma_start3A_140] : memref<10240x64xf32, #tpu.memory_space<vmem_shared>> -> memref<640x64xf32, #tpu.memory_space<vmem_shared>>
        tpu.enqueue_dma source(%dma_start3A_141 : memref<640x64xf32, #tpu.memory_space<vmem_shared>>) target(%dma_start3A_139 : memref<640x64xf32, #tpu.memory_space<hbm>>) target_semaphore(%run_scoped3A : memref<!tpu.dma_semaphore, #tpu.memory_space<semaphore_mem>>)
        %dma_wait3A_142 = arith.constant 0 : i32
        %dma_wait3A_143 = tpu.memref_slice %arg14[%mul3A_0, %dma_wait3A_142] : memref<10240x64xf32, #tpu.memory_space<hbm>> -> memref<640x64xf32, #tpu.memory_space<hbm>>
        %dma_wait3A_144 = arith.constant 0 : i32
        %dma_wait3A_145 = tpu.memref_slice %arg24[%mul3A_0, %dma_wait3A_144] : memref<10240x64xf32, #tpu.memory_space<vmem_shared>> -> memref<640x64xf32, #tpu.memory_space<vmem_shared>>
        tpu.wait_dma2 semaphore(%run_scoped3A : memref<!tpu.dma_semaphore, #tpu.memory_space<semaphore_mem>>) src(%dma_wait3A_145 : memref<640x64xf32, #tpu.memory_space<vmem_shared>>) dst(%dma_wait3A_143 : memref<640x64xf32, #tpu.memory_space<hbm>>)
        tpu.yield
      }) : () -> ()
    } else {
    }
    %eq3A_8 = arith.constant 0 : i32
    %eq3A_9 = arith.cmpi eq, %arg0, %eq3A_8 : i32
    %convert_element_type3A_10 = arith.extui %eq3A_9 : i1 to i32
    %cond3A_11 = arith.constant 0 : i32
    %cond3A_12 = arith.cmpi ne, %convert_element_type3A_10, %cond3A_11 : i32
    scf.if %cond3A_12 {
      "tpu.region"() ({
        %run_scoped3A = tpu.sem_alloc : memref<!tpu.dma_semaphore, #tpu.memory_space<semaphore_mem>>
        %dma_start3A_138 = arith.constant 0 : i32
        %dma_start3A_139 = tpu.memref_slice %arg24[%mul3A_0, %dma_start3A_138] : memref<10240x64xf32, #tpu.memory_space<vmem_shared>> -> memref<640x64xf32, #tpu.memory_space<vmem_shared>>
        %dma_start3A_140 = arith.constant 0 : i32
        %dma_start3A_141 = tpu.memref_slice %arg4[%mul3A_0, %dma_start3A_140] : memref<10240x64xf32, #tpu.memory_space<hbm>> -> memref<640x64xf32, #tpu.memory_space<hbm>>
        tpu.enqueue_dma source(%dma_start3A_141 : memref<640x64xf32, #tpu.memory_space<hbm>>) target(%dma_start3A_139 : memref<640x64xf32, #tpu.memory_space<vmem_shared>>) target_semaphore(%run_scoped3A : memref<!tpu.dma_semaphore, #tpu.memory_space<semaphore_mem>>)
        %dma_wait3A_142 = arith.constant 0 : i32
        %dma_wait3A_143 = tpu.memref_slice %arg24[%mul3A_0, %dma_wait3A_142] : memref<10240x64xf32, #tpu.memory_space<vmem_shared>> -> memref<640x64xf32, #tpu.memory_space<vmem_shared>>
        %dma_wait3A_144 = arith.constant 0 : i32
        %dma_wait3A_145 = tpu.memref_slice %arg4[%mul3A_0, %dma_wait3A_144] : memref<10240x64xf32, #tpu.memory_space<hbm>> -> memref<640x64xf32, #tpu.memory_space<hbm>>
        tpu.wait_dma2 semaphore(%run_scoped3A : memref<!tpu.dma_semaphore, #tpu.memory_space<semaphore_mem>>) src(%dma_wait3A_145 : memref<640x64xf32, #tpu.memory_space<hbm>>) dst(%dma_wait3A_143 : memref<640x64xf32, #tpu.memory_space<vmem_shared>>)
        tpu.yield
      }) : () -> ()
      %barrier3A = arith.constant 0 : index
      tpu.barrier barrier_id(%barrier3A)
      %dma_start3A = arith.constant 0 : i32
      %dma_start3A_38 = arith.constant 0 : i32
      %dma_start3A_39 = arith.constant 0 : i32
      %dma_start3A_40 = arith.constant 0 : i32
      %dma_start3A_41 = tpu.memref_slice %arg23[%dma_start3A_38, %dma_start3A_39, %dma_start3A_40] : memref<8x128x64xf32, #tpu.memory_space<vmem>> -> memref<1x128x64xf32, #tpu.memory_space<vmem>>
      %dma_start3A_42 = tpu.memref_squeeze %dma_start3A_41 : memref<1x128x64xf32, #tpu.memory_space<vmem>> -> memref<128x64xf32, #tpu.memory_space<vmem>>
      %dma_start3A_43 = arith.constant 0 : i32
      %dma_start3A_44 = tpu.memref_slice %arg21[%dma_start3A, %dma_start3A_43] : memref<80x128xi32, #tpu.memory_space<vmem>> -> memref<1x128xi32, #tpu.memory_space<vmem>>
      %dma_start3A_45 = tpu.memref_squeeze %dma_start3A_44 : memref<1x128xi32, #tpu.memory_space<vmem>> -> memref<128xi32, #tpu.memory_space<vmem>>
      %dma_start3A_46 = arith.constant 0 : i32
      %dma_start3A_47 = arith.constant 0 : i32
      %dma_start3A_48 = tpu.memref_slice %arg7[%dma_start3A_46, %dma_start3A_47] : memref<10240x64xf32, #tpu.memory_space<hbm>> -> memref<10240x64xf32, #tpu.memory_space<hbm>>
      tpu.enqueue_indirect_dma source(%dma_start3A_48 : memref<10240x64xf32, #tpu.memory_space<hbm>>) target(%dma_start3A_42 : memref<128x64xf32, #tpu.memory_space<vmem>>) offsets(%dma_start3A_45 : memref<128xi32, #tpu.memory_space<vmem>>) semaphore(%arg25 : memref<!tpu.dma_semaphore, #tpu.memory_space<semaphore_mem>>)
      %dma_start3A_49 = arith.constant 1 : i32
      %dma_start3A_50 = arith.constant 1 : i32
      %dma_start3A_51 = arith.constant 0 : i32
      %dma_start3A_52 = arith.constant 0 : i32
      %dma_start3A_53 = tpu.memref_slice %arg23[%dma_start3A_50, %dma_start3A_51, %dma_start3A_52] : memref<8x128x64xf32, #tpu.memory_space<vmem>> -> memref<1x128x64xf32, #tpu.memory_space<vmem>>
      %dma_start3A_54 = tpu.memref_squeeze %dma_start3A_53 : memref<1x128x64xf32, #tpu.memory_space<vmem>> -> memref<128x64xf32, #tpu.memory_space<vmem>>
      %dma_start3A_55 = arith.constant 0 : i32
      %dma_start3A_56 = tpu.memref_slice %arg21[%dma_start3A_49, %dma_start3A_55] : memref<80x128xi32, #tpu.memory_space<vmem>> -> memref<1x128xi32, #tpu.memory_space<vmem>>
      %dma_start3A_57 = tpu.memref_squeeze %dma_start3A_56 : memref<1x128xi32, #tpu.memory_space<vmem>> -> memref<128xi32, #tpu.memory_space<vmem>>
      %dma_start3A_58 = arith.constant 0 : i32
      %dma_start3A_59 = arith.constant 0 : i32
      %dma_start3A_60 = tpu.memref_slice %arg7[%dma_start3A_58, %dma_start3A_59] : memref<10240x64xf32, #tpu.memory_space<hbm>> -> memref<10240x64xf32, #tpu.memory_space<hbm>>
      tpu.enqueue_indirect_dma source(%dma_start3A_60 : memref<10240x64xf32, #tpu.memory_space<hbm>>) target(%dma_start3A_54 : memref<128x64xf32, #tpu.memory_space<vmem>>) offsets(%dma_start3A_57 : memref<128xi32, #tpu.memory_space<vmem>>) semaphore(%arg25 : memref<!tpu.dma_semaphore, #tpu.memory_space<semaphore_mem>>)
      %dma_start3A_61 = arith.constant 2 : i32
      %dma_start3A_62 = arith.constant 2 : i32
      %dma_start3A_63 = arith.constant 0 : i32
      %dma_start3A_64 = arith.constant 0 : i32
      %dma_start3A_65 = tpu.memref_slice %arg23[%dma_start3A_62, %dma_start3A_63, %dma_start3A_64] : memref<8x128x64xf32, #tpu.memory_space<vmem>> -> memref<1x128x64xf32, #tpu.memory_space<vmem>>
      %dma_start3A_66 = tpu.memref_squeeze %dma_start3A_65 : memref<1x128x64xf32, #tpu.memory_space<vmem>> -> memref<128x64xf32, #tpu.memory_space<vmem>>
      %dma_start3A_67 = arith.constant 0 : i32
      %dma_start3A_68 = tpu.memref_slice %arg21[%dma_start3A_61, %dma_start3A_67] : memref<80x128xi32, #tpu.memory_space<vmem>> -> memref<1x128xi32, #tpu.memory_space<vmem>>
      %dma_start3A_69 = tpu.memref_squeeze %dma_start3A_68 : memref<1x128xi32, #tpu.memory_space<vmem>> -> memref<128xi32, #tpu.memory_space<vmem>>
      %dma_start3A_70 = arith.constant 0 : i32
      %dma_start3A_71 = arith.constant 0 : i32
      %dma_start3A_72 = tpu.memref_slice %arg7[%dma_start3A_70, %dma_start3A_71] : memref<10240x64xf32, #tpu.memory_space<hbm>> -> memref<10240x64xf32, #tpu.memory_space<hbm>>
      tpu.enqueue_indirect_dma source(%dma_start3A_72 : memref<10240x64xf32, #tpu.memory_space<hbm>>) target(%dma_start3A_66 : memref<128x64xf32, #tpu.memory_space<vmem>>) offsets(%dma_start3A_69 : memref<128xi32, #tpu.memory_space<vmem>>) semaphore(%arg25 : memref<!tpu.dma_semaphore, #tpu.memory_space<semaphore_mem>>)
      %dma_start3A_73 = arith.constant 3 : i32
      %dma_start3A_74 = arith.constant 3 : i32
      %dma_start3A_75 = arith.constant 0 : i32
      %dma_start3A_76 = arith.constant 0 : i32
      %dma_start3A_77 = tpu.memref_slice %arg23[%dma_start3A_74, %dma_start3A_75, %dma_start3A_76] : memref<8x128x64xf32, #tpu.memory_space<vmem>> -> memref<1x128x64xf32, #tpu.memory_space<vmem>>
      %dma_start3A_78 = tpu.memref_squeeze %dma_start3A_77 : memref<1x128x64xf32, #tpu.memory_space<vmem>> -> memref<128x64xf32, #tpu.memory_space<vmem>>
      %dma_start3A_79 = arith.constant 0 : i32
      %dma_start3A_80 = tpu.memref_slice %arg21[%dma_start3A_73, %dma_start3A_79] : memref<80x128xi32, #tpu.memory_space<vmem>> -> memref<1x128xi32, #tpu.memory_space<vmem>>
      %dma_start3A_81 = tpu.memref_squeeze %dma_start3A_80 : memref<1x128xi32, #tpu.memory_space<vmem>> -> memref<128xi32, #tpu.memory_space<vmem>>
      %dma_start3A_82 = arith.constant 0 : i32
      %dma_start3A_83 = arith.constant 0 : i32
      %dma_start3A_84 = tpu.memref_slice %arg7[%dma_start3A_82, %dma_start3A_83] : memref<10240x64xf32, #tpu.memory_space<hbm>> -> memref<10240x64xf32, #tpu.memory_space<hbm>>
      tpu.enqueue_indirect_dma source(%dma_start3A_84 : memref<10240x64xf32, #tpu.memory_space<hbm>>) target(%dma_start3A_78 : memref<128x64xf32, #tpu.memory_space<vmem>>) offsets(%dma_start3A_81 : memref<128xi32, #tpu.memory_space<vmem>>) semaphore(%arg25 : memref<!tpu.dma_semaphore, #tpu.memory_space<semaphore_mem>>)
      %scan3A = arith.constant 0 : i32
      %scan3A_85 = arith.constant 0 : i32
      %scan3A_86 = arith.constant 80 : i32
      %scan3A_87 = arith.addi %scan3A_85, %scan3A_86 : i32
      %scan3A_88 = arith.constant 1 : i32
      scf.for %scan3A_138 = %scan3A_85 to %scan3A_87 step %scan3A_88  : i32 {
        %ge3A = arith.constant 4 : i32
        %ge3A_139 = arith.cmpi sge, %scan3A_138, %ge3A : i32
        %convert_element_type3A_140 = arith.extui %ge3A_139 : i1 to i32
        %cond3A_141 = arith.constant 0 : i32
        %cond3A_142 = arith.cmpi ne, %convert_element_type3A_140, %cond3A_141 : i32
        scf.if %cond3A_142 {
          %sub3A = arith.constant 4 : i32
          %sub3A_171 = arith.subi %scan3A_138, %sub3A : i32
          %rem3A_172 = arith.constant 8 : i32
          %rem3A_173 = arith.remsi %sub3A_171, %rem3A_172 : i32
          %sub3A_174 = arith.constant 4 : i32
          %sub3A_175 = arith.subi %scan3A_138, %sub3A_174 : i32
          %dma_wait3A_176 = arith.constant 0 : i32
          %dma_wait3A_177 = arith.constant 0 : i32
          %dma_wait3A_178 = tpu.memref_slice %arg23[%rem3A_173, %dma_wait3A_176, %dma_wait3A_177] : memref<8x128x64xf32, #tpu.memory_space<vmem>> -> memref<1x128x64xf32, #tpu.memory_space<vmem>>
          %dma_wait3A_179 = tpu.memref_squeeze %dma_wait3A_178 : memref<1x128x64xf32, #tpu.memory_space<vmem>> -> memref<128x64xf32, #tpu.memory_space<vmem>>
          %dma_wait3A_180 = arith.constant 0 : i32
          %dma_wait3A_181 = tpu.memref_slice %arg22[%sub3A_175, %dma_wait3A_180] : memref<80x128xi32, #tpu.memory_space<vmem>> -> memref<1x128xi32, #tpu.memory_space<vmem>>
          %dma_wait3A_182 = tpu.memref_squeeze %dma_wait3A_181 : memref<1x128xi32, #tpu.memory_space<vmem>> -> memref<128xi32, #tpu.memory_space<vmem>>
          %dma_wait3A_183 = arith.constant 0 : i32
          %dma_wait3A_184 = arith.constant 0 : i32
          %dma_wait3A_185 = tpu.memref_slice %arg24[%dma_wait3A_183, %dma_wait3A_184] : memref<10240x64xf32, #tpu.memory_space<vmem_shared>> -> memref<10240x64xf32, #tpu.memory_space<vmem_shared>>
          tpu.wait_indirect_dma semaphore(%arg26 : memref<!tpu.dma_semaphore, #tpu.memory_space<semaphore_mem>>) src(%dma_wait3A_179 : memref<128x64xf32, #tpu.memory_space<vmem>>) dst(%dma_wait3A_185 : memref<10240x64xf32, #tpu.memory_space<vmem_shared>>)
        } else {
        }
        %add3A = arith.constant 4 : i32
        %add3A_143 = arith.addi %scan3A_138, %add3A : i32
        %lt3A = arith.constant 80 : i32
        %lt3A_144 = arith.cmpi slt, %add3A_143, %lt3A : i32
        %convert_element_type3A_145 = arith.extui %lt3A_144 : i1 to i32
        %cond3A_146 = arith.constant 0 : i32
        %cond3A_147 = arith.cmpi ne, %convert_element_type3A_145, %cond3A_146 : i32
        scf.if %cond3A_147 {
          %add3A_171 = arith.constant 4 : i32
          %add3A_172 = arith.addi %scan3A_138, %add3A_171 : i32
          %add3A_173 = arith.constant 4 : i32
          %add3A_174 = arith.addi %scan3A_138, %add3A_173 : i32
          %rem3A_175 = arith.constant 8 : i32
          %rem3A_176 = arith.remsi %add3A_174, %rem3A_175 : i32
          %dma_start3A_177 = arith.constant 0 : i32
          %dma_start3A_178 = arith.constant 0 : i32
          %dma_start3A_179 = tpu.memref_slice %arg23[%rem3A_176, %dma_start3A_177, %dma_start3A_178] : memref<8x128x64xf32, #tpu.memory_space<vmem>> -> memref<1x128x64xf32, #tpu.memory_space<vmem>>
          %dma_start3A_180 = tpu.memref_squeeze %dma_start3A_179 : memref<1x128x64xf32, #tpu.memory_space<vmem>> -> memref<128x64xf32, #tpu.memory_space<vmem>>
          %dma_start3A_181 = arith.constant 0 : i32
          %dma_start3A_182 = tpu.memref_slice %arg21[%add3A_172, %dma_start3A_181] : memref<80x128xi32, #tpu.memory_space<vmem>> -> memref<1x128xi32, #tpu.memory_space<vmem>>
          %dma_start3A_183 = tpu.memref_squeeze %dma_start3A_182 : memref<1x128xi32, #tpu.memory_space<vmem>> -> memref<128xi32, #tpu.memory_space<vmem>>
          %dma_start3A_184 = arith.constant 0 : i32
          %dma_start3A_185 = arith.constant 0 : i32
          %dma_start3A_186 = tpu.memref_slice %arg7[%dma_start3A_184, %dma_start3A_185] : memref<10240x64xf32, #tpu.memory_space<hbm>> -> memref<10240x64xf32, #tpu.memory_space<hbm>>
          tpu.enqueue_indirect_dma source(%dma_start3A_186 : memref<10240x64xf32, #tpu.memory_space<hbm>>) target(%dma_start3A_180 : memref<128x64xf32, #tpu.memory_space<vmem>>) offsets(%dma_start3A_183 : memref<128xi32, #tpu.memory_space<vmem>>) semaphore(%arg25 : memref<!tpu.dma_semaphore, #tpu.memory_space<semaphore_mem>>)
        } else {
        }
        %rem3A = arith.constant 8 : i32
        %rem3A_148 = arith.remsi %scan3A_138, %rem3A : i32
        %dma_wait3A_149 = arith.constant 0 : i32
        %dma_wait3A_150 = arith.constant 0 : i32
        %dma_wait3A_151 = tpu.memref_slice %arg23[%rem3A_148, %dma_wait3A_149, %dma_wait3A_150] : memref<8x128x64xf32, #tpu.memory_space<vmem>> -> memref<1x128x64xf32, #tpu.memory_space<vmem>>
        %dma_wait3A_152 = tpu.memref_squeeze %dma_wait3A_151 : memref<1x128x64xf32, #tpu.memory_space<vmem>> -> memref<128x64xf32, #tpu.memory_space<vmem>>
        %dma_wait3A_153 = arith.constant 0 : i32
        %dma_wait3A_154 = tpu.memref_slice %arg21[%scan3A_138, %dma_wait3A_153] : memref<80x128xi32, #tpu.memory_space<vmem>> -> memref<1x128xi32, #tpu.memory_space<vmem>>
        %dma_wait3A_155 = tpu.memref_squeeze %dma_wait3A_154 : memref<1x128xi32, #tpu.memory_space<vmem>> -> memref<128xi32, #tpu.memory_space<vmem>>
        %dma_wait3A_156 = arith.constant 0 : i32
        %dma_wait3A_157 = arith.constant 0 : i32
        %dma_wait3A_158 = tpu.memref_slice %arg7[%dma_wait3A_156, %dma_wait3A_157] : memref<10240x64xf32, #tpu.memory_space<hbm>> -> memref<10240x64xf32, #tpu.memory_space<hbm>>
        tpu.wait_indirect_dma semaphore(%arg25 : memref<!tpu.dma_semaphore, #tpu.memory_space<semaphore_mem>>) src(%dma_wait3A_158 : memref<10240x64xf32, #tpu.memory_space<hbm>>) dst(%dma_wait3A_152 : memref<128x64xf32, #tpu.memory_space<vmem>>)
        %rem3A_159 = arith.constant 8 : i32
        %rem3A_160 = arith.remsi %scan3A_138, %rem3A_159 : i32
        %dma_start3A_161 = arith.constant 0 : i32
        %dma_start3A_162 = arith.constant 0 : i32
        %dma_start3A_163 = tpu.memref_slice %arg23[%rem3A_160, %dma_start3A_161, %dma_start3A_162] : memref<8x128x64xf32, #tpu.memory_space<vmem>> -> memref<1x128x64xf32, #tpu.memory_space<vmem>>
        %dma_start3A_164 = tpu.memref_squeeze %dma_start3A_163 : memref<1x128x64xf32, #tpu.memory_space<vmem>> -> memref<128x64xf32, #tpu.memory_space<vmem>>
        %dma_start3A_165 = arith.constant 0 : i32
        %dma_start3A_166 = tpu.memref_slice %arg22[%scan3A_138, %dma_start3A_165] : memref<80x128xi32, #tpu.memory_space<vmem>> -> memref<1x128xi32, #tpu.memory_space<vmem>>
        %dma_start3A_167 = tpu.memref_squeeze %dma_start3A_166 : memref<1x128xi32, #tpu.memory_space<vmem>> -> memref<128xi32, #tpu.memory_space<vmem>>
        %dma_start3A_168 = arith.constant 0 : i32
        %dma_start3A_169 = arith.constant 0 : i32
        %dma_start3A_170 = tpu.memref_slice %arg24[%dma_start3A_168, %dma_start3A_169] : memref<10240x64xf32, #tpu.memory_space<vmem_shared>> -> memref<10240x64xf32, #tpu.memory_space<vmem_shared>>
        tpu.enqueue_indirect_dma source(%dma_start3A_164 : memref<128x64xf32, #tpu.memory_space<vmem>>) target(%dma_start3A_170 : memref<10240x64xf32, #tpu.memory_space<vmem_shared>>) offsets(%dma_start3A_167 : memref<128xi32, #tpu.memory_space<vmem>>) semaphore(%arg26 : memref<!tpu.dma_semaphore, #tpu.memory_space<semaphore_mem>>) {add = true}
      }
      %scan3A_89 = arith.constant 80 : i32
      %dma_wait3A = arith.constant 4 : i32
      %dma_wait3A_90 = arith.constant 76 : i32
      %dma_wait3A_91 = arith.constant 0 : i32
      %dma_wait3A_92 = arith.constant 0 : i32
      %dma_wait3A_93 = tpu.memref_slice %arg23[%dma_wait3A, %dma_wait3A_91, %dma_wait3A_92] : memref<8x128x64xf32, #tpu.memory_space<vmem>> -> memref<1x128x64xf32, #tpu.memory_space<vmem>>
      %dma_wait3A_94 = tpu.memref_squeeze %dma_wait3A_93 : memref<1x128x64xf32, #tpu.memory_space<vmem>> -> memref<128x64xf32, #tpu.memory_space<vmem>>
      %dma_wait3A_95 = arith.constant 0 : i32
      %dma_wait3A_96 = tpu.memref_slice %arg22[%dma_wait3A_90, %dma_wait3A_95] : memref<80x128xi32, #tpu.memory_space<vmem>> -> memref<1x128xi32, #tpu.memory_space<vmem>>
      %dma_wait3A_97 = tpu.memref_squeeze %dma_wait3A_96 : memref<1x128xi32, #tpu.memory_space<vmem>> -> memref<128xi32, #tpu.memory_space<vmem>>
      %dma_wait3A_98 = arith.constant 0 : i32
      %dma_wait3A_99 = arith.constant 0 : i32
      %dma_wait3A_100 = tpu.memref_slice %arg24[%dma_wait3A_98, %dma_wait3A_99] : memref<10240x64xf32, #tpu.memory_space<vmem_shared>> -> memref<10240x64xf32, #tpu.memory_space<vmem_shared>>
      tpu.wait_indirect_dma semaphore(%arg26 : memref<!tpu.dma_semaphore, #tpu.memory_space<semaphore_mem>>) src(%dma_wait3A_94 : memref<128x64xf32, #tpu.memory_space<vmem>>) dst(%dma_wait3A_100 : memref<10240x64xf32, #tpu.memory_space<vmem_shared>>)
      %dma_wait3A_101 = arith.constant 5 : i32
      %dma_wait3A_102 = arith.constant 77 : i32
      %dma_wait3A_103 = arith.constant 0 : i32
      %dma_wait3A_104 = arith.constant 0 : i32
      %dma_wait3A_105 = tpu.memref_slice %arg23[%dma_wait3A_101, %dma_wait3A_103, %dma_wait3A_104] : memref<8x128x64xf32, #tpu.memory_space<vmem>> -> memref<1x128x64xf32, #tpu.memory_space<vmem>>
      %dma_wait3A_106 = tpu.memref_squeeze %dma_wait3A_105 : memref<1x128x64xf32, #tpu.memory_space<vmem>> -> memref<128x64xf32, #tpu.memory_space<vmem>>
      %dma_wait3A_107 = arith.constant 0 : i32
      %dma_wait3A_108 = tpu.memref_slice %arg22[%dma_wait3A_102, %dma_wait3A_107] : memref<80x128xi32, #tpu.memory_space<vmem>> -> memref<1x128xi32, #tpu.memory_space<vmem>>
      %dma_wait3A_109 = tpu.memref_squeeze %dma_wait3A_108 : memref<1x128xi32, #tpu.memory_space<vmem>> -> memref<128xi32, #tpu.memory_space<vmem>>
      %dma_wait3A_110 = arith.constant 0 : i32
      %dma_wait3A_111 = arith.constant 0 : i32
      %dma_wait3A_112 = tpu.memref_slice %arg24[%dma_wait3A_110, %dma_wait3A_111] : memref<10240x64xf32, #tpu.memory_space<vmem_shared>> -> memref<10240x64xf32, #tpu.memory_space<vmem_shared>>
      tpu.wait_indirect_dma semaphore(%arg26 : memref<!tpu.dma_semaphore, #tpu.memory_space<semaphore_mem>>) src(%dma_wait3A_106 : memref<128x64xf32, #tpu.memory_space<vmem>>) dst(%dma_wait3A_112 : memref<10240x64xf32, #tpu.memory_space<vmem_shared>>)
      %dma_wait3A_113 = arith.constant 6 : i32
      %dma_wait3A_114 = arith.constant 78 : i32
      %dma_wait3A_115 = arith.constant 0 : i32
      %dma_wait3A_116 = arith.constant 0 : i32
      %dma_wait3A_117 = tpu.memref_slice %arg23[%dma_wait3A_113, %dma_wait3A_115, %dma_wait3A_116] : memref<8x128x64xf32, #tpu.memory_space<vmem>> -> memref<1x128x64xf32, #tpu.memory_space<vmem>>
      %dma_wait3A_118 = tpu.memref_squeeze %dma_wait3A_117 : memref<1x128x64xf32, #tpu.memory_space<vmem>> -> memref<128x64xf32, #tpu.memory_space<vmem>>
      %dma_wait3A_119 = arith.constant 0 : i32
      %dma_wait3A_120 = tpu.memref_slice %arg22[%dma_wait3A_114, %dma_wait3A_119] : memref<80x128xi32, #tpu.memory_space<vmem>> -> memref<1x128xi32, #tpu.memory_space<vmem>>
      %dma_wait3A_121 = tpu.memref_squeeze %dma_wait3A_120 : memref<1x128xi32, #tpu.memory_space<vmem>> -> memref<128xi32, #tpu.memory_space<vmem>>
      %dma_wait3A_122 = arith.constant 0 : i32
      %dma_wait3A_123 = arith.constant 0 : i32
      %dma_wait3A_124 = tpu.memref_slice %arg24[%dma_wait3A_122, %dma_wait3A_123] : memref<10240x64xf32, #tpu.memory_space<vmem_shared>> -> memref<10240x64xf32, #tpu.memory_space<vmem_shared>>
      tpu.wait_indirect_dma semaphore(%arg26 : memref<!tpu.dma_semaphore, #tpu.memory_space<semaphore_mem>>) src(%dma_wait3A_118 : memref<128x64xf32, #tpu.memory_space<vmem>>) dst(%dma_wait3A_124 : memref<10240x64xf32, #tpu.memory_space<vmem_shared>>)
      %dma_wait3A_125 = arith.constant 7 : i32
      %dma_wait3A_126 = arith.constant 79 : i32
      %dma_wait3A_127 = arith.constant 0 : i32
      %dma_wait3A_128 = arith.constant 0 : i32
      %dma_wait3A_129 = tpu.memref_slice %arg23[%dma_wait3A_125, %dma_wait3A_127, %dma_wait3A_128] : memref<8x128x64xf32, #tpu.memory_space<vmem>> -> memref<1x128x64xf32, #tpu.memory_space<vmem>>
      %dma_wait3A_130 = tpu.memref_squeeze %dma_wait3A_129 : memref<1x128x64xf32, #tpu.memory_space<vmem>> -> memref<128x64xf32, #tpu.memory_space<vmem>>
      %dma_wait3A_131 = arith.constant 0 : i32
      %dma_wait3A_132 = tpu.memref_slice %arg22[%dma_wait3A_126, %dma_wait3A_131] : memref<80x128xi32, #tpu.memory_space<vmem>> -> memref<1x128xi32, #tpu.memory_space<vmem>>
      %dma_wait3A_133 = tpu.memref_squeeze %dma_wait3A_132 : memref<1x128xi32, #tpu.memory_space<vmem>> -> memref<128xi32, #tpu.memory_space<vmem>>
      %dma_wait3A_134 = arith.constant 0 : i32
      %dma_wait3A_135 = arith.constant 0 : i32
      %dma_wait3A_136 = tpu.memref_slice %arg24[%dma_wait3A_134, %dma_wait3A_135] : memref<10240x64xf32, #tpu.memory_space<vmem_shared>> -> memref<10240x64xf32, #tpu.memory_space<vmem_shared>>
      tpu.wait_indirect_dma semaphore(%arg26 : memref<!tpu.dma_semaphore, #tpu.memory_space<semaphore_mem>>) src(%dma_wait3A_130 : memref<128x64xf32, #tpu.memory_space<vmem>>) dst(%dma_wait3A_136 : memref<10240x64xf32, #tpu.memory_space<vmem_shared>>)
      %barrier3A_137 = arith.constant 0 : index
      tpu.barrier barrier_id(%barrier3A_137)
      "tpu.region"() ({
        %run_scoped3A = tpu.sem_alloc : memref<!tpu.dma_semaphore, #tpu.memory_space<semaphore_mem>>
        %dma_start3A_138 = arith.constant 0 : i32
        %dma_start3A_139 = tpu.memref_slice %arg15[%mul3A_0, %dma_start3A_138] : memref<10240x64xf32, #tpu.memory_space<hbm>> -> memref<640x64xf32, #tpu.memory_space<hbm>>
        %dma_start3A_140 = arith.constant 0 : i32
        %dma_start3A_141 = tpu.memref_slice %arg24[%mul3A_0, %dma_start3A_140] : memref<10240x64xf32, #tpu.memory_space<vmem_shared>> -> memref<640x64xf32, #tpu.memory_space<vmem_shared>>
        tpu.enqueue_dma source(%dma_start3A_141 : memref<640x64xf32, #tpu.memory_space<vmem_shared>>) target(%dma_start3A_139 : memref<640x64xf32, #tpu.memory_space<hbm>>) target_semaphore(%run_scoped3A : memref<!tpu.dma_semaphore, #tpu.memory_space<semaphore_mem>>)
        %dma_wait3A_142 = arith.constant 0 : i32
        %dma_wait3A_143 = tpu.memref_slice %arg15[%mul3A_0, %dma_wait3A_142] : memref<10240x64xf32, #tpu.memory_space<hbm>> -> memref<640x64xf32, #tpu.memory_space<hbm>>
        %dma_wait3A_144 = arith.constant 0 : i32
        %dma_wait3A_145 = tpu.memref_slice %arg24[%mul3A_0, %dma_wait3A_144] : memref<10240x64xf32, #tpu.memory_space<vmem_shared>> -> memref<640x64xf32, #tpu.memory_space<vmem_shared>>
        tpu.wait_dma2 semaphore(%run_scoped3A : memref<!tpu.dma_semaphore, #tpu.memory_space<semaphore_mem>>) src(%dma_wait3A_145 : memref<640x64xf32, #tpu.memory_space<vmem_shared>>) dst(%dma_wait3A_143 : memref<640x64xf32, #tpu.memory_space<hbm>>)
        tpu.yield
      }) : () -> ()
    } else {
    }
    %eq3A_13 = arith.constant 1 : i32
    %eq3A_14 = arith.cmpi eq, %arg0, %eq3A_13 : i32
    %convert_element_type3A_15 = arith.extui %eq3A_14 : i1 to i32
    %cond3A_16 = arith.constant 0 : i32
    %cond3A_17 = arith.cmpi ne, %convert_element_type3A_15, %cond3A_16 : i32
    scf.if %cond3A_17 {
      "tpu.region"() ({
        %run_scoped3A = tpu.sem_alloc : memref<!tpu.dma_semaphore, #tpu.memory_space<semaphore_mem>>
        %dma_start3A_138 = arith.constant 0 : i32
        %dma_start3A_139 = tpu.memref_slice %arg24[%mul3A_0, %dma_start3A_138] : memref<10240x64xf32, #tpu.memory_space<vmem_shared>> -> memref<640x64xf32, #tpu.memory_space<vmem_shared>>
        %dma_start3A_140 = arith.constant 0 : i32
        %dma_start3A_141 = tpu.memref_slice %arg4[%mul3A_0, %dma_start3A_140] : memref<10240x64xf32, #tpu.memory_space<hbm>> -> memref<640x64xf32, #tpu.memory_space<hbm>>
        tpu.enqueue_dma source(%dma_start3A_141 : memref<640x64xf32, #tpu.memory_space<hbm>>) target(%dma_start3A_139 : memref<640x64xf32, #tpu.memory_space<vmem_shared>>) target_semaphore(%run_scoped3A : memref<!tpu.dma_semaphore, #tpu.memory_space<semaphore_mem>>)
        %dma_wait3A_142 = arith.constant 0 : i32
        %dma_wait3A_143 = tpu.memref_slice %arg24[%mul3A_0, %dma_wait3A_142] : memref<10240x64xf32, #tpu.memory_space<vmem_shared>> -> memref<640x64xf32, #tpu.memory_space<vmem_shared>>
        %dma_wait3A_144 = arith.constant 0 : i32
        %dma_wait3A_145 = tpu.memref_slice %arg4[%mul3A_0, %dma_wait3A_144] : memref<10240x64xf32, #tpu.memory_space<hbm>> -> memref<640x64xf32, #tpu.memory_space<hbm>>
        tpu.wait_dma2 semaphore(%run_scoped3A : memref<!tpu.dma_semaphore, #tpu.memory_space<semaphore_mem>>) src(%dma_wait3A_145 : memref<640x64xf32, #tpu.memory_space<hbm>>) dst(%dma_wait3A_143 : memref<640x64xf32, #tpu.memory_space<vmem_shared>>)
        tpu.yield
      }) : () -> ()
      %barrier3A = arith.constant 0 : index
      tpu.barrier barrier_id(%barrier3A)
      %dma_start3A = arith.constant 0 : i32
      %dma_start3A_38 = arith.constant 0 : i32
      %dma_start3A_39 = arith.constant 0 : i32
      %dma_start3A_40 = arith.constant 0 : i32
      %dma_start3A_41 = tpu.memref_slice %arg23[%dma_start3A_38, %dma_start3A_39, %dma_start3A_40] : memref<8x128x64xf32, #tpu.memory_space<vmem>> -> memref<1x128x64xf32, #tpu.memory_space<vmem>>
      %dma_start3A_42 = tpu.memref_squeeze %dma_start3A_41 : memref<1x128x64xf32, #tpu.memory_space<vmem>> -> memref<128x64xf32, #tpu.memory_space<vmem>>
      %dma_start3A_43 = arith.constant 0 : i32
      %dma_start3A_44 = tpu.memref_slice %arg21[%dma_start3A, %dma_start3A_43] : memref<80x128xi32, #tpu.memory_space<vmem>> -> memref<1x128xi32, #tpu.memory_space<vmem>>
      %dma_start3A_45 = tpu.memref_squeeze %dma_start3A_44 : memref<1x128xi32, #tpu.memory_space<vmem>> -> memref<128xi32, #tpu.memory_space<vmem>>
      %dma_start3A_46 = arith.constant 0 : i32
      %dma_start3A_47 = arith.constant 0 : i32
      %dma_start3A_48 = tpu.memref_slice %arg8[%dma_start3A_46, %dma_start3A_47] : memref<10240x64xf32, #tpu.memory_space<hbm>> -> memref<10240x64xf32, #tpu.memory_space<hbm>>
      tpu.enqueue_indirect_dma source(%dma_start3A_48 : memref<10240x64xf32, #tpu.memory_space<hbm>>) target(%dma_start3A_42 : memref<128x64xf32, #tpu.memory_space<vmem>>) offsets(%dma_start3A_45 : memref<128xi32, #tpu.memory_space<vmem>>) semaphore(%arg25 : memref<!tpu.dma_semaphore, #tpu.memory_space<semaphore_mem>>)
      %dma_start3A_49 = arith.constant 1 : i32
      %dma_start3A_50 = arith.constant 1 : i32
      %dma_start3A_51 = arith.constant 0 : i32
      %dma_start3A_52 = arith.constant 0 : i32
      %dma_start3A_53 = tpu.memref_slice %arg23[%dma_start3A_50, %dma_start3A_51, %dma_start3A_52] : memref<8x128x64xf32, #tpu.memory_space<vmem>> -> memref<1x128x64xf32, #tpu.memory_space<vmem>>
      %dma_start3A_54 = tpu.memref_squeeze %dma_start3A_53 : memref<1x128x64xf32, #tpu.memory_space<vmem>> -> memref<128x64xf32, #tpu.memory_space<vmem>>
      %dma_start3A_55 = arith.constant 0 : i32
      %dma_start3A_56 = tpu.memref_slice %arg21[%dma_start3A_49, %dma_start3A_55] : memref<80x128xi32, #tpu.memory_space<vmem>> -> memref<1x128xi32, #tpu.memory_space<vmem>>
      %dma_start3A_57 = tpu.memref_squeeze %dma_start3A_56 : memref<1x128xi32, #tpu.memory_space<vmem>> -> memref<128xi32, #tpu.memory_space<vmem>>
      %dma_start3A_58 = arith.constant 0 : i32
      %dma_start3A_59 = arith.constant 0 : i32
      %dma_start3A_60 = tpu.memref_slice %arg8[%dma_start3A_58, %dma_start3A_59] : memref<10240x64xf32, #tpu.memory_space<hbm>> -> memref<10240x64xf32, #tpu.memory_space<hbm>>
      tpu.enqueue_indirect_dma source(%dma_start3A_60 : memref<10240x64xf32, #tpu.memory_space<hbm>>) target(%dma_start3A_54 : memref<128x64xf32, #tpu.memory_space<vmem>>) offsets(%dma_start3A_57 : memref<128xi32, #tpu.memory_space<vmem>>) semaphore(%arg25 : memref<!tpu.dma_semaphore, #tpu.memory_space<semaphore_mem>>)
      %dma_start3A_61 = arith.constant 2 : i32
      %dma_start3A_62 = arith.constant 2 : i32
      %dma_start3A_63 = arith.constant 0 : i32
      %dma_start3A_64 = arith.constant 0 : i32
      %dma_start3A_65 = tpu.memref_slice %arg23[%dma_start3A_62, %dma_start3A_63, %dma_start3A_64] : memref<8x128x64xf32, #tpu.memory_space<vmem>> -> memref<1x128x64xf32, #tpu.memory_space<vmem>>
      %dma_start3A_66 = tpu.memref_squeeze %dma_start3A_65 : memref<1x128x64xf32, #tpu.memory_space<vmem>> -> memref<128x64xf32, #tpu.memory_space<vmem>>
      %dma_start3A_67 = arith.constant 0 : i32
      %dma_start3A_68 = tpu.memref_slice %arg21[%dma_start3A_61, %dma_start3A_67] : memref<80x128xi32, #tpu.memory_space<vmem>> -> memref<1x128xi32, #tpu.memory_space<vmem>>
      %dma_start3A_69 = tpu.memref_squeeze %dma_start3A_68 : memref<1x128xi32, #tpu.memory_space<vmem>> -> memref<128xi32, #tpu.memory_space<vmem>>
      %dma_start3A_70 = arith.constant 0 : i32
      %dma_start3A_71 = arith.constant 0 : i32
      %dma_start3A_72 = tpu.memref_slice %arg8[%dma_start3A_70, %dma_start3A_71] : memref<10240x64xf32, #tpu.memory_space<hbm>> -> memref<10240x64xf32, #tpu.memory_space<hbm>>
      tpu.enqueue_indirect_dma source(%dma_start3A_72 : memref<10240x64xf32, #tpu.memory_space<hbm>>) target(%dma_start3A_66 : memref<128x64xf32, #tpu.memory_space<vmem>>) offsets(%dma_start3A_69 : memref<128xi32, #tpu.memory_space<vmem>>) semaphore(%arg25 : memref<!tpu.dma_semaphore, #tpu.memory_space<semaphore_mem>>)
      %dma_start3A_73 = arith.constant 3 : i32
      %dma_start3A_74 = arith.constant 3 : i32
      %dma_start3A_75 = arith.constant 0 : i32
      %dma_start3A_76 = arith.constant 0 : i32
      %dma_start3A_77 = tpu.memref_slice %arg23[%dma_start3A_74, %dma_start3A_75, %dma_start3A_76] : memref<8x128x64xf32, #tpu.memory_space<vmem>> -> memref<1x128x64xf32, #tpu.memory_space<vmem>>
      %dma_start3A_78 = tpu.memref_squeeze %dma_start3A_77 : memref<1x128x64xf32, #tpu.memory_space<vmem>> -> memref<128x64xf32, #tpu.memory_space<vmem>>
      %dma_start3A_79 = arith.constant 0 : i32
      %dma_start3A_80 = tpu.memref_slice %arg21[%dma_start3A_73, %dma_start3A_79] : memref<80x128xi32, #tpu.memory_space<vmem>> -> memref<1x128xi32, #tpu.memory_space<vmem>>
      %dma_start3A_81 = tpu.memref_squeeze %dma_start3A_80 : memref<1x128xi32, #tpu.memory_space<vmem>> -> memref<128xi32, #tpu.memory_space<vmem>>
      %dma_start3A_82 = arith.constant 0 : i32
      %dma_start3A_83 = arith.constant 0 : i32
      %dma_start3A_84 = tpu.memref_slice %arg8[%dma_start3A_82, %dma_start3A_83] : memref<10240x64xf32, #tpu.memory_space<hbm>> -> memref<10240x64xf32, #tpu.memory_space<hbm>>
      tpu.enqueue_indirect_dma source(%dma_start3A_84 : memref<10240x64xf32, #tpu.memory_space<hbm>>) target(%dma_start3A_78 : memref<128x64xf32, #tpu.memory_space<vmem>>) offsets(%dma_start3A_81 : memref<128xi32, #tpu.memory_space<vmem>>) semaphore(%arg25 : memref<!tpu.dma_semaphore, #tpu.memory_space<semaphore_mem>>)
      %scan3A = arith.constant 0 : i32
      %scan3A_85 = arith.constant 0 : i32
      %scan3A_86 = arith.constant 80 : i32
      %scan3A_87 = arith.addi %scan3A_85, %scan3A_86 : i32
      %scan3A_88 = arith.constant 1 : i32
      scf.for %scan3A_138 = %scan3A_85 to %scan3A_87 step %scan3A_88  : i32 {
        %ge3A = arith.constant 4 : i32
        %ge3A_139 = arith.cmpi sge, %scan3A_138, %ge3A : i32
        %convert_element_type3A_140 = arith.extui %ge3A_139 : i1 to i32
        %cond3A_141 = arith.constant 0 : i32
        %cond3A_142 = arith.cmpi ne, %convert_element_type3A_140, %cond3A_141 : i32
        scf.if %cond3A_142 {
          %sub3A = arith.constant 4 : i32
          %sub3A_171 = arith.subi %scan3A_138, %sub3A : i32
          %rem3A_172 = arith.constant 8 : i32
          %rem3A_173 = arith.remsi %sub3A_171, %rem3A_172 : i32
          %sub3A_174 = arith.constant 4 : i32
          %sub3A_175 = arith.subi %scan3A_138, %sub3A_174 : i32
          %dma_wait3A_176 = arith.constant 0 : i32
          %dma_wait3A_177 = arith.constant 0 : i32
          %dma_wait3A_178 = tpu.memref_slice %arg23[%rem3A_173, %dma_wait3A_176, %dma_wait3A_177] : memref<8x128x64xf32, #tpu.memory_space<vmem>> -> memref<1x128x64xf32, #tpu.memory_space<vmem>>
          %dma_wait3A_179 = tpu.memref_squeeze %dma_wait3A_178 : memref<1x128x64xf32, #tpu.memory_space<vmem>> -> memref<128x64xf32, #tpu.memory_space<vmem>>
          %dma_wait3A_180 = arith.constant 0 : i32
          %dma_wait3A_181 = tpu.memref_slice %arg22[%sub3A_175, %dma_wait3A_180] : memref<80x128xi32, #tpu.memory_space<vmem>> -> memref<1x128xi32, #tpu.memory_space<vmem>>
          %dma_wait3A_182 = tpu.memref_squeeze %dma_wait3A_181 : memref<1x128xi32, #tpu.memory_space<vmem>> -> memref<128xi32, #tpu.memory_space<vmem>>
          %dma_wait3A_183 = arith.constant 0 : i32
          %dma_wait3A_184 = arith.constant 0 : i32
          %dma_wait3A_185 = tpu.memref_slice %arg24[%dma_wait3A_183, %dma_wait3A_184] : memref<10240x64xf32, #tpu.memory_space<vmem_shared>> -> memref<10240x64xf32, #tpu.memory_space<vmem_shared>>
          tpu.wait_indirect_dma semaphore(%arg26 : memref<!tpu.dma_semaphore, #tpu.memory_space<semaphore_mem>>) src(%dma_wait3A_179 : memref<128x64xf32, #tpu.memory_space<vmem>>) dst(%dma_wait3A_185 : memref<10240x64xf32, #tpu.memory_space<vmem_shared>>)
        } else {
        }
        %add3A = arith.constant 4 : i32
        %add3A_143 = arith.addi %scan3A_138, %add3A : i32
        %lt3A = arith.constant 80 : i32
        %lt3A_144 = arith.cmpi slt, %add3A_143, %lt3A : i32
        %convert_element_type3A_145 = arith.extui %lt3A_144 : i1 to i32
        %cond3A_146 = arith.constant 0 : i32
        %cond3A_147 = arith.cmpi ne, %convert_element_type3A_145, %cond3A_146 : i32
        scf.if %cond3A_147 {
          %add3A_171 = arith.constant 4 : i32
          %add3A_172 = arith.addi %scan3A_138, %add3A_171 : i32
          %add3A_173 = arith.constant 4 : i32
          %add3A_174 = arith.addi %scan3A_138, %add3A_173 : i32
          %rem3A_175 = arith.constant 8 : i32
          %rem3A_176 = arith.remsi %add3A_174, %rem3A_175 : i32
          %dma_start3A_177 = arith.constant 0 : i32
          %dma_start3A_178 = arith.constant 0 : i32
          %dma_start3A_179 = tpu.memref_slice %arg23[%rem3A_176, %dma_start3A_177, %dma_start3A_178] : memref<8x128x64xf32, #tpu.memory_space<vmem>> -> memref<1x128x64xf32, #tpu.memory_space<vmem>>
          %dma_start3A_180 = tpu.memref_squeeze %dma_start3A_179 : memref<1x128x64xf32, #tpu.memory_space<vmem>> -> memref<128x64xf32, #tpu.memory_space<vmem>>
          %dma_start3A_181 = arith.constant 0 : i32
          %dma_start3A_182 = tpu.memref_slice %arg21[%add3A_172, %dma_start3A_181] : memref<80x128xi32, #tpu.memory_space<vmem>> -> memref<1x128xi32, #tpu.memory_space<vmem>>
          %dma_start3A_183 = tpu.memref_squeeze %dma_start3A_182 : memref<1x128xi32, #tpu.memory_space<vmem>> -> memref<128xi32, #tpu.memory_space<vmem>>
          %dma_start3A_184 = arith.constant 0 : i32
          %dma_start3A_185 = arith.constant 0 : i32
          %dma_start3A_186 = tpu.memref_slice %arg8[%dma_start3A_184, %dma_start3A_185] : memref<10240x64xf32, #tpu.memory_space<hbm>> -> memref<10240x64xf32, #tpu.memory_space<hbm>>
          tpu.enqueue_indirect_dma source(%dma_start3A_186 : memref<10240x64xf32, #tpu.memory_space<hbm>>) target(%dma_start3A_180 : memref<128x64xf32, #tpu.memory_space<vmem>>) offsets(%dma_start3A_183 : memref<128xi32, #tpu.memory_space<vmem>>) semaphore(%arg25 : memref<!tpu.dma_semaphore, #tpu.memory_space<semaphore_mem>>)
        } else {
        }
        %rem3A = arith.constant 8 : i32
        %rem3A_148 = arith.remsi %scan3A_138, %rem3A : i32
        %dma_wait3A_149 = arith.constant 0 : i32
        %dma_wait3A_150 = arith.constant 0 : i32
        %dma_wait3A_151 = tpu.memref_slice %arg23[%rem3A_148, %dma_wait3A_149, %dma_wait3A_150] : memref<8x128x64xf32, #tpu.memory_space<vmem>> -> memref<1x128x64xf32, #tpu.memory_space<vmem>>
        %dma_wait3A_152 = tpu.memref_squeeze %dma_wait3A_151 : memref<1x128x64xf32, #tpu.memory_space<vmem>> -> memref<128x64xf32, #tpu.memory_space<vmem>>
        %dma_wait3A_153 = arith.constant 0 : i32
        %dma_wait3A_154 = tpu.memref_slice %arg21[%scan3A_138, %dma_wait3A_153] : memref<80x128xi32, #tpu.memory_space<vmem>> -> memref<1x128xi32, #tpu.memory_space<vmem>>
        %dma_wait3A_155 = tpu.memref_squeeze %dma_wait3A_154 : memref<1x128xi32, #tpu.memory_space<vmem>> -> memref<128xi32, #tpu.memory_space<vmem>>
        %dma_wait3A_156 = arith.constant 0 : i32
        %dma_wait3A_157 = arith.constant 0 : i32
        %dma_wait3A_158 = tpu.memref_slice %arg8[%dma_wait3A_156, %dma_wait3A_157] : memref<10240x64xf32, #tpu.memory_space<hbm>> -> memref<10240x64xf32, #tpu.memory_space<hbm>>
        tpu.wait_indirect_dma semaphore(%arg25 : memref<!tpu.dma_semaphore, #tpu.memory_space<semaphore_mem>>) src(%dma_wait3A_158 : memref<10240x64xf32, #tpu.memory_space<hbm>>) dst(%dma_wait3A_152 : memref<128x64xf32, #tpu.memory_space<vmem>>)
        %rem3A_159 = arith.constant 8 : i32
        %rem3A_160 = arith.remsi %scan3A_138, %rem3A_159 : i32
        %dma_start3A_161 = arith.constant 0 : i32
        %dma_start3A_162 = arith.constant 0 : i32
        %dma_start3A_163 = tpu.memref_slice %arg23[%rem3A_160, %dma_start3A_161, %dma_start3A_162] : memref<8x128x64xf32, #tpu.memory_space<vmem>> -> memref<1x128x64xf32, #tpu.memory_space<vmem>>
        %dma_start3A_164 = tpu.memref_squeeze %dma_start3A_163 : memref<1x128x64xf32, #tpu.memory_space<vmem>> -> memref<128x64xf32, #tpu.memory_space<vmem>>
        %dma_start3A_165 = arith.constant 0 : i32
        %dma_start3A_166 = tpu.memref_slice %arg22[%scan3A_138, %dma_start3A_165] : memref<80x128xi32, #tpu.memory_space<vmem>> -> memref<1x128xi32, #tpu.memory_space<vmem>>
        %dma_start3A_167 = tpu.memref_squeeze %dma_start3A_166 : memref<1x128xi32, #tpu.memory_space<vmem>> -> memref<128xi32, #tpu.memory_space<vmem>>
        %dma_start3A_168 = arith.constant 0 : i32
        %dma_start3A_169 = arith.constant 0 : i32
        %dma_start3A_170 = tpu.memref_slice %arg24[%dma_start3A_168, %dma_start3A_169] : memref<10240x64xf32, #tpu.memory_space<vmem_shared>> -> memref<10240x64xf32, #tpu.memory_space<vmem_shared>>
        tpu.enqueue_indirect_dma source(%dma_start3A_164 : memref<128x64xf32, #tpu.memory_space<vmem>>) target(%dma_start3A_170 : memref<10240x64xf32, #tpu.memory_space<vmem_shared>>) offsets(%dma_start3A_167 : memref<128xi32, #tpu.memory_space<vmem>>) semaphore(%arg26 : memref<!tpu.dma_semaphore, #tpu.memory_space<semaphore_mem>>) {add = true}
      }
      %scan3A_89 = arith.constant 80 : i32
      %dma_wait3A = arith.constant 4 : i32
      %dma_wait3A_90 = arith.constant 76 : i32
      %dma_wait3A_91 = arith.constant 0 : i32
      %dma_wait3A_92 = arith.constant 0 : i32
      %dma_wait3A_93 = tpu.memref_slice %arg23[%dma_wait3A, %dma_wait3A_91, %dma_wait3A_92] : memref<8x128x64xf32, #tpu.memory_space<vmem>> -> memref<1x128x64xf32, #tpu.memory_space<vmem>>
      %dma_wait3A_94 = tpu.memref_squeeze %dma_wait3A_93 : memref<1x128x64xf32, #tpu.memory_space<vmem>> -> memref<128x64xf32, #tpu.memory_space<vmem>>
      %dma_wait3A_95 = arith.constant 0 : i32
      %dma_wait3A_96 = tpu.memref_slice %arg22[%dma_wait3A_90, %dma_wait3A_95] : memref<80x128xi32, #tpu.memory_space<vmem>> -> memref<1x128xi32, #tpu.memory_space<vmem>>
      %dma_wait3A_97 = tpu.memref_squeeze %dma_wait3A_96 : memref<1x128xi32, #tpu.memory_space<vmem>> -> memref<128xi32, #tpu.memory_space<vmem>>
      %dma_wait3A_98 = arith.constant 0 : i32
      %dma_wait3A_99 = arith.constant 0 : i32
      %dma_wait3A_100 = tpu.memref_slice %arg24[%dma_wait3A_98, %dma_wait3A_99] : memref<10240x64xf32, #tpu.memory_space<vmem_shared>> -> memref<10240x64xf32, #tpu.memory_space<vmem_shared>>
      tpu.wait_indirect_dma semaphore(%arg26 : memref<!tpu.dma_semaphore, #tpu.memory_space<semaphore_mem>>) src(%dma_wait3A_94 : memref<128x64xf32, #tpu.memory_space<vmem>>) dst(%dma_wait3A_100 : memref<10240x64xf32, #tpu.memory_space<vmem_shared>>)
      %dma_wait3A_101 = arith.constant 5 : i32
      %dma_wait3A_102 = arith.constant 77 : i32
      %dma_wait3A_103 = arith.constant 0 : i32
      %dma_wait3A_104 = arith.constant 0 : i32
      %dma_wait3A_105 = tpu.memref_slice %arg23[%dma_wait3A_101, %dma_wait3A_103, %dma_wait3A_104] : memref<8x128x64xf32, #tpu.memory_space<vmem>> -> memref<1x128x64xf32, #tpu.memory_space<vmem>>
      %dma_wait3A_106 = tpu.memref_squeeze %dma_wait3A_105 : memref<1x128x64xf32, #tpu.memory_space<vmem>> -> memref<128x64xf32, #tpu.memory_space<vmem>>
      %dma_wait3A_107 = arith.constant 0 : i32
      %dma_wait3A_108 = tpu.memref_slice %arg22[%dma_wait3A_102, %dma_wait3A_107] : memref<80x128xi32, #tpu.memory_space<vmem>> -> memref<1x128xi32, #tpu.memory_space<vmem>>
      %dma_wait3A_109 = tpu.memref_squeeze %dma_wait3A_108 : memref<1x128xi32, #tpu.memory_space<vmem>> -> memref<128xi32, #tpu.memory_space<vmem>>
      %dma_wait3A_110 = arith.constant 0 : i32
      %dma_wait3A_111 = arith.constant 0 : i32
      %dma_wait3A_112 = tpu.memref_slice %arg24[%dma_wait3A_110, %dma_wait3A_111] : memref<10240x64xf32, #tpu.memory_space<vmem_shared>> -> memref<10240x64xf32, #tpu.memory_space<vmem_shared>>
      tpu.wait_indirect_dma semaphore(%arg26 : memref<!tpu.dma_semaphore, #tpu.memory_space<semaphore_mem>>) src(%dma_wait3A_106 : memref<128x64xf32, #tpu.memory_space<vmem>>) dst(%dma_wait3A_112 : memref<10240x64xf32, #tpu.memory_space<vmem_shared>>)
      %dma_wait3A_113 = arith.constant 6 : i32
      %dma_wait3A_114 = arith.constant 78 : i32
      %dma_wait3A_115 = arith.constant 0 : i32
      %dma_wait3A_116 = arith.constant 0 : i32
      %dma_wait3A_117 = tpu.memref_slice %arg23[%dma_wait3A_113, %dma_wait3A_115, %dma_wait3A_116] : memref<8x128x64xf32, #tpu.memory_space<vmem>> -> memref<1x128x64xf32, #tpu.memory_space<vmem>>
      %dma_wait3A_118 = tpu.memref_squeeze %dma_wait3A_117 : memref<1x128x64xf32, #tpu.memory_space<vmem>> -> memref<128x64xf32, #tpu.memory_space<vmem>>
      %dma_wait3A_119 = arith.constant 0 : i32
      %dma_wait3A_120 = tpu.memref_slice %arg22[%dma_wait3A_114, %dma_wait3A_119] : memref<80x128xi32, #tpu.memory_space<vmem>> -> memref<1x128xi32, #tpu.memory_space<vmem>>
      %dma_wait3A_121 = tpu.memref_squeeze %dma_wait3A_120 : memref<1x128xi32, #tpu.memory_space<vmem>> -> memref<128xi32, #tpu.memory_space<vmem>>
      %dma_wait3A_122 = arith.constant 0 : i32
      %dma_wait3A_123 = arith.constant 0 : i32
      %dma_wait3A_124 = tpu.memref_slice %arg24[%dma_wait3A_122, %dma_wait3A_123] : memref<10240x64xf32, #tpu.memory_space<vmem_shared>> -> memref<10240x64xf32, #tpu.memory_space<vmem_shared>>
      tpu.wait_indirect_dma semaphore(%arg26 : memref<!tpu.dma_semaphore, #tpu.memory_space<semaphore_mem>>) src(%dma_wait3A_118 : memref<128x64xf32, #tpu.memory_space<vmem>>) dst(%dma_wait3A_124 : memref<10240x64xf32, #tpu.memory_space<vmem_shared>>)
      %dma_wait3A_125 = arith.constant 7 : i32
      %dma_wait3A_126 = arith.constant 79 : i32
      %dma_wait3A_127 = arith.constant 0 : i32
      %dma_wait3A_128 = arith.constant 0 : i32
      %dma_wait3A_129 = tpu.memref_slice %arg23[%dma_wait3A_125, %dma_wait3A_127, %dma_wait3A_128] : memref<8x128x64xf32, #tpu.memory_space<vmem>> -> memref<1x128x64xf32, #tpu.memory_space<vmem>>
      %dma_wait3A_130 = tpu.memref_squeeze %dma_wait3A_129 : memref<1x128x64xf32, #tpu.memory_space<vmem>> -> memref<128x64xf32, #tpu.memory_space<vmem>>
      %dma_wait3A_131 = arith.constant 0 : i32
      %dma_wait3A_132 = tpu.memref_slice %arg22[%dma_wait3A_126, %dma_wait3A_131] : memref<80x128xi32, #tpu.memory_space<vmem>> -> memref<1x128xi32, #tpu.memory_space<vmem>>
      %dma_wait3A_133 = tpu.memref_squeeze %dma_wait3A_132 : memref<1x128xi32, #tpu.memory_space<vmem>> -> memref<128xi32, #tpu.memory_space<vmem>>
      %dma_wait3A_134 = arith.constant 0 : i32
      %dma_wait3A_135 = arith.constant 0 : i32
      %dma_wait3A_136 = tpu.memref_slice %arg24[%dma_wait3A_134, %dma_wait3A_135] : memref<10240x64xf32, #tpu.memory_space<vmem_shared>> -> memref<10240x64xf32, #tpu.memory_space<vmem_shared>>
      tpu.wait_indirect_dma semaphore(%arg26 : memref<!tpu.dma_semaphore, #tpu.memory_space<semaphore_mem>>) src(%dma_wait3A_130 : memref<128x64xf32, #tpu.memory_space<vmem>>) dst(%dma_wait3A_136 : memref<10240x64xf32, #tpu.memory_space<vmem_shared>>)
      %barrier3A_137 = arith.constant 0 : index
      tpu.barrier barrier_id(%barrier3A_137)
      "tpu.region"() ({
        %run_scoped3A = tpu.sem_alloc : memref<!tpu.dma_semaphore, #tpu.memory_space<semaphore_mem>>
        %dma_start3A_138 = arith.constant 0 : i32
        %dma_start3A_139 = tpu.memref_slice %arg16[%mul3A_0, %dma_start3A_138] : memref<10240x64xf32, #tpu.memory_space<hbm>> -> memref<640x64xf32, #tpu.memory_space<hbm>>
        %dma_start3A_140 = arith.constant 0 : i32
        %dma_start3A_141 = tpu.memref_slice %arg24[%mul3A_0, %dma_start3A_140] : memref<10240x64xf32, #tpu.memory_space<vmem_shared>> -> memref<640x64xf32, #tpu.memory_space<vmem_shared>>
        tpu.enqueue_dma source(%dma_start3A_141 : memref<640x64xf32, #tpu.memory_space<vmem_shared>>) target(%dma_start3A_139 : memref<640x64xf32, #tpu.memory_space<hbm>>) target_semaphore(%run_scoped3A : memref<!tpu.dma_semaphore, #tpu.memory_space<semaphore_mem>>)
        %dma_wait3A_142 = arith.constant 0 : i32
        %dma_wait3A_143 = tpu.memref_slice %arg16[%mul3A_0, %dma_wait3A_142] : memref<10240x64xf32, #tpu.memory_space<hbm>> -> memref<640x64xf32, #tpu.memory_space<hbm>>
        %dma_wait3A_144 = arith.constant 0 : i32
        %dma_wait3A_145 = tpu.memref_slice %arg24[%mul3A_0, %dma_wait3A_144] : memref<10240x64xf32, #tpu.memory_space<vmem_shared>> -> memref<640x64xf32, #tpu.memory_space<vmem_shared>>
        tpu.wait_dma2 semaphore(%run_scoped3A : memref<!tpu.dma_semaphore, #tpu.memory_space<semaphore_mem>>) src(%dma_wait3A_145 : memref<640x64xf32, #tpu.memory_space<vmem_shared>>) dst(%dma_wait3A_143 : memref<640x64xf32, #tpu.memory_space<hbm>>)
        tpu.yield
      }) : () -> ()
    } else {
    }
    %eq3A_18 = arith.constant 0 : i32
    %eq3A_19 = arith.cmpi eq, %arg0, %eq3A_18 : i32
    %convert_element_type3A_20 = arith.extui %eq3A_19 : i1 to i32
    %cond3A_21 = arith.constant 0 : i32
    %cond3A_22 = arith.cmpi ne, %convert_element_type3A_20, %cond3A_21 : i32
    scf.if %cond3A_22 {
      "tpu.region"() ({
        %run_scoped3A = tpu.sem_alloc : memref<!tpu.dma_semaphore, #tpu.memory_space<semaphore_mem>>
        %dma_start3A_138 = arith.constant 0 : i32
        %dma_start3A_139 = tpu.memref_slice %arg24[%mul3A_0, %dma_start3A_138] : memref<10240x64xf32, #tpu.memory_space<vmem_shared>> -> memref<640x64xf32, #tpu.memory_space<vmem_shared>>
        %dma_start3A_140 = arith.constant 0 : i32
        %dma_start3A_141 = tpu.memref_slice %arg4[%mul3A_0, %dma_start3A_140] : memref<10240x64xf32, #tpu.memory_space<hbm>> -> memref<640x64xf32, #tpu.memory_space<hbm>>
        tpu.enqueue_dma source(%dma_start3A_141 : memref<640x64xf32, #tpu.memory_space<hbm>>) target(%dma_start3A_139 : memref<640x64xf32, #tpu.memory_space<vmem_shared>>) target_semaphore(%run_scoped3A : memref<!tpu.dma_semaphore, #tpu.memory_space<semaphore_mem>>)
        %dma_wait3A_142 = arith.constant 0 : i32
        %dma_wait3A_143 = tpu.memref_slice %arg24[%mul3A_0, %dma_wait3A_142] : memref<10240x64xf32, #tpu.memory_space<vmem_shared>> -> memref<640x64xf32, #tpu.memory_space<vmem_shared>>
        %dma_wait3A_144 = arith.constant 0 : i32
        %dma_wait3A_145 = tpu.memref_slice %arg4[%mul3A_0, %dma_wait3A_144] : memref<10240x64xf32, #tpu.memory_space<hbm>> -> memref<640x64xf32, #tpu.memory_space<hbm>>
        tpu.wait_dma2 semaphore(%run_scoped3A : memref<!tpu.dma_semaphore, #tpu.memory_space<semaphore_mem>>) src(%dma_wait3A_145 : memref<640x64xf32, #tpu.memory_space<hbm>>) dst(%dma_wait3A_143 : memref<640x64xf32, #tpu.memory_space<vmem_shared>>)
        tpu.yield
      }) : () -> ()
      %barrier3A = arith.constant 0 : index
      tpu.barrier barrier_id(%barrier3A)
      %dma_start3A = arith.constant 0 : i32
      %dma_start3A_38 = arith.constant 0 : i32
      %dma_start3A_39 = arith.constant 0 : i32
      %dma_start3A_40 = arith.constant 0 : i32
      %dma_start3A_41 = tpu.memref_slice %arg23[%dma_start3A_38, %dma_start3A_39, %dma_start3A_40] : memref<8x128x64xf32, #tpu.memory_space<vmem>> -> memref<1x128x64xf32, #tpu.memory_space<vmem>>
      %dma_start3A_42 = tpu.memref_squeeze %dma_start3A_41 : memref<1x128x64xf32, #tpu.memory_space<vmem>> -> memref<128x64xf32, #tpu.memory_space<vmem>>
      %dma_start3A_43 = arith.constant 0 : i32
      %dma_start3A_44 = tpu.memref_slice %arg21[%dma_start3A, %dma_start3A_43] : memref<80x128xi32, #tpu.memory_space<vmem>> -> memref<1x128xi32, #tpu.memory_space<vmem>>
      %dma_start3A_45 = tpu.memref_squeeze %dma_start3A_44 : memref<1x128xi32, #tpu.memory_space<vmem>> -> memref<128xi32, #tpu.memory_space<vmem>>
      %dma_start3A_46 = arith.constant 0 : i32
      %dma_start3A_47 = arith.constant 0 : i32
      %dma_start3A_48 = tpu.memref_slice %arg9[%dma_start3A_46, %dma_start3A_47] : memref<10240x64xf32, #tpu.memory_space<hbm>> -> memref<10240x64xf32, #tpu.memory_space<hbm>>
      tpu.enqueue_indirect_dma source(%dma_start3A_48 : memref<10240x64xf32, #tpu.memory_space<hbm>>) target(%dma_start3A_42 : memref<128x64xf32, #tpu.memory_space<vmem>>) offsets(%dma_start3A_45 : memref<128xi32, #tpu.memory_space<vmem>>) semaphore(%arg25 : memref<!tpu.dma_semaphore, #tpu.memory_space<semaphore_mem>>)
      %dma_start3A_49 = arith.constant 1 : i32
      %dma_start3A_50 = arith.constant 1 : i32
      %dma_start3A_51 = arith.constant 0 : i32
      %dma_start3A_52 = arith.constant 0 : i32
      %dma_start3A_53 = tpu.memref_slice %arg23[%dma_start3A_50, %dma_start3A_51, %dma_start3A_52] : memref<8x128x64xf32, #tpu.memory_space<vmem>> -> memref<1x128x64xf32, #tpu.memory_space<vmem>>
      %dma_start3A_54 = tpu.memref_squeeze %dma_start3A_53 : memref<1x128x64xf32, #tpu.memory_space<vmem>> -> memref<128x64xf32, #tpu.memory_space<vmem>>
      %dma_start3A_55 = arith.constant 0 : i32
      %dma_start3A_56 = tpu.memref_slice %arg21[%dma_start3A_49, %dma_start3A_55] : memref<80x128xi32, #tpu.memory_space<vmem>> -> memref<1x128xi32, #tpu.memory_space<vmem>>
      %dma_start3A_57 = tpu.memref_squeeze %dma_start3A_56 : memref<1x128xi32, #tpu.memory_space<vmem>> -> memref<128xi32, #tpu.memory_space<vmem>>
      %dma_start3A_58 = arith.constant 0 : i32
      %dma_start3A_59 = arith.constant 0 : i32
      %dma_start3A_60 = tpu.memref_slice %arg9[%dma_start3A_58, %dma_start3A_59] : memref<10240x64xf32, #tpu.memory_space<hbm>> -> memref<10240x64xf32, #tpu.memory_space<hbm>>
      tpu.enqueue_indirect_dma source(%dma_start3A_60 : memref<10240x64xf32, #tpu.memory_space<hbm>>) target(%dma_start3A_54 : memref<128x64xf32, #tpu.memory_space<vmem>>) offsets(%dma_start3A_57 : memref<128xi32, #tpu.memory_space<vmem>>) semaphore(%arg25 : memref<!tpu.dma_semaphore, #tpu.memory_space<semaphore_mem>>)
      %dma_start3A_61 = arith.constant 2 : i32
      %dma_start3A_62 = arith.constant 2 : i32
      %dma_start3A_63 = arith.constant 0 : i32
      %dma_start3A_64 = arith.constant 0 : i32
      %dma_start3A_65 = tpu.memref_slice %arg23[%dma_start3A_62, %dma_start3A_63, %dma_start3A_64] : memref<8x128x64xf32, #tpu.memory_space<vmem>> -> memref<1x128x64xf32, #tpu.memory_space<vmem>>
      %dma_start3A_66 = tpu.memref_squeeze %dma_start3A_65 : memref<1x128x64xf32, #tpu.memory_space<vmem>> -> memref<128x64xf32, #tpu.memory_space<vmem>>
      %dma_start3A_67 = arith.constant 0 : i32
      %dma_start3A_68 = tpu.memref_slice %arg21[%dma_start3A_61, %dma_start3A_67] : memref<80x128xi32, #tpu.memory_space<vmem>> -> memref<1x128xi32, #tpu.memory_space<vmem>>
      %dma_start3A_69 = tpu.memref_squeeze %dma_start3A_68 : memref<1x128xi32, #tpu.memory_space<vmem>> -> memref<128xi32, #tpu.memory_space<vmem>>
      %dma_start3A_70 = arith.constant 0 : i32
      %dma_start3A_71 = arith.constant 0 : i32
      %dma_start3A_72 = tpu.memref_slice %arg9[%dma_start3A_70, %dma_start3A_71] : memref<10240x64xf32, #tpu.memory_space<hbm>> -> memref<10240x64xf32, #tpu.memory_space<hbm>>
      tpu.enqueue_indirect_dma source(%dma_start3A_72 : memref<10240x64xf32, #tpu.memory_space<hbm>>) target(%dma_start3A_66 : memref<128x64xf32, #tpu.memory_space<vmem>>) offsets(%dma_start3A_69 : memref<128xi32, #tpu.memory_space<vmem>>) semaphore(%arg25 : memref<!tpu.dma_semaphore, #tpu.memory_space<semaphore_mem>>)
      %dma_start3A_73 = arith.constant 3 : i32
      %dma_start3A_74 = arith.constant 3 : i32
      %dma_start3A_75 = arith.constant 0 : i32
      %dma_start3A_76 = arith.constant 0 : i32
      %dma_start3A_77 = tpu.memref_slice %arg23[%dma_start3A_74, %dma_start3A_75, %dma_start3A_76] : memref<8x128x64xf32, #tpu.memory_space<vmem>> -> memref<1x128x64xf32, #tpu.memory_space<vmem>>
      %dma_start3A_78 = tpu.memref_squeeze %dma_start3A_77 : memref<1x128x64xf32, #tpu.memory_space<vmem>> -> memref<128x64xf32, #tpu.memory_space<vmem>>
      %dma_start3A_79 = arith.constant 0 : i32
      %dma_start3A_80 = tpu.memref_slice %arg21[%dma_start3A_73, %dma_start3A_79] : memref<80x128xi32, #tpu.memory_space<vmem>> -> memref<1x128xi32, #tpu.memory_space<vmem>>
      %dma_start3A_81 = tpu.memref_squeeze %dma_start3A_80 : memref<1x128xi32, #tpu.memory_space<vmem>> -> memref<128xi32, #tpu.memory_space<vmem>>
      %dma_start3A_82 = arith.constant 0 : i32
      %dma_start3A_83 = arith.constant 0 : i32
      %dma_start3A_84 = tpu.memref_slice %arg9[%dma_start3A_82, %dma_start3A_83] : memref<10240x64xf32, #tpu.memory_space<hbm>> -> memref<10240x64xf32, #tpu.memory_space<hbm>>
      tpu.enqueue_indirect_dma source(%dma_start3A_84 : memref<10240x64xf32, #tpu.memory_space<hbm>>) target(%dma_start3A_78 : memref<128x64xf32, #tpu.memory_space<vmem>>) offsets(%dma_start3A_81 : memref<128xi32, #tpu.memory_space<vmem>>) semaphore(%arg25 : memref<!tpu.dma_semaphore, #tpu.memory_space<semaphore_mem>>)
      %scan3A = arith.constant 0 : i32
      %scan3A_85 = arith.constant 0 : i32
      %scan3A_86 = arith.constant 80 : i32
      %scan3A_87 = arith.addi %scan3A_85, %scan3A_86 : i32
      %scan3A_88 = arith.constant 1 : i32
      scf.for %scan3A_138 = %scan3A_85 to %scan3A_87 step %scan3A_88  : i32 {
        %ge3A = arith.constant 4 : i32
        %ge3A_139 = arith.cmpi sge, %scan3A_138, %ge3A : i32
        %convert_element_type3A_140 = arith.extui %ge3A_139 : i1 to i32
        %cond3A_141 = arith.constant 0 : i32
        %cond3A_142 = arith.cmpi ne, %convert_element_type3A_140, %cond3A_141 : i32
        scf.if %cond3A_142 {
          %sub3A = arith.constant 4 : i32
          %sub3A_171 = arith.subi %scan3A_138, %sub3A : i32
          %rem3A_172 = arith.constant 8 : i32
          %rem3A_173 = arith.remsi %sub3A_171, %rem3A_172 : i32
          %sub3A_174 = arith.constant 4 : i32
          %sub3A_175 = arith.subi %scan3A_138, %sub3A_174 : i32
          %dma_wait3A_176 = arith.constant 0 : i32
          %dma_wait3A_177 = arith.constant 0 : i32
          %dma_wait3A_178 = tpu.memref_slice %arg23[%rem3A_173, %dma_wait3A_176, %dma_wait3A_177] : memref<8x128x64xf32, #tpu.memory_space<vmem>> -> memref<1x128x64xf32, #tpu.memory_space<vmem>>
          %dma_wait3A_179 = tpu.memref_squeeze %dma_wait3A_178 : memref<1x128x64xf32, #tpu.memory_space<vmem>> -> memref<128x64xf32, #tpu.memory_space<vmem>>
          %dma_wait3A_180 = arith.constant 0 : i32
          %dma_wait3A_181 = tpu.memref_slice %arg22[%sub3A_175, %dma_wait3A_180] : memref<80x128xi32, #tpu.memory_space<vmem>> -> memref<1x128xi32, #tpu.memory_space<vmem>>
          %dma_wait3A_182 = tpu.memref_squeeze %dma_wait3A_181 : memref<1x128xi32, #tpu.memory_space<vmem>> -> memref<128xi32, #tpu.memory_space<vmem>>
          %dma_wait3A_183 = arith.constant 0 : i32
          %dma_wait3A_184 = arith.constant 0 : i32
          %dma_wait3A_185 = tpu.memref_slice %arg24[%dma_wait3A_183, %dma_wait3A_184] : memref<10240x64xf32, #tpu.memory_space<vmem_shared>> -> memref<10240x64xf32, #tpu.memory_space<vmem_shared>>
          tpu.wait_indirect_dma semaphore(%arg26 : memref<!tpu.dma_semaphore, #tpu.memory_space<semaphore_mem>>) src(%dma_wait3A_179 : memref<128x64xf32, #tpu.memory_space<vmem>>) dst(%dma_wait3A_185 : memref<10240x64xf32, #tpu.memory_space<vmem_shared>>)
        } else {
        }
        %add3A = arith.constant 4 : i32
        %add3A_143 = arith.addi %scan3A_138, %add3A : i32
        %lt3A = arith.constant 80 : i32
        %lt3A_144 = arith.cmpi slt, %add3A_143, %lt3A : i32
        %convert_element_type3A_145 = arith.extui %lt3A_144 : i1 to i32
        %cond3A_146 = arith.constant 0 : i32
        %cond3A_147 = arith.cmpi ne, %convert_element_type3A_145, %cond3A_146 : i32
        scf.if %cond3A_147 {
          %add3A_171 = arith.constant 4 : i32
          %add3A_172 = arith.addi %scan3A_138, %add3A_171 : i32
          %add3A_173 = arith.constant 4 : i32
          %add3A_174 = arith.addi %scan3A_138, %add3A_173 : i32
          %rem3A_175 = arith.constant 8 : i32
          %rem3A_176 = arith.remsi %add3A_174, %rem3A_175 : i32
          %dma_start3A_177 = arith.constant 0 : i32
          %dma_start3A_178 = arith.constant 0 : i32
          %dma_start3A_179 = tpu.memref_slice %arg23[%rem3A_176, %dma_start3A_177, %dma_start3A_178] : memref<8x128x64xf32, #tpu.memory_space<vmem>> -> memref<1x128x64xf32, #tpu.memory_space<vmem>>
          %dma_start3A_180 = tpu.memref_squeeze %dma_start3A_179 : memref<1x128x64xf32, #tpu.memory_space<vmem>> -> memref<128x64xf32, #tpu.memory_space<vmem>>
          %dma_start3A_181 = arith.constant 0 : i32
          %dma_start3A_182 = tpu.memref_slice %arg21[%add3A_172, %dma_start3A_181] : memref<80x128xi32, #tpu.memory_space<vmem>> -> memref<1x128xi32, #tpu.memory_space<vmem>>
          %dma_start3A_183 = tpu.memref_squeeze %dma_start3A_182 : memref<1x128xi32, #tpu.memory_space<vmem>> -> memref<128xi32, #tpu.memory_space<vmem>>
          %dma_start3A_184 = arith.constant 0 : i32
          %dma_start3A_185 = arith.constant 0 : i32
          %dma_start3A_186 = tpu.memref_slice %arg9[%dma_start3A_184, %dma_start3A_185] : memref<10240x64xf32, #tpu.memory_space<hbm>> -> memref<10240x64xf32, #tpu.memory_space<hbm>>
          tpu.enqueue_indirect_dma source(%dma_start3A_186 : memref<10240x64xf32, #tpu.memory_space<hbm>>) target(%dma_start3A_180 : memref<128x64xf32, #tpu.memory_space<vmem>>) offsets(%dma_start3A_183 : memref<128xi32, #tpu.memory_space<vmem>>) semaphore(%arg25 : memref<!tpu.dma_semaphore, #tpu.memory_space<semaphore_mem>>)
        } else {
        }
        %rem3A = arith.constant 8 : i32
        %rem3A_148 = arith.remsi %scan3A_138, %rem3A : i32
        %dma_wait3A_149 = arith.constant 0 : i32
        %dma_wait3A_150 = arith.constant 0 : i32
        %dma_wait3A_151 = tpu.memref_slice %arg23[%rem3A_148, %dma_wait3A_149, %dma_wait3A_150] : memref<8x128x64xf32, #tpu.memory_space<vmem>> -> memref<1x128x64xf32, #tpu.memory_space<vmem>>
        %dma_wait3A_152 = tpu.memref_squeeze %dma_wait3A_151 : memref<1x128x64xf32, #tpu.memory_space<vmem>> -> memref<128x64xf32, #tpu.memory_space<vmem>>
        %dma_wait3A_153 = arith.constant 0 : i32
        %dma_wait3A_154 = tpu.memref_slice %arg21[%scan3A_138, %dma_wait3A_153] : memref<80x128xi32, #tpu.memory_space<vmem>> -> memref<1x128xi32, #tpu.memory_space<vmem>>
        %dma_wait3A_155 = tpu.memref_squeeze %dma_wait3A_154 : memref<1x128xi32, #tpu.memory_space<vmem>> -> memref<128xi32, #tpu.memory_space<vmem>>
        %dma_wait3A_156 = arith.constant 0 : i32
        %dma_wait3A_157 = arith.constant 0 : i32
        %dma_wait3A_158 = tpu.memref_slice %arg9[%dma_wait3A_156, %dma_wait3A_157] : memref<10240x64xf32, #tpu.memory_space<hbm>> -> memref<10240x64xf32, #tpu.memory_space<hbm>>
        tpu.wait_indirect_dma semaphore(%arg25 : memref<!tpu.dma_semaphore, #tpu.memory_space<semaphore_mem>>) src(%dma_wait3A_158 : memref<10240x64xf32, #tpu.memory_space<hbm>>) dst(%dma_wait3A_152 : memref<128x64xf32, #tpu.memory_space<vmem>>)
        %rem3A_159 = arith.constant 8 : i32
        %rem3A_160 = arith.remsi %scan3A_138, %rem3A_159 : i32
        %dma_start3A_161 = arith.constant 0 : i32
        %dma_start3A_162 = arith.constant 0 : i32
        %dma_start3A_163 = tpu.memref_slice %arg23[%rem3A_160, %dma_start3A_161, %dma_start3A_162] : memref<8x128x64xf32, #tpu.memory_space<vmem>> -> memref<1x128x64xf32, #tpu.memory_space<vmem>>
        %dma_start3A_164 = tpu.memref_squeeze %dma_start3A_163 : memref<1x128x64xf32, #tpu.memory_space<vmem>> -> memref<128x64xf32, #tpu.memory_space<vmem>>
        %dma_start3A_165 = arith.constant 0 : i32
        %dma_start3A_166 = tpu.memref_slice %arg22[%scan3A_138, %dma_start3A_165] : memref<80x128xi32, #tpu.memory_space<vmem>> -> memref<1x128xi32, #tpu.memory_space<vmem>>
        %dma_start3A_167 = tpu.memref_squeeze %dma_start3A_166 : memref<1x128xi32, #tpu.memory_space<vmem>> -> memref<128xi32, #tpu.memory_space<vmem>>
        %dma_start3A_168 = arith.constant 0 : i32
        %dma_start3A_169 = arith.constant 0 : i32
        %dma_start3A_170 = tpu.memref_slice %arg24[%dma_start3A_168, %dma_start3A_169] : memref<10240x64xf32, #tpu.memory_space<vmem_shared>> -> memref<10240x64xf32, #tpu.memory_space<vmem_shared>>
        tpu.enqueue_indirect_dma source(%dma_start3A_164 : memref<128x64xf32, #tpu.memory_space<vmem>>) target(%dma_start3A_170 : memref<10240x64xf32, #tpu.memory_space<vmem_shared>>) offsets(%dma_start3A_167 : memref<128xi32, #tpu.memory_space<vmem>>) semaphore(%arg26 : memref<!tpu.dma_semaphore, #tpu.memory_space<semaphore_mem>>) {add = true}
      }
      %scan3A_89 = arith.constant 80 : i32
      %dma_wait3A = arith.constant 4 : i32
      %dma_wait3A_90 = arith.constant 76 : i32
      %dma_wait3A_91 = arith.constant 0 : i32
      %dma_wait3A_92 = arith.constant 0 : i32
      %dma_wait3A_93 = tpu.memref_slice %arg23[%dma_wait3A, %dma_wait3A_91, %dma_wait3A_92] : memref<8x128x64xf32, #tpu.memory_space<vmem>> -> memref<1x128x64xf32, #tpu.memory_space<vmem>>
      %dma_wait3A_94 = tpu.memref_squeeze %dma_wait3A_93 : memref<1x128x64xf32, #tpu.memory_space<vmem>> -> memref<128x64xf32, #tpu.memory_space<vmem>>
      %dma_wait3A_95 = arith.constant 0 : i32
      %dma_wait3A_96 = tpu.memref_slice %arg22[%dma_wait3A_90, %dma_wait3A_95] : memref<80x128xi32, #tpu.memory_space<vmem>> -> memref<1x128xi32, #tpu.memory_space<vmem>>
      %dma_wait3A_97 = tpu.memref_squeeze %dma_wait3A_96 : memref<1x128xi32, #tpu.memory_space<vmem>> -> memref<128xi32, #tpu.memory_space<vmem>>
      %dma_wait3A_98 = arith.constant 0 : i32
      %dma_wait3A_99 = arith.constant 0 : i32
      %dma_wait3A_100 = tpu.memref_slice %arg24[%dma_wait3A_98, %dma_wait3A_99] : memref<10240x64xf32, #tpu.memory_space<vmem_shared>> -> memref<10240x64xf32, #tpu.memory_space<vmem_shared>>
      tpu.wait_indirect_dma semaphore(%arg26 : memref<!tpu.dma_semaphore, #tpu.memory_space<semaphore_mem>>) src(%dma_wait3A_94 : memref<128x64xf32, #tpu.memory_space<vmem>>) dst(%dma_wait3A_100 : memref<10240x64xf32, #tpu.memory_space<vmem_shared>>)
      %dma_wait3A_101 = arith.constant 5 : i32
      %dma_wait3A_102 = arith.constant 77 : i32
      %dma_wait3A_103 = arith.constant 0 : i32
      %dma_wait3A_104 = arith.constant 0 : i32
      %dma_wait3A_105 = tpu.memref_slice %arg23[%dma_wait3A_101, %dma_wait3A_103, %dma_wait3A_104] : memref<8x128x64xf32, #tpu.memory_space<vmem>> -> memref<1x128x64xf32, #tpu.memory_space<vmem>>
      %dma_wait3A_106 = tpu.memref_squeeze %dma_wait3A_105 : memref<1x128x64xf32, #tpu.memory_space<vmem>> -> memref<128x64xf32, #tpu.memory_space<vmem>>
      %dma_wait3A_107 = arith.constant 0 : i32
      %dma_wait3A_108 = tpu.memref_slice %arg22[%dma_wait3A_102, %dma_wait3A_107] : memref<80x128xi32, #tpu.memory_space<vmem>> -> memref<1x128xi32, #tpu.memory_space<vmem>>
      %dma_wait3A_109 = tpu.memref_squeeze %dma_wait3A_108 : memref<1x128xi32, #tpu.memory_space<vmem>> -> memref<128xi32, #tpu.memory_space<vmem>>
      %dma_wait3A_110 = arith.constant 0 : i32
      %dma_wait3A_111 = arith.constant 0 : i32
      %dma_wait3A_112 = tpu.memref_slice %arg24[%dma_wait3A_110, %dma_wait3A_111] : memref<10240x64xf32, #tpu.memory_space<vmem_shared>> -> memref<10240x64xf32, #tpu.memory_space<vmem_shared>>
      tpu.wait_indirect_dma semaphore(%arg26 : memref<!tpu.dma_semaphore, #tpu.memory_space<semaphore_mem>>) src(%dma_wait3A_106 : memref<128x64xf32, #tpu.memory_space<vmem>>) dst(%dma_wait3A_112 : memref<10240x64xf32, #tpu.memory_space<vmem_shared>>)
      %dma_wait3A_113 = arith.constant 6 : i32
      %dma_wait3A_114 = arith.constant 78 : i32
      %dma_wait3A_115 = arith.constant 0 : i32
      %dma_wait3A_116 = arith.constant 0 : i32
      %dma_wait3A_117 = tpu.memref_slice %arg23[%dma_wait3A_113, %dma_wait3A_115, %dma_wait3A_116] : memref<8x128x64xf32, #tpu.memory_space<vmem>> -> memref<1x128x64xf32, #tpu.memory_space<vmem>>
      %dma_wait3A_118 = tpu.memref_squeeze %dma_wait3A_117 : memref<1x128x64xf32, #tpu.memory_space<vmem>> -> memref<128x64xf32, #tpu.memory_space<vmem>>
      %dma_wait3A_119 = arith.constant 0 : i32
      %dma_wait3A_120 = tpu.memref_slice %arg22[%dma_wait3A_114, %dma_wait3A_119] : memref<80x128xi32, #tpu.memory_space<vmem>> -> memref<1x128xi32, #tpu.memory_space<vmem>>
      %dma_wait3A_121 = tpu.memref_squeeze %dma_wait3A_120 : memref<1x128xi32, #tpu.memory_space<vmem>> -> memref<128xi32, #tpu.memory_space<vmem>>
      %dma_wait3A_122 = arith.constant 0 : i32
      %dma_wait3A_123 = arith.constant 0 : i32
      %dma_wait3A_124 = tpu.memref_slice %arg24[%dma_wait3A_122, %dma_wait3A_123] : memref<10240x64xf32, #tpu.memory_space<vmem_shared>> -> memref<10240x64xf32, #tpu.memory_space<vmem_shared>>
      tpu.wait_indirect_dma semaphore(%arg26 : memref<!tpu.dma_semaphore, #tpu.memory_space<semaphore_mem>>) src(%dma_wait3A_118 : memref<128x64xf32, #tpu.memory_space<vmem>>) dst(%dma_wait3A_124 : memref<10240x64xf32, #tpu.memory_space<vmem_shared>>)
      %dma_wait3A_125 = arith.constant 7 : i32
      %dma_wait3A_126 = arith.constant 79 : i32
      %dma_wait3A_127 = arith.constant 0 : i32
      %dma_wait3A_128 = arith.constant 0 : i32
      %dma_wait3A_129 = tpu.memref_slice %arg23[%dma_wait3A_125, %dma_wait3A_127, %dma_wait3A_128] : memref<8x128x64xf32, #tpu.memory_space<vmem>> -> memref<1x128x64xf32, #tpu.memory_space<vmem>>
      %dma_wait3A_130 = tpu.memref_squeeze %dma_wait3A_129 : memref<1x128x64xf32, #tpu.memory_space<vmem>> -> memref<128x64xf32, #tpu.memory_space<vmem>>
      %dma_wait3A_131 = arith.constant 0 : i32
      %dma_wait3A_132 = tpu.memref_slice %arg22[%dma_wait3A_126, %dma_wait3A_131] : memref<80x128xi32, #tpu.memory_space<vmem>> -> memref<1x128xi32, #tpu.memory_space<vmem>>
      %dma_wait3A_133 = tpu.memref_squeeze %dma_wait3A_132 : memref<1x128xi32, #tpu.memory_space<vmem>> -> memref<128xi32, #tpu.memory_space<vmem>>
      %dma_wait3A_134 = arith.constant 0 : i32
      %dma_wait3A_135 = arith.constant 0 : i32
      %dma_wait3A_136 = tpu.memref_slice %arg24[%dma_wait3A_134, %dma_wait3A_135] : memref<10240x64xf32, #tpu.memory_space<vmem_shared>> -> memref<10240x64xf32, #tpu.memory_space<vmem_shared>>
      tpu.wait_indirect_dma semaphore(%arg26 : memref<!tpu.dma_semaphore, #tpu.memory_space<semaphore_mem>>) src(%dma_wait3A_130 : memref<128x64xf32, #tpu.memory_space<vmem>>) dst(%dma_wait3A_136 : memref<10240x64xf32, #tpu.memory_space<vmem_shared>>)
      %barrier3A_137 = arith.constant 0 : index
      tpu.barrier barrier_id(%barrier3A_137)
      "tpu.region"() ({
        %run_scoped3A = tpu.sem_alloc : memref<!tpu.dma_semaphore, #tpu.memory_space<semaphore_mem>>
        %dma_start3A_138 = arith.constant 0 : i32
        %dma_start3A_139 = tpu.memref_slice %arg17[%mul3A_0, %dma_start3A_138] : memref<10240x64xf32, #tpu.memory_space<hbm>> -> memref<640x64xf32, #tpu.memory_space<hbm>>
        %dma_start3A_140 = arith.constant 0 : i32
        %dma_start3A_141 = tpu.memref_slice %arg24[%mul3A_0, %dma_start3A_140] : memref<10240x64xf32, #tpu.memory_space<vmem_shared>> -> memref<640x64xf32, #tpu.memory_space<vmem_shared>>
        tpu.enqueue_dma source(%dma_start3A_141 : memref<640x64xf32, #tpu.memory_space<vmem_shared>>) target(%dma_start3A_139 : memref<640x64xf32, #tpu.memory_space<hbm>>) target_semaphore(%run_scoped3A : memref<!tpu.dma_semaphore, #tpu.memory_space<semaphore_mem>>)
        %dma_wait3A_142 = arith.constant 0 : i32
        %dma_wait3A_143 = tpu.memref_slice %arg17[%mul3A_0, %dma_wait3A_142] : memref<10240x64xf32, #tpu.memory_space<hbm>> -> memref<640x64xf32, #tpu.memory_space<hbm>>
        %dma_wait3A_144 = arith.constant 0 : i32
        %dma_wait3A_145 = tpu.memref_slice %arg24[%mul3A_0, %dma_wait3A_144] : memref<10240x64xf32, #tpu.memory_space<vmem_shared>> -> memref<640x64xf32, #tpu.memory_space<vmem_shared>>
        tpu.wait_dma2 semaphore(%run_scoped3A : memref<!tpu.dma_semaphore, #tpu.memory_space<semaphore_mem>>) src(%dma_wait3A_145 : memref<640x64xf32, #tpu.memory_space<vmem_shared>>) dst(%dma_wait3A_143 : memref<640x64xf32, #tpu.memory_space<hbm>>)
        tpu.yield
      }) : () -> ()
    } else {
    }
    %eq3A_23 = arith.constant 1 : i32
    %eq3A_24 = arith.cmpi eq, %arg0, %eq3A_23 : i32
    %convert_element_type3A_25 = arith.extui %eq3A_24 : i1 to i32
    %cond3A_26 = arith.constant 0 : i32
    %cond3A_27 = arith.cmpi ne, %convert_element_type3A_25, %cond3A_26 : i32
    scf.if %cond3A_27 {
      "tpu.region"() ({
        %run_scoped3A = tpu.sem_alloc : memref<!tpu.dma_semaphore, #tpu.memory_space<semaphore_mem>>
        %dma_start3A_138 = arith.constant 0 : i32
        %dma_start3A_139 = tpu.memref_slice %arg24[%mul3A_0, %dma_start3A_138] : memref<10240x64xf32, #tpu.memory_space<vmem_shared>> -> memref<640x64xf32, #tpu.memory_space<vmem_shared>>
        %dma_start3A_140 = arith.constant 0 : i32
        %dma_start3A_141 = tpu.memref_slice %arg4[%mul3A_0, %dma_start3A_140] : memref<10240x64xf32, #tpu.memory_space<hbm>> -> memref<640x64xf32, #tpu.memory_space<hbm>>
        tpu.enqueue_dma source(%dma_start3A_141 : memref<640x64xf32, #tpu.memory_space<hbm>>) target(%dma_start3A_139 : memref<640x64xf32, #tpu.memory_space<vmem_shared>>) target_semaphore(%run_scoped3A : memref<!tpu.dma_semaphore, #tpu.memory_space<semaphore_mem>>)
        %dma_wait3A_142 = arith.constant 0 : i32
        %dma_wait3A_143 = tpu.memref_slice %arg24[%mul3A_0, %dma_wait3A_142] : memref<10240x64xf32, #tpu.memory_space<vmem_shared>> -> memref<640x64xf32, #tpu.memory_space<vmem_shared>>
        %dma_wait3A_144 = arith.constant 0 : i32
        %dma_wait3A_145 = tpu.memref_slice %arg4[%mul3A_0, %dma_wait3A_144] : memref<10240x64xf32, #tpu.memory_space<hbm>> -> memref<640x64xf32, #tpu.memory_space<hbm>>
        tpu.wait_dma2 semaphore(%run_scoped3A : memref<!tpu.dma_semaphore, #tpu.memory_space<semaphore_mem>>) src(%dma_wait3A_145 : memref<640x64xf32, #tpu.memory_space<hbm>>) dst(%dma_wait3A_143 : memref<640x64xf32, #tpu.memory_space<vmem_shared>>)
        tpu.yield
      }) : () -> ()
      %barrier3A = arith.constant 0 : index
      tpu.barrier barrier_id(%barrier3A)
      %dma_start3A = arith.constant 0 : i32
      %dma_start3A_38 = arith.constant 0 : i32
      %dma_start3A_39 = arith.constant 0 : i32
      %dma_start3A_40 = arith.constant 0 : i32
      %dma_start3A_41 = tpu.memref_slice %arg23[%dma_start3A_38, %dma_start3A_39, %dma_start3A_40] : memref<8x128x64xf32, #tpu.memory_space<vmem>> -> memref<1x128x64xf32, #tpu.memory_space<vmem>>
      %dma_start3A_42 = tpu.memref_squeeze %dma_start3A_41 : memref<1x128x64xf32, #tpu.memory_space<vmem>> -> memref<128x64xf32, #tpu.memory_space<vmem>>
      %dma_start3A_43 = arith.constant 0 : i32
      %dma_start3A_44 = tpu.memref_slice %arg21[%dma_start3A, %dma_start3A_43] : memref<80x128xi32, #tpu.memory_space<vmem>> -> memref<1x128xi32, #tpu.memory_space<vmem>>
      %dma_start3A_45 = tpu.memref_squeeze %dma_start3A_44 : memref<1x128xi32, #tpu.memory_space<vmem>> -> memref<128xi32, #tpu.memory_space<vmem>>
      %dma_start3A_46 = arith.constant 0 : i32
      %dma_start3A_47 = arith.constant 0 : i32
      %dma_start3A_48 = tpu.memref_slice %arg10[%dma_start3A_46, %dma_start3A_47] : memref<10240x64xf32, #tpu.memory_space<hbm>> -> memref<10240x64xf32, #tpu.memory_space<hbm>>
      tpu.enqueue_indirect_dma source(%dma_start3A_48 : memref<10240x64xf32, #tpu.memory_space<hbm>>) target(%dma_start3A_42 : memref<128x64xf32, #tpu.memory_space<vmem>>) offsets(%dma_start3A_45 : memref<128xi32, #tpu.memory_space<vmem>>) semaphore(%arg25 : memref<!tpu.dma_semaphore, #tpu.memory_space<semaphore_mem>>)
      %dma_start3A_49 = arith.constant 1 : i32
      %dma_start3A_50 = arith.constant 1 : i32
      %dma_start3A_51 = arith.constant 0 : i32
      %dma_start3A_52 = arith.constant 0 : i32
      %dma_start3A_53 = tpu.memref_slice %arg23[%dma_start3A_50, %dma_start3A_51, %dma_start3A_52] : memref<8x128x64xf32, #tpu.memory_space<vmem>> -> memref<1x128x64xf32, #tpu.memory_space<vmem>>
      %dma_start3A_54 = tpu.memref_squeeze %dma_start3A_53 : memref<1x128x64xf32, #tpu.memory_space<vmem>> -> memref<128x64xf32, #tpu.memory_space<vmem>>
      %dma_start3A_55 = arith.constant 0 : i32
      %dma_start3A_56 = tpu.memref_slice %arg21[%dma_start3A_49, %dma_start3A_55] : memref<80x128xi32, #tpu.memory_space<vmem>> -> memref<1x128xi32, #tpu.memory_space<vmem>>
      %dma_start3A_57 = tpu.memref_squeeze %dma_start3A_56 : memref<1x128xi32, #tpu.memory_space<vmem>> -> memref<128xi32, #tpu.memory_space<vmem>>
      %dma_start3A_58 = arith.constant 0 : i32
      %dma_start3A_59 = arith.constant 0 : i32
      %dma_start3A_60 = tpu.memref_slice %arg10[%dma_start3A_58, %dma_start3A_59] : memref<10240x64xf32, #tpu.memory_space<hbm>> -> memref<10240x64xf32, #tpu.memory_space<hbm>>
      tpu.enqueue_indirect_dma source(%dma_start3A_60 : memref<10240x64xf32, #tpu.memory_space<hbm>>) target(%dma_start3A_54 : memref<128x64xf32, #tpu.memory_space<vmem>>) offsets(%dma_start3A_57 : memref<128xi32, #tpu.memory_space<vmem>>) semaphore(%arg25 : memref<!tpu.dma_semaphore, #tpu.memory_space<semaphore_mem>>)
      %dma_start3A_61 = arith.constant 2 : i32
      %dma_start3A_62 = arith.constant 2 : i32
      %dma_start3A_63 = arith.constant 0 : i32
      %dma_start3A_64 = arith.constant 0 : i32
      %dma_start3A_65 = tpu.memref_slice %arg23[%dma_start3A_62, %dma_start3A_63, %dma_start3A_64] : memref<8x128x64xf32, #tpu.memory_space<vmem>> -> memref<1x128x64xf32, #tpu.memory_space<vmem>>
      %dma_start3A_66 = tpu.memref_squeeze %dma_start3A_65 : memref<1x128x64xf32, #tpu.memory_space<vmem>> -> memref<128x64xf32, #tpu.memory_space<vmem>>
      %dma_start3A_67 = arith.constant 0 : i32
      %dma_start3A_68 = tpu.memref_slice %arg21[%dma_start3A_61, %dma_start3A_67] : memref<80x128xi32, #tpu.memory_space<vmem>> -> memref<1x128xi32, #tpu.memory_space<vmem>>
      %dma_start3A_69 = tpu.memref_squeeze %dma_start3A_68 : memref<1x128xi32, #tpu.memory_space<vmem>> -> memref<128xi32, #tpu.memory_space<vmem>>
      %dma_start3A_70 = arith.constant 0 : i32
      %dma_start3A_71 = arith.constant 0 : i32
      %dma_start3A_72 = tpu.memref_slice %arg10[%dma_start3A_70, %dma_start3A_71] : memref<10240x64xf32, #tpu.memory_space<hbm>> -> memref<10240x64xf32, #tpu.memory_space<hbm>>
      tpu.enqueue_indirect_dma source(%dma_start3A_72 : memref<10240x64xf32, #tpu.memory_space<hbm>>) target(%dma_start3A_66 : memref<128x64xf32, #tpu.memory_space<vmem>>) offsets(%dma_start3A_69 : memref<128xi32, #tpu.memory_space<vmem>>) semaphore(%arg25 : memref<!tpu.dma_semaphore, #tpu.memory_space<semaphore_mem>>)
      %dma_start3A_73 = arith.constant 3 : i32
      %dma_start3A_74 = arith.constant 3 : i32
      %dma_start3A_75 = arith.constant 0 : i32
      %dma_start3A_76 = arith.constant 0 : i32
      %dma_start3A_77 = tpu.memref_slice %arg23[%dma_start3A_74, %dma_start3A_75, %dma_start3A_76] : memref<8x128x64xf32, #tpu.memory_space<vmem>> -> memref<1x128x64xf32, #tpu.memory_space<vmem>>
      %dma_start3A_78 = tpu.memref_squeeze %dma_start3A_77 : memref<1x128x64xf32, #tpu.memory_space<vmem>> -> memref<128x64xf32, #tpu.memory_space<vmem>>
      %dma_start3A_79 = arith.constant 0 : i32
      %dma_start3A_80 = tpu.memref_slice %arg21[%dma_start3A_73, %dma_start3A_79] : memref<80x128xi32, #tpu.memory_space<vmem>> -> memref<1x128xi32, #tpu.memory_space<vmem>>
      %dma_start3A_81 = tpu.memref_squeeze %dma_start3A_80 : memref<1x128xi32, #tpu.memory_space<vmem>> -> memref<128xi32, #tpu.memory_space<vmem>>
      %dma_start3A_82 = arith.constant 0 : i32
      %dma_start3A_83 = arith.constant 0 : i32
      %dma_start3A_84 = tpu.memref_slice %arg10[%dma_start3A_82, %dma_start3A_83] : memref<10240x64xf32, #tpu.memory_space<hbm>> -> memref<10240x64xf32, #tpu.memory_space<hbm>>
      tpu.enqueue_indirect_dma source(%dma_start3A_84 : memref<10240x64xf32, #tpu.memory_space<hbm>>) target(%dma_start3A_78 : memref<128x64xf32, #tpu.memory_space<vmem>>) offsets(%dma_start3A_81 : memref<128xi32, #tpu.memory_space<vmem>>) semaphore(%arg25 : memref<!tpu.dma_semaphore, #tpu.memory_space<semaphore_mem>>)
      %scan3A = arith.constant 0 : i32
      %scan3A_85 = arith.constant 0 : i32
      %scan3A_86 = arith.constant 80 : i32
      %scan3A_87 = arith.addi %scan3A_85, %scan3A_86 : i32
      %scan3A_88 = arith.constant 1 : i32
      scf.for %scan3A_138 = %scan3A_85 to %scan3A_87 step %scan3A_88  : i32 {
        %ge3A = arith.constant 4 : i32
        %ge3A_139 = arith.cmpi sge, %scan3A_138, %ge3A : i32
        %convert_element_type3A_140 = arith.extui %ge3A_139 : i1 to i32
        %cond3A_141 = arith.constant 0 : i32
        %cond3A_142 = arith.cmpi ne, %convert_element_type3A_140, %cond3A_141 : i32
        scf.if %cond3A_142 {
          %sub3A = arith.constant 4 : i32
          %sub3A_171 = arith.subi %scan3A_138, %sub3A : i32
          %rem3A_172 = arith.constant 8 : i32
          %rem3A_173 = arith.remsi %sub3A_171, %rem3A_172 : i32
          %sub3A_174 = arith.constant 4 : i32
          %sub3A_175 = arith.subi %scan3A_138, %sub3A_174 : i32
          %dma_wait3A_176 = arith.constant 0 : i32
          %dma_wait3A_177 = arith.constant 0 : i32
          %dma_wait3A_178 = tpu.memref_slice %arg23[%rem3A_173, %dma_wait3A_176, %dma_wait3A_177] : memref<8x128x64xf32, #tpu.memory_space<vmem>> -> memref<1x128x64xf32, #tpu.memory_space<vmem>>
          %dma_wait3A_179 = tpu.memref_squeeze %dma_wait3A_178 : memref<1x128x64xf32, #tpu.memory_space<vmem>> -> memref<128x64xf32, #tpu.memory_space<vmem>>
          %dma_wait3A_180 = arith.constant 0 : i32
          %dma_wait3A_181 = tpu.memref_slice %arg22[%sub3A_175, %dma_wait3A_180] : memref<80x128xi32, #tpu.memory_space<vmem>> -> memref<1x128xi32, #tpu.memory_space<vmem>>
          %dma_wait3A_182 = tpu.memref_squeeze %dma_wait3A_181 : memref<1x128xi32, #tpu.memory_space<vmem>> -> memref<128xi32, #tpu.memory_space<vmem>>
          %dma_wait3A_183 = arith.constant 0 : i32
          %dma_wait3A_184 = arith.constant 0 : i32
          %dma_wait3A_185 = tpu.memref_slice %arg24[%dma_wait3A_183, %dma_wait3A_184] : memref<10240x64xf32, #tpu.memory_space<vmem_shared>> -> memref<10240x64xf32, #tpu.memory_space<vmem_shared>>
          tpu.wait_indirect_dma semaphore(%arg26 : memref<!tpu.dma_semaphore, #tpu.memory_space<semaphore_mem>>) src(%dma_wait3A_179 : memref<128x64xf32, #tpu.memory_space<vmem>>) dst(%dma_wait3A_185 : memref<10240x64xf32, #tpu.memory_space<vmem_shared>>)
        } else {
        }
        %add3A = arith.constant 4 : i32
        %add3A_143 = arith.addi %scan3A_138, %add3A : i32
        %lt3A = arith.constant 80 : i32
        %lt3A_144 = arith.cmpi slt, %add3A_143, %lt3A : i32
        %convert_element_type3A_145 = arith.extui %lt3A_144 : i1 to i32
        %cond3A_146 = arith.constant 0 : i32
        %cond3A_147 = arith.cmpi ne, %convert_element_type3A_145, %cond3A_146 : i32
        scf.if %cond3A_147 {
          %add3A_171 = arith.constant 4 : i32
          %add3A_172 = arith.addi %scan3A_138, %add3A_171 : i32
          %add3A_173 = arith.constant 4 : i32
          %add3A_174 = arith.addi %scan3A_138, %add3A_173 : i32
          %rem3A_175 = arith.constant 8 : i32
          %rem3A_176 = arith.remsi %add3A_174, %rem3A_175 : i32
          %dma_start3A_177 = arith.constant 0 : i32
          %dma_start3A_178 = arith.constant 0 : i32
          %dma_start3A_179 = tpu.memref_slice %arg23[%rem3A_176, %dma_start3A_177, %dma_start3A_178] : memref<8x128x64xf32, #tpu.memory_space<vmem>> -> memref<1x128x64xf32, #tpu.memory_space<vmem>>
          %dma_start3A_180 = tpu.memref_squeeze %dma_start3A_179 : memref<1x128x64xf32, #tpu.memory_space<vmem>> -> memref<128x64xf32, #tpu.memory_space<vmem>>
          %dma_start3A_181 = arith.constant 0 : i32
          %dma_start3A_182 = tpu.memref_slice %arg21[%add3A_172, %dma_start3A_181] : memref<80x128xi32, #tpu.memory_space<vmem>> -> memref<1x128xi32, #tpu.memory_space<vmem>>
          %dma_start3A_183 = tpu.memref_squeeze %dma_start3A_182 : memref<1x128xi32, #tpu.memory_space<vmem>> -> memref<128xi32, #tpu.memory_space<vmem>>
          %dma_start3A_184 = arith.constant 0 : i32
          %dma_start3A_185 = arith.constant 0 : i32
          %dma_start3A_186 = tpu.memref_slice %arg10[%dma_start3A_184, %dma_start3A_185] : memref<10240x64xf32, #tpu.memory_space<hbm>> -> memref<10240x64xf32, #tpu.memory_space<hbm>>
          tpu.enqueue_indirect_dma source(%dma_start3A_186 : memref<10240x64xf32, #tpu.memory_space<hbm>>) target(%dma_start3A_180 : memref<128x64xf32, #tpu.memory_space<vmem>>) offsets(%dma_start3A_183 : memref<128xi32, #tpu.memory_space<vmem>>) semaphore(%arg25 : memref<!tpu.dma_semaphore, #tpu.memory_space<semaphore_mem>>)
        } else {
        }
        %rem3A = arith.constant 8 : i32
        %rem3A_148 = arith.remsi %scan3A_138, %rem3A : i32
        %dma_wait3A_149 = arith.constant 0 : i32
        %dma_wait3A_150 = arith.constant 0 : i32
        %dma_wait3A_151 = tpu.memref_slice %arg23[%rem3A_148, %dma_wait3A_149, %dma_wait3A_150] : memref<8x128x64xf32, #tpu.memory_space<vmem>> -> memref<1x128x64xf32, #tpu.memory_space<vmem>>
        %dma_wait3A_152 = tpu.memref_squeeze %dma_wait3A_151 : memref<1x128x64xf32, #tpu.memory_space<vmem>> -> memref<128x64xf32, #tpu.memory_space<vmem>>
        %dma_wait3A_153 = arith.constant 0 : i32
        %dma_wait3A_154 = tpu.memref_slice %arg21[%scan3A_138, %dma_wait3A_153] : memref<80x128xi32, #tpu.memory_space<vmem>> -> memref<1x128xi32, #tpu.memory_space<vmem>>
        %dma_wait3A_155 = tpu.memref_squeeze %dma_wait3A_154 : memref<1x128xi32, #tpu.memory_space<vmem>> -> memref<128xi32, #tpu.memory_space<vmem>>
        %dma_wait3A_156 = arith.constant 0 : i32
        %dma_wait3A_157 = arith.constant 0 : i32
        %dma_wait3A_158 = tpu.memref_slice %arg10[%dma_wait3A_156, %dma_wait3A_157] : memref<10240x64xf32, #tpu.memory_space<hbm>> -> memref<10240x64xf32, #tpu.memory_space<hbm>>
        tpu.wait_indirect_dma semaphore(%arg25 : memref<!tpu.dma_semaphore, #tpu.memory_space<semaphore_mem>>) src(%dma_wait3A_158 : memref<10240x64xf32, #tpu.memory_space<hbm>>) dst(%dma_wait3A_152 : memref<128x64xf32, #tpu.memory_space<vmem>>)
        %rem3A_159 = arith.constant 8 : i32
        %rem3A_160 = arith.remsi %scan3A_138, %rem3A_159 : i32
        %dma_start3A_161 = arith.constant 0 : i32
        %dma_start3A_162 = arith.constant 0 : i32
        %dma_start3A_163 = tpu.memref_slice %arg23[%rem3A_160, %dma_start3A_161, %dma_start3A_162] : memref<8x128x64xf32, #tpu.memory_space<vmem>> -> memref<1x128x64xf32, #tpu.memory_space<vmem>>
        %dma_start3A_164 = tpu.memref_squeeze %dma_start3A_163 : memref<1x128x64xf32, #tpu.memory_space<vmem>> -> memref<128x64xf32, #tpu.memory_space<vmem>>
        %dma_start3A_165 = arith.constant 0 : i32
        %dma_start3A_166 = tpu.memref_slice %arg22[%scan3A_138, %dma_start3A_165] : memref<80x128xi32, #tpu.memory_space<vmem>> -> memref<1x128xi32, #tpu.memory_space<vmem>>
        %dma_start3A_167 = tpu.memref_squeeze %dma_start3A_166 : memref<1x128xi32, #tpu.memory_space<vmem>> -> memref<128xi32, #tpu.memory_space<vmem>>
        %dma_start3A_168 = arith.constant 0 : i32
        %dma_start3A_169 = arith.constant 0 : i32
        %dma_start3A_170 = tpu.memref_slice %arg24[%dma_start3A_168, %dma_start3A_169] : memref<10240x64xf32, #tpu.memory_space<vmem_shared>> -> memref<10240x64xf32, #tpu.memory_space<vmem_shared>>
        tpu.enqueue_indirect_dma source(%dma_start3A_164 : memref<128x64xf32, #tpu.memory_space<vmem>>) target(%dma_start3A_170 : memref<10240x64xf32, #tpu.memory_space<vmem_shared>>) offsets(%dma_start3A_167 : memref<128xi32, #tpu.memory_space<vmem>>) semaphore(%arg26 : memref<!tpu.dma_semaphore, #tpu.memory_space<semaphore_mem>>) {add = true}
      }
      %scan3A_89 = arith.constant 80 : i32
      %dma_wait3A = arith.constant 4 : i32
      %dma_wait3A_90 = arith.constant 76 : i32
      %dma_wait3A_91 = arith.constant 0 : i32
      %dma_wait3A_92 = arith.constant 0 : i32
      %dma_wait3A_93 = tpu.memref_slice %arg23[%dma_wait3A, %dma_wait3A_91, %dma_wait3A_92] : memref<8x128x64xf32, #tpu.memory_space<vmem>> -> memref<1x128x64xf32, #tpu.memory_space<vmem>>
      %dma_wait3A_94 = tpu.memref_squeeze %dma_wait3A_93 : memref<1x128x64xf32, #tpu.memory_space<vmem>> -> memref<128x64xf32, #tpu.memory_space<vmem>>
      %dma_wait3A_95 = arith.constant 0 : i32
      %dma_wait3A_96 = tpu.memref_slice %arg22[%dma_wait3A_90, %dma_wait3A_95] : memref<80x128xi32, #tpu.memory_space<vmem>> -> memref<1x128xi32, #tpu.memory_space<vmem>>
      %dma_wait3A_97 = tpu.memref_squeeze %dma_wait3A_96 : memref<1x128xi32, #tpu.memory_space<vmem>> -> memref<128xi32, #tpu.memory_space<vmem>>
      %dma_wait3A_98 = arith.constant 0 : i32
      %dma_wait3A_99 = arith.constant 0 : i32
      %dma_wait3A_100 = tpu.memref_slice %arg24[%dma_wait3A_98, %dma_wait3A_99] : memref<10240x64xf32, #tpu.memory_space<vmem_shared>> -> memref<10240x64xf32, #tpu.memory_space<vmem_shared>>
      tpu.wait_indirect_dma semaphore(%arg26 : memref<!tpu.dma_semaphore, #tpu.memory_space<semaphore_mem>>) src(%dma_wait3A_94 : memref<128x64xf32, #tpu.memory_space<vmem>>) dst(%dma_wait3A_100 : memref<10240x64xf32, #tpu.memory_space<vmem_shared>>)
      %dma_wait3A_101 = arith.constant 5 : i32
      %dma_wait3A_102 = arith.constant 77 : i32
      %dma_wait3A_103 = arith.constant 0 : i32
      %dma_wait3A_104 = arith.constant 0 : i32
      %dma_wait3A_105 = tpu.memref_slice %arg23[%dma_wait3A_101, %dma_wait3A_103, %dma_wait3A_104] : memref<8x128x64xf32, #tpu.memory_space<vmem>> -> memref<1x128x64xf32, #tpu.memory_space<vmem>>
      %dma_wait3A_106 = tpu.memref_squeeze %dma_wait3A_105 : memref<1x128x64xf32, #tpu.memory_space<vmem>> -> memref<128x64xf32, #tpu.memory_space<vmem>>
      %dma_wait3A_107 = arith.constant 0 : i32
      %dma_wait3A_108 = tpu.memref_slice %arg22[%dma_wait3A_102, %dma_wait3A_107] : memref<80x128xi32, #tpu.memory_space<vmem>> -> memref<1x128xi32, #tpu.memory_space<vmem>>
      %dma_wait3A_109 = tpu.memref_squeeze %dma_wait3A_108 : memref<1x128xi32, #tpu.memory_space<vmem>> -> memref<128xi32, #tpu.memory_space<vmem>>
      %dma_wait3A_110 = arith.constant 0 : i32
      %dma_wait3A_111 = arith.constant 0 : i32
      %dma_wait3A_112 = tpu.memref_slice %arg24[%dma_wait3A_110, %dma_wait3A_111] : memref<10240x64xf32, #tpu.memory_space<vmem_shared>> -> memref<10240x64xf32, #tpu.memory_space<vmem_shared>>
      tpu.wait_indirect_dma semaphore(%arg26 : memref<!tpu.dma_semaphore, #tpu.memory_space<semaphore_mem>>) src(%dma_wait3A_106 : memref<128x64xf32, #tpu.memory_space<vmem>>) dst(%dma_wait3A_112 : memref<10240x64xf32, #tpu.memory_space<vmem_shared>>)
      %dma_wait3A_113 = arith.constant 6 : i32
      %dma_wait3A_114 = arith.constant 78 : i32
      %dma_wait3A_115 = arith.constant 0 : i32
      %dma_wait3A_116 = arith.constant 0 : i32
      %dma_wait3A_117 = tpu.memref_slice %arg23[%dma_wait3A_113, %dma_wait3A_115, %dma_wait3A_116] : memref<8x128x64xf32, #tpu.memory_space<vmem>> -> memref<1x128x64xf32, #tpu.memory_space<vmem>>
      %dma_wait3A_118 = tpu.memref_squeeze %dma_wait3A_117 : memref<1x128x64xf32, #tpu.memory_space<vmem>> -> memref<128x64xf32, #tpu.memory_space<vmem>>
      %dma_wait3A_119 = arith.constant 0 : i32
      %dma_wait3A_120 = tpu.memref_slice %arg22[%dma_wait3A_114, %dma_wait3A_119] : memref<80x128xi32, #tpu.memory_space<vmem>> -> memref<1x128xi32, #tpu.memory_space<vmem>>
      %dma_wait3A_121 = tpu.memref_squeeze %dma_wait3A_120 : memref<1x128xi32, #tpu.memory_space<vmem>> -> memref<128xi32, #tpu.memory_space<vmem>>
      %dma_wait3A_122 = arith.constant 0 : i32
      %dma_wait3A_123 = arith.constant 0 : i32
      %dma_wait3A_124 = tpu.memref_slice %arg24[%dma_wait3A_122, %dma_wait3A_123] : memref<10240x64xf32, #tpu.memory_space<vmem_shared>> -> memref<10240x64xf32, #tpu.memory_space<vmem_shared>>
      tpu.wait_indirect_dma semaphore(%arg26 : memref<!tpu.dma_semaphore, #tpu.memory_space<semaphore_mem>>) src(%dma_wait3A_118 : memref<128x64xf32, #tpu.memory_space<vmem>>) dst(%dma_wait3A_124 : memref<10240x64xf32, #tpu.memory_space<vmem_shared>>)
      %dma_wait3A_125 = arith.constant 7 : i32
      %dma_wait3A_126 = arith.constant 79 : i32
      %dma_wait3A_127 = arith.constant 0 : i32
      %dma_wait3A_128 = arith.constant 0 : i32
      %dma_wait3A_129 = tpu.memref_slice %arg23[%dma_wait3A_125, %dma_wait3A_127, %dma_wait3A_128] : memref<8x128x64xf32, #tpu.memory_space<vmem>> -> memref<1x128x64xf32, #tpu.memory_space<vmem>>
      %dma_wait3A_130 = tpu.memref_squeeze %dma_wait3A_129 : memref<1x128x64xf32, #tpu.memory_space<vmem>> -> memref<128x64xf32, #tpu.memory_space<vmem>>
      %dma_wait3A_131 = arith.constant 0 : i32
      %dma_wait3A_132 = tpu.memref_slice %arg22[%dma_wait3A_126, %dma_wait3A_131] : memref<80x128xi32, #tpu.memory_space<vmem>> -> memref<1x128xi32, #tpu.memory_space<vmem>>
      %dma_wait3A_133 = tpu.memref_squeeze %dma_wait3A_132 : memref<1x128xi32, #tpu.memory_space<vmem>> -> memref<128xi32, #tpu.memory_space<vmem>>
      %dma_wait3A_134 = arith.constant 0 : i32
      %dma_wait3A_135 = arith.constant 0 : i32
      %dma_wait3A_136 = tpu.memref_slice %arg24[%dma_wait3A_134, %dma_wait3A_135] : memref<10240x64xf32, #tpu.memory_space<vmem_shared>> -> memref<10240x64xf32, #tpu.memory_space<vmem_shared>>
      tpu.wait_indirect_dma semaphore(%arg26 : memref<!tpu.dma_semaphore, #tpu.memory_space<semaphore_mem>>) src(%dma_wait3A_130 : memref<128x64xf32, #tpu.memory_space<vmem>>) dst(%dma_wait3A_136 : memref<10240x64xf32, #tpu.memory_space<vmem_shared>>)
      %barrier3A_137 = arith.constant 0 : index
      tpu.barrier barrier_id(%barrier3A_137)
      "tpu.region"() ({
        %run_scoped3A = tpu.sem_alloc : memref<!tpu.dma_semaphore, #tpu.memory_space<semaphore_mem>>
        %dma_start3A_138 = arith.constant 0 : i32
        %dma_start3A_139 = tpu.memref_slice %arg18[%mul3A_0, %dma_start3A_138] : memref<10240x64xf32, #tpu.memory_space<hbm>> -> memref<640x64xf32, #tpu.memory_space<hbm>>
        %dma_start3A_140 = arith.constant 0 : i32
        %dma_start3A_141 = tpu.memref_slice %arg24[%mul3A_0, %dma_start3A_140] : memref<10240x64xf32, #tpu.memory_space<vmem_shared>> -> memref<640x64xf32, #tpu.memory_space<vmem_shared>>
        tpu.enqueue_dma source(%dma_start3A_141 : memref<640x64xf32, #tpu.memory_space<vmem_shared>>) target(%dma_start3A_139 : memref<640x64xf32, #tpu.memory_space<hbm>>) target_semaphore(%run_scoped3A : memref<!tpu.dma_semaphore, #tpu.memory_space<semaphore_mem>>)
        %dma_wait3A_142 = arith.constant 0 : i32
        %dma_wait3A_143 = tpu.memref_slice %arg18[%mul3A_0, %dma_wait3A_142] : memref<10240x64xf32, #tpu.memory_space<hbm>> -> memref<640x64xf32, #tpu.memory_space<hbm>>
        %dma_wait3A_144 = arith.constant 0 : i32
        %dma_wait3A_145 = tpu.memref_slice %arg24[%mul3A_0, %dma_wait3A_144] : memref<10240x64xf32, #tpu.memory_space<vmem_shared>> -> memref<640x64xf32, #tpu.memory_space<vmem_shared>>
        tpu.wait_dma2 semaphore(%run_scoped3A : memref<!tpu.dma_semaphore, #tpu.memory_space<semaphore_mem>>) src(%dma_wait3A_145 : memref<640x64xf32, #tpu.memory_space<vmem_shared>>) dst(%dma_wait3A_143 : memref<640x64xf32, #tpu.memory_space<hbm>>)
        tpu.yield
      }) : () -> ()
    } else {
    }
    %eq3A_28 = arith.constant 0 : i32
    %eq3A_29 = arith.cmpi eq, %arg0, %eq3A_28 : i32
    %convert_element_type3A_30 = arith.extui %eq3A_29 : i1 to i32
    %cond3A_31 = arith.constant 0 : i32
    %cond3A_32 = arith.cmpi ne, %convert_element_type3A_30, %cond3A_31 : i32
    scf.if %cond3A_32 {
      "tpu.region"() ({
        %run_scoped3A = tpu.sem_alloc : memref<!tpu.dma_semaphore, #tpu.memory_space<semaphore_mem>>
        %dma_start3A_138 = arith.constant 0 : i32
        %dma_start3A_139 = tpu.memref_slice %arg24[%mul3A_0, %dma_start3A_138] : memref<10240x64xf32, #tpu.memory_space<vmem_shared>> -> memref<640x64xf32, #tpu.memory_space<vmem_shared>>
        %dma_start3A_140 = arith.constant 0 : i32
        %dma_start3A_141 = tpu.memref_slice %arg4[%mul3A_0, %dma_start3A_140] : memref<10240x64xf32, #tpu.memory_space<hbm>> -> memref<640x64xf32, #tpu.memory_space<hbm>>
        tpu.enqueue_dma source(%dma_start3A_141 : memref<640x64xf32, #tpu.memory_space<hbm>>) target(%dma_start3A_139 : memref<640x64xf32, #tpu.memory_space<vmem_shared>>) target_semaphore(%run_scoped3A : memref<!tpu.dma_semaphore, #tpu.memory_space<semaphore_mem>>)
        %dma_wait3A_142 = arith.constant 0 : i32
        %dma_wait3A_143 = tpu.memref_slice %arg24[%mul3A_0, %dma_wait3A_142] : memref<10240x64xf32, #tpu.memory_space<vmem_shared>> -> memref<640x64xf32, #tpu.memory_space<vmem_shared>>
        %dma_wait3A_144 = arith.constant 0 : i32
        %dma_wait3A_145 = tpu.memref_slice %arg4[%mul3A_0, %dma_wait3A_144] : memref<10240x64xf32, #tpu.memory_space<hbm>> -> memref<640x64xf32, #tpu.memory_space<hbm>>
        tpu.wait_dma2 semaphore(%run_scoped3A : memref<!tpu.dma_semaphore, #tpu.memory_space<semaphore_mem>>) src(%dma_wait3A_145 : memref<640x64xf32, #tpu.memory_space<hbm>>) dst(%dma_wait3A_143 : memref<640x64xf32, #tpu.memory_space<vmem_shared>>)
        tpu.yield
      }) : () -> ()
      %barrier3A = arith.constant 0 : index
      tpu.barrier barrier_id(%barrier3A)
      %dma_start3A = arith.constant 0 : i32
      %dma_start3A_38 = arith.constant 0 : i32
      %dma_start3A_39 = arith.constant 0 : i32
      %dma_start3A_40 = arith.constant 0 : i32
      %dma_start3A_41 = tpu.memref_slice %arg23[%dma_start3A_38, %dma_start3A_39, %dma_start3A_40] : memref<8x128x64xf32, #tpu.memory_space<vmem>> -> memref<1x128x64xf32, #tpu.memory_space<vmem>>
      %dma_start3A_42 = tpu.memref_squeeze %dma_start3A_41 : memref<1x128x64xf32, #tpu.memory_space<vmem>> -> memref<128x64xf32, #tpu.memory_space<vmem>>
      %dma_start3A_43 = arith.constant 0 : i32
      %dma_start3A_44 = tpu.memref_slice %arg21[%dma_start3A, %dma_start3A_43] : memref<80x128xi32, #tpu.memory_space<vmem>> -> memref<1x128xi32, #tpu.memory_space<vmem>>
      %dma_start3A_45 = tpu.memref_squeeze %dma_start3A_44 : memref<1x128xi32, #tpu.memory_space<vmem>> -> memref<128xi32, #tpu.memory_space<vmem>>
      %dma_start3A_46 = arith.constant 0 : i32
      %dma_start3A_47 = arith.constant 0 : i32
      %dma_start3A_48 = tpu.memref_slice %arg11[%dma_start3A_46, %dma_start3A_47] : memref<10240x64xf32, #tpu.memory_space<hbm>> -> memref<10240x64xf32, #tpu.memory_space<hbm>>
      tpu.enqueue_indirect_dma source(%dma_start3A_48 : memref<10240x64xf32, #tpu.memory_space<hbm>>) target(%dma_start3A_42 : memref<128x64xf32, #tpu.memory_space<vmem>>) offsets(%dma_start3A_45 : memref<128xi32, #tpu.memory_space<vmem>>) semaphore(%arg25 : memref<!tpu.dma_semaphore, #tpu.memory_space<semaphore_mem>>)
      %dma_start3A_49 = arith.constant 1 : i32
      %dma_start3A_50 = arith.constant 1 : i32
      %dma_start3A_51 = arith.constant 0 : i32
      %dma_start3A_52 = arith.constant 0 : i32
      %dma_start3A_53 = tpu.memref_slice %arg23[%dma_start3A_50, %dma_start3A_51, %dma_start3A_52] : memref<8x128x64xf32, #tpu.memory_space<vmem>> -> memref<1x128x64xf32, #tpu.memory_space<vmem>>
      %dma_start3A_54 = tpu.memref_squeeze %dma_start3A_53 : memref<1x128x64xf32, #tpu.memory_space<vmem>> -> memref<128x64xf32, #tpu.memory_space<vmem>>
      %dma_start3A_55 = arith.constant 0 : i32
      %dma_start3A_56 = tpu.memref_slice %arg21[%dma_start3A_49, %dma_start3A_55] : memref<80x128xi32, #tpu.memory_space<vmem>> -> memref<1x128xi32, #tpu.memory_space<vmem>>
      %dma_start3A_57 = tpu.memref_squeeze %dma_start3A_56 : memref<1x128xi32, #tpu.memory_space<vmem>> -> memref<128xi32, #tpu.memory_space<vmem>>
      %dma_start3A_58 = arith.constant 0 : i32
      %dma_start3A_59 = arith.constant 0 : i32
      %dma_start3A_60 = tpu.memref_slice %arg11[%dma_start3A_58, %dma_start3A_59] : memref<10240x64xf32, #tpu.memory_space<hbm>> -> memref<10240x64xf32, #tpu.memory_space<hbm>>
      tpu.enqueue_indirect_dma source(%dma_start3A_60 : memref<10240x64xf32, #tpu.memory_space<hbm>>) target(%dma_start3A_54 : memref<128x64xf32, #tpu.memory_space<vmem>>) offsets(%dma_start3A_57 : memref<128xi32, #tpu.memory_space<vmem>>) semaphore(%arg25 : memref<!tpu.dma_semaphore, #tpu.memory_space<semaphore_mem>>)
      %dma_start3A_61 = arith.constant 2 : i32
      %dma_start3A_62 = arith.constant 2 : i32
      %dma_start3A_63 = arith.constant 0 : i32
      %dma_start3A_64 = arith.constant 0 : i32
      %dma_start3A_65 = tpu.memref_slice %arg23[%dma_start3A_62, %dma_start3A_63, %dma_start3A_64] : memref<8x128x64xf32, #tpu.memory_space<vmem>> -> memref<1x128x64xf32, #tpu.memory_space<vmem>>
      %dma_start3A_66 = tpu.memref_squeeze %dma_start3A_65 : memref<1x128x64xf32, #tpu.memory_space<vmem>> -> memref<128x64xf32, #tpu.memory_space<vmem>>
      %dma_start3A_67 = arith.constant 0 : i32
      %dma_start3A_68 = tpu.memref_slice %arg21[%dma_start3A_61, %dma_start3A_67] : memref<80x128xi32, #tpu.memory_space<vmem>> -> memref<1x128xi32, #tpu.memory_space<vmem>>
      %dma_start3A_69 = tpu.memref_squeeze %dma_start3A_68 : memref<1x128xi32, #tpu.memory_space<vmem>> -> memref<128xi32, #tpu.memory_space<vmem>>
      %dma_start3A_70 = arith.constant 0 : i32
      %dma_start3A_71 = arith.constant 0 : i32
      %dma_start3A_72 = tpu.memref_slice %arg11[%dma_start3A_70, %dma_start3A_71] : memref<10240x64xf32, #tpu.memory_space<hbm>> -> memref<10240x64xf32, #tpu.memory_space<hbm>>
      tpu.enqueue_indirect_dma source(%dma_start3A_72 : memref<10240x64xf32, #tpu.memory_space<hbm>>) target(%dma_start3A_66 : memref<128x64xf32, #tpu.memory_space<vmem>>) offsets(%dma_start3A_69 : memref<128xi32, #tpu.memory_space<vmem>>) semaphore(%arg25 : memref<!tpu.dma_semaphore, #tpu.memory_space<semaphore_mem>>)
      %dma_start3A_73 = arith.constant 3 : i32
      %dma_start3A_74 = arith.constant 3 : i32
      %dma_start3A_75 = arith.constant 0 : i32
      %dma_start3A_76 = arith.constant 0 : i32
      %dma_start3A_77 = tpu.memref_slice %arg23[%dma_start3A_74, %dma_start3A_75, %dma_start3A_76] : memref<8x128x64xf32, #tpu.memory_space<vmem>> -> memref<1x128x64xf32, #tpu.memory_space<vmem>>
      %dma_start3A_78 = tpu.memref_squeeze %dma_start3A_77 : memref<1x128x64xf32, #tpu.memory_space<vmem>> -> memref<128x64xf32, #tpu.memory_space<vmem>>
      %dma_start3A_79 = arith.constant 0 : i32
      %dma_start3A_80 = tpu.memref_slice %arg21[%dma_start3A_73, %dma_start3A_79] : memref<80x128xi32, #tpu.memory_space<vmem>> -> memref<1x128xi32, #tpu.memory_space<vmem>>
      %dma_start3A_81 = tpu.memref_squeeze %dma_start3A_80 : memref<1x128xi32, #tpu.memory_space<vmem>> -> memref<128xi32, #tpu.memory_space<vmem>>
      %dma_start3A_82 = arith.constant 0 : i32
      %dma_start3A_83 = arith.constant 0 : i32
      %dma_start3A_84 = tpu.memref_slice %arg11[%dma_start3A_82, %dma_start3A_83] : memref<10240x64xf32, #tpu.memory_space<hbm>> -> memref<10240x64xf32, #tpu.memory_space<hbm>>
      tpu.enqueue_indirect_dma source(%dma_start3A_84 : memref<10240x64xf32, #tpu.memory_space<hbm>>) target(%dma_start3A_78 : memref<128x64xf32, #tpu.memory_space<vmem>>) offsets(%dma_start3A_81 : memref<128xi32, #tpu.memory_space<vmem>>) semaphore(%arg25 : memref<!tpu.dma_semaphore, #tpu.memory_space<semaphore_mem>>)
      %scan3A = arith.constant 0 : i32
      %scan3A_85 = arith.constant 0 : i32
      %scan3A_86 = arith.constant 80 : i32
      %scan3A_87 = arith.addi %scan3A_85, %scan3A_86 : i32
      %scan3A_88 = arith.constant 1 : i32
      scf.for %scan3A_138 = %scan3A_85 to %scan3A_87 step %scan3A_88  : i32 {
        %ge3A = arith.constant 4 : i32
        %ge3A_139 = arith.cmpi sge, %scan3A_138, %ge3A : i32
        %convert_element_type3A_140 = arith.extui %ge3A_139 : i1 to i32
        %cond3A_141 = arith.constant 0 : i32
        %cond3A_142 = arith.cmpi ne, %convert_element_type3A_140, %cond3A_141 : i32
        scf.if %cond3A_142 {
          %sub3A = arith.constant 4 : i32
          %sub3A_171 = arith.subi %scan3A_138, %sub3A : i32
          %rem3A_172 = arith.constant 8 : i32
          %rem3A_173 = arith.remsi %sub3A_171, %rem3A_172 : i32
          %sub3A_174 = arith.constant 4 : i32
          %sub3A_175 = arith.subi %scan3A_138, %sub3A_174 : i32
          %dma_wait3A_176 = arith.constant 0 : i32
          %dma_wait3A_177 = arith.constant 0 : i32
          %dma_wait3A_178 = tpu.memref_slice %arg23[%rem3A_173, %dma_wait3A_176, %dma_wait3A_177] : memref<8x128x64xf32, #tpu.memory_space<vmem>> -> memref<1x128x64xf32, #tpu.memory_space<vmem>>
          %dma_wait3A_179 = tpu.memref_squeeze %dma_wait3A_178 : memref<1x128x64xf32, #tpu.memory_space<vmem>> -> memref<128x64xf32, #tpu.memory_space<vmem>>
          %dma_wait3A_180 = arith.constant 0 : i32
          %dma_wait3A_181 = tpu.memref_slice %arg22[%sub3A_175, %dma_wait3A_180] : memref<80x128xi32, #tpu.memory_space<vmem>> -> memref<1x128xi32, #tpu.memory_space<vmem>>
          %dma_wait3A_182 = tpu.memref_squeeze %dma_wait3A_181 : memref<1x128xi32, #tpu.memory_space<vmem>> -> memref<128xi32, #tpu.memory_space<vmem>>
          %dma_wait3A_183 = arith.constant 0 : i32
          %dma_wait3A_184 = arith.constant 0 : i32
          %dma_wait3A_185 = tpu.memref_slice %arg24[%dma_wait3A_183, %dma_wait3A_184] : memref<10240x64xf32, #tpu.memory_space<vmem_shared>> -> memref<10240x64xf32, #tpu.memory_space<vmem_shared>>
          tpu.wait_indirect_dma semaphore(%arg26 : memref<!tpu.dma_semaphore, #tpu.memory_space<semaphore_mem>>) src(%dma_wait3A_179 : memref<128x64xf32, #tpu.memory_space<vmem>>) dst(%dma_wait3A_185 : memref<10240x64xf32, #tpu.memory_space<vmem_shared>>)
        } else {
        }
        %add3A = arith.constant 4 : i32
        %add3A_143 = arith.addi %scan3A_138, %add3A : i32
        %lt3A = arith.constant 80 : i32
        %lt3A_144 = arith.cmpi slt, %add3A_143, %lt3A : i32
        %convert_element_type3A_145 = arith.extui %lt3A_144 : i1 to i32
        %cond3A_146 = arith.constant 0 : i32
        %cond3A_147 = arith.cmpi ne, %convert_element_type3A_145, %cond3A_146 : i32
        scf.if %cond3A_147 {
          %add3A_171 = arith.constant 4 : i32
          %add3A_172 = arith.addi %scan3A_138, %add3A_171 : i32
          %add3A_173 = arith.constant 4 : i32
          %add3A_174 = arith.addi %scan3A_138, %add3A_173 : i32
          %rem3A_175 = arith.constant 8 : i32
          %rem3A_176 = arith.remsi %add3A_174, %rem3A_175 : i32
          %dma_start3A_177 = arith.constant 0 : i32
          %dma_start3A_178 = arith.constant 0 : i32
          %dma_start3A_179 = tpu.memref_slice %arg23[%rem3A_176, %dma_start3A_177, %dma_start3A_178] : memref<8x128x64xf32, #tpu.memory_space<vmem>> -> memref<1x128x64xf32, #tpu.memory_space<vmem>>
          %dma_start3A_180 = tpu.memref_squeeze %dma_start3A_179 : memref<1x128x64xf32, #tpu.memory_space<vmem>> -> memref<128x64xf32, #tpu.memory_space<vmem>>
          %dma_start3A_181 = arith.constant 0 : i32
          %dma_start3A_182 = tpu.memref_slice %arg21[%add3A_172, %dma_start3A_181] : memref<80x128xi32, #tpu.memory_space<vmem>> -> memref<1x128xi32, #tpu.memory_space<vmem>>
          %dma_start3A_183 = tpu.memref_squeeze %dma_start3A_182 : memref<1x128xi32, #tpu.memory_space<vmem>> -> memref<128xi32, #tpu.memory_space<vmem>>
          %dma_start3A_184 = arith.constant 0 : i32
          %dma_start3A_185 = arith.constant 0 : i32
          %dma_start3A_186 = tpu.memref_slice %arg11[%dma_start3A_184, %dma_start3A_185] : memref<10240x64xf32, #tpu.memory_space<hbm>> -> memref<10240x64xf32, #tpu.memory_space<hbm>>
          tpu.enqueue_indirect_dma source(%dma_start3A_186 : memref<10240x64xf32, #tpu.memory_space<hbm>>) target(%dma_start3A_180 : memref<128x64xf32, #tpu.memory_space<vmem>>) offsets(%dma_start3A_183 : memref<128xi32, #tpu.memory_space<vmem>>) semaphore(%arg25 : memref<!tpu.dma_semaphore, #tpu.memory_space<semaphore_mem>>)
        } else {
        }
        %rem3A = arith.constant 8 : i32
        %rem3A_148 = arith.remsi %scan3A_138, %rem3A : i32
        %dma_wait3A_149 = arith.constant 0 : i32
        %dma_wait3A_150 = arith.constant 0 : i32
        %dma_wait3A_151 = tpu.memref_slice %arg23[%rem3A_148, %dma_wait3A_149, %dma_wait3A_150] : memref<8x128x64xf32, #tpu.memory_space<vmem>> -> memref<1x128x64xf32, #tpu.memory_space<vmem>>
        %dma_wait3A_152 = tpu.memref_squeeze %dma_wait3A_151 : memref<1x128x64xf32, #tpu.memory_space<vmem>> -> memref<128x64xf32, #tpu.memory_space<vmem>>
        %dma_wait3A_153 = arith.constant 0 : i32
        %dma_wait3A_154 = tpu.memref_slice %arg21[%scan3A_138, %dma_wait3A_153] : memref<80x128xi32, #tpu.memory_space<vmem>> -> memref<1x128xi32, #tpu.memory_space<vmem>>
        %dma_wait3A_155 = tpu.memref_squeeze %dma_wait3A_154 : memref<1x128xi32, #tpu.memory_space<vmem>> -> memref<128xi32, #tpu.memory_space<vmem>>
        %dma_wait3A_156 = arith.constant 0 : i32
        %dma_wait3A_157 = arith.constant 0 : i32
        %dma_wait3A_158 = tpu.memref_slice %arg11[%dma_wait3A_156, %dma_wait3A_157] : memref<10240x64xf32, #tpu.memory_space<hbm>> -> memref<10240x64xf32, #tpu.memory_space<hbm>>
        tpu.wait_indirect_dma semaphore(%arg25 : memref<!tpu.dma_semaphore, #tpu.memory_space<semaphore_mem>>) src(%dma_wait3A_158 : memref<10240x64xf32, #tpu.memory_space<hbm>>) dst(%dma_wait3A_152 : memref<128x64xf32, #tpu.memory_space<vmem>>)
        %rem3A_159 = arith.constant 8 : i32
        %rem3A_160 = arith.remsi %scan3A_138, %rem3A_159 : i32
        %dma_start3A_161 = arith.constant 0 : i32
        %dma_start3A_162 = arith.constant 0 : i32
        %dma_start3A_163 = tpu.memref_slice %arg23[%rem3A_160, %dma_start3A_161, %dma_start3A_162] : memref<8x128x64xf32, #tpu.memory_space<vmem>> -> memref<1x128x64xf32, #tpu.memory_space<vmem>>
        %dma_start3A_164 = tpu.memref_squeeze %dma_start3A_163 : memref<1x128x64xf32, #tpu.memory_space<vmem>> -> memref<128x64xf32, #tpu.memory_space<vmem>>
        %dma_start3A_165 = arith.constant 0 : i32
        %dma_start3A_166 = tpu.memref_slice %arg22[%scan3A_138, %dma_start3A_165] : memref<80x128xi32, #tpu.memory_space<vmem>> -> memref<1x128xi32, #tpu.memory_space<vmem>>
        %dma_start3A_167 = tpu.memref_squeeze %dma_start3A_166 : memref<1x128xi32, #tpu.memory_space<vmem>> -> memref<128xi32, #tpu.memory_space<vmem>>
        %dma_start3A_168 = arith.constant 0 : i32
        %dma_start3A_169 = arith.constant 0 : i32
        %dma_start3A_170 = tpu.memref_slice %arg24[%dma_start3A_168, %dma_start3A_169] : memref<10240x64xf32, #tpu.memory_space<vmem_shared>> -> memref<10240x64xf32, #tpu.memory_space<vmem_shared>>
        tpu.enqueue_indirect_dma source(%dma_start3A_164 : memref<128x64xf32, #tpu.memory_space<vmem>>) target(%dma_start3A_170 : memref<10240x64xf32, #tpu.memory_space<vmem_shared>>) offsets(%dma_start3A_167 : memref<128xi32, #tpu.memory_space<vmem>>) semaphore(%arg26 : memref<!tpu.dma_semaphore, #tpu.memory_space<semaphore_mem>>) {add = true}
      }
      %scan3A_89 = arith.constant 80 : i32
      %dma_wait3A = arith.constant 4 : i32
      %dma_wait3A_90 = arith.constant 76 : i32
      %dma_wait3A_91 = arith.constant 0 : i32
      %dma_wait3A_92 = arith.constant 0 : i32
      %dma_wait3A_93 = tpu.memref_slice %arg23[%dma_wait3A, %dma_wait3A_91, %dma_wait3A_92] : memref<8x128x64xf32, #tpu.memory_space<vmem>> -> memref<1x128x64xf32, #tpu.memory_space<vmem>>
      %dma_wait3A_94 = tpu.memref_squeeze %dma_wait3A_93 : memref<1x128x64xf32, #tpu.memory_space<vmem>> -> memref<128x64xf32, #tpu.memory_space<vmem>>
      %dma_wait3A_95 = arith.constant 0 : i32
      %dma_wait3A_96 = tpu.memref_slice %arg22[%dma_wait3A_90, %dma_wait3A_95] : memref<80x128xi32, #tpu.memory_space<vmem>> -> memref<1x128xi32, #tpu.memory_space<vmem>>
      %dma_wait3A_97 = tpu.memref_squeeze %dma_wait3A_96 : memref<1x128xi32, #tpu.memory_space<vmem>> -> memref<128xi32, #tpu.memory_space<vmem>>
      %dma_wait3A_98 = arith.constant 0 : i32
      %dma_wait3A_99 = arith.constant 0 : i32
      %dma_wait3A_100 = tpu.memref_slice %arg24[%dma_wait3A_98, %dma_wait3A_99] : memref<10240x64xf32, #tpu.memory_space<vmem_shared>> -> memref<10240x64xf32, #tpu.memory_space<vmem_shared>>
      tpu.wait_indirect_dma semaphore(%arg26 : memref<!tpu.dma_semaphore, #tpu.memory_space<semaphore_mem>>) src(%dma_wait3A_94 : memref<128x64xf32, #tpu.memory_space<vmem>>) dst(%dma_wait3A_100 : memref<10240x64xf32, #tpu.memory_space<vmem_shared>>)
      %dma_wait3A_101 = arith.constant 5 : i32
      %dma_wait3A_102 = arith.constant 77 : i32
      %dma_wait3A_103 = arith.constant 0 : i32
      %dma_wait3A_104 = arith.constant 0 : i32
      %dma_wait3A_105 = tpu.memref_slice %arg23[%dma_wait3A_101, %dma_wait3A_103, %dma_wait3A_104] : memref<8x128x64xf32, #tpu.memory_space<vmem>> -> memref<1x128x64xf32, #tpu.memory_space<vmem>>
      %dma_wait3A_106 = tpu.memref_squeeze %dma_wait3A_105 : memref<1x128x64xf32, #tpu.memory_space<vmem>> -> memref<128x64xf32, #tpu.memory_space<vmem>>
      %dma_wait3A_107 = arith.constant 0 : i32
      %dma_wait3A_108 = tpu.memref_slice %arg22[%dma_wait3A_102, %dma_wait3A_107] : memref<80x128xi32, #tpu.memory_space<vmem>> -> memref<1x128xi32, #tpu.memory_space<vmem>>
      %dma_wait3A_109 = tpu.memref_squeeze %dma_wait3A_108 : memref<1x128xi32, #tpu.memory_space<vmem>> -> memref<128xi32, #tpu.memory_space<vmem>>
      %dma_wait3A_110 = arith.constant 0 : i32
      %dma_wait3A_111 = arith.constant 0 : i32
      %dma_wait3A_112 = tpu.memref_slice %arg24[%dma_wait3A_110, %dma_wait3A_111] : memref<10240x64xf32, #tpu.memory_space<vmem_shared>> -> memref<10240x64xf32, #tpu.memory_space<vmem_shared>>
      tpu.wait_indirect_dma semaphore(%arg26 : memref<!tpu.dma_semaphore, #tpu.memory_space<semaphore_mem>>) src(%dma_wait3A_106 : memref<128x64xf32, #tpu.memory_space<vmem>>) dst(%dma_wait3A_112 : memref<10240x64xf32, #tpu.memory_space<vmem_shared>>)
      %dma_wait3A_113 = arith.constant 6 : i32
      %dma_wait3A_114 = arith.constant 78 : i32
      %dma_wait3A_115 = arith.constant 0 : i32
      %dma_wait3A_116 = arith.constant 0 : i32
      %dma_wait3A_117 = tpu.memref_slice %arg23[%dma_wait3A_113, %dma_wait3A_115, %dma_wait3A_116] : memref<8x128x64xf32, #tpu.memory_space<vmem>> -> memref<1x128x64xf32, #tpu.memory_space<vmem>>
      %dma_wait3A_118 = tpu.memref_squeeze %dma_wait3A_117 : memref<1x128x64xf32, #tpu.memory_space<vmem>> -> memref<128x64xf32, #tpu.memory_space<vmem>>
      %dma_wait3A_119 = arith.constant 0 : i32
      %dma_wait3A_120 = tpu.memref_slice %arg22[%dma_wait3A_114, %dma_wait3A_119] : memref<80x128xi32, #tpu.memory_space<vmem>> -> memref<1x128xi32, #tpu.memory_space<vmem>>
      %dma_wait3A_121 = tpu.memref_squeeze %dma_wait3A_120 : memref<1x128xi32, #tpu.memory_space<vmem>> -> memref<128xi32, #tpu.memory_space<vmem>>
      %dma_wait3A_122 = arith.constant 0 : i32
      %dma_wait3A_123 = arith.constant 0 : i32
      %dma_wait3A_124 = tpu.memref_slice %arg24[%dma_wait3A_122, %dma_wait3A_123] : memref<10240x64xf32, #tpu.memory_space<vmem_shared>> -> memref<10240x64xf32, #tpu.memory_space<vmem_shared>>
      tpu.wait_indirect_dma semaphore(%arg26 : memref<!tpu.dma_semaphore, #tpu.memory_space<semaphore_mem>>) src(%dma_wait3A_118 : memref<128x64xf32, #tpu.memory_space<vmem>>) dst(%dma_wait3A_124 : memref<10240x64xf32, #tpu.memory_space<vmem_shared>>)
      %dma_wait3A_125 = arith.constant 7 : i32
      %dma_wait3A_126 = arith.constant 79 : i32
      %dma_wait3A_127 = arith.constant 0 : i32
      %dma_wait3A_128 = arith.constant 0 : i32
      %dma_wait3A_129 = tpu.memref_slice %arg23[%dma_wait3A_125, %dma_wait3A_127, %dma_wait3A_128] : memref<8x128x64xf32, #tpu.memory_space<vmem>> -> memref<1x128x64xf32, #tpu.memory_space<vmem>>
      %dma_wait3A_130 = tpu.memref_squeeze %dma_wait3A_129 : memref<1x128x64xf32, #tpu.memory_space<vmem>> -> memref<128x64xf32, #tpu.memory_space<vmem>>
      %dma_wait3A_131 = arith.constant 0 : i32
      %dma_wait3A_132 = tpu.memref_slice %arg22[%dma_wait3A_126, %dma_wait3A_131] : memref<80x128xi32, #tpu.memory_space<vmem>> -> memref<1x128xi32, #tpu.memory_space<vmem>>
      %dma_wait3A_133 = tpu.memref_squeeze %dma_wait3A_132 : memref<1x128xi32, #tpu.memory_space<vmem>> -> memref<128xi32, #tpu.memory_space<vmem>>
      %dma_wait3A_134 = arith.constant 0 : i32
      %dma_wait3A_135 = arith.constant 0 : i32
      %dma_wait3A_136 = tpu.memref_slice %arg24[%dma_wait3A_134, %dma_wait3A_135] : memref<10240x64xf32, #tpu.memory_space<vmem_shared>> -> memref<10240x64xf32, #tpu.memory_space<vmem_shared>>
      tpu.wait_indirect_dma semaphore(%arg26 : memref<!tpu.dma_semaphore, #tpu.memory_space<semaphore_mem>>) src(%dma_wait3A_130 : memref<128x64xf32, #tpu.memory_space<vmem>>) dst(%dma_wait3A_136 : memref<10240x64xf32, #tpu.memory_space<vmem_shared>>)
      %barrier3A_137 = arith.constant 0 : index
      tpu.barrier barrier_id(%barrier3A_137)
      "tpu.region"() ({
        %run_scoped3A = tpu.sem_alloc : memref<!tpu.dma_semaphore, #tpu.memory_space<semaphore_mem>>
        %dma_start3A_138 = arith.constant 0 : i32
        %dma_start3A_139 = tpu.memref_slice %arg19[%mul3A_0, %dma_start3A_138] : memref<10240x64xf32, #tpu.memory_space<hbm>> -> memref<640x64xf32, #tpu.memory_space<hbm>>
        %dma_start3A_140 = arith.constant 0 : i32
        %dma_start3A_141 = tpu.memref_slice %arg24[%mul3A_0, %dma_start3A_140] : memref<10240x64xf32, #tpu.memory_space<vmem_shared>> -> memref<640x64xf32, #tpu.memory_space<vmem_shared>>
        tpu.enqueue_dma source(%dma_start3A_141 : memref<640x64xf32, #tpu.memory_space<vmem_shared>>) target(%dma_start3A_139 : memref<640x64xf32, #tpu.memory_space<hbm>>) target_semaphore(%run_scoped3A : memref<!tpu.dma_semaphore, #tpu.memory_space<semaphore_mem>>)
        %dma_wait3A_142 = arith.constant 0 : i32
        %dma_wait3A_143 = tpu.memref_slice %arg19[%mul3A_0, %dma_wait3A_142] : memref<10240x64xf32, #tpu.memory_space<hbm>> -> memref<640x64xf32, #tpu.memory_space<hbm>>
        %dma_wait3A_144 = arith.constant 0 : i32
        %dma_wait3A_145 = tpu.memref_slice %arg24[%mul3A_0, %dma_wait3A_144] : memref<10240x64xf32, #tpu.memory_space<vmem_shared>> -> memref<640x64xf32, #tpu.memory_space<vmem_shared>>
        tpu.wait_dma2 semaphore(%run_scoped3A : memref<!tpu.dma_semaphore, #tpu.memory_space<semaphore_mem>>) src(%dma_wait3A_145 : memref<640x64xf32, #tpu.memory_space<vmem_shared>>) dst(%dma_wait3A_143 : memref<640x64xf32, #tpu.memory_space<hbm>>)
        tpu.yield
      }) : () -> ()
    } else {
    }
    %eq3A_33 = arith.constant 1 : i32
    %eq3A_34 = arith.cmpi eq, %arg0, %eq3A_33 : i32
    %convert_element_type3A_35 = arith.extui %eq3A_34 : i1 to i32
    %cond3A_36 = arith.constant 0 : i32
    %cond3A_37 = arith.cmpi ne, %convert_element_type3A_35, %cond3A_36 : i32
    scf.if %cond3A_37 {
      "tpu.region"() ({
        %run_scoped3A = tpu.sem_alloc : memref<!tpu.dma_semaphore, #tpu.memory_space<semaphore_mem>>
        %dma_start3A_138 = arith.constant 0 : i32
        %dma_start3A_139 = tpu.memref_slice %arg24[%mul3A_0, %dma_start3A_138] : memref<10240x64xf32, #tpu.memory_space<vmem_shared>> -> memref<640x64xf32, #tpu.memory_space<vmem_shared>>
        %dma_start3A_140 = arith.constant 0 : i32
        %dma_start3A_141 = tpu.memref_slice %arg4[%mul3A_0, %dma_start3A_140] : memref<10240x64xf32, #tpu.memory_space<hbm>> -> memref<640x64xf32, #tpu.memory_space<hbm>>
        tpu.enqueue_dma source(%dma_start3A_141 : memref<640x64xf32, #tpu.memory_space<hbm>>) target(%dma_start3A_139 : memref<640x64xf32, #tpu.memory_space<vmem_shared>>) target_semaphore(%run_scoped3A : memref<!tpu.dma_semaphore, #tpu.memory_space<semaphore_mem>>)
        %dma_wait3A_142 = arith.constant 0 : i32
        %dma_wait3A_143 = tpu.memref_slice %arg24[%mul3A_0, %dma_wait3A_142] : memref<10240x64xf32, #tpu.memory_space<vmem_shared>> -> memref<640x64xf32, #tpu.memory_space<vmem_shared>>
        %dma_wait3A_144 = arith.constant 0 : i32
        %dma_wait3A_145 = tpu.memref_slice %arg4[%mul3A_0, %dma_wait3A_144] : memref<10240x64xf32, #tpu.memory_space<hbm>> -> memref<640x64xf32, #tpu.memory_space<hbm>>
        tpu.wait_dma2 semaphore(%run_scoped3A : memref<!tpu.dma_semaphore, #tpu.memory_space<semaphore_mem>>) src(%dma_wait3A_145 : memref<640x64xf32, #tpu.memory_space<hbm>>) dst(%dma_wait3A_143 : memref<640x64xf32, #tpu.memory_space<vmem_shared>>)
        tpu.yield
      }) : () -> ()
      %barrier3A = arith.constant 0 : index
      tpu.barrier barrier_id(%barrier3A)
      %dma_start3A = arith.constant 0 : i32
      %dma_start3A_38 = arith.constant 0 : i32
      %dma_start3A_39 = arith.constant 0 : i32
      %dma_start3A_40 = arith.constant 0 : i32
      %dma_start3A_41 = tpu.memref_slice %arg23[%dma_start3A_38, %dma_start3A_39, %dma_start3A_40] : memref<8x128x64xf32, #tpu.memory_space<vmem>> -> memref<1x128x64xf32, #tpu.memory_space<vmem>>
      %dma_start3A_42 = tpu.memref_squeeze %dma_start3A_41 : memref<1x128x64xf32, #tpu.memory_space<vmem>> -> memref<128x64xf32, #tpu.memory_space<vmem>>
      %dma_start3A_43 = arith.constant 0 : i32
      %dma_start3A_44 = tpu.memref_slice %arg21[%dma_start3A, %dma_start3A_43] : memref<80x128xi32, #tpu.memory_space<vmem>> -> memref<1x128xi32, #tpu.memory_space<vmem>>
      %dma_start3A_45 = tpu.memref_squeeze %dma_start3A_44 : memref<1x128xi32, #tpu.memory_space<vmem>> -> memref<128xi32, #tpu.memory_space<vmem>>
      %dma_start3A_46 = arith.constant 0 : i32
      %dma_start3A_47 = arith.constant 0 : i32
      %dma_start3A_48 = tpu.memref_slice %arg12[%dma_start3A_46, %dma_start3A_47] : memref<10240x64xf32, #tpu.memory_space<hbm>> -> memref<10240x64xf32, #tpu.memory_space<hbm>>
      tpu.enqueue_indirect_dma source(%dma_start3A_48 : memref<10240x64xf32, #tpu.memory_space<hbm>>) target(%dma_start3A_42 : memref<128x64xf32, #tpu.memory_space<vmem>>) offsets(%dma_start3A_45 : memref<128xi32, #tpu.memory_space<vmem>>) semaphore(%arg25 : memref<!tpu.dma_semaphore, #tpu.memory_space<semaphore_mem>>)
      %dma_start3A_49 = arith.constant 1 : i32
      %dma_start3A_50 = arith.constant 1 : i32
      %dma_start3A_51 = arith.constant 0 : i32
      %dma_start3A_52 = arith.constant 0 : i32
      %dma_start3A_53 = tpu.memref_slice %arg23[%dma_start3A_50, %dma_start3A_51, %dma_start3A_52] : memref<8x128x64xf32, #tpu.memory_space<vmem>> -> memref<1x128x64xf32, #tpu.memory_space<vmem>>
      %dma_start3A_54 = tpu.memref_squeeze %dma_start3A_53 : memref<1x128x64xf32, #tpu.memory_space<vmem>> -> memref<128x64xf32, #tpu.memory_space<vmem>>
      %dma_start3A_55 = arith.constant 0 : i32
      %dma_start3A_56 = tpu.memref_slice %arg21[%dma_start3A_49, %dma_start3A_55] : memref<80x128xi32, #tpu.memory_space<vmem>> -> memref<1x128xi32, #tpu.memory_space<vmem>>
      %dma_start3A_57 = tpu.memref_squeeze %dma_start3A_56 : memref<1x128xi32, #tpu.memory_space<vmem>> -> memref<128xi32, #tpu.memory_space<vmem>>
      %dma_start3A_58 = arith.constant 0 : i32
      %dma_start3A_59 = arith.constant 0 : i32
      %dma_start3A_60 = tpu.memref_slice %arg12[%dma_start3A_58, %dma_start3A_59] : memref<10240x64xf32, #tpu.memory_space<hbm>> -> memref<10240x64xf32, #tpu.memory_space<hbm>>
      tpu.enqueue_indirect_dma source(%dma_start3A_60 : memref<10240x64xf32, #tpu.memory_space<hbm>>) target(%dma_start3A_54 : memref<128x64xf32, #tpu.memory_space<vmem>>) offsets(%dma_start3A_57 : memref<128xi32, #tpu.memory_space<vmem>>) semaphore(%arg25 : memref<!tpu.dma_semaphore, #tpu.memory_space<semaphore_mem>>)
      %dma_start3A_61 = arith.constant 2 : i32
      %dma_start3A_62 = arith.constant 2 : i32
      %dma_start3A_63 = arith.constant 0 : i32
      %dma_start3A_64 = arith.constant 0 : i32
      %dma_start3A_65 = tpu.memref_slice %arg23[%dma_start3A_62, %dma_start3A_63, %dma_start3A_64] : memref<8x128x64xf32, #tpu.memory_space<vmem>> -> memref<1x128x64xf32, #tpu.memory_space<vmem>>
      %dma_start3A_66 = tpu.memref_squeeze %dma_start3A_65 : memref<1x128x64xf32, #tpu.memory_space<vmem>> -> memref<128x64xf32, #tpu.memory_space<vmem>>
      %dma_start3A_67 = arith.constant 0 : i32
      %dma_start3A_68 = tpu.memref_slice %arg21[%dma_start3A_61, %dma_start3A_67] : memref<80x128xi32, #tpu.memory_space<vmem>> -> memref<1x128xi32, #tpu.memory_space<vmem>>
      %dma_start3A_69 = tpu.memref_squeeze %dma_start3A_68 : memref<1x128xi32, #tpu.memory_space<vmem>> -> memref<128xi32, #tpu.memory_space<vmem>>
      %dma_start3A_70 = arith.constant 0 : i32
      %dma_start3A_71 = arith.constant 0 : i32
      %dma_start3A_72 = tpu.memref_slice %arg12[%dma_start3A_70, %dma_start3A_71] : memref<10240x64xf32, #tpu.memory_space<hbm>> -> memref<10240x64xf32, #tpu.memory_space<hbm>>
      tpu.enqueue_indirect_dma source(%dma_start3A_72 : memref<10240x64xf32, #tpu.memory_space<hbm>>) target(%dma_start3A_66 : memref<128x64xf32, #tpu.memory_space<vmem>>) offsets(%dma_start3A_69 : memref<128xi32, #tpu.memory_space<vmem>>) semaphore(%arg25 : memref<!tpu.dma_semaphore, #tpu.memory_space<semaphore_mem>>)
      %dma_start3A_73 = arith.constant 3 : i32
      %dma_start3A_74 = arith.constant 3 : i32
      %dma_start3A_75 = arith.constant 0 : i32
      %dma_start3A_76 = arith.constant 0 : i32
      %dma_start3A_77 = tpu.memref_slice %arg23[%dma_start3A_74, %dma_start3A_75, %dma_start3A_76] : memref<8x128x64xf32, #tpu.memory_space<vmem>> -> memref<1x128x64xf32, #tpu.memory_space<vmem>>
      %dma_start3A_78 = tpu.memref_squeeze %dma_start3A_77 : memref<1x128x64xf32, #tpu.memory_space<vmem>> -> memref<128x64xf32, #tpu.memory_space<vmem>>
      %dma_start3A_79 = arith.constant 0 : i32
      %dma_start3A_80 = tpu.memref_slice %arg21[%dma_start3A_73, %dma_start3A_79] : memref<80x128xi32, #tpu.memory_space<vmem>> -> memref<1x128xi32, #tpu.memory_space<vmem>>
      %dma_start3A_81 = tpu.memref_squeeze %dma_start3A_80 : memref<1x128xi32, #tpu.memory_space<vmem>> -> memref<128xi32, #tpu.memory_space<vmem>>
      %dma_start3A_82 = arith.constant 0 : i32
      %dma_start3A_83 = arith.constant 0 : i32
      %dma_start3A_84 = tpu.memref_slice %arg12[%dma_start3A_82, %dma_start3A_83] : memref<10240x64xf32, #tpu.memory_space<hbm>> -> memref<10240x64xf32, #tpu.memory_space<hbm>>
      tpu.enqueue_indirect_dma source(%dma_start3A_84 : memref<10240x64xf32, #tpu.memory_space<hbm>>) target(%dma_start3A_78 : memref<128x64xf32, #tpu.memory_space<vmem>>) offsets(%dma_start3A_81 : memref<128xi32, #tpu.memory_space<vmem>>) semaphore(%arg25 : memref<!tpu.dma_semaphore, #tpu.memory_space<semaphore_mem>>)
      %scan3A = arith.constant 0 : i32
      %scan3A_85 = arith.constant 0 : i32
      %scan3A_86 = arith.constant 80 : i32
      %scan3A_87 = arith.addi %scan3A_85, %scan3A_86 : i32
      %scan3A_88 = arith.constant 1 : i32
      scf.for %scan3A_138 = %scan3A_85 to %scan3A_87 step %scan3A_88  : i32 {
        %ge3A = arith.constant 4 : i32
        %ge3A_139 = arith.cmpi sge, %scan3A_138, %ge3A : i32
        %convert_element_type3A_140 = arith.extui %ge3A_139 : i1 to i32
        %cond3A_141 = arith.constant 0 : i32
        %cond3A_142 = arith.cmpi ne, %convert_element_type3A_140, %cond3A_141 : i32
        scf.if %cond3A_142 {
          %sub3A = arith.constant 4 : i32
          %sub3A_171 = arith.subi %scan3A_138, %sub3A : i32
          %rem3A_172 = arith.constant 8 : i32
          %rem3A_173 = arith.remsi %sub3A_171, %rem3A_172 : i32
          %sub3A_174 = arith.constant 4 : i32
          %sub3A_175 = arith.subi %scan3A_138, %sub3A_174 : i32
          %dma_wait3A_176 = arith.constant 0 : i32
          %dma_wait3A_177 = arith.constant 0 : i32
          %dma_wait3A_178 = tpu.memref_slice %arg23[%rem3A_173, %dma_wait3A_176, %dma_wait3A_177] : memref<8x128x64xf32, #tpu.memory_space<vmem>> -> memref<1x128x64xf32, #tpu.memory_space<vmem>>
          %dma_wait3A_179 = tpu.memref_squeeze %dma_wait3A_178 : memref<1x128x64xf32, #tpu.memory_space<vmem>> -> memref<128x64xf32, #tpu.memory_space<vmem>>
          %dma_wait3A_180 = arith.constant 0 : i32
          %dma_wait3A_181 = tpu.memref_slice %arg22[%sub3A_175, %dma_wait3A_180] : memref<80x128xi32, #tpu.memory_space<vmem>> -> memref<1x128xi32, #tpu.memory_space<vmem>>
          %dma_wait3A_182 = tpu.memref_squeeze %dma_wait3A_181 : memref<1x128xi32, #tpu.memory_space<vmem>> -> memref<128xi32, #tpu.memory_space<vmem>>
          %dma_wait3A_183 = arith.constant 0 : i32
          %dma_wait3A_184 = arith.constant 0 : i32
          %dma_wait3A_185 = tpu.memref_slice %arg24[%dma_wait3A_183, %dma_wait3A_184] : memref<10240x64xf32, #tpu.memory_space<vmem_shared>> -> memref<10240x64xf32, #tpu.memory_space<vmem_shared>>
          tpu.wait_indirect_dma semaphore(%arg26 : memref<!tpu.dma_semaphore, #tpu.memory_space<semaphore_mem>>) src(%dma_wait3A_179 : memref<128x64xf32, #tpu.memory_space<vmem>>) dst(%dma_wait3A_185 : memref<10240x64xf32, #tpu.memory_space<vmem_shared>>)
        } else {
        }
        %add3A = arith.constant 4 : i32
        %add3A_143 = arith.addi %scan3A_138, %add3A : i32
        %lt3A = arith.constant 80 : i32
        %lt3A_144 = arith.cmpi slt, %add3A_143, %lt3A : i32
        %convert_element_type3A_145 = arith.extui %lt3A_144 : i1 to i32
        %cond3A_146 = arith.constant 0 : i32
        %cond3A_147 = arith.cmpi ne, %convert_element_type3A_145, %cond3A_146 : i32
        scf.if %cond3A_147 {
          %add3A_171 = arith.constant 4 : i32
          %add3A_172 = arith.addi %scan3A_138, %add3A_171 : i32
          %add3A_173 = arith.constant 4 : i32
          %add3A_174 = arith.addi %scan3A_138, %add3A_173 : i32
          %rem3A_175 = arith.constant 8 : i32
          %rem3A_176 = arith.remsi %add3A_174, %rem3A_175 : i32
          %dma_start3A_177 = arith.constant 0 : i32
          %dma_start3A_178 = arith.constant 0 : i32
          %dma_start3A_179 = tpu.memref_slice %arg23[%rem3A_176, %dma_start3A_177, %dma_start3A_178] : memref<8x128x64xf32, #tpu.memory_space<vmem>> -> memref<1x128x64xf32, #tpu.memory_space<vmem>>
          %dma_start3A_180 = tpu.memref_squeeze %dma_start3A_179 : memref<1x128x64xf32, #tpu.memory_space<vmem>> -> memref<128x64xf32, #tpu.memory_space<vmem>>
          %dma_start3A_181 = arith.constant 0 : i32
          %dma_start3A_182 = tpu.memref_slice %arg21[%add3A_172, %dma_start3A_181] : memref<80x128xi32, #tpu.memory_space<vmem>> -> memref<1x128xi32, #tpu.memory_space<vmem>>
          %dma_start3A_183 = tpu.memref_squeeze %dma_start3A_182 : memref<1x128xi32, #tpu.memory_space<vmem>> -> memref<128xi32, #tpu.memory_space<vmem>>
          %dma_start3A_184 = arith.constant 0 : i32
          %dma_start3A_185 = arith.constant 0 : i32
          %dma_start3A_186 = tpu.memref_slice %arg12[%dma_start3A_184, %dma_start3A_185] : memref<10240x64xf32, #tpu.memory_space<hbm>> -> memref<10240x64xf32, #tpu.memory_space<hbm>>
          tpu.enqueue_indirect_dma source(%dma_start3A_186 : memref<10240x64xf32, #tpu.memory_space<hbm>>) target(%dma_start3A_180 : memref<128x64xf32, #tpu.memory_space<vmem>>) offsets(%dma_start3A_183 : memref<128xi32, #tpu.memory_space<vmem>>) semaphore(%arg25 : memref<!tpu.dma_semaphore, #tpu.memory_space<semaphore_mem>>)
        } else {
        }
        %rem3A = arith.constant 8 : i32
        %rem3A_148 = arith.remsi %scan3A_138, %rem3A : i32
        %dma_wait3A_149 = arith.constant 0 : i32
        %dma_wait3A_150 = arith.constant 0 : i32
        %dma_wait3A_151 = tpu.memref_slice %arg23[%rem3A_148, %dma_wait3A_149, %dma_wait3A_150] : memref<8x128x64xf32, #tpu.memory_space<vmem>> -> memref<1x128x64xf32, #tpu.memory_space<vmem>>
        %dma_wait3A_152 = tpu.memref_squeeze %dma_wait3A_151 : memref<1x128x64xf32, #tpu.memory_space<vmem>> -> memref<128x64xf32, #tpu.memory_space<vmem>>
        %dma_wait3A_153 = arith.constant 0 : i32
        %dma_wait3A_154 = tpu.memref_slice %arg21[%scan3A_138, %dma_wait3A_153] : memref<80x128xi32, #tpu.memory_space<vmem>> -> memref<1x128xi32, #tpu.memory_space<vmem>>
        %dma_wait3A_155 = tpu.memref_squeeze %dma_wait3A_154 : memref<1x128xi32, #tpu.memory_space<vmem>> -> memref<128xi32, #tpu.memory_space<vmem>>
        %dma_wait3A_156 = arith.constant 0 : i32
        %dma_wait3A_157 = arith.constant 0 : i32
        %dma_wait3A_158 = tpu.memref_slice %arg12[%dma_wait3A_156, %dma_wait3A_157] : memref<10240x64xf32, #tpu.memory_space<hbm>> -> memref<10240x64xf32, #tpu.memory_space<hbm>>
        tpu.wait_indirect_dma semaphore(%arg25 : memref<!tpu.dma_semaphore, #tpu.memory_space<semaphore_mem>>) src(%dma_wait3A_158 : memref<10240x64xf32, #tpu.memory_space<hbm>>) dst(%dma_wait3A_152 : memref<128x64xf32, #tpu.memory_space<vmem>>)
        %rem3A_159 = arith.constant 8 : i32
        %rem3A_160 = arith.remsi %scan3A_138, %rem3A_159 : i32
        %dma_start3A_161 = arith.constant 0 : i32
        %dma_start3A_162 = arith.constant 0 : i32
        %dma_start3A_163 = tpu.memref_slice %arg23[%rem3A_160, %dma_start3A_161, %dma_start3A_162] : memref<8x128x64xf32, #tpu.memory_space<vmem>> -> memref<1x128x64xf32, #tpu.memory_space<vmem>>
        %dma_start3A_164 = tpu.memref_squeeze %dma_start3A_163 : memref<1x128x64xf32, #tpu.memory_space<vmem>> -> memref<128x64xf32, #tpu.memory_space<vmem>>
        %dma_start3A_165 = arith.constant 0 : i32
        %dma_start3A_166 = tpu.memref_slice %arg22[%scan3A_138, %dma_start3A_165] : memref<80x128xi32, #tpu.memory_space<vmem>> -> memref<1x128xi32, #tpu.memory_space<vmem>>
        %dma_start3A_167 = tpu.memref_squeeze %dma_start3A_166 : memref<1x128xi32, #tpu.memory_space<vmem>> -> memref<128xi32, #tpu.memory_space<vmem>>
        %dma_start3A_168 = arith.constant 0 : i32
        %dma_start3A_169 = arith.constant 0 : i32
        %dma_start3A_170 = tpu.memref_slice %arg24[%dma_start3A_168, %dma_start3A_169] : memref<10240x64xf32, #tpu.memory_space<vmem_shared>> -> memref<10240x64xf32, #tpu.memory_space<vmem_shared>>
        tpu.enqueue_indirect_dma source(%dma_start3A_164 : memref<128x64xf32, #tpu.memory_space<vmem>>) target(%dma_start3A_170 : memref<10240x64xf32, #tpu.memory_space<vmem_shared>>) offsets(%dma_start3A_167 : memref<128xi32, #tpu.memory_space<vmem>>) semaphore(%arg26 : memref<!tpu.dma_semaphore, #tpu.memory_space<semaphore_mem>>) {add = true}
      }
      %scan3A_89 = arith.constant 80 : i32
      %dma_wait3A = arith.constant 4 : i32
      %dma_wait3A_90 = arith.constant 76 : i32
      %dma_wait3A_91 = arith.constant 0 : i32
      %dma_wait3A_92 = arith.constant 0 : i32
      %dma_wait3A_93 = tpu.memref_slice %arg23[%dma_wait3A, %dma_wait3A_91, %dma_wait3A_92] : memref<8x128x64xf32, #tpu.memory_space<vmem>> -> memref<1x128x64xf32, #tpu.memory_space<vmem>>
      %dma_wait3A_94 = tpu.memref_squeeze %dma_wait3A_93 : memref<1x128x64xf32, #tpu.memory_space<vmem>> -> memref<128x64xf32, #tpu.memory_space<vmem>>
      %dma_wait3A_95 = arith.constant 0 : i32
      %dma_wait3A_96 = tpu.memref_slice %arg22[%dma_wait3A_90, %dma_wait3A_95] : memref<80x128xi32, #tpu.memory_space<vmem>> -> memref<1x128xi32, #tpu.memory_space<vmem>>
      %dma_wait3A_97 = tpu.memref_squeeze %dma_wait3A_96 : memref<1x128xi32, #tpu.memory_space<vmem>> -> memref<128xi32, #tpu.memory_space<vmem>>
      %dma_wait3A_98 = arith.constant 0 : i32
      %dma_wait3A_99 = arith.constant 0 : i32
      %dma_wait3A_100 = tpu.memref_slice %arg24[%dma_wait3A_98, %dma_wait3A_99] : memref<10240x64xf32, #tpu.memory_space<vmem_shared>> -> memref<10240x64xf32, #tpu.memory_space<vmem_shared>>
      tpu.wait_indirect_dma semaphore(%arg26 : memref<!tpu.dma_semaphore, #tpu.memory_space<semaphore_mem>>) src(%dma_wait3A_94 : memref<128x64xf32, #tpu.memory_space<vmem>>) dst(%dma_wait3A_100 : memref<10240x64xf32, #tpu.memory_space<vmem_shared>>)
      %dma_wait3A_101 = arith.constant 5 : i32
      %dma_wait3A_102 = arith.constant 77 : i32
      %dma_wait3A_103 = arith.constant 0 : i32
      %dma_wait3A_104 = arith.constant 0 : i32
      %dma_wait3A_105 = tpu.memref_slice %arg23[%dma_wait3A_101, %dma_wait3A_103, %dma_wait3A_104] : memref<8x128x64xf32, #tpu.memory_space<vmem>> -> memref<1x128x64xf32, #tpu.memory_space<vmem>>
      %dma_wait3A_106 = tpu.memref_squeeze %dma_wait3A_105 : memref<1x128x64xf32, #tpu.memory_space<vmem>> -> memref<128x64xf32, #tpu.memory_space<vmem>>
      %dma_wait3A_107 = arith.constant 0 : i32
      %dma_wait3A_108 = tpu.memref_slice %arg22[%dma_wait3A_102, %dma_wait3A_107] : memref<80x128xi32, #tpu.memory_space<vmem>> -> memref<1x128xi32, #tpu.memory_space<vmem>>
      %dma_wait3A_109 = tpu.memref_squeeze %dma_wait3A_108 : memref<1x128xi32, #tpu.memory_space<vmem>> -> memref<128xi32, #tpu.memory_space<vmem>>
      %dma_wait3A_110 = arith.constant 0 : i32
      %dma_wait3A_111 = arith.constant 0 : i32
      %dma_wait3A_112 = tpu.memref_slice %arg24[%dma_wait3A_110, %dma_wait3A_111] : memref<10240x64xf32, #tpu.memory_space<vmem_shared>> -> memref<10240x64xf32, #tpu.memory_space<vmem_shared>>
      tpu.wait_indirect_dma semaphore(%arg26 : memref<!tpu.dma_semaphore, #tpu.memory_space<semaphore_mem>>) src(%dma_wait3A_106 : memref<128x64xf32, #tpu.memory_space<vmem>>) dst(%dma_wait3A_112 : memref<10240x64xf32, #tpu.memory_space<vmem_shared>>)
      %dma_wait3A_113 = arith.constant 6 : i32
      %dma_wait3A_114 = arith.constant 78 : i32
      %dma_wait3A_115 = arith.constant 0 : i32
      %dma_wait3A_116 = arith.constant 0 : i32
      %dma_wait3A_117 = tpu.memref_slice %arg23[%dma_wait3A_113, %dma_wait3A_115, %dma_wait3A_116] : memref<8x128x64xf32, #tpu.memory_space<vmem>> -> memref<1x128x64xf32, #tpu.memory_space<vmem>>
      %dma_wait3A_118 = tpu.memref_squeeze %dma_wait3A_117 : memref<1x128x64xf32, #tpu.memory_space<vmem>> -> memref<128x64xf32, #tpu.memory_space<vmem>>
      %dma_wait3A_119 = arith.constant 0 : i32
      %dma_wait3A_120 = tpu.memref_slice %arg22[%dma_wait3A_114, %dma_wait3A_119] : memref<80x128xi32, #tpu.memory_space<vmem>> -> memref<1x128xi32, #tpu.memory_space<vmem>>
      %dma_wait3A_121 = tpu.memref_squeeze %dma_wait3A_120 : memref<1x128xi32, #tpu.memory_space<vmem>> -> memref<128xi32, #tpu.memory_space<vmem>>
      %dma_wait3A_122 = arith.constant 0 : i32
      %dma_wait3A_123 = arith.constant 0 : i32
      %dma_wait3A_124 = tpu.memref_slice %arg24[%dma_wait3A_122, %dma_wait3A_123] : memref<10240x64xf32, #tpu.memory_space<vmem_shared>> -> memref<10240x64xf32, #tpu.memory_space<vmem_shared>>
      tpu.wait_indirect_dma semaphore(%arg26 : memref<!tpu.dma_semaphore, #tpu.memory_space<semaphore_mem>>) src(%dma_wait3A_118 : memref<128x64xf32, #tpu.memory_space<vmem>>) dst(%dma_wait3A_124 : memref<10240x64xf32, #tpu.memory_space<vmem_shared>>)
      %dma_wait3A_125 = arith.constant 7 : i32
      %dma_wait3A_126 = arith.constant 79 : i32
      %dma_wait3A_127 = arith.constant 0 : i32
      %dma_wait3A_128 = arith.constant 0 : i32
      %dma_wait3A_129 = tpu.memref_slice %arg23[%dma_wait3A_125, %dma_wait3A_127, %dma_wait3A_128] : memref<8x128x64xf32, #tpu.memory_space<vmem>> -> memref<1x128x64xf32, #tpu.memory_space<vmem>>
      %dma_wait3A_130 = tpu.memref_squeeze %dma_wait3A_129 : memref<1x128x64xf32, #tpu.memory_space<vmem>> -> memref<128x64xf32, #tpu.memory_space<vmem>>
      %dma_wait3A_131 = arith.constant 0 : i32
      %dma_wait3A_132 = tpu.memref_slice %arg22[%dma_wait3A_126, %dma_wait3A_131] : memref<80x128xi32, #tpu.memory_space<vmem>> -> memref<1x128xi32, #tpu.memory_space<vmem>>
      %dma_wait3A_133 = tpu.memref_squeeze %dma_wait3A_132 : memref<1x128xi32, #tpu.memory_space<vmem>> -> memref<128xi32, #tpu.memory_space<vmem>>
      %dma_wait3A_134 = arith.constant 0 : i32
      %dma_wait3A_135 = arith.constant 0 : i32
      %dma_wait3A_136 = tpu.memref_slice %arg24[%dma_wait3A_134, %dma_wait3A_135] : memref<10240x64xf32, #tpu.memory_space<vmem_shared>> -> memref<10240x64xf32, #tpu.memory_space<vmem_shared>>
      tpu.wait_indirect_dma semaphore(%arg26 : memref<!tpu.dma_semaphore, #tpu.memory_space<semaphore_mem>>) src(%dma_wait3A_130 : memref<128x64xf32, #tpu.memory_space<vmem>>) dst(%dma_wait3A_136 : memref<10240x64xf32, #tpu.memory_space<vmem_shared>>)
      %barrier3A_137 = arith.constant 0 : index
      tpu.barrier barrier_id(%barrier3A_137)
      "tpu.region"() ({
        %run_scoped3A = tpu.sem_alloc : memref<!tpu.dma_semaphore, #tpu.memory_space<semaphore_mem>>
        %dma_start3A_138 = arith.constant 0 : i32
        %dma_start3A_139 = tpu.memref_slice %arg20[%mul3A_0, %dma_start3A_138] : memref<10240x64xf32, #tpu.memory_space<hbm>> -> memref<640x64xf32, #tpu.memory_space<hbm>>
        %dma_start3A_140 = arith.constant 0 : i32
        %dma_start3A_141 = tpu.memref_slice %arg24[%mul3A_0, %dma_start3A_140] : memref<10240x64xf32, #tpu.memory_space<vmem_shared>> -> memref<640x64xf32, #tpu.memory_space<vmem_shared>>
        tpu.enqueue_dma source(%dma_start3A_141 : memref<640x64xf32, #tpu.memory_space<vmem_shared>>) target(%dma_start3A_139 : memref<640x64xf32, #tpu.memory_space<hbm>>) target_semaphore(%run_scoped3A : memref<!tpu.dma_semaphore, #tpu.memory_space<semaphore_mem>>)
        %dma_wait3A_142 = arith.constant 0 : i32
        %dma_wait3A_143 = tpu.memref_slice %arg20[%mul3A_0, %dma_wait3A_142] : memref<10240x64xf32, #tpu.memory_space<hbm>> -> memref<640x64xf32, #tpu.memory_space<hbm>>
        %dma_wait3A_144 = arith.constant 0 : i32
        %dma_wait3A_145 = tpu.memref_slice %arg24[%mul3A_0, %dma_wait3A_144] : memref<10240x64xf32, #tpu.memory_space<vmem_shared>> -> memref<640x64xf32, #tpu.memory_space<vmem_shared>>
        tpu.wait_dma2 semaphore(%run_scoped3A : memref<!tpu.dma_semaphore, #tpu.memory_space<semaphore_mem>>) src(%dma_wait3A_145 : memref<640x64xf32, #tpu.memory_space<vmem_shared>>) dst(%dma_wait3A_143 : memref<640x64xf32, #tpu.memory_space<hbm>>)
        tpu.yield
      }) : () -> ()
    } else {
    }
    return
  }
}

#map = affine_map<(d0, d1) -> (0, 0, 0)>
#map1 = affine_map<(d0, d1) -> (0, 0)>
#map2 = affine_map<(d0, d1) -> (0)>
module attributes {stable_mosaic.version = 14 : i64} {
  func.func @body(%arg0: i32, %arg1: i32, %arg2: memref<16x80x128xi32, #tpu.memory_space<hbm>>, %arg3: memref<16x80x128xi32, #tpu.memory_space<hbm>>, %arg4: memref<10240x64xf32, #tpu.memory_space<hbm>>, %arg5: memref<128xf32, #tpu.memory_space<hbm>>, %arg6: memref<640xf32, #tpu.memory_space<hbm>>, %arg7: memref<10000x64xf32, #tpu.memory_space<hbm>>, %arg8: memref<10000x64xf32, #tpu.memory_space<hbm>>, %arg9: memref<10000x64xf32, #tpu.memory_space<hbm>>, %arg10: memref<10000x64xf32, #tpu.memory_space<hbm>>, %arg11: memref<10240x64xf32, #tpu.memory_space<hbm>>, %arg12: memref<10240x64xf32, #tpu.memory_space<hbm>>, %arg13: memref<10240x64xf32, #tpu.memory_space<hbm>>, %arg14: memref<10240x64xf32, #tpu.memory_space<hbm>>, %arg15: memref<10240xf32, #tpu.memory_space<hbm>>, %arg16: memref<80x128xi32, #tpu.memory_space<vmem>>, %arg17: memref<80x128xi32, #tpu.memory_space<vmem>>, %arg18: memref<8x128x64xf32, #tpu.memory_space<vmem>>, %arg19: memref<10240x64xf32, #tpu.memory_space<vmem_shared>>, %arg20: memref<!tpu.dma_semaphore, #tpu.memory_space<semaphore_mem>>, %arg21: memref<!tpu.dma_semaphore, #tpu.memory_space<semaphore_mem>>, %arg22: memref<128xf32, #tpu.memory_space<vmem>>, %arg23: memref<640xf32, #tpu.memory_space<vmem>>, %arg24: memref<10240xf32, #tpu.memory_space<vmem_shared>>, %arg25: memref<!tpu.dma_semaphore, #tpu.memory_space<semaphore_mem>>) attributes {dimension_semantics = [#tpu.dimension_semantics<core_parallel>, #tpu.dimension_semantics<subcore_parallel>], iteration_bounds = array<i64: 2, 16>, scalar_prefetch = 0 : i64, scratch_operands = 10 : i64, tpu.core_type = #tpu.core_type<sc_vector_subcore>, window_params = [{transform_indices = #map}, {transform_indices = #map}, {transform_indices = #map1}, {transform_indices = #map2}, {transform_indices = #map2}, {transform_indices = #map1}, {transform_indices = #map1}, {transform_indices = #map1}, {transform_indices = #map1}, {transform_indices = #map1}, {transform_indices = #map1}, {transform_indices = #map1}, {transform_indices = #map1}, {transform_indices = #map2}]} {
    %mul3A = arith.constant 640 : i32
    %mul3A_0 = arith.muli %arg1, %mul3A : i32
    "tpu.region"() ({
      %run_scoped3A = tpu.sem_alloc : memref<!tpu.dma_semaphore, #tpu.memory_space<semaphore_mem>>
      %dma_start3A = arith.constant 0 : i32
      %dma_start3A_18 = arith.constant 0 : i32
      %dma_start3A_19 = tpu.memref_slice %arg2[%arg1, %dma_start3A, %dma_start3A_18] : memref<16x80x128xi32, #tpu.memory_space<hbm>> -> memref<1x80x128xi32, #tpu.memory_space<hbm>>
      %dma_start3A_20 = tpu.memref_squeeze %dma_start3A_19 : memref<1x80x128xi32, #tpu.memory_space<hbm>> -> memref<80x128xi32, #tpu.memory_space<hbm>>
      %dma_start3A_21 = arith.constant 0 : i32
      %dma_start3A_22 = arith.constant 0 : i32
      %dma_start3A_23 = tpu.memref_slice %arg2[%arg1, %dma_start3A_21, %dma_start3A_22] : memref<16x80x128xi32, #tpu.memory_space<hbm>> -> memref<1x80x128xi32, #tpu.memory_space<hbm>>
      %dma_start3A_24 = tpu.memref_squeeze %dma_start3A_23 : memref<1x80x128xi32, #tpu.memory_space<hbm>> -> memref<80x128xi32, #tpu.memory_space<hbm>>
      tpu.enqueue_dma source(%dma_start3A_24 : memref<80x128xi32, #tpu.memory_space<hbm>>) target(%arg16 : memref<80x128xi32, #tpu.memory_space<vmem>>) target_semaphore(%run_scoped3A : memref<!tpu.dma_semaphore, #tpu.memory_space<semaphore_mem>>)
      %dma_wait3A = arith.constant 0 : i32
      %dma_wait3A_25 = arith.constant 0 : i32
      %dma_wait3A_26 = tpu.memref_slice %arg2[%arg1, %dma_wait3A, %dma_wait3A_25] : memref<16x80x128xi32, #tpu.memory_space<hbm>> -> memref<1x80x128xi32, #tpu.memory_space<hbm>>
      %dma_wait3A_27 = tpu.memref_squeeze %dma_wait3A_26 : memref<1x80x128xi32, #tpu.memory_space<hbm>> -> memref<80x128xi32, #tpu.memory_space<hbm>>
      %dma_wait3A_28 = arith.constant 0 : i32
      %dma_wait3A_29 = arith.constant 0 : i32
      %dma_wait3A_30 = tpu.memref_slice %arg2[%arg1, %dma_wait3A_28, %dma_wait3A_29] : memref<16x80x128xi32, #tpu.memory_space<hbm>> -> memref<1x80x128xi32, #tpu.memory_space<hbm>>
      %dma_wait3A_31 = tpu.memref_squeeze %dma_wait3A_30 : memref<1x80x128xi32, #tpu.memory_space<hbm>> -> memref<80x128xi32, #tpu.memory_space<hbm>>
      tpu.wait_dma2 semaphore(%run_scoped3A : memref<!tpu.dma_semaphore, #tpu.memory_space<semaphore_mem>>) src(%dma_wait3A_31 : memref<80x128xi32, #tpu.memory_space<hbm>>) dst(%arg16 : memref<80x128xi32, #tpu.memory_space<vmem>>)
      tpu.yield
    }) : () -> ()
    "tpu.region"() ({
      %run_scoped3A = tpu.sem_alloc : memref<!tpu.dma_semaphore, #tpu.memory_space<semaphore_mem>>
      %dma_start3A = arith.constant 0 : i32
      %dma_start3A_18 = arith.constant 0 : i32
      %dma_start3A_19 = tpu.memref_slice %arg3[%arg1, %dma_start3A, %dma_start3A_18] : memref<16x80x128xi32, #tpu.memory_space<hbm>> -> memref<1x80x128xi32, #tpu.memory_space<hbm>>
      %dma_start3A_20 = tpu.memref_squeeze %dma_start3A_19 : memref<1x80x128xi32, #tpu.memory_space<hbm>> -> memref<80x128xi32, #tpu.memory_space<hbm>>
      %dma_start3A_21 = arith.constant 0 : i32
      %dma_start3A_22 = arith.constant 0 : i32
      %dma_start3A_23 = tpu.memref_slice %arg3[%arg1, %dma_start3A_21, %dma_start3A_22] : memref<16x80x128xi32, #tpu.memory_space<hbm>> -> memref<1x80x128xi32, #tpu.memory_space<hbm>>
      %dma_start3A_24 = tpu.memref_squeeze %dma_start3A_23 : memref<1x80x128xi32, #tpu.memory_space<hbm>> -> memref<80x128xi32, #tpu.memory_space<hbm>>
      tpu.enqueue_dma source(%dma_start3A_24 : memref<80x128xi32, #tpu.memory_space<hbm>>) target(%arg17 : memref<80x128xi32, #tpu.memory_space<vmem>>) target_semaphore(%run_scoped3A : memref<!tpu.dma_semaphore, #tpu.memory_space<semaphore_mem>>)
      %dma_wait3A = arith.constant 0 : i32
      %dma_wait3A_25 = arith.constant 0 : i32
      %dma_wait3A_26 = tpu.memref_slice %arg3[%arg1, %dma_wait3A, %dma_wait3A_25] : memref<16x80x128xi32, #tpu.memory_space<hbm>> -> memref<1x80x128xi32, #tpu.memory_space<hbm>>
      %dma_wait3A_27 = tpu.memref_squeeze %dma_wait3A_26 : memref<1x80x128xi32, #tpu.memory_space<hbm>> -> memref<80x128xi32, #tpu.memory_space<hbm>>
      %dma_wait3A_28 = arith.constant 0 : i32
      %dma_wait3A_29 = arith.constant 0 : i32
      %dma_wait3A_30 = tpu.memref_slice %arg3[%arg1, %dma_wait3A_28, %dma_wait3A_29] : memref<16x80x128xi32, #tpu.memory_space<hbm>> -> memref<1x80x128xi32, #tpu.memory_space<hbm>>
      %dma_wait3A_31 = tpu.memref_squeeze %dma_wait3A_30 : memref<1x80x128xi32, #tpu.memory_space<hbm>> -> memref<80x128xi32, #tpu.memory_space<hbm>>
      tpu.wait_dma2 semaphore(%run_scoped3A : memref<!tpu.dma_semaphore, #tpu.memory_space<semaphore_mem>>) src(%dma_wait3A_31 : memref<80x128xi32, #tpu.memory_space<hbm>>) dst(%arg17 : memref<80x128xi32, #tpu.memory_space<vmem>>)
      tpu.yield
    }) : () -> ()
    "tpu.region"() ({
      %run_scoped3A = tpu.sem_alloc : memref<!tpu.dma_semaphore, #tpu.memory_space<semaphore_mem>>
      tpu.enqueue_dma source(%arg5 : memref<128xf32, #tpu.memory_space<hbm>>) target(%arg22 : memref<128xf32, #tpu.memory_space<vmem>>) target_semaphore(%run_scoped3A : memref<!tpu.dma_semaphore, #tpu.memory_space<semaphore_mem>>)
      tpu.wait_dma2 semaphore(%run_scoped3A : memref<!tpu.dma_semaphore, #tpu.memory_space<semaphore_mem>>) src(%arg5 : memref<128xf32, #tpu.memory_space<hbm>>) dst(%arg22 : memref<128xf32, #tpu.memory_space<vmem>>)
      tpu.yield
    }) : () -> ()
    "tpu.region"() ({
      %run_scoped3A = tpu.sem_alloc : memref<!tpu.dma_semaphore, #tpu.memory_space<semaphore_mem>>
      tpu.enqueue_dma source(%arg6 : memref<640xf32, #tpu.memory_space<hbm>>) target(%arg23 : memref<640xf32, #tpu.memory_space<vmem>>) target_semaphore(%run_scoped3A : memref<!tpu.dma_semaphore, #tpu.memory_space<semaphore_mem>>)
      tpu.wait_dma2 semaphore(%run_scoped3A : memref<!tpu.dma_semaphore, #tpu.memory_space<semaphore_mem>>) src(%arg6 : memref<640xf32, #tpu.memory_space<hbm>>) dst(%arg23 : memref<640xf32, #tpu.memory_space<vmem>>)
      tpu.yield
    }) : () -> ()
    %eq3A = arith.constant 0 : i32
    %eq3A_1 = arith.cmpi eq, %arg0, %eq3A : i32
    %convert_element_type3A = arith.extui %eq3A_1 : i1 to i32
    %cond3A = arith.constant 0 : i32
    %cond3A_2 = arith.cmpi ne, %convert_element_type3A, %cond3A : i32
    scf.if %cond3A_2 {
      "tpu.region"() ({
        %run_scoped3A = tpu.sem_alloc : memref<!tpu.dma_semaphore, #tpu.memory_space<semaphore_mem>>
        %dma_start3A_124 = arith.constant 0 : i32
        %dma_start3A_125 = tpu.memref_slice %arg19[%mul3A_0, %dma_start3A_124] : memref<10240x64xf32, #tpu.memory_space<vmem_shared>> -> memref<640x64xf32, #tpu.memory_space<vmem_shared>>
        %dma_start3A_126 = arith.constant 0 : i32
        %dma_start3A_127 = tpu.memref_slice %arg4[%mul3A_0, %dma_start3A_126] : memref<10240x64xf32, #tpu.memory_space<hbm>> -> memref<640x64xf32, #tpu.memory_space<hbm>>
        tpu.enqueue_dma source(%dma_start3A_127 : memref<640x64xf32, #tpu.memory_space<hbm>>) target(%dma_start3A_125 : memref<640x64xf32, #tpu.memory_space<vmem_shared>>) target_semaphore(%run_scoped3A : memref<!tpu.dma_semaphore, #tpu.memory_space<semaphore_mem>>)
        %dma_wait3A_128 = arith.constant 0 : i32
        %dma_wait3A_129 = tpu.memref_slice %arg19[%mul3A_0, %dma_wait3A_128] : memref<10240x64xf32, #tpu.memory_space<vmem_shared>> -> memref<640x64xf32, #tpu.memory_space<vmem_shared>>
        %dma_wait3A_130 = arith.constant 0 : i32
        %dma_wait3A_131 = tpu.memref_slice %arg4[%mul3A_0, %dma_wait3A_130] : memref<10240x64xf32, #tpu.memory_space<hbm>> -> memref<640x64xf32, #tpu.memory_space<hbm>>
        tpu.wait_dma2 semaphore(%run_scoped3A : memref<!tpu.dma_semaphore, #tpu.memory_space<semaphore_mem>>) src(%dma_wait3A_131 : memref<640x64xf32, #tpu.memory_space<hbm>>) dst(%dma_wait3A_129 : memref<640x64xf32, #tpu.memory_space<vmem_shared>>)
        tpu.yield
      }) : () -> ()
      "tpu.region"() ({
        %run_scoped3A = tpu.sem_alloc : memref<!tpu.dma_semaphore, #tpu.memory_space<semaphore_mem>>
        %dma_start3A_124 = tpu.memref_slice %arg24[%mul3A_0] : memref<10240xf32, #tpu.memory_space<vmem_shared>> -> memref<640xf32, #tpu.memory_space<vmem_shared>>
        %dma_start3A_125 = tpu.memref_slice %arg24[%mul3A_0] : memref<10240xf32, #tpu.memory_space<vmem_shared>> -> memref<640xf32, #tpu.memory_space<vmem_shared>>
        tpu.enqueue_dma source(%arg23 : memref<640xf32, #tpu.memory_space<vmem>>) target(%dma_start3A_125 : memref<640xf32, #tpu.memory_space<vmem_shared>>) target_semaphore(%run_scoped3A : memref<!tpu.dma_semaphore, #tpu.memory_space<semaphore_mem>>)
        %dma_wait3A_126 = tpu.memref_slice %arg24[%mul3A_0] : memref<10240xf32, #tpu.memory_space<vmem_shared>> -> memref<640xf32, #tpu.memory_space<vmem_shared>>
        %dma_wait3A_127 = tpu.memref_slice %arg24[%mul3A_0] : memref<10240xf32, #tpu.memory_space<vmem_shared>> -> memref<640xf32, #tpu.memory_space<vmem_shared>>
        tpu.wait_dma2 semaphore(%run_scoped3A : memref<!tpu.dma_semaphore, #tpu.memory_space<semaphore_mem>>) src(%arg23 : memref<640xf32, #tpu.memory_space<vmem>>) dst(%dma_wait3A_127 : memref<640xf32, #tpu.memory_space<vmem_shared>>)
        tpu.yield
      }) : () -> ()
      %barrier3A = arith.constant 0 : index
      tpu.barrier barrier_id(%barrier3A)
      %dma_start3A = arith.constant 0 : i32
      %dma_start3A_18 = arith.constant 0 : i32
      %dma_start3A_19 = arith.constant 0 : i32
      %dma_start3A_20 = arith.constant 0 : i32
      %dma_start3A_21 = tpu.memref_slice %arg18[%dma_start3A_18, %dma_start3A_19, %dma_start3A_20] : memref<8x128x64xf32, #tpu.memory_space<vmem>> -> memref<1x128x64xf32, #tpu.memory_space<vmem>>
      %dma_start3A_22 = tpu.memref_squeeze %dma_start3A_21 : memref<1x128x64xf32, #tpu.memory_space<vmem>> -> memref<128x64xf32, #tpu.memory_space<vmem>>
      %dma_start3A_23 = arith.constant 0 : i32
      %dma_start3A_24 = tpu.memref_slice %arg16[%dma_start3A, %dma_start3A_23] : memref<80x128xi32, #tpu.memory_space<vmem>> -> memref<1x128xi32, #tpu.memory_space<vmem>>
      %dma_start3A_25 = tpu.memref_squeeze %dma_start3A_24 : memref<1x128xi32, #tpu.memory_space<vmem>> -> memref<128xi32, #tpu.memory_space<vmem>>
      %dma_start3A_26 = arith.constant 0 : i32
      %dma_start3A_27 = arith.constant 0 : i32
      %dma_start3A_28 = tpu.memref_slice %arg7[%dma_start3A_26, %dma_start3A_27] : memref<10000x64xf32, #tpu.memory_space<hbm>> -> memref<10000x64xf32, #tpu.memory_space<hbm>>
      tpu.enqueue_indirect_dma source(%dma_start3A_28 : memref<10000x64xf32, #tpu.memory_space<hbm>>) target(%dma_start3A_22 : memref<128x64xf32, #tpu.memory_space<vmem>>) offsets(%dma_start3A_25 : memref<128xi32, #tpu.memory_space<vmem>>) semaphore(%arg20 : memref<!tpu.dma_semaphore, #tpu.memory_space<semaphore_mem>>)
      %dma_start3A_29 = arith.constant 1 : i32
      %dma_start3A_30 = arith.constant 1 : i32
      %dma_start3A_31 = arith.constant 0 : i32
      %dma_start3A_32 = arith.constant 0 : i32
      %dma_start3A_33 = tpu.memref_slice %arg18[%dma_start3A_30, %dma_start3A_31, %dma_start3A_32] : memref<8x128x64xf32, #tpu.memory_space<vmem>> -> memref<1x128x64xf32, #tpu.memory_space<vmem>>
      %dma_start3A_34 = tpu.memref_squeeze %dma_start3A_33 : memref<1x128x64xf32, #tpu.memory_space<vmem>> -> memref<128x64xf32, #tpu.memory_space<vmem>>
      %dma_start3A_35 = arith.constant 0 : i32
      %dma_start3A_36 = tpu.memref_slice %arg16[%dma_start3A_29, %dma_start3A_35] : memref<80x128xi32, #tpu.memory_space<vmem>> -> memref<1x128xi32, #tpu.memory_space<vmem>>
      %dma_start3A_37 = tpu.memref_squeeze %dma_start3A_36 : memref<1x128xi32, #tpu.memory_space<vmem>> -> memref<128xi32, #tpu.memory_space<vmem>>
      %dma_start3A_38 = arith.constant 0 : i32
      %dma_start3A_39 = arith.constant 0 : i32
      %dma_start3A_40 = tpu.memref_slice %arg7[%dma_start3A_38, %dma_start3A_39] : memref<10000x64xf32, #tpu.memory_space<hbm>> -> memref<10000x64xf32, #tpu.memory_space<hbm>>
      tpu.enqueue_indirect_dma source(%dma_start3A_40 : memref<10000x64xf32, #tpu.memory_space<hbm>>) target(%dma_start3A_34 : memref<128x64xf32, #tpu.memory_space<vmem>>) offsets(%dma_start3A_37 : memref<128xi32, #tpu.memory_space<vmem>>) semaphore(%arg20 : memref<!tpu.dma_semaphore, #tpu.memory_space<semaphore_mem>>)
      %dma_start3A_41 = arith.constant 2 : i32
      %dma_start3A_42 = arith.constant 2 : i32
      %dma_start3A_43 = arith.constant 0 : i32
      %dma_start3A_44 = arith.constant 0 : i32
      %dma_start3A_45 = tpu.memref_slice %arg18[%dma_start3A_42, %dma_start3A_43, %dma_start3A_44] : memref<8x128x64xf32, #tpu.memory_space<vmem>> -> memref<1x128x64xf32, #tpu.memory_space<vmem>>
      %dma_start3A_46 = tpu.memref_squeeze %dma_start3A_45 : memref<1x128x64xf32, #tpu.memory_space<vmem>> -> memref<128x64xf32, #tpu.memory_space<vmem>>
      %dma_start3A_47 = arith.constant 0 : i32
      %dma_start3A_48 = tpu.memref_slice %arg16[%dma_start3A_41, %dma_start3A_47] : memref<80x128xi32, #tpu.memory_space<vmem>> -> memref<1x128xi32, #tpu.memory_space<vmem>>
      %dma_start3A_49 = tpu.memref_squeeze %dma_start3A_48 : memref<1x128xi32, #tpu.memory_space<vmem>> -> memref<128xi32, #tpu.memory_space<vmem>>
      %dma_start3A_50 = arith.constant 0 : i32
      %dma_start3A_51 = arith.constant 0 : i32
      %dma_start3A_52 = tpu.memref_slice %arg7[%dma_start3A_50, %dma_start3A_51] : memref<10000x64xf32, #tpu.memory_space<hbm>> -> memref<10000x64xf32, #tpu.memory_space<hbm>>
      tpu.enqueue_indirect_dma source(%dma_start3A_52 : memref<10000x64xf32, #tpu.memory_space<hbm>>) target(%dma_start3A_46 : memref<128x64xf32, #tpu.memory_space<vmem>>) offsets(%dma_start3A_49 : memref<128xi32, #tpu.memory_space<vmem>>) semaphore(%arg20 : memref<!tpu.dma_semaphore, #tpu.memory_space<semaphore_mem>>)
      %dma_start3A_53 = arith.constant 3 : i32
      %dma_start3A_54 = arith.constant 3 : i32
      %dma_start3A_55 = arith.constant 0 : i32
      %dma_start3A_56 = arith.constant 0 : i32
      %dma_start3A_57 = tpu.memref_slice %arg18[%dma_start3A_54, %dma_start3A_55, %dma_start3A_56] : memref<8x128x64xf32, #tpu.memory_space<vmem>> -> memref<1x128x64xf32, #tpu.memory_space<vmem>>
      %dma_start3A_58 = tpu.memref_squeeze %dma_start3A_57 : memref<1x128x64xf32, #tpu.memory_space<vmem>> -> memref<128x64xf32, #tpu.memory_space<vmem>>
      %dma_start3A_59 = arith.constant 0 : i32
      %dma_start3A_60 = tpu.memref_slice %arg16[%dma_start3A_53, %dma_start3A_59] : memref<80x128xi32, #tpu.memory_space<vmem>> -> memref<1x128xi32, #tpu.memory_space<vmem>>
      %dma_start3A_61 = tpu.memref_squeeze %dma_start3A_60 : memref<1x128xi32, #tpu.memory_space<vmem>> -> memref<128xi32, #tpu.memory_space<vmem>>
      %dma_start3A_62 = arith.constant 0 : i32
      %dma_start3A_63 = arith.constant 0 : i32
      %dma_start3A_64 = tpu.memref_slice %arg7[%dma_start3A_62, %dma_start3A_63] : memref<10000x64xf32, #tpu.memory_space<hbm>> -> memref<10000x64xf32, #tpu.memory_space<hbm>>
      tpu.enqueue_indirect_dma source(%dma_start3A_64 : memref<10000x64xf32, #tpu.memory_space<hbm>>) target(%dma_start3A_58 : memref<128x64xf32, #tpu.memory_space<vmem>>) offsets(%dma_start3A_61 : memref<128xi32, #tpu.memory_space<vmem>>) semaphore(%arg20 : memref<!tpu.dma_semaphore, #tpu.memory_space<semaphore_mem>>)
      %scan3A = arith.constant 0 : i32
      %scan3A_65 = arith.constant 0 : i32
      %scan3A_66 = arith.constant 80 : i32
      %scan3A_67 = arith.addi %scan3A_65, %scan3A_66 : i32
      %scan3A_68 = arith.constant 1 : i32
      scf.for %scan3A_124 = %scan3A_65 to %scan3A_67 step %scan3A_68  : i32 {
        %ge3A = arith.constant 4 : i32
        %ge3A_125 = arith.cmpi sge, %scan3A_124, %ge3A : i32
        %convert_element_type3A_126 = arith.extui %ge3A_125 : i1 to i32
        %cond3A_127 = arith.constant 0 : i32
        %cond3A_128 = arith.cmpi ne, %convert_element_type3A_126, %cond3A_127 : i32
        scf.if %cond3A_128 {
          %sub3A = arith.constant 4 : i32
          %sub3A_162 = arith.subi %scan3A_124, %sub3A : i32
          %rem3A_163 = arith.constant 8 : i32
          %rem3A_164 = arith.remsi %sub3A_162, %rem3A_163 : i32
          %sub3A_165 = arith.constant 4 : i32
          %sub3A_166 = arith.subi %scan3A_124, %sub3A_165 : i32
          %dma_wait3A_167 = arith.constant 0 : i32
          %dma_wait3A_168 = arith.constant 0 : i32
          %dma_wait3A_169 = tpu.memref_slice %arg18[%rem3A_164, %dma_wait3A_167, %dma_wait3A_168] : memref<8x128x64xf32, #tpu.memory_space<vmem>> -> memref<1x128x64xf32, #tpu.memory_space<vmem>>
          %dma_wait3A_170 = tpu.memref_squeeze %dma_wait3A_169 : memref<1x128x64xf32, #tpu.memory_space<vmem>> -> memref<128x64xf32, #tpu.memory_space<vmem>>
          %dma_wait3A_171 = arith.constant 0 : i32
          %dma_wait3A_172 = tpu.memref_slice %arg17[%sub3A_166, %dma_wait3A_171] : memref<80x128xi32, #tpu.memory_space<vmem>> -> memref<1x128xi32, #tpu.memory_space<vmem>>
          %dma_wait3A_173 = tpu.memref_squeeze %dma_wait3A_172 : memref<1x128xi32, #tpu.memory_space<vmem>> -> memref<128xi32, #tpu.memory_space<vmem>>
          %dma_wait3A_174 = arith.constant 0 : i32
          %dma_wait3A_175 = arith.constant 0 : i32
          %dma_wait3A_176 = tpu.memref_slice %arg19[%dma_wait3A_174, %dma_wait3A_175] : memref<10240x64xf32, #tpu.memory_space<vmem_shared>> -> memref<10240x64xf32, #tpu.memory_space<vmem_shared>>
          tpu.wait_indirect_dma semaphore(%arg21 : memref<!tpu.dma_semaphore, #tpu.memory_space<semaphore_mem>>) src(%dma_wait3A_170 : memref<128x64xf32, #tpu.memory_space<vmem>>) dst(%dma_wait3A_176 : memref<10240x64xf32, #tpu.memory_space<vmem_shared>>)
        } else {
        }
        %add3A = arith.constant 4 : i32
        %add3A_129 = arith.addi %scan3A_124, %add3A : i32
        %lt3A = arith.constant 80 : i32
        %lt3A_130 = arith.cmpi slt, %add3A_129, %lt3A : i32
        %convert_element_type3A_131 = arith.extui %lt3A_130 : i1 to i32
        %cond3A_132 = arith.constant 0 : i32
        %cond3A_133 = arith.cmpi ne, %convert_element_type3A_131, %cond3A_132 : i32
        scf.if %cond3A_133 {
          %add3A_162 = arith.constant 4 : i32
          %add3A_163 = arith.addi %scan3A_124, %add3A_162 : i32
          %add3A_164 = arith.constant 4 : i32
          %add3A_165 = arith.addi %scan3A_124, %add3A_164 : i32
          %rem3A_166 = arith.constant 8 : i32
          %rem3A_167 = arith.remsi %add3A_165, %rem3A_166 : i32
          %dma_start3A_168 = arith.constant 0 : i32
          %dma_start3A_169 = arith.constant 0 : i32
          %dma_start3A_170 = tpu.memref_slice %arg18[%rem3A_167, %dma_start3A_168, %dma_start3A_169] : memref<8x128x64xf32, #tpu.memory_space<vmem>> -> memref<1x128x64xf32, #tpu.memory_space<vmem>>
          %dma_start3A_171 = tpu.memref_squeeze %dma_start3A_170 : memref<1x128x64xf32, #tpu.memory_space<vmem>> -> memref<128x64xf32, #tpu.memory_space<vmem>>
          %dma_start3A_172 = arith.constant 0 : i32
          %dma_start3A_173 = tpu.memref_slice %arg16[%add3A_163, %dma_start3A_172] : memref<80x128xi32, #tpu.memory_space<vmem>> -> memref<1x128xi32, #tpu.memory_space<vmem>>
          %dma_start3A_174 = tpu.memref_squeeze %dma_start3A_173 : memref<1x128xi32, #tpu.memory_space<vmem>> -> memref<128xi32, #tpu.memory_space<vmem>>
          %dma_start3A_175 = arith.constant 0 : i32
          %dma_start3A_176 = arith.constant 0 : i32
          %dma_start3A_177 = tpu.memref_slice %arg7[%dma_start3A_175, %dma_start3A_176] : memref<10000x64xf32, #tpu.memory_space<hbm>> -> memref<10000x64xf32, #tpu.memory_space<hbm>>
          tpu.enqueue_indirect_dma source(%dma_start3A_177 : memref<10000x64xf32, #tpu.memory_space<hbm>>) target(%dma_start3A_171 : memref<128x64xf32, #tpu.memory_space<vmem>>) offsets(%dma_start3A_174 : memref<128xi32, #tpu.memory_space<vmem>>) semaphore(%arg20 : memref<!tpu.dma_semaphore, #tpu.memory_space<semaphore_mem>>)
        } else {
        }
        %rem3A = arith.constant 8 : i32
        %rem3A_134 = arith.remsi %scan3A_124, %rem3A : i32
        %dma_wait3A_135 = arith.constant 0 : i32
        %dma_wait3A_136 = arith.constant 0 : i32
        %dma_wait3A_137 = tpu.memref_slice %arg18[%rem3A_134, %dma_wait3A_135, %dma_wait3A_136] : memref<8x128x64xf32, #tpu.memory_space<vmem>> -> memref<1x128x64xf32, #tpu.memory_space<vmem>>
        %dma_wait3A_138 = tpu.memref_squeeze %dma_wait3A_137 : memref<1x128x64xf32, #tpu.memory_space<vmem>> -> memref<128x64xf32, #tpu.memory_space<vmem>>
        %dma_wait3A_139 = arith.constant 0 : i32
        %dma_wait3A_140 = tpu.memref_slice %arg16[%scan3A_124, %dma_wait3A_139] : memref<80x128xi32, #tpu.memory_space<vmem>> -> memref<1x128xi32, #tpu.memory_space<vmem>>
        %dma_wait3A_141 = tpu.memref_squeeze %dma_wait3A_140 : memref<1x128xi32, #tpu.memory_space<vmem>> -> memref<128xi32, #tpu.memory_space<vmem>>
        %dma_wait3A_142 = arith.constant 0 : i32
        %dma_wait3A_143 = arith.constant 0 : i32
        %dma_wait3A_144 = tpu.memref_slice %arg7[%dma_wait3A_142, %dma_wait3A_143] : memref<10000x64xf32, #tpu.memory_space<hbm>> -> memref<10000x64xf32, #tpu.memory_space<hbm>>
        tpu.wait_indirect_dma semaphore(%arg20 : memref<!tpu.dma_semaphore, #tpu.memory_space<semaphore_mem>>) src(%dma_wait3A_144 : memref<10000x64xf32, #tpu.memory_space<hbm>>) dst(%dma_wait3A_138 : memref<128x64xf32, #tpu.memory_space<vmem>>)
        %rem3A_145 = arith.constant 8 : i32
        %rem3A_146 = arith.remsi %scan3A_124, %rem3A_145 : i32
        %dma_start3A_147 = arith.constant 0 : i32
        %dma_start3A_148 = arith.constant 0 : i32
        %dma_start3A_149 = tpu.memref_slice %arg18[%rem3A_146, %dma_start3A_147, %dma_start3A_148] : memref<8x128x64xf32, #tpu.memory_space<vmem>> -> memref<1x128x64xf32, #tpu.memory_space<vmem>>
        %dma_start3A_150 = tpu.memref_squeeze %dma_start3A_149 : memref<1x128x64xf32, #tpu.memory_space<vmem>> -> memref<128x64xf32, #tpu.memory_space<vmem>>
        %dma_start3A_151 = arith.constant 0 : i32
        %dma_start3A_152 = tpu.memref_slice %arg17[%scan3A_124, %dma_start3A_151] : memref<80x128xi32, #tpu.memory_space<vmem>> -> memref<1x128xi32, #tpu.memory_space<vmem>>
        %dma_start3A_153 = tpu.memref_squeeze %dma_start3A_152 : memref<1x128xi32, #tpu.memory_space<vmem>> -> memref<128xi32, #tpu.memory_space<vmem>>
        %dma_start3A_154 = arith.constant 0 : i32
        %dma_start3A_155 = arith.constant 0 : i32
        %dma_start3A_156 = tpu.memref_slice %arg19[%dma_start3A_154, %dma_start3A_155] : memref<10240x64xf32, #tpu.memory_space<vmem_shared>> -> memref<10240x64xf32, #tpu.memory_space<vmem_shared>>
        tpu.enqueue_indirect_dma source(%dma_start3A_150 : memref<128x64xf32, #tpu.memory_space<vmem>>) target(%dma_start3A_156 : memref<10240x64xf32, #tpu.memory_space<vmem_shared>>) offsets(%dma_start3A_153 : memref<128xi32, #tpu.memory_space<vmem>>) semaphore(%arg21 : memref<!tpu.dma_semaphore, #tpu.memory_space<semaphore_mem>>) {add = true}
        %dma_start3A_157 = arith.constant 0 : i32
        %dma_start3A_158 = tpu.memref_slice %arg17[%scan3A_124, %dma_start3A_157] : memref<80x128xi32, #tpu.memory_space<vmem>> -> memref<1x128xi32, #tpu.memory_space<vmem>>
        %dma_start3A_159 = tpu.memref_squeeze %dma_start3A_158 : memref<1x128xi32, #tpu.memory_space<vmem>> -> memref<128xi32, #tpu.memory_space<vmem>>
        %dma_start3A_160 = arith.constant 0 : i32
        %dma_start3A_161 = tpu.memref_slice %arg24[%dma_start3A_160] : memref<10240xf32, #tpu.memory_space<vmem_shared>> -> memref<10240xf32, #tpu.memory_space<vmem_shared>>
        tpu.enqueue_indirect_dma source(%arg22 : memref<128xf32, #tpu.memory_space<vmem>>) target(%dma_start3A_161 : memref<10240xf32, #tpu.memory_space<vmem_shared>>) offsets(%dma_start3A_159 : memref<128xi32, #tpu.memory_space<vmem>>) semaphore(%arg25 : memref<!tpu.dma_semaphore, #tpu.memory_space<semaphore_mem>>) {add = true}
      }
      %scan3A_69 = arith.constant 80 : i32
      %dma_wait3A = arith.constant 4 : i32
      %dma_wait3A_70 = arith.constant 76 : i32
      %dma_wait3A_71 = arith.constant 0 : i32
      %dma_wait3A_72 = arith.constant 0 : i32
      %dma_wait3A_73 = tpu.memref_slice %arg18[%dma_wait3A, %dma_wait3A_71, %dma_wait3A_72] : memref<8x128x64xf32, #tpu.memory_space<vmem>> -> memref<1x128x64xf32, #tpu.memory_space<vmem>>
      %dma_wait3A_74 = tpu.memref_squeeze %dma_wait3A_73 : memref<1x128x64xf32, #tpu.memory_space<vmem>> -> memref<128x64xf32, #tpu.memory_space<vmem>>
      %dma_wait3A_75 = arith.constant 0 : i32
      %dma_wait3A_76 = tpu.memref_slice %arg17[%dma_wait3A_70, %dma_wait3A_75] : memref<80x128xi32, #tpu.memory_space<vmem>> -> memref<1x128xi32, #tpu.memory_space<vmem>>
      %dma_wait3A_77 = tpu.memref_squeeze %dma_wait3A_76 : memref<1x128xi32, #tpu.memory_space<vmem>> -> memref<128xi32, #tpu.memory_space<vmem>>
      %dma_wait3A_78 = arith.constant 0 : i32
      %dma_wait3A_79 = arith.constant 0 : i32
      %dma_wait3A_80 = tpu.memref_slice %arg19[%dma_wait3A_78, %dma_wait3A_79] : memref<10240x64xf32, #tpu.memory_space<vmem_shared>> -> memref<10240x64xf32, #tpu.memory_space<vmem_shared>>
      tpu.wait_indirect_dma semaphore(%arg21 : memref<!tpu.dma_semaphore, #tpu.memory_space<semaphore_mem>>) src(%dma_wait3A_74 : memref<128x64xf32, #tpu.memory_space<vmem>>) dst(%dma_wait3A_80 : memref<10240x64xf32, #tpu.memory_space<vmem_shared>>)
      %dma_wait3A_81 = arith.constant 5 : i32
      %dma_wait3A_82 = arith.constant 77 : i32
      %dma_wait3A_83 = arith.constant 0 : i32
      %dma_wait3A_84 = arith.constant 0 : i32
      %dma_wait3A_85 = tpu.memref_slice %arg18[%dma_wait3A_81, %dma_wait3A_83, %dma_wait3A_84] : memref<8x128x64xf32, #tpu.memory_space<vmem>> -> memref<1x128x64xf32, #tpu.memory_space<vmem>>
      %dma_wait3A_86 = tpu.memref_squeeze %dma_wait3A_85 : memref<1x128x64xf32, #tpu.memory_space<vmem>> -> memref<128x64xf32, #tpu.memory_space<vmem>>
      %dma_wait3A_87 = arith.constant 0 : i32
      %dma_wait3A_88 = tpu.memref_slice %arg17[%dma_wait3A_82, %dma_wait3A_87] : memref<80x128xi32, #tpu.memory_space<vmem>> -> memref<1x128xi32, #tpu.memory_space<vmem>>
      %dma_wait3A_89 = tpu.memref_squeeze %dma_wait3A_88 : memref<1x128xi32, #tpu.memory_space<vmem>> -> memref<128xi32, #tpu.memory_space<vmem>>
      %dma_wait3A_90 = arith.constant 0 : i32
      %dma_wait3A_91 = arith.constant 0 : i32
      %dma_wait3A_92 = tpu.memref_slice %arg19[%dma_wait3A_90, %dma_wait3A_91] : memref<10240x64xf32, #tpu.memory_space<vmem_shared>> -> memref<10240x64xf32, #tpu.memory_space<vmem_shared>>
      tpu.wait_indirect_dma semaphore(%arg21 : memref<!tpu.dma_semaphore, #tpu.memory_space<semaphore_mem>>) src(%dma_wait3A_86 : memref<128x64xf32, #tpu.memory_space<vmem>>) dst(%dma_wait3A_92 : memref<10240x64xf32, #tpu.memory_space<vmem_shared>>)
      %dma_wait3A_93 = arith.constant 6 : i32
      %dma_wait3A_94 = arith.constant 78 : i32
      %dma_wait3A_95 = arith.constant 0 : i32
      %dma_wait3A_96 = arith.constant 0 : i32
      %dma_wait3A_97 = tpu.memref_slice %arg18[%dma_wait3A_93, %dma_wait3A_95, %dma_wait3A_96] : memref<8x128x64xf32, #tpu.memory_space<vmem>> -> memref<1x128x64xf32, #tpu.memory_space<vmem>>
      %dma_wait3A_98 = tpu.memref_squeeze %dma_wait3A_97 : memref<1x128x64xf32, #tpu.memory_space<vmem>> -> memref<128x64xf32, #tpu.memory_space<vmem>>
      %dma_wait3A_99 = arith.constant 0 : i32
      %dma_wait3A_100 = tpu.memref_slice %arg17[%dma_wait3A_94, %dma_wait3A_99] : memref<80x128xi32, #tpu.memory_space<vmem>> -> memref<1x128xi32, #tpu.memory_space<vmem>>
      %dma_wait3A_101 = tpu.memref_squeeze %dma_wait3A_100 : memref<1x128xi32, #tpu.memory_space<vmem>> -> memref<128xi32, #tpu.memory_space<vmem>>
      %dma_wait3A_102 = arith.constant 0 : i32
      %dma_wait3A_103 = arith.constant 0 : i32
      %dma_wait3A_104 = tpu.memref_slice %arg19[%dma_wait3A_102, %dma_wait3A_103] : memref<10240x64xf32, #tpu.memory_space<vmem_shared>> -> memref<10240x64xf32, #tpu.memory_space<vmem_shared>>
      tpu.wait_indirect_dma semaphore(%arg21 : memref<!tpu.dma_semaphore, #tpu.memory_space<semaphore_mem>>) src(%dma_wait3A_98 : memref<128x64xf32, #tpu.memory_space<vmem>>) dst(%dma_wait3A_104 : memref<10240x64xf32, #tpu.memory_space<vmem_shared>>)
      %dma_wait3A_105 = arith.constant 7 : i32
      %dma_wait3A_106 = arith.constant 79 : i32
      %dma_wait3A_107 = arith.constant 0 : i32
      %dma_wait3A_108 = arith.constant 0 : i32
      %dma_wait3A_109 = tpu.memref_slice %arg18[%dma_wait3A_105, %dma_wait3A_107, %dma_wait3A_108] : memref<8x128x64xf32, #tpu.memory_space<vmem>> -> memref<1x128x64xf32, #tpu.memory_space<vmem>>
      %dma_wait3A_110 = tpu.memref_squeeze %dma_wait3A_109 : memref<1x128x64xf32, #tpu.memory_space<vmem>> -> memref<128x64xf32, #tpu.memory_space<vmem>>
      %dma_wait3A_111 = arith.constant 0 : i32
      %dma_wait3A_112 = tpu.memref_slice %arg17[%dma_wait3A_106, %dma_wait3A_111] : memref<80x128xi32, #tpu.memory_space<vmem>> -> memref<1x128xi32, #tpu.memory_space<vmem>>
      %dma_wait3A_113 = tpu.memref_squeeze %dma_wait3A_112 : memref<1x128xi32, #tpu.memory_space<vmem>> -> memref<128xi32, #tpu.memory_space<vmem>>
      %dma_wait3A_114 = arith.constant 0 : i32
      %dma_wait3A_115 = arith.constant 0 : i32
      %dma_wait3A_116 = tpu.memref_slice %arg19[%dma_wait3A_114, %dma_wait3A_115] : memref<10240x64xf32, #tpu.memory_space<vmem_shared>> -> memref<10240x64xf32, #tpu.memory_space<vmem_shared>>
      tpu.wait_indirect_dma semaphore(%arg21 : memref<!tpu.dma_semaphore, #tpu.memory_space<semaphore_mem>>) src(%dma_wait3A_110 : memref<128x64xf32, #tpu.memory_space<vmem>>) dst(%dma_wait3A_116 : memref<10240x64xf32, #tpu.memory_space<vmem_shared>>)
      %scan3A_117 = arith.constant 0 : i32
      %scan3A_118 = arith.constant 0 : i32
      %scan3A_119 = arith.constant 80 : i32
      %scan3A_120 = arith.addi %scan3A_118, %scan3A_119 : i32
      %scan3A_121 = arith.constant 1 : i32
      scf.for %scan3A_124 = %scan3A_118 to %scan3A_120 step %scan3A_121  : i32 {
        %dma_wait3A_125 = arith.constant 0 : i32
        %dma_wait3A_126 = tpu.memref_slice %arg17[%scan3A_124, %dma_wait3A_125] : memref<80x128xi32, #tpu.memory_space<vmem>> -> memref<1x128xi32, #tpu.memory_space<vmem>>
        %dma_wait3A_127 = tpu.memref_squeeze %dma_wait3A_126 : memref<1x128xi32, #tpu.memory_space<vmem>> -> memref<128xi32, #tpu.memory_space<vmem>>
        %dma_wait3A_128 = arith.constant 0 : i32
        %dma_wait3A_129 = tpu.memref_slice %arg24[%dma_wait3A_128] : memref<10240xf32, #tpu.memory_space<vmem_shared>> -> memref<10240xf32, #tpu.memory_space<vmem_shared>>
        tpu.wait_indirect_dma semaphore(%arg25 : memref<!tpu.dma_semaphore, #tpu.memory_space<semaphore_mem>>) src(%arg22 : memref<128xf32, #tpu.memory_space<vmem>>) dst(%dma_wait3A_129 : memref<10240xf32, #tpu.memory_space<vmem_shared>>)
      }
      %scan3A_122 = arith.constant 80 : i32
      %barrier3A_123 = arith.constant 0 : index
      tpu.barrier barrier_id(%barrier3A_123)
      "tpu.region"() ({
        %run_scoped3A = tpu.sem_alloc : memref<!tpu.dma_semaphore, #tpu.memory_space<semaphore_mem>>
        %dma_start3A_124 = arith.constant 0 : i32
        %dma_start3A_125 = tpu.memref_slice %arg11[%mul3A_0, %dma_start3A_124] : memref<10240x64xf32, #tpu.memory_space<hbm>> -> memref<640x64xf32, #tpu.memory_space<hbm>>
        %dma_start3A_126 = arith.constant 0 : i32
        %dma_start3A_127 = tpu.memref_slice %arg19[%mul3A_0, %dma_start3A_126] : memref<10240x64xf32, #tpu.memory_space<vmem_shared>> -> memref<640x64xf32, #tpu.memory_space<vmem_shared>>
        tpu.enqueue_dma source(%dma_start3A_127 : memref<640x64xf32, #tpu.memory_space<vmem_shared>>) target(%dma_start3A_125 : memref<640x64xf32, #tpu.memory_space<hbm>>) target_semaphore(%run_scoped3A : memref<!tpu.dma_semaphore, #tpu.memory_space<semaphore_mem>>)
        %dma_wait3A_128 = arith.constant 0 : i32
        %dma_wait3A_129 = tpu.memref_slice %arg11[%mul3A_0, %dma_wait3A_128] : memref<10240x64xf32, #tpu.memory_space<hbm>> -> memref<640x64xf32, #tpu.memory_space<hbm>>
        %dma_wait3A_130 = arith.constant 0 : i32
        %dma_wait3A_131 = tpu.memref_slice %arg19[%mul3A_0, %dma_wait3A_130] : memref<10240x64xf32, #tpu.memory_space<vmem_shared>> -> memref<640x64xf32, #tpu.memory_space<vmem_shared>>
        tpu.wait_dma2 semaphore(%run_scoped3A : memref<!tpu.dma_semaphore, #tpu.memory_space<semaphore_mem>>) src(%dma_wait3A_131 : memref<640x64xf32, #tpu.memory_space<vmem_shared>>) dst(%dma_wait3A_129 : memref<640x64xf32, #tpu.memory_space<hbm>>)
        tpu.yield
      }) : () -> ()
      "tpu.region"() ({
        %run_scoped3A = tpu.sem_alloc : memref<!tpu.dma_semaphore, #tpu.memory_space<semaphore_mem>>
        %dma_start3A_124 = tpu.memref_slice %arg15[%mul3A_0] : memref<10240xf32, #tpu.memory_space<hbm>> -> memref<640xf32, #tpu.memory_space<hbm>>
        %dma_start3A_125 = tpu.memref_slice %arg24[%mul3A_0] : memref<10240xf32, #tpu.memory_space<vmem_shared>> -> memref<640xf32, #tpu.memory_space<vmem_shared>>
        tpu.enqueue_dma source(%dma_start3A_125 : memref<640xf32, #tpu.memory_space<vmem_shared>>) target(%dma_start3A_124 : memref<640xf32, #tpu.memory_space<hbm>>) target_semaphore(%run_scoped3A : memref<!tpu.dma_semaphore, #tpu.memory_space<semaphore_mem>>)
        %dma_wait3A_126 = tpu.memref_slice %arg15[%mul3A_0] : memref<10240xf32, #tpu.memory_space<hbm>> -> memref<640xf32, #tpu.memory_space<hbm>>
        %dma_wait3A_127 = tpu.memref_slice %arg24[%mul3A_0] : memref<10240xf32, #tpu.memory_space<vmem_shared>> -> memref<640xf32, #tpu.memory_space<vmem_shared>>
        tpu.wait_dma2 semaphore(%run_scoped3A : memref<!tpu.dma_semaphore, #tpu.memory_space<semaphore_mem>>) src(%dma_wait3A_127 : memref<640xf32, #tpu.memory_space<vmem_shared>>) dst(%dma_wait3A_126 : memref<640xf32, #tpu.memory_space<hbm>>)
        tpu.yield
      }) : () -> ()
    } else {
    }
    %eq3A_3 = arith.constant 1 : i32
    %eq3A_4 = arith.cmpi eq, %arg0, %eq3A_3 : i32
    %convert_element_type3A_5 = arith.extui %eq3A_4 : i1 to i32
    %cond3A_6 = arith.constant 0 : i32
    %cond3A_7 = arith.cmpi ne, %convert_element_type3A_5, %cond3A_6 : i32
    scf.if %cond3A_7 {
      "tpu.region"() ({
        %run_scoped3A = tpu.sem_alloc : memref<!tpu.dma_semaphore, #tpu.memory_space<semaphore_mem>>
        %dma_start3A_118 = arith.constant 0 : i32
        %dma_start3A_119 = tpu.memref_slice %arg19[%mul3A_0, %dma_start3A_118] : memref<10240x64xf32, #tpu.memory_space<vmem_shared>> -> memref<640x64xf32, #tpu.memory_space<vmem_shared>>
        %dma_start3A_120 = arith.constant 0 : i32
        %dma_start3A_121 = tpu.memref_slice %arg4[%mul3A_0, %dma_start3A_120] : memref<10240x64xf32, #tpu.memory_space<hbm>> -> memref<640x64xf32, #tpu.memory_space<hbm>>
        tpu.enqueue_dma source(%dma_start3A_121 : memref<640x64xf32, #tpu.memory_space<hbm>>) target(%dma_start3A_119 : memref<640x64xf32, #tpu.memory_space<vmem_shared>>) target_semaphore(%run_scoped3A : memref<!tpu.dma_semaphore, #tpu.memory_space<semaphore_mem>>)
        %dma_wait3A_122 = arith.constant 0 : i32
        %dma_wait3A_123 = tpu.memref_slice %arg19[%mul3A_0, %dma_wait3A_122] : memref<10240x64xf32, #tpu.memory_space<vmem_shared>> -> memref<640x64xf32, #tpu.memory_space<vmem_shared>>
        %dma_wait3A_124 = arith.constant 0 : i32
        %dma_wait3A_125 = tpu.memref_slice %arg4[%mul3A_0, %dma_wait3A_124] : memref<10240x64xf32, #tpu.memory_space<hbm>> -> memref<640x64xf32, #tpu.memory_space<hbm>>
        tpu.wait_dma2 semaphore(%run_scoped3A : memref<!tpu.dma_semaphore, #tpu.memory_space<semaphore_mem>>) src(%dma_wait3A_125 : memref<640x64xf32, #tpu.memory_space<hbm>>) dst(%dma_wait3A_123 : memref<640x64xf32, #tpu.memory_space<vmem_shared>>)
        tpu.yield
      }) : () -> ()
      %barrier3A = arith.constant 0 : index
      tpu.barrier barrier_id(%barrier3A)
      %dma_start3A = arith.constant 0 : i32
      %dma_start3A_18 = arith.constant 0 : i32
      %dma_start3A_19 = arith.constant 0 : i32
      %dma_start3A_20 = arith.constant 0 : i32
      %dma_start3A_21 = tpu.memref_slice %arg18[%dma_start3A_18, %dma_start3A_19, %dma_start3A_20] : memref<8x128x64xf32, #tpu.memory_space<vmem>> -> memref<1x128x64xf32, #tpu.memory_space<vmem>>
      %dma_start3A_22 = tpu.memref_squeeze %dma_start3A_21 : memref<1x128x64xf32, #tpu.memory_space<vmem>> -> memref<128x64xf32, #tpu.memory_space<vmem>>
      %dma_start3A_23 = arith.constant 0 : i32
      %dma_start3A_24 = tpu.memref_slice %arg16[%dma_start3A, %dma_start3A_23] : memref<80x128xi32, #tpu.memory_space<vmem>> -> memref<1x128xi32, #tpu.memory_space<vmem>>
      %dma_start3A_25 = tpu.memref_squeeze %dma_start3A_24 : memref<1x128xi32, #tpu.memory_space<vmem>> -> memref<128xi32, #tpu.memory_space<vmem>>
      %dma_start3A_26 = arith.constant 0 : i32
      %dma_start3A_27 = arith.constant 0 : i32
      %dma_start3A_28 = tpu.memref_slice %arg8[%dma_start3A_26, %dma_start3A_27] : memref<10000x64xf32, #tpu.memory_space<hbm>> -> memref<10000x64xf32, #tpu.memory_space<hbm>>
      tpu.enqueue_indirect_dma source(%dma_start3A_28 : memref<10000x64xf32, #tpu.memory_space<hbm>>) target(%dma_start3A_22 : memref<128x64xf32, #tpu.memory_space<vmem>>) offsets(%dma_start3A_25 : memref<128xi32, #tpu.memory_space<vmem>>) semaphore(%arg20 : memref<!tpu.dma_semaphore, #tpu.memory_space<semaphore_mem>>)
      %dma_start3A_29 = arith.constant 1 : i32
      %dma_start3A_30 = arith.constant 1 : i32
      %dma_start3A_31 = arith.constant 0 : i32
      %dma_start3A_32 = arith.constant 0 : i32
      %dma_start3A_33 = tpu.memref_slice %arg18[%dma_start3A_30, %dma_start3A_31, %dma_start3A_32] : memref<8x128x64xf32, #tpu.memory_space<vmem>> -> memref<1x128x64xf32, #tpu.memory_space<vmem>>
      %dma_start3A_34 = tpu.memref_squeeze %dma_start3A_33 : memref<1x128x64xf32, #tpu.memory_space<vmem>> -> memref<128x64xf32, #tpu.memory_space<vmem>>
      %dma_start3A_35 = arith.constant 0 : i32
      %dma_start3A_36 = tpu.memref_slice %arg16[%dma_start3A_29, %dma_start3A_35] : memref<80x128xi32, #tpu.memory_space<vmem>> -> memref<1x128xi32, #tpu.memory_space<vmem>>
      %dma_start3A_37 = tpu.memref_squeeze %dma_start3A_36 : memref<1x128xi32, #tpu.memory_space<vmem>> -> memref<128xi32, #tpu.memory_space<vmem>>
      %dma_start3A_38 = arith.constant 0 : i32
      %dma_start3A_39 = arith.constant 0 : i32
      %dma_start3A_40 = tpu.memref_slice %arg8[%dma_start3A_38, %dma_start3A_39] : memref<10000x64xf32, #tpu.memory_space<hbm>> -> memref<10000x64xf32, #tpu.memory_space<hbm>>
      tpu.enqueue_indirect_dma source(%dma_start3A_40 : memref<10000x64xf32, #tpu.memory_space<hbm>>) target(%dma_start3A_34 : memref<128x64xf32, #tpu.memory_space<vmem>>) offsets(%dma_start3A_37 : memref<128xi32, #tpu.memory_space<vmem>>) semaphore(%arg20 : memref<!tpu.dma_semaphore, #tpu.memory_space<semaphore_mem>>)
      %dma_start3A_41 = arith.constant 2 : i32
      %dma_start3A_42 = arith.constant 2 : i32
      %dma_start3A_43 = arith.constant 0 : i32
      %dma_start3A_44 = arith.constant 0 : i32
      %dma_start3A_45 = tpu.memref_slice %arg18[%dma_start3A_42, %dma_start3A_43, %dma_start3A_44] : memref<8x128x64xf32, #tpu.memory_space<vmem>> -> memref<1x128x64xf32, #tpu.memory_space<vmem>>
      %dma_start3A_46 = tpu.memref_squeeze %dma_start3A_45 : memref<1x128x64xf32, #tpu.memory_space<vmem>> -> memref<128x64xf32, #tpu.memory_space<vmem>>
      %dma_start3A_47 = arith.constant 0 : i32
      %dma_start3A_48 = tpu.memref_slice %arg16[%dma_start3A_41, %dma_start3A_47] : memref<80x128xi32, #tpu.memory_space<vmem>> -> memref<1x128xi32, #tpu.memory_space<vmem>>
      %dma_start3A_49 = tpu.memref_squeeze %dma_start3A_48 : memref<1x128xi32, #tpu.memory_space<vmem>> -> memref<128xi32, #tpu.memory_space<vmem>>
      %dma_start3A_50 = arith.constant 0 : i32
      %dma_start3A_51 = arith.constant 0 : i32
      %dma_start3A_52 = tpu.memref_slice %arg8[%dma_start3A_50, %dma_start3A_51] : memref<10000x64xf32, #tpu.memory_space<hbm>> -> memref<10000x64xf32, #tpu.memory_space<hbm>>
      tpu.enqueue_indirect_dma source(%dma_start3A_52 : memref<10000x64xf32, #tpu.memory_space<hbm>>) target(%dma_start3A_46 : memref<128x64xf32, #tpu.memory_space<vmem>>) offsets(%dma_start3A_49 : memref<128xi32, #tpu.memory_space<vmem>>) semaphore(%arg20 : memref<!tpu.dma_semaphore, #tpu.memory_space<semaphore_mem>>)
      %dma_start3A_53 = arith.constant 3 : i32
      %dma_start3A_54 = arith.constant 3 : i32
      %dma_start3A_55 = arith.constant 0 : i32
      %dma_start3A_56 = arith.constant 0 : i32
      %dma_start3A_57 = tpu.memref_slice %arg18[%dma_start3A_54, %dma_start3A_55, %dma_start3A_56] : memref<8x128x64xf32, #tpu.memory_space<vmem>> -> memref<1x128x64xf32, #tpu.memory_space<vmem>>
      %dma_start3A_58 = tpu.memref_squeeze %dma_start3A_57 : memref<1x128x64xf32, #tpu.memory_space<vmem>> -> memref<128x64xf32, #tpu.memory_space<vmem>>
      %dma_start3A_59 = arith.constant 0 : i32
      %dma_start3A_60 = tpu.memref_slice %arg16[%dma_start3A_53, %dma_start3A_59] : memref<80x128xi32, #tpu.memory_space<vmem>> -> memref<1x128xi32, #tpu.memory_space<vmem>>
      %dma_start3A_61 = tpu.memref_squeeze %dma_start3A_60 : memref<1x128xi32, #tpu.memory_space<vmem>> -> memref<128xi32, #tpu.memory_space<vmem>>
      %dma_start3A_62 = arith.constant 0 : i32
      %dma_start3A_63 = arith.constant 0 : i32
      %dma_start3A_64 = tpu.memref_slice %arg8[%dma_start3A_62, %dma_start3A_63] : memref<10000x64xf32, #tpu.memory_space<hbm>> -> memref<10000x64xf32, #tpu.memory_space<hbm>>
      tpu.enqueue_indirect_dma source(%dma_start3A_64 : memref<10000x64xf32, #tpu.memory_space<hbm>>) target(%dma_start3A_58 : memref<128x64xf32, #tpu.memory_space<vmem>>) offsets(%dma_start3A_61 : memref<128xi32, #tpu.memory_space<vmem>>) semaphore(%arg20 : memref<!tpu.dma_semaphore, #tpu.memory_space<semaphore_mem>>)
      %scan3A = arith.constant 0 : i32
      %scan3A_65 = arith.constant 0 : i32
      %scan3A_66 = arith.constant 80 : i32
      %scan3A_67 = arith.addi %scan3A_65, %scan3A_66 : i32
      %scan3A_68 = arith.constant 1 : i32
      scf.for %scan3A_118 = %scan3A_65 to %scan3A_67 step %scan3A_68  : i32 {
        %ge3A = arith.constant 4 : i32
        %ge3A_119 = arith.cmpi sge, %scan3A_118, %ge3A : i32
        %convert_element_type3A_120 = arith.extui %ge3A_119 : i1 to i32
        %cond3A_121 = arith.constant 0 : i32
        %cond3A_122 = arith.cmpi ne, %convert_element_type3A_120, %cond3A_121 : i32
        scf.if %cond3A_122 {
          %sub3A = arith.constant 4 : i32
          %sub3A_151 = arith.subi %scan3A_118, %sub3A : i32
          %rem3A_152 = arith.constant 8 : i32
          %rem3A_153 = arith.remsi %sub3A_151, %rem3A_152 : i32
          %sub3A_154 = arith.constant 4 : i32
          %sub3A_155 = arith.subi %scan3A_118, %sub3A_154 : i32
          %dma_wait3A_156 = arith.constant 0 : i32
          %dma_wait3A_157 = arith.constant 0 : i32
          %dma_wait3A_158 = tpu.memref_slice %arg18[%rem3A_153, %dma_wait3A_156, %dma_wait3A_157] : memref<8x128x64xf32, #tpu.memory_space<vmem>> -> memref<1x128x64xf32, #tpu.memory_space<vmem>>
          %dma_wait3A_159 = tpu.memref_squeeze %dma_wait3A_158 : memref<1x128x64xf32, #tpu.memory_space<vmem>> -> memref<128x64xf32, #tpu.memory_space<vmem>>
          %dma_wait3A_160 = arith.constant 0 : i32
          %dma_wait3A_161 = tpu.memref_slice %arg17[%sub3A_155, %dma_wait3A_160] : memref<80x128xi32, #tpu.memory_space<vmem>> -> memref<1x128xi32, #tpu.memory_space<vmem>>
          %dma_wait3A_162 = tpu.memref_squeeze %dma_wait3A_161 : memref<1x128xi32, #tpu.memory_space<vmem>> -> memref<128xi32, #tpu.memory_space<vmem>>
          %dma_wait3A_163 = arith.constant 0 : i32
          %dma_wait3A_164 = arith.constant 0 : i32
          %dma_wait3A_165 = tpu.memref_slice %arg19[%dma_wait3A_163, %dma_wait3A_164] : memref<10240x64xf32, #tpu.memory_space<vmem_shared>> -> memref<10240x64xf32, #tpu.memory_space<vmem_shared>>
          tpu.wait_indirect_dma semaphore(%arg21 : memref<!tpu.dma_semaphore, #tpu.memory_space<semaphore_mem>>) src(%dma_wait3A_159 : memref<128x64xf32, #tpu.memory_space<vmem>>) dst(%dma_wait3A_165 : memref<10240x64xf32, #tpu.memory_space<vmem_shared>>)
        } else {
        }
        %add3A = arith.constant 4 : i32
        %add3A_123 = arith.addi %scan3A_118, %add3A : i32
        %lt3A = arith.constant 80 : i32
        %lt3A_124 = arith.cmpi slt, %add3A_123, %lt3A : i32
        %convert_element_type3A_125 = arith.extui %lt3A_124 : i1 to i32
        %cond3A_126 = arith.constant 0 : i32
        %cond3A_127 = arith.cmpi ne, %convert_element_type3A_125, %cond3A_126 : i32
        scf.if %cond3A_127 {
          %add3A_151 = arith.constant 4 : i32
          %add3A_152 = arith.addi %scan3A_118, %add3A_151 : i32
          %add3A_153 = arith.constant 4 : i32
          %add3A_154 = arith.addi %scan3A_118, %add3A_153 : i32
          %rem3A_155 = arith.constant 8 : i32
          %rem3A_156 = arith.remsi %add3A_154, %rem3A_155 : i32
          %dma_start3A_157 = arith.constant 0 : i32
          %dma_start3A_158 = arith.constant 0 : i32
          %dma_start3A_159 = tpu.memref_slice %arg18[%rem3A_156, %dma_start3A_157, %dma_start3A_158] : memref<8x128x64xf32, #tpu.memory_space<vmem>> -> memref<1x128x64xf32, #tpu.memory_space<vmem>>
          %dma_start3A_160 = tpu.memref_squeeze %dma_start3A_159 : memref<1x128x64xf32, #tpu.memory_space<vmem>> -> memref<128x64xf32, #tpu.memory_space<vmem>>
          %dma_start3A_161 = arith.constant 0 : i32
          %dma_start3A_162 = tpu.memref_slice %arg16[%add3A_152, %dma_start3A_161] : memref<80x128xi32, #tpu.memory_space<vmem>> -> memref<1x128xi32, #tpu.memory_space<vmem>>
          %dma_start3A_163 = tpu.memref_squeeze %dma_start3A_162 : memref<1x128xi32, #tpu.memory_space<vmem>> -> memref<128xi32, #tpu.memory_space<vmem>>
          %dma_start3A_164 = arith.constant 0 : i32
          %dma_start3A_165 = arith.constant 0 : i32
          %dma_start3A_166 = tpu.memref_slice %arg8[%dma_start3A_164, %dma_start3A_165] : memref<10000x64xf32, #tpu.memory_space<hbm>> -> memref<10000x64xf32, #tpu.memory_space<hbm>>
          tpu.enqueue_indirect_dma source(%dma_start3A_166 : memref<10000x64xf32, #tpu.memory_space<hbm>>) target(%dma_start3A_160 : memref<128x64xf32, #tpu.memory_space<vmem>>) offsets(%dma_start3A_163 : memref<128xi32, #tpu.memory_space<vmem>>) semaphore(%arg20 : memref<!tpu.dma_semaphore, #tpu.memory_space<semaphore_mem>>)
        } else {
        }
        %rem3A = arith.constant 8 : i32
        %rem3A_128 = arith.remsi %scan3A_118, %rem3A : i32
        %dma_wait3A_129 = arith.constant 0 : i32
        %dma_wait3A_130 = arith.constant 0 : i32
        %dma_wait3A_131 = tpu.memref_slice %arg18[%rem3A_128, %dma_wait3A_129, %dma_wait3A_130] : memref<8x128x64xf32, #tpu.memory_space<vmem>> -> memref<1x128x64xf32, #tpu.memory_space<vmem>>
        %dma_wait3A_132 = tpu.memref_squeeze %dma_wait3A_131 : memref<1x128x64xf32, #tpu.memory_space<vmem>> -> memref<128x64xf32, #tpu.memory_space<vmem>>
        %dma_wait3A_133 = arith.constant 0 : i32
        %dma_wait3A_134 = tpu.memref_slice %arg16[%scan3A_118, %dma_wait3A_133] : memref<80x128xi32, #tpu.memory_space<vmem>> -> memref<1x128xi32, #tpu.memory_space<vmem>>
        %dma_wait3A_135 = tpu.memref_squeeze %dma_wait3A_134 : memref<1x128xi32, #tpu.memory_space<vmem>> -> memref<128xi32, #tpu.memory_space<vmem>>
        %dma_wait3A_136 = arith.constant 0 : i32
        %dma_wait3A_137 = arith.constant 0 : i32
        %dma_wait3A_138 = tpu.memref_slice %arg8[%dma_wait3A_136, %dma_wait3A_137] : memref<10000x64xf32, #tpu.memory_space<hbm>> -> memref<10000x64xf32, #tpu.memory_space<hbm>>
        tpu.wait_indirect_dma semaphore(%arg20 : memref<!tpu.dma_semaphore, #tpu.memory_space<semaphore_mem>>) src(%dma_wait3A_138 : memref<10000x64xf32, #tpu.memory_space<hbm>>) dst(%dma_wait3A_132 : memref<128x64xf32, #tpu.memory_space<vmem>>)
        %rem3A_139 = arith.constant 8 : i32
        %rem3A_140 = arith.remsi %scan3A_118, %rem3A_139 : i32
        %dma_start3A_141 = arith.constant 0 : i32
        %dma_start3A_142 = arith.constant 0 : i32
        %dma_start3A_143 = tpu.memref_slice %arg18[%rem3A_140, %dma_start3A_141, %dma_start3A_142] : memref<8x128x64xf32, #tpu.memory_space<vmem>> -> memref<1x128x64xf32, #tpu.memory_space<vmem>>
        %dma_start3A_144 = tpu.memref_squeeze %dma_start3A_143 : memref<1x128x64xf32, #tpu.memory_space<vmem>> -> memref<128x64xf32, #tpu.memory_space<vmem>>
        %dma_start3A_145 = arith.constant 0 : i32
        %dma_start3A_146 = tpu.memref_slice %arg17[%scan3A_118, %dma_start3A_145] : memref<80x128xi32, #tpu.memory_space<vmem>> -> memref<1x128xi32, #tpu.memory_space<vmem>>
        %dma_start3A_147 = tpu.memref_squeeze %dma_start3A_146 : memref<1x128xi32, #tpu.memory_space<vmem>> -> memref<128xi32, #tpu.memory_space<vmem>>
        %dma_start3A_148 = arith.constant 0 : i32
        %dma_start3A_149 = arith.constant 0 : i32
        %dma_start3A_150 = tpu.memref_slice %arg19[%dma_start3A_148, %dma_start3A_149] : memref<10240x64xf32, #tpu.memory_space<vmem_shared>> -> memref<10240x64xf32, #tpu.memory_space<vmem_shared>>
        tpu.enqueue_indirect_dma source(%dma_start3A_144 : memref<128x64xf32, #tpu.memory_space<vmem>>) target(%dma_start3A_150 : memref<10240x64xf32, #tpu.memory_space<vmem_shared>>) offsets(%dma_start3A_147 : memref<128xi32, #tpu.memory_space<vmem>>) semaphore(%arg21 : memref<!tpu.dma_semaphore, #tpu.memory_space<semaphore_mem>>) {add = true}
      }
      %scan3A_69 = arith.constant 80 : i32
      %dma_wait3A = arith.constant 4 : i32
      %dma_wait3A_70 = arith.constant 76 : i32
      %dma_wait3A_71 = arith.constant 0 : i32
      %dma_wait3A_72 = arith.constant 0 : i32
      %dma_wait3A_73 = tpu.memref_slice %arg18[%dma_wait3A, %dma_wait3A_71, %dma_wait3A_72] : memref<8x128x64xf32, #tpu.memory_space<vmem>> -> memref<1x128x64xf32, #tpu.memory_space<vmem>>
      %dma_wait3A_74 = tpu.memref_squeeze %dma_wait3A_73 : memref<1x128x64xf32, #tpu.memory_space<vmem>> -> memref<128x64xf32, #tpu.memory_space<vmem>>
      %dma_wait3A_75 = arith.constant 0 : i32
      %dma_wait3A_76 = tpu.memref_slice %arg17[%dma_wait3A_70, %dma_wait3A_75] : memref<80x128xi32, #tpu.memory_space<vmem>> -> memref<1x128xi32, #tpu.memory_space<vmem>>
      %dma_wait3A_77 = tpu.memref_squeeze %dma_wait3A_76 : memref<1x128xi32, #tpu.memory_space<vmem>> -> memref<128xi32, #tpu.memory_space<vmem>>
      %dma_wait3A_78 = arith.constant 0 : i32
      %dma_wait3A_79 = arith.constant 0 : i32
      %dma_wait3A_80 = tpu.memref_slice %arg19[%dma_wait3A_78, %dma_wait3A_79] : memref<10240x64xf32, #tpu.memory_space<vmem_shared>> -> memref<10240x64xf32, #tpu.memory_space<vmem_shared>>
      tpu.wait_indirect_dma semaphore(%arg21 : memref<!tpu.dma_semaphore, #tpu.memory_space<semaphore_mem>>) src(%dma_wait3A_74 : memref<128x64xf32, #tpu.memory_space<vmem>>) dst(%dma_wait3A_80 : memref<10240x64xf32, #tpu.memory_space<vmem_shared>>)
      %dma_wait3A_81 = arith.constant 5 : i32
      %dma_wait3A_82 = arith.constant 77 : i32
      %dma_wait3A_83 = arith.constant 0 : i32
      %dma_wait3A_84 = arith.constant 0 : i32
      %dma_wait3A_85 = tpu.memref_slice %arg18[%dma_wait3A_81, %dma_wait3A_83, %dma_wait3A_84] : memref<8x128x64xf32, #tpu.memory_space<vmem>> -> memref<1x128x64xf32, #tpu.memory_space<vmem>>
      %dma_wait3A_86 = tpu.memref_squeeze %dma_wait3A_85 : memref<1x128x64xf32, #tpu.memory_space<vmem>> -> memref<128x64xf32, #tpu.memory_space<vmem>>
      %dma_wait3A_87 = arith.constant 0 : i32
      %dma_wait3A_88 = tpu.memref_slice %arg17[%dma_wait3A_82, %dma_wait3A_87] : memref<80x128xi32, #tpu.memory_space<vmem>> -> memref<1x128xi32, #tpu.memory_space<vmem>>
      %dma_wait3A_89 = tpu.memref_squeeze %dma_wait3A_88 : memref<1x128xi32, #tpu.memory_space<vmem>> -> memref<128xi32, #tpu.memory_space<vmem>>
      %dma_wait3A_90 = arith.constant 0 : i32
      %dma_wait3A_91 = arith.constant 0 : i32
      %dma_wait3A_92 = tpu.memref_slice %arg19[%dma_wait3A_90, %dma_wait3A_91] : memref<10240x64xf32, #tpu.memory_space<vmem_shared>> -> memref<10240x64xf32, #tpu.memory_space<vmem_shared>>
      tpu.wait_indirect_dma semaphore(%arg21 : memref<!tpu.dma_semaphore, #tpu.memory_space<semaphore_mem>>) src(%dma_wait3A_86 : memref<128x64xf32, #tpu.memory_space<vmem>>) dst(%dma_wait3A_92 : memref<10240x64xf32, #tpu.memory_space<vmem_shared>>)
      %dma_wait3A_93 = arith.constant 6 : i32
      %dma_wait3A_94 = arith.constant 78 : i32
      %dma_wait3A_95 = arith.constant 0 : i32
      %dma_wait3A_96 = arith.constant 0 : i32
      %dma_wait3A_97 = tpu.memref_slice %arg18[%dma_wait3A_93, %dma_wait3A_95, %dma_wait3A_96] : memref<8x128x64xf32, #tpu.memory_space<vmem>> -> memref<1x128x64xf32, #tpu.memory_space<vmem>>
      %dma_wait3A_98 = tpu.memref_squeeze %dma_wait3A_97 : memref<1x128x64xf32, #tpu.memory_space<vmem>> -> memref<128x64xf32, #tpu.memory_space<vmem>>
      %dma_wait3A_99 = arith.constant 0 : i32
      %dma_wait3A_100 = tpu.memref_slice %arg17[%dma_wait3A_94, %dma_wait3A_99] : memref<80x128xi32, #tpu.memory_space<vmem>> -> memref<1x128xi32, #tpu.memory_space<vmem>>
      %dma_wait3A_101 = tpu.memref_squeeze %dma_wait3A_100 : memref<1x128xi32, #tpu.memory_space<vmem>> -> memref<128xi32, #tpu.memory_space<vmem>>
      %dma_wait3A_102 = arith.constant 0 : i32
      %dma_wait3A_103 = arith.constant 0 : i32
      %dma_wait3A_104 = tpu.memref_slice %arg19[%dma_wait3A_102, %dma_wait3A_103] : memref<10240x64xf32, #tpu.memory_space<vmem_shared>> -> memref<10240x64xf32, #tpu.memory_space<vmem_shared>>
      tpu.wait_indirect_dma semaphore(%arg21 : memref<!tpu.dma_semaphore, #tpu.memory_space<semaphore_mem>>) src(%dma_wait3A_98 : memref<128x64xf32, #tpu.memory_space<vmem>>) dst(%dma_wait3A_104 : memref<10240x64xf32, #tpu.memory_space<vmem_shared>>)
      %dma_wait3A_105 = arith.constant 7 : i32
      %dma_wait3A_106 = arith.constant 79 : i32
      %dma_wait3A_107 = arith.constant 0 : i32
      %dma_wait3A_108 = arith.constant 0 : i32
      %dma_wait3A_109 = tpu.memref_slice %arg18[%dma_wait3A_105, %dma_wait3A_107, %dma_wait3A_108] : memref<8x128x64xf32, #tpu.memory_space<vmem>> -> memref<1x128x64xf32, #tpu.memory_space<vmem>>
      %dma_wait3A_110 = tpu.memref_squeeze %dma_wait3A_109 : memref<1x128x64xf32, #tpu.memory_space<vmem>> -> memref<128x64xf32, #tpu.memory_space<vmem>>
      %dma_wait3A_111 = arith.constant 0 : i32
      %dma_wait3A_112 = tpu.memref_slice %arg17[%dma_wait3A_106, %dma_wait3A_111] : memref<80x128xi32, #tpu.memory_space<vmem>> -> memref<1x128xi32, #tpu.memory_space<vmem>>
      %dma_wait3A_113 = tpu.memref_squeeze %dma_wait3A_112 : memref<1x128xi32, #tpu.memory_space<vmem>> -> memref<128xi32, #tpu.memory_space<vmem>>
      %dma_wait3A_114 = arith.constant 0 : i32
      %dma_wait3A_115 = arith.constant 0 : i32
      %dma_wait3A_116 = tpu.memref_slice %arg19[%dma_wait3A_114, %dma_wait3A_115] : memref<10240x64xf32, #tpu.memory_space<vmem_shared>> -> memref<10240x64xf32, #tpu.memory_space<vmem_shared>>
      tpu.wait_indirect_dma semaphore(%arg21 : memref<!tpu.dma_semaphore, #tpu.memory_space<semaphore_mem>>) src(%dma_wait3A_110 : memref<128x64xf32, #tpu.memory_space<vmem>>) dst(%dma_wait3A_116 : memref<10240x64xf32, #tpu.memory_space<vmem_shared>>)
      %barrier3A_117 = arith.constant 0 : index
      tpu.barrier barrier_id(%barrier3A_117)
      "tpu.region"() ({
        %run_scoped3A = tpu.sem_alloc : memref<!tpu.dma_semaphore, #tpu.memory_space<semaphore_mem>>
        %dma_start3A_118 = arith.constant 0 : i32
        %dma_start3A_119 = tpu.memref_slice %arg12[%mul3A_0, %dma_start3A_118] : memref<10240x64xf32, #tpu.memory_space<hbm>> -> memref<640x64xf32, #tpu.memory_space<hbm>>
        %dma_start3A_120 = arith.constant 0 : i32
        %dma_start3A_121 = tpu.memref_slice %arg19[%mul3A_0, %dma_start3A_120] : memref<10240x64xf32, #tpu.memory_space<vmem_shared>> -> memref<640x64xf32, #tpu.memory_space<vmem_shared>>
        tpu.enqueue_dma source(%dma_start3A_121 : memref<640x64xf32, #tpu.memory_space<vmem_shared>>) target(%dma_start3A_119 : memref<640x64xf32, #tpu.memory_space<hbm>>) target_semaphore(%run_scoped3A : memref<!tpu.dma_semaphore, #tpu.memory_space<semaphore_mem>>)
        %dma_wait3A_122 = arith.constant 0 : i32
        %dma_wait3A_123 = tpu.memref_slice %arg12[%mul3A_0, %dma_wait3A_122] : memref<10240x64xf32, #tpu.memory_space<hbm>> -> memref<640x64xf32, #tpu.memory_space<hbm>>
        %dma_wait3A_124 = arith.constant 0 : i32
        %dma_wait3A_125 = tpu.memref_slice %arg19[%mul3A_0, %dma_wait3A_124] : memref<10240x64xf32, #tpu.memory_space<vmem_shared>> -> memref<640x64xf32, #tpu.memory_space<vmem_shared>>
        tpu.wait_dma2 semaphore(%run_scoped3A : memref<!tpu.dma_semaphore, #tpu.memory_space<semaphore_mem>>) src(%dma_wait3A_125 : memref<640x64xf32, #tpu.memory_space<vmem_shared>>) dst(%dma_wait3A_123 : memref<640x64xf32, #tpu.memory_space<hbm>>)
        tpu.yield
      }) : () -> ()
    } else {
    }
    %eq3A_8 = arith.constant 0 : i32
    %eq3A_9 = arith.cmpi eq, %arg0, %eq3A_8 : i32
    %convert_element_type3A_10 = arith.extui %eq3A_9 : i1 to i32
    %cond3A_11 = arith.constant 0 : i32
    %cond3A_12 = arith.cmpi ne, %convert_element_type3A_10, %cond3A_11 : i32
    scf.if %cond3A_12 {
      "tpu.region"() ({
        %run_scoped3A = tpu.sem_alloc : memref<!tpu.dma_semaphore, #tpu.memory_space<semaphore_mem>>
        %dma_start3A_118 = arith.constant 0 : i32
        %dma_start3A_119 = tpu.memref_slice %arg19[%mul3A_0, %dma_start3A_118] : memref<10240x64xf32, #tpu.memory_space<vmem_shared>> -> memref<640x64xf32, #tpu.memory_space<vmem_shared>>
        %dma_start3A_120 = arith.constant 0 : i32
        %dma_start3A_121 = tpu.memref_slice %arg4[%mul3A_0, %dma_start3A_120] : memref<10240x64xf32, #tpu.memory_space<hbm>> -> memref<640x64xf32, #tpu.memory_space<hbm>>
        tpu.enqueue_dma source(%dma_start3A_121 : memref<640x64xf32, #tpu.memory_space<hbm>>) target(%dma_start3A_119 : memref<640x64xf32, #tpu.memory_space<vmem_shared>>) target_semaphore(%run_scoped3A : memref<!tpu.dma_semaphore, #tpu.memory_space<semaphore_mem>>)
        %dma_wait3A_122 = arith.constant 0 : i32
        %dma_wait3A_123 = tpu.memref_slice %arg19[%mul3A_0, %dma_wait3A_122] : memref<10240x64xf32, #tpu.memory_space<vmem_shared>> -> memref<640x64xf32, #tpu.memory_space<vmem_shared>>
        %dma_wait3A_124 = arith.constant 0 : i32
        %dma_wait3A_125 = tpu.memref_slice %arg4[%mul3A_0, %dma_wait3A_124] : memref<10240x64xf32, #tpu.memory_space<hbm>> -> memref<640x64xf32, #tpu.memory_space<hbm>>
        tpu.wait_dma2 semaphore(%run_scoped3A : memref<!tpu.dma_semaphore, #tpu.memory_space<semaphore_mem>>) src(%dma_wait3A_125 : memref<640x64xf32, #tpu.memory_space<hbm>>) dst(%dma_wait3A_123 : memref<640x64xf32, #tpu.memory_space<vmem_shared>>)
        tpu.yield
      }) : () -> ()
      %barrier3A = arith.constant 0 : index
      tpu.barrier barrier_id(%barrier3A)
      %dma_start3A = arith.constant 0 : i32
      %dma_start3A_18 = arith.constant 0 : i32
      %dma_start3A_19 = arith.constant 0 : i32
      %dma_start3A_20 = arith.constant 0 : i32
      %dma_start3A_21 = tpu.memref_slice %arg18[%dma_start3A_18, %dma_start3A_19, %dma_start3A_20] : memref<8x128x64xf32, #tpu.memory_space<vmem>> -> memref<1x128x64xf32, #tpu.memory_space<vmem>>
      %dma_start3A_22 = tpu.memref_squeeze %dma_start3A_21 : memref<1x128x64xf32, #tpu.memory_space<vmem>> -> memref<128x64xf32, #tpu.memory_space<vmem>>
      %dma_start3A_23 = arith.constant 0 : i32
      %dma_start3A_24 = tpu.memref_slice %arg16[%dma_start3A, %dma_start3A_23] : memref<80x128xi32, #tpu.memory_space<vmem>> -> memref<1x128xi32, #tpu.memory_space<vmem>>
      %dma_start3A_25 = tpu.memref_squeeze %dma_start3A_24 : memref<1x128xi32, #tpu.memory_space<vmem>> -> memref<128xi32, #tpu.memory_space<vmem>>
      %dma_start3A_26 = arith.constant 0 : i32
      %dma_start3A_27 = arith.constant 0 : i32
      %dma_start3A_28 = tpu.memref_slice %arg9[%dma_start3A_26, %dma_start3A_27] : memref<10000x64xf32, #tpu.memory_space<hbm>> -> memref<10000x64xf32, #tpu.memory_space<hbm>>
      tpu.enqueue_indirect_dma source(%dma_start3A_28 : memref<10000x64xf32, #tpu.memory_space<hbm>>) target(%dma_start3A_22 : memref<128x64xf32, #tpu.memory_space<vmem>>) offsets(%dma_start3A_25 : memref<128xi32, #tpu.memory_space<vmem>>) semaphore(%arg20 : memref<!tpu.dma_semaphore, #tpu.memory_space<semaphore_mem>>)
      %dma_start3A_29 = arith.constant 1 : i32
      %dma_start3A_30 = arith.constant 1 : i32
      %dma_start3A_31 = arith.constant 0 : i32
      %dma_start3A_32 = arith.constant 0 : i32
      %dma_start3A_33 = tpu.memref_slice %arg18[%dma_start3A_30, %dma_start3A_31, %dma_start3A_32] : memref<8x128x64xf32, #tpu.memory_space<vmem>> -> memref<1x128x64xf32, #tpu.memory_space<vmem>>
      %dma_start3A_34 = tpu.memref_squeeze %dma_start3A_33 : memref<1x128x64xf32, #tpu.memory_space<vmem>> -> memref<128x64xf32, #tpu.memory_space<vmem>>
      %dma_start3A_35 = arith.constant 0 : i32
      %dma_start3A_36 = tpu.memref_slice %arg16[%dma_start3A_29, %dma_start3A_35] : memref<80x128xi32, #tpu.memory_space<vmem>> -> memref<1x128xi32, #tpu.memory_space<vmem>>
      %dma_start3A_37 = tpu.memref_squeeze %dma_start3A_36 : memref<1x128xi32, #tpu.memory_space<vmem>> -> memref<128xi32, #tpu.memory_space<vmem>>
      %dma_start3A_38 = arith.constant 0 : i32
      %dma_start3A_39 = arith.constant 0 : i32
      %dma_start3A_40 = tpu.memref_slice %arg9[%dma_start3A_38, %dma_start3A_39] : memref<10000x64xf32, #tpu.memory_space<hbm>> -> memref<10000x64xf32, #tpu.memory_space<hbm>>
      tpu.enqueue_indirect_dma source(%dma_start3A_40 : memref<10000x64xf32, #tpu.memory_space<hbm>>) target(%dma_start3A_34 : memref<128x64xf32, #tpu.memory_space<vmem>>) offsets(%dma_start3A_37 : memref<128xi32, #tpu.memory_space<vmem>>) semaphore(%arg20 : memref<!tpu.dma_semaphore, #tpu.memory_space<semaphore_mem>>)
      %dma_start3A_41 = arith.constant 2 : i32
      %dma_start3A_42 = arith.constant 2 : i32
      %dma_start3A_43 = arith.constant 0 : i32
      %dma_start3A_44 = arith.constant 0 : i32
      %dma_start3A_45 = tpu.memref_slice %arg18[%dma_start3A_42, %dma_start3A_43, %dma_start3A_44] : memref<8x128x64xf32, #tpu.memory_space<vmem>> -> memref<1x128x64xf32, #tpu.memory_space<vmem>>
      %dma_start3A_46 = tpu.memref_squeeze %dma_start3A_45 : memref<1x128x64xf32, #tpu.memory_space<vmem>> -> memref<128x64xf32, #tpu.memory_space<vmem>>
      %dma_start3A_47 = arith.constant 0 : i32
      %dma_start3A_48 = tpu.memref_slice %arg16[%dma_start3A_41, %dma_start3A_47] : memref<80x128xi32, #tpu.memory_space<vmem>> -> memref<1x128xi32, #tpu.memory_space<vmem>>
      %dma_start3A_49 = tpu.memref_squeeze %dma_start3A_48 : memref<1x128xi32, #tpu.memory_space<vmem>> -> memref<128xi32, #tpu.memory_space<vmem>>
      %dma_start3A_50 = arith.constant 0 : i32
      %dma_start3A_51 = arith.constant 0 : i32
      %dma_start3A_52 = tpu.memref_slice %arg9[%dma_start3A_50, %dma_start3A_51] : memref<10000x64xf32, #tpu.memory_space<hbm>> -> memref<10000x64xf32, #tpu.memory_space<hbm>>
      tpu.enqueue_indirect_dma source(%dma_start3A_52 : memref<10000x64xf32, #tpu.memory_space<hbm>>) target(%dma_start3A_46 : memref<128x64xf32, #tpu.memory_space<vmem>>) offsets(%dma_start3A_49 : memref<128xi32, #tpu.memory_space<vmem>>) semaphore(%arg20 : memref<!tpu.dma_semaphore, #tpu.memory_space<semaphore_mem>>)
      %dma_start3A_53 = arith.constant 3 : i32
      %dma_start3A_54 = arith.constant 3 : i32
      %dma_start3A_55 = arith.constant 0 : i32
      %dma_start3A_56 = arith.constant 0 : i32
      %dma_start3A_57 = tpu.memref_slice %arg18[%dma_start3A_54, %dma_start3A_55, %dma_start3A_56] : memref<8x128x64xf32, #tpu.memory_space<vmem>> -> memref<1x128x64xf32, #tpu.memory_space<vmem>>
      %dma_start3A_58 = tpu.memref_squeeze %dma_start3A_57 : memref<1x128x64xf32, #tpu.memory_space<vmem>> -> memref<128x64xf32, #tpu.memory_space<vmem>>
      %dma_start3A_59 = arith.constant 0 : i32
      %dma_start3A_60 = tpu.memref_slice %arg16[%dma_start3A_53, %dma_start3A_59] : memref<80x128xi32, #tpu.memory_space<vmem>> -> memref<1x128xi32, #tpu.memory_space<vmem>>
      %dma_start3A_61 = tpu.memref_squeeze %dma_start3A_60 : memref<1x128xi32, #tpu.memory_space<vmem>> -> memref<128xi32, #tpu.memory_space<vmem>>
      %dma_start3A_62 = arith.constant 0 : i32
      %dma_start3A_63 = arith.constant 0 : i32
      %dma_start3A_64 = tpu.memref_slice %arg9[%dma_start3A_62, %dma_start3A_63] : memref<10000x64xf32, #tpu.memory_space<hbm>> -> memref<10000x64xf32, #tpu.memory_space<hbm>>
      tpu.enqueue_indirect_dma source(%dma_start3A_64 : memref<10000x64xf32, #tpu.memory_space<hbm>>) target(%dma_start3A_58 : memref<128x64xf32, #tpu.memory_space<vmem>>) offsets(%dma_start3A_61 : memref<128xi32, #tpu.memory_space<vmem>>) semaphore(%arg20 : memref<!tpu.dma_semaphore, #tpu.memory_space<semaphore_mem>>)
      %scan3A = arith.constant 0 : i32
      %scan3A_65 = arith.constant 0 : i32
      %scan3A_66 = arith.constant 80 : i32
      %scan3A_67 = arith.addi %scan3A_65, %scan3A_66 : i32
      %scan3A_68 = arith.constant 1 : i32
      scf.for %scan3A_118 = %scan3A_65 to %scan3A_67 step %scan3A_68  : i32 {
        %ge3A = arith.constant 4 : i32
        %ge3A_119 = arith.cmpi sge, %scan3A_118, %ge3A : i32
        %convert_element_type3A_120 = arith.extui %ge3A_119 : i1 to i32
        %cond3A_121 = arith.constant 0 : i32
        %cond3A_122 = arith.cmpi ne, %convert_element_type3A_120, %cond3A_121 : i32
        scf.if %cond3A_122 {
          %sub3A = arith.constant 4 : i32
          %sub3A_151 = arith.subi %scan3A_118, %sub3A : i32
          %rem3A_152 = arith.constant 8 : i32
          %rem3A_153 = arith.remsi %sub3A_151, %rem3A_152 : i32
          %sub3A_154 = arith.constant 4 : i32
          %sub3A_155 = arith.subi %scan3A_118, %sub3A_154 : i32
          %dma_wait3A_156 = arith.constant 0 : i32
          %dma_wait3A_157 = arith.constant 0 : i32
          %dma_wait3A_158 = tpu.memref_slice %arg18[%rem3A_153, %dma_wait3A_156, %dma_wait3A_157] : memref<8x128x64xf32, #tpu.memory_space<vmem>> -> memref<1x128x64xf32, #tpu.memory_space<vmem>>
          %dma_wait3A_159 = tpu.memref_squeeze %dma_wait3A_158 : memref<1x128x64xf32, #tpu.memory_space<vmem>> -> memref<128x64xf32, #tpu.memory_space<vmem>>
          %dma_wait3A_160 = arith.constant 0 : i32
          %dma_wait3A_161 = tpu.memref_slice %arg17[%sub3A_155, %dma_wait3A_160] : memref<80x128xi32, #tpu.memory_space<vmem>> -> memref<1x128xi32, #tpu.memory_space<vmem>>
          %dma_wait3A_162 = tpu.memref_squeeze %dma_wait3A_161 : memref<1x128xi32, #tpu.memory_space<vmem>> -> memref<128xi32, #tpu.memory_space<vmem>>
          %dma_wait3A_163 = arith.constant 0 : i32
          %dma_wait3A_164 = arith.constant 0 : i32
          %dma_wait3A_165 = tpu.memref_slice %arg19[%dma_wait3A_163, %dma_wait3A_164] : memref<10240x64xf32, #tpu.memory_space<vmem_shared>> -> memref<10240x64xf32, #tpu.memory_space<vmem_shared>>
          tpu.wait_indirect_dma semaphore(%arg21 : memref<!tpu.dma_semaphore, #tpu.memory_space<semaphore_mem>>) src(%dma_wait3A_159 : memref<128x64xf32, #tpu.memory_space<vmem>>) dst(%dma_wait3A_165 : memref<10240x64xf32, #tpu.memory_space<vmem_shared>>)
        } else {
        }
        %add3A = arith.constant 4 : i32
        %add3A_123 = arith.addi %scan3A_118, %add3A : i32
        %lt3A = arith.constant 80 : i32
        %lt3A_124 = arith.cmpi slt, %add3A_123, %lt3A : i32
        %convert_element_type3A_125 = arith.extui %lt3A_124 : i1 to i32
        %cond3A_126 = arith.constant 0 : i32
        %cond3A_127 = arith.cmpi ne, %convert_element_type3A_125, %cond3A_126 : i32
        scf.if %cond3A_127 {
          %add3A_151 = arith.constant 4 : i32
          %add3A_152 = arith.addi %scan3A_118, %add3A_151 : i32
          %add3A_153 = arith.constant 4 : i32
          %add3A_154 = arith.addi %scan3A_118, %add3A_153 : i32
          %rem3A_155 = arith.constant 8 : i32
          %rem3A_156 = arith.remsi %add3A_154, %rem3A_155 : i32
          %dma_start3A_157 = arith.constant 0 : i32
          %dma_start3A_158 = arith.constant 0 : i32
          %dma_start3A_159 = tpu.memref_slice %arg18[%rem3A_156, %dma_start3A_157, %dma_start3A_158] : memref<8x128x64xf32, #tpu.memory_space<vmem>> -> memref<1x128x64xf32, #tpu.memory_space<vmem>>
          %dma_start3A_160 = tpu.memref_squeeze %dma_start3A_159 : memref<1x128x64xf32, #tpu.memory_space<vmem>> -> memref<128x64xf32, #tpu.memory_space<vmem>>
          %dma_start3A_161 = arith.constant 0 : i32
          %dma_start3A_162 = tpu.memref_slice %arg16[%add3A_152, %dma_start3A_161] : memref<80x128xi32, #tpu.memory_space<vmem>> -> memref<1x128xi32, #tpu.memory_space<vmem>>
          %dma_start3A_163 = tpu.memref_squeeze %dma_start3A_162 : memref<1x128xi32, #tpu.memory_space<vmem>> -> memref<128xi32, #tpu.memory_space<vmem>>
          %dma_start3A_164 = arith.constant 0 : i32
          %dma_start3A_165 = arith.constant 0 : i32
          %dma_start3A_166 = tpu.memref_slice %arg9[%dma_start3A_164, %dma_start3A_165] : memref<10000x64xf32, #tpu.memory_space<hbm>> -> memref<10000x64xf32, #tpu.memory_space<hbm>>
          tpu.enqueue_indirect_dma source(%dma_start3A_166 : memref<10000x64xf32, #tpu.memory_space<hbm>>) target(%dma_start3A_160 : memref<128x64xf32, #tpu.memory_space<vmem>>) offsets(%dma_start3A_163 : memref<128xi32, #tpu.memory_space<vmem>>) semaphore(%arg20 : memref<!tpu.dma_semaphore, #tpu.memory_space<semaphore_mem>>)
        } else {
        }
        %rem3A = arith.constant 8 : i32
        %rem3A_128 = arith.remsi %scan3A_118, %rem3A : i32
        %dma_wait3A_129 = arith.constant 0 : i32
        %dma_wait3A_130 = arith.constant 0 : i32
        %dma_wait3A_131 = tpu.memref_slice %arg18[%rem3A_128, %dma_wait3A_129, %dma_wait3A_130] : memref<8x128x64xf32, #tpu.memory_space<vmem>> -> memref<1x128x64xf32, #tpu.memory_space<vmem>>
        %dma_wait3A_132 = tpu.memref_squeeze %dma_wait3A_131 : memref<1x128x64xf32, #tpu.memory_space<vmem>> -> memref<128x64xf32, #tpu.memory_space<vmem>>
        %dma_wait3A_133 = arith.constant 0 : i32
        %dma_wait3A_134 = tpu.memref_slice %arg16[%scan3A_118, %dma_wait3A_133] : memref<80x128xi32, #tpu.memory_space<vmem>> -> memref<1x128xi32, #tpu.memory_space<vmem>>
        %dma_wait3A_135 = tpu.memref_squeeze %dma_wait3A_134 : memref<1x128xi32, #tpu.memory_space<vmem>> -> memref<128xi32, #tpu.memory_space<vmem>>
        %dma_wait3A_136 = arith.constant 0 : i32
        %dma_wait3A_137 = arith.constant 0 : i32
        %dma_wait3A_138 = tpu.memref_slice %arg9[%dma_wait3A_136, %dma_wait3A_137] : memref<10000x64xf32, #tpu.memory_space<hbm>> -> memref<10000x64xf32, #tpu.memory_space<hbm>>
        tpu.wait_indirect_dma semaphore(%arg20 : memref<!tpu.dma_semaphore, #tpu.memory_space<semaphore_mem>>) src(%dma_wait3A_138 : memref<10000x64xf32, #tpu.memory_space<hbm>>) dst(%dma_wait3A_132 : memref<128x64xf32, #tpu.memory_space<vmem>>)
        %rem3A_139 = arith.constant 8 : i32
        %rem3A_140 = arith.remsi %scan3A_118, %rem3A_139 : i32
        %dma_start3A_141 = arith.constant 0 : i32
        %dma_start3A_142 = arith.constant 0 : i32
        %dma_start3A_143 = tpu.memref_slice %arg18[%rem3A_140, %dma_start3A_141, %dma_start3A_142] : memref<8x128x64xf32, #tpu.memory_space<vmem>> -> memref<1x128x64xf32, #tpu.memory_space<vmem>>
        %dma_start3A_144 = tpu.memref_squeeze %dma_start3A_143 : memref<1x128x64xf32, #tpu.memory_space<vmem>> -> memref<128x64xf32, #tpu.memory_space<vmem>>
        %dma_start3A_145 = arith.constant 0 : i32
        %dma_start3A_146 = tpu.memref_slice %arg17[%scan3A_118, %dma_start3A_145] : memref<80x128xi32, #tpu.memory_space<vmem>> -> memref<1x128xi32, #tpu.memory_space<vmem>>
        %dma_start3A_147 = tpu.memref_squeeze %dma_start3A_146 : memref<1x128xi32, #tpu.memory_space<vmem>> -> memref<128xi32, #tpu.memory_space<vmem>>
        %dma_start3A_148 = arith.constant 0 : i32
        %dma_start3A_149 = arith.constant 0 : i32
        %dma_start3A_150 = tpu.memref_slice %arg19[%dma_start3A_148, %dma_start3A_149] : memref<10240x64xf32, #tpu.memory_space<vmem_shared>> -> memref<10240x64xf32, #tpu.memory_space<vmem_shared>>
        tpu.enqueue_indirect_dma source(%dma_start3A_144 : memref<128x64xf32, #tpu.memory_space<vmem>>) target(%dma_start3A_150 : memref<10240x64xf32, #tpu.memory_space<vmem_shared>>) offsets(%dma_start3A_147 : memref<128xi32, #tpu.memory_space<vmem>>) semaphore(%arg21 : memref<!tpu.dma_semaphore, #tpu.memory_space<semaphore_mem>>) {add = true}
      }
      %scan3A_69 = arith.constant 80 : i32
      %dma_wait3A = arith.constant 4 : i32
      %dma_wait3A_70 = arith.constant 76 : i32
      %dma_wait3A_71 = arith.constant 0 : i32
      %dma_wait3A_72 = arith.constant 0 : i32
      %dma_wait3A_73 = tpu.memref_slice %arg18[%dma_wait3A, %dma_wait3A_71, %dma_wait3A_72] : memref<8x128x64xf32, #tpu.memory_space<vmem>> -> memref<1x128x64xf32, #tpu.memory_space<vmem>>
      %dma_wait3A_74 = tpu.memref_squeeze %dma_wait3A_73 : memref<1x128x64xf32, #tpu.memory_space<vmem>> -> memref<128x64xf32, #tpu.memory_space<vmem>>
      %dma_wait3A_75 = arith.constant 0 : i32
      %dma_wait3A_76 = tpu.memref_slice %arg17[%dma_wait3A_70, %dma_wait3A_75] : memref<80x128xi32, #tpu.memory_space<vmem>> -> memref<1x128xi32, #tpu.memory_space<vmem>>
      %dma_wait3A_77 = tpu.memref_squeeze %dma_wait3A_76 : memref<1x128xi32, #tpu.memory_space<vmem>> -> memref<128xi32, #tpu.memory_space<vmem>>
      %dma_wait3A_78 = arith.constant 0 : i32
      %dma_wait3A_79 = arith.constant 0 : i32
      %dma_wait3A_80 = tpu.memref_slice %arg19[%dma_wait3A_78, %dma_wait3A_79] : memref<10240x64xf32, #tpu.memory_space<vmem_shared>> -> memref<10240x64xf32, #tpu.memory_space<vmem_shared>>
      tpu.wait_indirect_dma semaphore(%arg21 : memref<!tpu.dma_semaphore, #tpu.memory_space<semaphore_mem>>) src(%dma_wait3A_74 : memref<128x64xf32, #tpu.memory_space<vmem>>) dst(%dma_wait3A_80 : memref<10240x64xf32, #tpu.memory_space<vmem_shared>>)
      %dma_wait3A_81 = arith.constant 5 : i32
      %dma_wait3A_82 = arith.constant 77 : i32
      %dma_wait3A_83 = arith.constant 0 : i32
      %dma_wait3A_84 = arith.constant 0 : i32
      %dma_wait3A_85 = tpu.memref_slice %arg18[%dma_wait3A_81, %dma_wait3A_83, %dma_wait3A_84] : memref<8x128x64xf32, #tpu.memory_space<vmem>> -> memref<1x128x64xf32, #tpu.memory_space<vmem>>
      %dma_wait3A_86 = tpu.memref_squeeze %dma_wait3A_85 : memref<1x128x64xf32, #tpu.memory_space<vmem>> -> memref<128x64xf32, #tpu.memory_space<vmem>>
      %dma_wait3A_87 = arith.constant 0 : i32
      %dma_wait3A_88 = tpu.memref_slice %arg17[%dma_wait3A_82, %dma_wait3A_87] : memref<80x128xi32, #tpu.memory_space<vmem>> -> memref<1x128xi32, #tpu.memory_space<vmem>>
      %dma_wait3A_89 = tpu.memref_squeeze %dma_wait3A_88 : memref<1x128xi32, #tpu.memory_space<vmem>> -> memref<128xi32, #tpu.memory_space<vmem>>
      %dma_wait3A_90 = arith.constant 0 : i32
      %dma_wait3A_91 = arith.constant 0 : i32
      %dma_wait3A_92 = tpu.memref_slice %arg19[%dma_wait3A_90, %dma_wait3A_91] : memref<10240x64xf32, #tpu.memory_space<vmem_shared>> -> memref<10240x64xf32, #tpu.memory_space<vmem_shared>>
      tpu.wait_indirect_dma semaphore(%arg21 : memref<!tpu.dma_semaphore, #tpu.memory_space<semaphore_mem>>) src(%dma_wait3A_86 : memref<128x64xf32, #tpu.memory_space<vmem>>) dst(%dma_wait3A_92 : memref<10240x64xf32, #tpu.memory_space<vmem_shared>>)
      %dma_wait3A_93 = arith.constant 6 : i32
      %dma_wait3A_94 = arith.constant 78 : i32
      %dma_wait3A_95 = arith.constant 0 : i32
      %dma_wait3A_96 = arith.constant 0 : i32
      %dma_wait3A_97 = tpu.memref_slice %arg18[%dma_wait3A_93, %dma_wait3A_95, %dma_wait3A_96] : memref<8x128x64xf32, #tpu.memory_space<vmem>> -> memref<1x128x64xf32, #tpu.memory_space<vmem>>
      %dma_wait3A_98 = tpu.memref_squeeze %dma_wait3A_97 : memref<1x128x64xf32, #tpu.memory_space<vmem>> -> memref<128x64xf32, #tpu.memory_space<vmem>>
      %dma_wait3A_99 = arith.constant 0 : i32
      %dma_wait3A_100 = tpu.memref_slice %arg17[%dma_wait3A_94, %dma_wait3A_99] : memref<80x128xi32, #tpu.memory_space<vmem>> -> memref<1x128xi32, #tpu.memory_space<vmem>>
      %dma_wait3A_101 = tpu.memref_squeeze %dma_wait3A_100 : memref<1x128xi32, #tpu.memory_space<vmem>> -> memref<128xi32, #tpu.memory_space<vmem>>
      %dma_wait3A_102 = arith.constant 0 : i32
      %dma_wait3A_103 = arith.constant 0 : i32
      %dma_wait3A_104 = tpu.memref_slice %arg19[%dma_wait3A_102, %dma_wait3A_103] : memref<10240x64xf32, #tpu.memory_space<vmem_shared>> -> memref<10240x64xf32, #tpu.memory_space<vmem_shared>>
      tpu.wait_indirect_dma semaphore(%arg21 : memref<!tpu.dma_semaphore, #tpu.memory_space<semaphore_mem>>) src(%dma_wait3A_98 : memref<128x64xf32, #tpu.memory_space<vmem>>) dst(%dma_wait3A_104 : memref<10240x64xf32, #tpu.memory_space<vmem_shared>>)
      %dma_wait3A_105 = arith.constant 7 : i32
      %dma_wait3A_106 = arith.constant 79 : i32
      %dma_wait3A_107 = arith.constant 0 : i32
      %dma_wait3A_108 = arith.constant 0 : i32
      %dma_wait3A_109 = tpu.memref_slice %arg18[%dma_wait3A_105, %dma_wait3A_107, %dma_wait3A_108] : memref<8x128x64xf32, #tpu.memory_space<vmem>> -> memref<1x128x64xf32, #tpu.memory_space<vmem>>
      %dma_wait3A_110 = tpu.memref_squeeze %dma_wait3A_109 : memref<1x128x64xf32, #tpu.memory_space<vmem>> -> memref<128x64xf32, #tpu.memory_space<vmem>>
      %dma_wait3A_111 = arith.constant 0 : i32
      %dma_wait3A_112 = tpu.memref_slice %arg17[%dma_wait3A_106, %dma_wait3A_111] : memref<80x128xi32, #tpu.memory_space<vmem>> -> memref<1x128xi32, #tpu.memory_space<vmem>>
      %dma_wait3A_113 = tpu.memref_squeeze %dma_wait3A_112 : memref<1x128xi32, #tpu.memory_space<vmem>> -> memref<128xi32, #tpu.memory_space<vmem>>
      %dma_wait3A_114 = arith.constant 0 : i32
      %dma_wait3A_115 = arith.constant 0 : i32
      %dma_wait3A_116 = tpu.memref_slice %arg19[%dma_wait3A_114, %dma_wait3A_115] : memref<10240x64xf32, #tpu.memory_space<vmem_shared>> -> memref<10240x64xf32, #tpu.memory_space<vmem_shared>>
      tpu.wait_indirect_dma semaphore(%arg21 : memref<!tpu.dma_semaphore, #tpu.memory_space<semaphore_mem>>) src(%dma_wait3A_110 : memref<128x64xf32, #tpu.memory_space<vmem>>) dst(%dma_wait3A_116 : memref<10240x64xf32, #tpu.memory_space<vmem_shared>>)
      %barrier3A_117 = arith.constant 0 : index
      tpu.barrier barrier_id(%barrier3A_117)
      "tpu.region"() ({
        %run_scoped3A = tpu.sem_alloc : memref<!tpu.dma_semaphore, #tpu.memory_space<semaphore_mem>>
        %dma_start3A_118 = arith.constant 0 : i32
        %dma_start3A_119 = tpu.memref_slice %arg13[%mul3A_0, %dma_start3A_118] : memref<10240x64xf32, #tpu.memory_space<hbm>> -> memref<640x64xf32, #tpu.memory_space<hbm>>
        %dma_start3A_120 = arith.constant 0 : i32
        %dma_start3A_121 = tpu.memref_slice %arg19[%mul3A_0, %dma_start3A_120] : memref<10240x64xf32, #tpu.memory_space<vmem_shared>> -> memref<640x64xf32, #tpu.memory_space<vmem_shared>>
        tpu.enqueue_dma source(%dma_start3A_121 : memref<640x64xf32, #tpu.memory_space<vmem_shared>>) target(%dma_start3A_119 : memref<640x64xf32, #tpu.memory_space<hbm>>) target_semaphore(%run_scoped3A : memref<!tpu.dma_semaphore, #tpu.memory_space<semaphore_mem>>)
        %dma_wait3A_122 = arith.constant 0 : i32
        %dma_wait3A_123 = tpu.memref_slice %arg13[%mul3A_0, %dma_wait3A_122] : memref<10240x64xf32, #tpu.memory_space<hbm>> -> memref<640x64xf32, #tpu.memory_space<hbm>>
        %dma_wait3A_124 = arith.constant 0 : i32
        %dma_wait3A_125 = tpu.memref_slice %arg19[%mul3A_0, %dma_wait3A_124] : memref<10240x64xf32, #tpu.memory_space<vmem_shared>> -> memref<640x64xf32, #tpu.memory_space<vmem_shared>>
        tpu.wait_dma2 semaphore(%run_scoped3A : memref<!tpu.dma_semaphore, #tpu.memory_space<semaphore_mem>>) src(%dma_wait3A_125 : memref<640x64xf32, #tpu.memory_space<vmem_shared>>) dst(%dma_wait3A_123 : memref<640x64xf32, #tpu.memory_space<hbm>>)
        tpu.yield
      }) : () -> ()
    } else {
    }
    %eq3A_13 = arith.constant 1 : i32
    %eq3A_14 = arith.cmpi eq, %arg0, %eq3A_13 : i32
    %convert_element_type3A_15 = arith.extui %eq3A_14 : i1 to i32
    %cond3A_16 = arith.constant 0 : i32
    %cond3A_17 = arith.cmpi ne, %convert_element_type3A_15, %cond3A_16 : i32
    scf.if %cond3A_17 {
      "tpu.region"() ({
        %run_scoped3A = tpu.sem_alloc : memref<!tpu.dma_semaphore, #tpu.memory_space<semaphore_mem>>
        %dma_start3A_118 = arith.constant 0 : i32
        %dma_start3A_119 = tpu.memref_slice %arg19[%mul3A_0, %dma_start3A_118] : memref<10240x64xf32, #tpu.memory_space<vmem_shared>> -> memref<640x64xf32, #tpu.memory_space<vmem_shared>>
        %dma_start3A_120 = arith.constant 0 : i32
        %dma_start3A_121 = tpu.memref_slice %arg4[%mul3A_0, %dma_start3A_120] : memref<10240x64xf32, #tpu.memory_space<hbm>> -> memref<640x64xf32, #tpu.memory_space<hbm>>
        tpu.enqueue_dma source(%dma_start3A_121 : memref<640x64xf32, #tpu.memory_space<hbm>>) target(%dma_start3A_119 : memref<640x64xf32, #tpu.memory_space<vmem_shared>>) target_semaphore(%run_scoped3A : memref<!tpu.dma_semaphore, #tpu.memory_space<semaphore_mem>>)
        %dma_wait3A_122 = arith.constant 0 : i32
        %dma_wait3A_123 = tpu.memref_slice %arg19[%mul3A_0, %dma_wait3A_122] : memref<10240x64xf32, #tpu.memory_space<vmem_shared>> -> memref<640x64xf32, #tpu.memory_space<vmem_shared>>
        %dma_wait3A_124 = arith.constant 0 : i32
        %dma_wait3A_125 = tpu.memref_slice %arg4[%mul3A_0, %dma_wait3A_124] : memref<10240x64xf32, #tpu.memory_space<hbm>> -> memref<640x64xf32, #tpu.memory_space<hbm>>
        tpu.wait_dma2 semaphore(%run_scoped3A : memref<!tpu.dma_semaphore, #tpu.memory_space<semaphore_mem>>) src(%dma_wait3A_125 : memref<640x64xf32, #tpu.memory_space<hbm>>) dst(%dma_wait3A_123 : memref<640x64xf32, #tpu.memory_space<vmem_shared>>)
        tpu.yield
      }) : () -> ()
      %barrier3A = arith.constant 0 : index
      tpu.barrier barrier_id(%barrier3A)
      %dma_start3A = arith.constant 0 : i32
      %dma_start3A_18 = arith.constant 0 : i32
      %dma_start3A_19 = arith.constant 0 : i32
      %dma_start3A_20 = arith.constant 0 : i32
      %dma_start3A_21 = tpu.memref_slice %arg18[%dma_start3A_18, %dma_start3A_19, %dma_start3A_20] : memref<8x128x64xf32, #tpu.memory_space<vmem>> -> memref<1x128x64xf32, #tpu.memory_space<vmem>>
      %dma_start3A_22 = tpu.memref_squeeze %dma_start3A_21 : memref<1x128x64xf32, #tpu.memory_space<vmem>> -> memref<128x64xf32, #tpu.memory_space<vmem>>
      %dma_start3A_23 = arith.constant 0 : i32
      %dma_start3A_24 = tpu.memref_slice %arg16[%dma_start3A, %dma_start3A_23] : memref<80x128xi32, #tpu.memory_space<vmem>> -> memref<1x128xi32, #tpu.memory_space<vmem>>
      %dma_start3A_25 = tpu.memref_squeeze %dma_start3A_24 : memref<1x128xi32, #tpu.memory_space<vmem>> -> memref<128xi32, #tpu.memory_space<vmem>>
      %dma_start3A_26 = arith.constant 0 : i32
      %dma_start3A_27 = arith.constant 0 : i32
      %dma_start3A_28 = tpu.memref_slice %arg10[%dma_start3A_26, %dma_start3A_27] : memref<10000x64xf32, #tpu.memory_space<hbm>> -> memref<10000x64xf32, #tpu.memory_space<hbm>>
      tpu.enqueue_indirect_dma source(%dma_start3A_28 : memref<10000x64xf32, #tpu.memory_space<hbm>>) target(%dma_start3A_22 : memref<128x64xf32, #tpu.memory_space<vmem>>) offsets(%dma_start3A_25 : memref<128xi32, #tpu.memory_space<vmem>>) semaphore(%arg20 : memref<!tpu.dma_semaphore, #tpu.memory_space<semaphore_mem>>)
      %dma_start3A_29 = arith.constant 1 : i32
      %dma_start3A_30 = arith.constant 1 : i32
      %dma_start3A_31 = arith.constant 0 : i32
      %dma_start3A_32 = arith.constant 0 : i32
      %dma_start3A_33 = tpu.memref_slice %arg18[%dma_start3A_30, %dma_start3A_31, %dma_start3A_32] : memref<8x128x64xf32, #tpu.memory_space<vmem>> -> memref<1x128x64xf32, #tpu.memory_space<vmem>>
      %dma_start3A_34 = tpu.memref_squeeze %dma_start3A_33 : memref<1x128x64xf32, #tpu.memory_space<vmem>> -> memref<128x64xf32, #tpu.memory_space<vmem>>
      %dma_start3A_35 = arith.constant 0 : i32
      %dma_start3A_36 = tpu.memref_slice %arg16[%dma_start3A_29, %dma_start3A_35] : memref<80x128xi32, #tpu.memory_space<vmem>> -> memref<1x128xi32, #tpu.memory_space<vmem>>
      %dma_start3A_37 = tpu.memref_squeeze %dma_start3A_36 : memref<1x128xi32, #tpu.memory_space<vmem>> -> memref<128xi32, #tpu.memory_space<vmem>>
      %dma_start3A_38 = arith.constant 0 : i32
      %dma_start3A_39 = arith.constant 0 : i32
      %dma_start3A_40 = tpu.memref_slice %arg10[%dma_start3A_38, %dma_start3A_39] : memref<10000x64xf32, #tpu.memory_space<hbm>> -> memref<10000x64xf32, #tpu.memory_space<hbm>>
      tpu.enqueue_indirect_dma source(%dma_start3A_40 : memref<10000x64xf32, #tpu.memory_space<hbm>>) target(%dma_start3A_34 : memref<128x64xf32, #tpu.memory_space<vmem>>) offsets(%dma_start3A_37 : memref<128xi32, #tpu.memory_space<vmem>>) semaphore(%arg20 : memref<!tpu.dma_semaphore, #tpu.memory_space<semaphore_mem>>)
      %dma_start3A_41 = arith.constant 2 : i32
      %dma_start3A_42 = arith.constant 2 : i32
      %dma_start3A_43 = arith.constant 0 : i32
      %dma_start3A_44 = arith.constant 0 : i32
      %dma_start3A_45 = tpu.memref_slice %arg18[%dma_start3A_42, %dma_start3A_43, %dma_start3A_44] : memref<8x128x64xf32, #tpu.memory_space<vmem>> -> memref<1x128x64xf32, #tpu.memory_space<vmem>>
      %dma_start3A_46 = tpu.memref_squeeze %dma_start3A_45 : memref<1x128x64xf32, #tpu.memory_space<vmem>> -> memref<128x64xf32, #tpu.memory_space<vmem>>
      %dma_start3A_47 = arith.constant 0 : i32
      %dma_start3A_48 = tpu.memref_slice %arg16[%dma_start3A_41, %dma_start3A_47] : memref<80x128xi32, #tpu.memory_space<vmem>> -> memref<1x128xi32, #tpu.memory_space<vmem>>
      %dma_start3A_49 = tpu.memref_squeeze %dma_start3A_48 : memref<1x128xi32, #tpu.memory_space<vmem>> -> memref<128xi32, #tpu.memory_space<vmem>>
      %dma_start3A_50 = arith.constant 0 : i32
      %dma_start3A_51 = arith.constant 0 : i32
      %dma_start3A_52 = tpu.memref_slice %arg10[%dma_start3A_50, %dma_start3A_51] : memref<10000x64xf32, #tpu.memory_space<hbm>> -> memref<10000x64xf32, #tpu.memory_space<hbm>>
      tpu.enqueue_indirect_dma source(%dma_start3A_52 : memref<10000x64xf32, #tpu.memory_space<hbm>>) target(%dma_start3A_46 : memref<128x64xf32, #tpu.memory_space<vmem>>) offsets(%dma_start3A_49 : memref<128xi32, #tpu.memory_space<vmem>>) semaphore(%arg20 : memref<!tpu.dma_semaphore, #tpu.memory_space<semaphore_mem>>)
      %dma_start3A_53 = arith.constant 3 : i32
      %dma_start3A_54 = arith.constant 3 : i32
      %dma_start3A_55 = arith.constant 0 : i32
      %dma_start3A_56 = arith.constant 0 : i32
      %dma_start3A_57 = tpu.memref_slice %arg18[%dma_start3A_54, %dma_start3A_55, %dma_start3A_56] : memref<8x128x64xf32, #tpu.memory_space<vmem>> -> memref<1x128x64xf32, #tpu.memory_space<vmem>>
      %dma_start3A_58 = tpu.memref_squeeze %dma_start3A_57 : memref<1x128x64xf32, #tpu.memory_space<vmem>> -> memref<128x64xf32, #tpu.memory_space<vmem>>
      %dma_start3A_59 = arith.constant 0 : i32
      %dma_start3A_60 = tpu.memref_slice %arg16[%dma_start3A_53, %dma_start3A_59] : memref<80x128xi32, #tpu.memory_space<vmem>> -> memref<1x128xi32, #tpu.memory_space<vmem>>
      %dma_start3A_61 = tpu.memref_squeeze %dma_start3A_60 : memref<1x128xi32, #tpu.memory_space<vmem>> -> memref<128xi32, #tpu.memory_space<vmem>>
      %dma_start3A_62 = arith.constant 0 : i32
      %dma_start3A_63 = arith.constant 0 : i32
      %dma_start3A_64 = tpu.memref_slice %arg10[%dma_start3A_62, %dma_start3A_63] : memref<10000x64xf32, #tpu.memory_space<hbm>> -> memref<10000x64xf32, #tpu.memory_space<hbm>>
      tpu.enqueue_indirect_dma source(%dma_start3A_64 : memref<10000x64xf32, #tpu.memory_space<hbm>>) target(%dma_start3A_58 : memref<128x64xf32, #tpu.memory_space<vmem>>) offsets(%dma_start3A_61 : memref<128xi32, #tpu.memory_space<vmem>>) semaphore(%arg20 : memref<!tpu.dma_semaphore, #tpu.memory_space<semaphore_mem>>)
      %scan3A = arith.constant 0 : i32
      %scan3A_65 = arith.constant 0 : i32
      %scan3A_66 = arith.constant 80 : i32
      %scan3A_67 = arith.addi %scan3A_65, %scan3A_66 : i32
      %scan3A_68 = arith.constant 1 : i32
      scf.for %scan3A_118 = %scan3A_65 to %scan3A_67 step %scan3A_68  : i32 {
        %ge3A = arith.constant 4 : i32
        %ge3A_119 = arith.cmpi sge, %scan3A_118, %ge3A : i32
        %convert_element_type3A_120 = arith.extui %ge3A_119 : i1 to i32
        %cond3A_121 = arith.constant 0 : i32
        %cond3A_122 = arith.cmpi ne, %convert_element_type3A_120, %cond3A_121 : i32
        scf.if %cond3A_122 {
          %sub3A = arith.constant 4 : i32
          %sub3A_151 = arith.subi %scan3A_118, %sub3A : i32
          %rem3A_152 = arith.constant 8 : i32
          %rem3A_153 = arith.remsi %sub3A_151, %rem3A_152 : i32
          %sub3A_154 = arith.constant 4 : i32
          %sub3A_155 = arith.subi %scan3A_118, %sub3A_154 : i32
          %dma_wait3A_156 = arith.constant 0 : i32
          %dma_wait3A_157 = arith.constant 0 : i32
          %dma_wait3A_158 = tpu.memref_slice %arg18[%rem3A_153, %dma_wait3A_156, %dma_wait3A_157] : memref<8x128x64xf32, #tpu.memory_space<vmem>> -> memref<1x128x64xf32, #tpu.memory_space<vmem>>
          %dma_wait3A_159 = tpu.memref_squeeze %dma_wait3A_158 : memref<1x128x64xf32, #tpu.memory_space<vmem>> -> memref<128x64xf32, #tpu.memory_space<vmem>>
          %dma_wait3A_160 = arith.constant 0 : i32
          %dma_wait3A_161 = tpu.memref_slice %arg17[%sub3A_155, %dma_wait3A_160] : memref<80x128xi32, #tpu.memory_space<vmem>> -> memref<1x128xi32, #tpu.memory_space<vmem>>
          %dma_wait3A_162 = tpu.memref_squeeze %dma_wait3A_161 : memref<1x128xi32, #tpu.memory_space<vmem>> -> memref<128xi32, #tpu.memory_space<vmem>>
          %dma_wait3A_163 = arith.constant 0 : i32
          %dma_wait3A_164 = arith.constant 0 : i32
          %dma_wait3A_165 = tpu.memref_slice %arg19[%dma_wait3A_163, %dma_wait3A_164] : memref<10240x64xf32, #tpu.memory_space<vmem_shared>> -> memref<10240x64xf32, #tpu.memory_space<vmem_shared>>
          tpu.wait_indirect_dma semaphore(%arg21 : memref<!tpu.dma_semaphore, #tpu.memory_space<semaphore_mem>>) src(%dma_wait3A_159 : memref<128x64xf32, #tpu.memory_space<vmem>>) dst(%dma_wait3A_165 : memref<10240x64xf32, #tpu.memory_space<vmem_shared>>)
        } else {
        }
        %add3A = arith.constant 4 : i32
        %add3A_123 = arith.addi %scan3A_118, %add3A : i32
        %lt3A = arith.constant 80 : i32
        %lt3A_124 = arith.cmpi slt, %add3A_123, %lt3A : i32
        %convert_element_type3A_125 = arith.extui %lt3A_124 : i1 to i32
        %cond3A_126 = arith.constant 0 : i32
        %cond3A_127 = arith.cmpi ne, %convert_element_type3A_125, %cond3A_126 : i32
        scf.if %cond3A_127 {
          %add3A_151 = arith.constant 4 : i32
          %add3A_152 = arith.addi %scan3A_118, %add3A_151 : i32
          %add3A_153 = arith.constant 4 : i32
          %add3A_154 = arith.addi %scan3A_118, %add3A_153 : i32
          %rem3A_155 = arith.constant 8 : i32
          %rem3A_156 = arith.remsi %add3A_154, %rem3A_155 : i32
          %dma_start3A_157 = arith.constant 0 : i32
          %dma_start3A_158 = arith.constant 0 : i32
          %dma_start3A_159 = tpu.memref_slice %arg18[%rem3A_156, %dma_start3A_157, %dma_start3A_158] : memref<8x128x64xf32, #tpu.memory_space<vmem>> -> memref<1x128x64xf32, #tpu.memory_space<vmem>>
          %dma_start3A_160 = tpu.memref_squeeze %dma_start3A_159 : memref<1x128x64xf32, #tpu.memory_space<vmem>> -> memref<128x64xf32, #tpu.memory_space<vmem>>
          %dma_start3A_161 = arith.constant 0 : i32
          %dma_start3A_162 = tpu.memref_slice %arg16[%add3A_152, %dma_start3A_161] : memref<80x128xi32, #tpu.memory_space<vmem>> -> memref<1x128xi32, #tpu.memory_space<vmem>>
          %dma_start3A_163 = tpu.memref_squeeze %dma_start3A_162 : memref<1x128xi32, #tpu.memory_space<vmem>> -> memref<128xi32, #tpu.memory_space<vmem>>
          %dma_start3A_164 = arith.constant 0 : i32
          %dma_start3A_165 = arith.constant 0 : i32
          %dma_start3A_166 = tpu.memref_slice %arg10[%dma_start3A_164, %dma_start3A_165] : memref<10000x64xf32, #tpu.memory_space<hbm>> -> memref<10000x64xf32, #tpu.memory_space<hbm>>
          tpu.enqueue_indirect_dma source(%dma_start3A_166 : memref<10000x64xf32, #tpu.memory_space<hbm>>) target(%dma_start3A_160 : memref<128x64xf32, #tpu.memory_space<vmem>>) offsets(%dma_start3A_163 : memref<128xi32, #tpu.memory_space<vmem>>) semaphore(%arg20 : memref<!tpu.dma_semaphore, #tpu.memory_space<semaphore_mem>>)
        } else {
        }
        %rem3A = arith.constant 8 : i32
        %rem3A_128 = arith.remsi %scan3A_118, %rem3A : i32
        %dma_wait3A_129 = arith.constant 0 : i32
        %dma_wait3A_130 = arith.constant 0 : i32
        %dma_wait3A_131 = tpu.memref_slice %arg18[%rem3A_128, %dma_wait3A_129, %dma_wait3A_130] : memref<8x128x64xf32, #tpu.memory_space<vmem>> -> memref<1x128x64xf32, #tpu.memory_space<vmem>>
        %dma_wait3A_132 = tpu.memref_squeeze %dma_wait3A_131 : memref<1x128x64xf32, #tpu.memory_space<vmem>> -> memref<128x64xf32, #tpu.memory_space<vmem>>
        %dma_wait3A_133 = arith.constant 0 : i32
        %dma_wait3A_134 = tpu.memref_slice %arg16[%scan3A_118, %dma_wait3A_133] : memref<80x128xi32, #tpu.memory_space<vmem>> -> memref<1x128xi32, #tpu.memory_space<vmem>>
        %dma_wait3A_135 = tpu.memref_squeeze %dma_wait3A_134 : memref<1x128xi32, #tpu.memory_space<vmem>> -> memref<128xi32, #tpu.memory_space<vmem>>
        %dma_wait3A_136 = arith.constant 0 : i32
        %dma_wait3A_137 = arith.constant 0 : i32
        %dma_wait3A_138 = tpu.memref_slice %arg10[%dma_wait3A_136, %dma_wait3A_137] : memref<10000x64xf32, #tpu.memory_space<hbm>> -> memref<10000x64xf32, #tpu.memory_space<hbm>>
        tpu.wait_indirect_dma semaphore(%arg20 : memref<!tpu.dma_semaphore, #tpu.memory_space<semaphore_mem>>) src(%dma_wait3A_138 : memref<10000x64xf32, #tpu.memory_space<hbm>>) dst(%dma_wait3A_132 : memref<128x64xf32, #tpu.memory_space<vmem>>)
        %rem3A_139 = arith.constant 8 : i32
        %rem3A_140 = arith.remsi %scan3A_118, %rem3A_139 : i32
        %dma_start3A_141 = arith.constant 0 : i32
        %dma_start3A_142 = arith.constant 0 : i32
        %dma_start3A_143 = tpu.memref_slice %arg18[%rem3A_140, %dma_start3A_141, %dma_start3A_142] : memref<8x128x64xf32, #tpu.memory_space<vmem>> -> memref<1x128x64xf32, #tpu.memory_space<vmem>>
        %dma_start3A_144 = tpu.memref_squeeze %dma_start3A_143 : memref<1x128x64xf32, #tpu.memory_space<vmem>> -> memref<128x64xf32, #tpu.memory_space<vmem>>
        %dma_start3A_145 = arith.constant 0 : i32
        %dma_start3A_146 = tpu.memref_slice %arg17[%scan3A_118, %dma_start3A_145] : memref<80x128xi32, #tpu.memory_space<vmem>> -> memref<1x128xi32, #tpu.memory_space<vmem>>
        %dma_start3A_147 = tpu.memref_squeeze %dma_start3A_146 : memref<1x128xi32, #tpu.memory_space<vmem>> -> memref<128xi32, #tpu.memory_space<vmem>>
        %dma_start3A_148 = arith.constant 0 : i32
        %dma_start3A_149 = arith.constant 0 : i32
        %dma_start3A_150 = tpu.memref_slice %arg19[%dma_start3A_148, %dma_start3A_149] : memref<10240x64xf32, #tpu.memory_space<vmem_shared>> -> memref<10240x64xf32, #tpu.memory_space<vmem_shared>>
        tpu.enqueue_indirect_dma source(%dma_start3A_144 : memref<128x64xf32, #tpu.memory_space<vmem>>) target(%dma_start3A_150 : memref<10240x64xf32, #tpu.memory_space<vmem_shared>>) offsets(%dma_start3A_147 : memref<128xi32, #tpu.memory_space<vmem>>) semaphore(%arg21 : memref<!tpu.dma_semaphore, #tpu.memory_space<semaphore_mem>>) {add = true}
      }
      %scan3A_69 = arith.constant 80 : i32
      %dma_wait3A = arith.constant 4 : i32
      %dma_wait3A_70 = arith.constant 76 : i32
      %dma_wait3A_71 = arith.constant 0 : i32
      %dma_wait3A_72 = arith.constant 0 : i32
      %dma_wait3A_73 = tpu.memref_slice %arg18[%dma_wait3A, %dma_wait3A_71, %dma_wait3A_72] : memref<8x128x64xf32, #tpu.memory_space<vmem>> -> memref<1x128x64xf32, #tpu.memory_space<vmem>>
      %dma_wait3A_74 = tpu.memref_squeeze %dma_wait3A_73 : memref<1x128x64xf32, #tpu.memory_space<vmem>> -> memref<128x64xf32, #tpu.memory_space<vmem>>
      %dma_wait3A_75 = arith.constant 0 : i32
      %dma_wait3A_76 = tpu.memref_slice %arg17[%dma_wait3A_70, %dma_wait3A_75] : memref<80x128xi32, #tpu.memory_space<vmem>> -> memref<1x128xi32, #tpu.memory_space<vmem>>
      %dma_wait3A_77 = tpu.memref_squeeze %dma_wait3A_76 : memref<1x128xi32, #tpu.memory_space<vmem>> -> memref<128xi32, #tpu.memory_space<vmem>>
      %dma_wait3A_78 = arith.constant 0 : i32
      %dma_wait3A_79 = arith.constant 0 : i32
      %dma_wait3A_80 = tpu.memref_slice %arg19[%dma_wait3A_78, %dma_wait3A_79] : memref<10240x64xf32, #tpu.memory_space<vmem_shared>> -> memref<10240x64xf32, #tpu.memory_space<vmem_shared>>
      tpu.wait_indirect_dma semaphore(%arg21 : memref<!tpu.dma_semaphore, #tpu.memory_space<semaphore_mem>>) src(%dma_wait3A_74 : memref<128x64xf32, #tpu.memory_space<vmem>>) dst(%dma_wait3A_80 : memref<10240x64xf32, #tpu.memory_space<vmem_shared>>)
      %dma_wait3A_81 = arith.constant 5 : i32
      %dma_wait3A_82 = arith.constant 77 : i32
      %dma_wait3A_83 = arith.constant 0 : i32
      %dma_wait3A_84 = arith.constant 0 : i32
      %dma_wait3A_85 = tpu.memref_slice %arg18[%dma_wait3A_81, %dma_wait3A_83, %dma_wait3A_84] : memref<8x128x64xf32, #tpu.memory_space<vmem>> -> memref<1x128x64xf32, #tpu.memory_space<vmem>>
      %dma_wait3A_86 = tpu.memref_squeeze %dma_wait3A_85 : memref<1x128x64xf32, #tpu.memory_space<vmem>> -> memref<128x64xf32, #tpu.memory_space<vmem>>
      %dma_wait3A_87 = arith.constant 0 : i32
      %dma_wait3A_88 = tpu.memref_slice %arg17[%dma_wait3A_82, %dma_wait3A_87] : memref<80x128xi32, #tpu.memory_space<vmem>> -> memref<1x128xi32, #tpu.memory_space<vmem>>
      %dma_wait3A_89 = tpu.memref_squeeze %dma_wait3A_88 : memref<1x128xi32, #tpu.memory_space<vmem>> -> memref<128xi32, #tpu.memory_space<vmem>>
      %dma_wait3A_90 = arith.constant 0 : i32
      %dma_wait3A_91 = arith.constant 0 : i32
      %dma_wait3A_92 = tpu.memref_slice %arg19[%dma_wait3A_90, %dma_wait3A_91] : memref<10240x64xf32, #tpu.memory_space<vmem_shared>> -> memref<10240x64xf32, #tpu.memory_space<vmem_shared>>
      tpu.wait_indirect_dma semaphore(%arg21 : memref<!tpu.dma_semaphore, #tpu.memory_space<semaphore_mem>>) src(%dma_wait3A_86 : memref<128x64xf32, #tpu.memory_space<vmem>>) dst(%dma_wait3A_92 : memref<10240x64xf32, #tpu.memory_space<vmem_shared>>)
      %dma_wait3A_93 = arith.constant 6 : i32
      %dma_wait3A_94 = arith.constant 78 : i32
      %dma_wait3A_95 = arith.constant 0 : i32
      %dma_wait3A_96 = arith.constant 0 : i32
      %dma_wait3A_97 = tpu.memref_slice %arg18[%dma_wait3A_93, %dma_wait3A_95, %dma_wait3A_96] : memref<8x128x64xf32, #tpu.memory_space<vmem>> -> memref<1x128x64xf32, #tpu.memory_space<vmem>>
      %dma_wait3A_98 = tpu.memref_squeeze %dma_wait3A_97 : memref<1x128x64xf32, #tpu.memory_space<vmem>> -> memref<128x64xf32, #tpu.memory_space<vmem>>
      %dma_wait3A_99 = arith.constant 0 : i32
      %dma_wait3A_100 = tpu.memref_slice %arg17[%dma_wait3A_94, %dma_wait3A_99] : memref<80x128xi32, #tpu.memory_space<vmem>> -> memref<1x128xi32, #tpu.memory_space<vmem>>
      %dma_wait3A_101 = tpu.memref_squeeze %dma_wait3A_100 : memref<1x128xi32, #tpu.memory_space<vmem>> -> memref<128xi32, #tpu.memory_space<vmem>>
      %dma_wait3A_102 = arith.constant 0 : i32
      %dma_wait3A_103 = arith.constant 0 : i32
      %dma_wait3A_104 = tpu.memref_slice %arg19[%dma_wait3A_102, %dma_wait3A_103] : memref<10240x64xf32, #tpu.memory_space<vmem_shared>> -> memref<10240x64xf32, #tpu.memory_space<vmem_shared>>
      tpu.wait_indirect_dma semaphore(%arg21 : memref<!tpu.dma_semaphore, #tpu.memory_space<semaphore_mem>>) src(%dma_wait3A_98 : memref<128x64xf32, #tpu.memory_space<vmem>>) dst(%dma_wait3A_104 : memref<10240x64xf32, #tpu.memory_space<vmem_shared>>)
      %dma_wait3A_105 = arith.constant 7 : i32
      %dma_wait3A_106 = arith.constant 79 : i32
      %dma_wait3A_107 = arith.constant 0 : i32
      %dma_wait3A_108 = arith.constant 0 : i32
      %dma_wait3A_109 = tpu.memref_slice %arg18[%dma_wait3A_105, %dma_wait3A_107, %dma_wait3A_108] : memref<8x128x64xf32, #tpu.memory_space<vmem>> -> memref<1x128x64xf32, #tpu.memory_space<vmem>>
      %dma_wait3A_110 = tpu.memref_squeeze %dma_wait3A_109 : memref<1x128x64xf32, #tpu.memory_space<vmem>> -> memref<128x64xf32, #tpu.memory_space<vmem>>
      %dma_wait3A_111 = arith.constant 0 : i32
      %dma_wait3A_112 = tpu.memref_slice %arg17[%dma_wait3A_106, %dma_wait3A_111] : memref<80x128xi32, #tpu.memory_space<vmem>> -> memref<1x128xi32, #tpu.memory_space<vmem>>
      %dma_wait3A_113 = tpu.memref_squeeze %dma_wait3A_112 : memref<1x128xi32, #tpu.memory_space<vmem>> -> memref<128xi32, #tpu.memory_space<vmem>>
      %dma_wait3A_114 = arith.constant 0 : i32
      %dma_wait3A_115 = arith.constant 0 : i32
      %dma_wait3A_116 = tpu.memref_slice %arg19[%dma_wait3A_114, %dma_wait3A_115] : memref<10240x64xf32, #tpu.memory_space<vmem_shared>> -> memref<10240x64xf32, #tpu.memory_space<vmem_shared>>
      tpu.wait_indirect_dma semaphore(%arg21 : memref<!tpu.dma_semaphore, #tpu.memory_space<semaphore_mem>>) src(%dma_wait3A_110 : memref<128x64xf32, #tpu.memory_space<vmem>>) dst(%dma_wait3A_116 : memref<10240x64xf32, #tpu.memory_space<vmem_shared>>)
      %barrier3A_117 = arith.constant 0 : index
      tpu.barrier barrier_id(%barrier3A_117)
      "tpu.region"() ({
        %run_scoped3A = tpu.sem_alloc : memref<!tpu.dma_semaphore, #tpu.memory_space<semaphore_mem>>
        %dma_start3A_118 = arith.constant 0 : i32
        %dma_start3A_119 = tpu.memref_slice %arg14[%mul3A_0, %dma_start3A_118] : memref<10240x64xf32, #tpu.memory_space<hbm>> -> memref<640x64xf32, #tpu.memory_space<hbm>>
        %dma_start3A_120 = arith.constant 0 : i32
        %dma_start3A_121 = tpu.memref_slice %arg19[%mul3A_0, %dma_start3A_120] : memref<10240x64xf32, #tpu.memory_space<vmem_shared>> -> memref<640x64xf32, #tpu.memory_space<vmem_shared>>
        tpu.enqueue_dma source(%dma_start3A_121 : memref<640x64xf32, #tpu.memory_space<vmem_shared>>) target(%dma_start3A_119 : memref<640x64xf32, #tpu.memory_space<hbm>>) target_semaphore(%run_scoped3A : memref<!tpu.dma_semaphore, #tpu.memory_space<semaphore_mem>>)
        %dma_wait3A_122 = arith.constant 0 : i32
        %dma_wait3A_123 = tpu.memref_slice %arg14[%mul3A_0, %dma_wait3A_122] : memref<10240x64xf32, #tpu.memory_space<hbm>> -> memref<640x64xf32, #tpu.memory_space<hbm>>
        %dma_wait3A_124 = arith.constant 0 : i32
        %dma_wait3A_125 = tpu.memref_slice %arg19[%mul3A_0, %dma_wait3A_124] : memref<10240x64xf32, #tpu.memory_space<vmem_shared>> -> memref<640x64xf32, #tpu.memory_space<vmem_shared>>
        tpu.wait_dma2 semaphore(%run_scoped3A : memref<!tpu.dma_semaphore, #tpu.memory_space<semaphore_mem>>) src(%dma_wait3A_125 : memref<640x64xf32, #tpu.memory_space<vmem_shared>>) dst(%dma_wait3A_123 : memref<640x64xf32, #tpu.memory_space<hbm>>)
        tpu.yield
      }) : () -> ()
    } else {
    }
    return
  }
}

module attributes {stable_mosaic.version = 14 : i64} {
  func.func @bodyfn(%arg0: i32, %arg1: memref<1024x64xf32, #tpu.memory_space<vmem>>, %arg2: memref<1024x64xf32, #tpu.memory_space<vmem>>, %arg3: memref<1024x64xf32, #tpu.memory_space<vmem>>, %arg4: memref<1024x64xf32, #tpu.memory_space<vmem>>, %arg5: memref<1024x1xf32, #tpu.memory_space<vmem>>, %arg6: memref<1024x256xf32, #tpu.memory_space<vmem>>, %arg7: memref<256x512xf32, #tpu.memory_space<vmem>>, %arg8: memref<256x512xf32, #tpu.memory_space<vmem>>, %arg9: memref<1x512xf32, #tpu.memory_space<vmem>>, %arg10: memref<1024x64xf32, #tpu.memory_space<vmem>>, %arg11: memref<1024x64xf32, #tpu.memory_space<vmem>>, %arg12: memref<1024x64xf32, #tpu.memory_space<vmem>>, %arg13: memref<1024x64xf32, #tpu.memory_space<vmem>>, %arg14: memref<1024x64xf32, #tpu.memory_space<vmem>>, %arg15: memref<1024x64xf32, #tpu.memory_space<vmem>>, %arg16: memref<1024x64xf32, #tpu.memory_space<vmem>>, %arg17: memref<1024x64xf32, #tpu.memory_space<vmem>>) attributes {dimension_semantics = [#tpu.dimension_semantics<arbitrary>], iteration_bounds = array<i64: 10>, scalar_prefetch = 0 : i64, scratch_operands = 0 : i64, tpu.core_type = #tpu.core_type<tc>, window_params = [{transform_indices = @transform_0, window_bounds = array<i64: 1024, 64>}, {transform_indices = @transform_1, window_bounds = array<i64: 1024, 64>}, {transform_indices = @transform_2, window_bounds = array<i64: 1024, 64>}, {transform_indices = @transform_3, window_bounds = array<i64: 1024, 64>}, {transform_indices = @transform_4, window_bounds = array<i64: 1024, 1>}, {transform_indices = @transform_5, window_bounds = array<i64: 1024, 256>}, {pipeline_mode = #tpu.pipeline_mode<synchronous>, transform_indices = @transform_6, window_bounds = array<i64: 256, 512>}, {pipeline_mode = #tpu.pipeline_mode<synchronous>, transform_indices = @transform_7, window_bounds = array<i64: 256, 512>}, {pipeline_mode = #tpu.pipeline_mode<synchronous>, transform_indices = @transform_8, window_bounds = array<i64: 1, 512>}, {transform_indices = @transform_9, window_bounds = array<i64: 1024, 64>}, {transform_indices = @transform_10, window_bounds = array<i64: 1024, 64>}, {transform_indices = @transform_11, window_bounds = array<i64: 1024, 64>}, {transform_indices = @transform_12, window_bounds = array<i64: 1024, 64>}, {transform_indices = @transform_13, window_bounds = array<i64: 1024, 64>}, {transform_indices = @transform_14, window_bounds = array<i64: 1024, 64>}, {transform_indices = @transform_15, window_bounds = array<i64: 1024, 64>}, {transform_indices = @transform_16, window_bounds = array<i64: 1024, 64>}]} {
    %get3A = arith.constant 0 : index
    %get3A_0 = arith.constant 0 : index
    %get3A_1 = vector.load %arg5[%get3A, %get3A_0] : memref<1024x1xf32, #tpu.memory_space<vmem>>, vector<1024x1xf32>
    %max3A = arith.constant 1.000000e+00 : f32
    %max3A_2 = vector.broadcast %max3A : f32 to vector<1024x1xf32>
    %max3A_3 = arith.maximumf %get3A_1, %max3A_2 : vector<1024x1xf32>
    %div3A = arith.constant 1.000000e+00 : f32
    %div3A_4 = vector.broadcast %div3A : f32 to vector<1024x1xf32>
    %div3A_5 = arith.divf %div3A_4, %max3A_3 : vector<1024x1xf32>
    %get3A_6 = arith.constant 0 : index
    %get3A_7 = arith.constant 0 : index
    %get3A_8 = vector.load %arg1[%get3A_6, %get3A_7] : memref<1024x64xf32, #tpu.memory_space<vmem>>, vector<1024x64xf32>
    %get3A_9 = arith.constant 0 : index
    %get3A_10 = arith.constant 0 : index
    %get3A_11 = vector.load %arg2[%get3A_9, %get3A_10] : memref<1024x64xf32, #tpu.memory_space<vmem>>, vector<1024x64xf32>
    %get3A_12 = arith.constant 0 : index
    %get3A_13 = arith.constant 0 : index
    %get3A_14 = vector.load %arg3[%get3A_12, %get3A_13] : memref<1024x64xf32, #tpu.memory_space<vmem>>, vector<1024x64xf32>
    %get3A_15 = arith.constant 0 : index
    %get3A_16 = arith.constant 0 : index
    %get3A_17 = vector.load %arg4[%get3A_15, %get3A_16] : memref<1024x64xf32, #tpu.memory_space<vmem>>, vector<1024x64xf32>
    %concatenate3A = tpu.concatenate %get3A_8, %get3A_11, %get3A_14, %get3A_17 in 1 : vector<1024x64xf32>, vector<1024x64xf32>, vector<1024x64xf32>, vector<1024x64xf32> -> vector<1024x256xf32>
    %mul3A = vector.broadcast %div3A_5 : vector<1024x1xf32> to vector<1024x256xf32>
    %mul3A_18 = arith.mulf %concatenate3A, %mul3A : vector<1024x256xf32>
    %get3A_19 = arith.constant 0 : index
    %get3A_20 = arith.constant 0 : index
    %get3A_21 = vector.load %arg8[%get3A_19, %get3A_20] : memref<256x512xf32, #tpu.memory_space<vmem>>, vector<256x512xf32>
    %dot_general3A = arith.constant dense<0.000000e+00> : vector<1024x512xf32>
    %dot_general3A_22 = tpu.matmul %mul3A_18, %get3A_21, %dot_general3A {dimension_numbers = #tpu.dot_dimension_numbers<[1], [0], [0], [1], [0, 0, 1, 1], [], []>, transpose_lhs_hint = false} : vector<1024x256xf32>, vector<256x512xf32>, vector<1024x512xf32> -> vector<1024x512xf32>
    %get3A_23 = arith.constant 0 : index
    %get3A_24 = arith.constant 0 : index
    %get3A_25 = vector.load %arg6[%get3A_23, %get3A_24] : memref<1024x256xf32, #tpu.memory_space<vmem>>, vector<1024x256xf32>
    %get3A_26 = arith.constant 0 : index
    %get3A_27 = arith.constant 0 : index
    %get3A_28 = vector.load %arg7[%get3A_26, %get3A_27] : memref<256x512xf32, #tpu.memory_space<vmem>>, vector<256x512xf32>
    %dot_general3A_29 = arith.constant dense<0.000000e+00> : vector<1024x512xf32>
    %dot_general3A_30 = tpu.matmul %get3A_25, %get3A_28, %dot_general3A_29 {dimension_numbers = #tpu.dot_dimension_numbers<[1], [0], [0], [1], [0, 0, 1, 1], [], []>, transpose_lhs_hint = false} : vector<1024x256xf32>, vector<256x512xf32>, vector<1024x512xf32> -> vector<1024x512xf32>
    %add3A = arith.addf %dot_general3A_22, %dot_general3A_30 : vector<1024x512xf32>
    %get3A_31 = arith.constant 0 : index
    %get3A_32 = arith.constant 0 : index
    %get3A_33 = vector.load %arg9[%get3A_31, %get3A_32] : memref<1x512xf32, #tpu.memory_space<vmem>>, vector<1x512xf32>
    %add3A_34 = vector.broadcast %get3A_33 : vector<1x512xf32> to vector<1024x512xf32>
    %add3A_35 = arith.addf %add3A, %add3A_34 : vector<1024x512xf32>
    %max3A_36 = arith.constant 0.000000e+00 : f32
    %max3A_37 = vector.broadcast %max3A_36 : f32 to vector<1024x512xf32>
    %max3A_38 = arith.maximumf %add3A_35, %max3A_37 : vector<1024x512xf32>
    %slice3A = vector.extract_strided_slice %max3A_38 {offsets = [0, 0], sizes = [1024, 64], strides = [1, 1]} : vector<1024x512xf32> to vector<1024x64xf32>
    %swap3A = arith.constant 0 : index
    %swap3A_39 = arith.constant 0 : index
    %swap3A_40 = vector.load %arg10[%swap3A, %swap3A_39] : memref<1024x64xf32, #tpu.memory_space<vmem>>, vector<1024x64xf32>
    tpu.vector_store %arg10[%swap3A, %swap3A_39], %slice3A {strides = array<i32>} : memref<1024x64xf32, #tpu.memory_space<vmem>>, vector<1024x64xf32>,
    %slice3A_41 = vector.extract_strided_slice %max3A_38 {offsets = [0, 64], sizes = [1024, 64], strides = [1, 1]} : vector<1024x512xf32> to vector<1024x64xf32>
    %swap3A_42 = arith.constant 0 : index
    %swap3A_43 = arith.constant 0 : index
    %swap3A_44 = vector.load %arg11[%swap3A_42, %swap3A_43] : memref<1024x64xf32, #tpu.memory_space<vmem>>, vector<1024x64xf32>
    tpu.vector_store %arg11[%swap3A_42, %swap3A_43], %slice3A_41 {strides = array<i32>} : memref<1024x64xf32, #tpu.memory_space<vmem>>, vector<1024x64xf32>,
    %slice3A_45 = vector.extract_strided_slice %max3A_38 {offsets = [0, 128], sizes = [1024, 64], strides = [1, 1]} : vector<1024x512xf32> to vector<1024x64xf32>
    %swap3A_46 = arith.constant 0 : index
    %swap3A_47 = arith.constant 0 : index
    %swap3A_48 = vector.load %arg12[%swap3A_46, %swap3A_47] : memref<1024x64xf32, #tpu.memory_space<vmem>>, vector<1024x64xf32>
    tpu.vector_store %arg12[%swap3A_46, %swap3A_47], %slice3A_45 {strides = array<i32>} : memref<1024x64xf32, #tpu.memory_space<vmem>>, vector<1024x64xf32>,
    %slice3A_49 = vector.extract_strided_slice %max3A_38 {offsets = [0, 192], sizes = [1024, 64], strides = [1, 1]} : vector<1024x512xf32> to vector<1024x64xf32>
    %swap3A_50 = arith.constant 0 : index
    %swap3A_51 = arith.constant 0 : index
    %swap3A_52 = vector.load %arg13[%swap3A_50, %swap3A_51] : memref<1024x64xf32, #tpu.memory_space<vmem>>, vector<1024x64xf32>
    tpu.vector_store %arg13[%swap3A_50, %swap3A_51], %slice3A_49 {strides = array<i32>} : memref<1024x64xf32, #tpu.memory_space<vmem>>, vector<1024x64xf32>,
    %slice3A_53 = vector.extract_strided_slice %max3A_38 {offsets = [0, 256], sizes = [1024, 64], strides = [1, 1]} : vector<1024x512xf32> to vector<1024x64xf32>
    %swap3A_54 = arith.constant 0 : index
    %swap3A_55 = arith.constant 0 : index
    %swap3A_56 = vector.load %arg14[%swap3A_54, %swap3A_55] : memref<1024x64xf32, #tpu.memory_space<vmem>>, vector<1024x64xf32>
    tpu.vector_store %arg14[%swap3A_54, %swap3A_55], %slice3A_53 {strides = array<i32>} : memref<1024x64xf32, #tpu.memory_space<vmem>>, vector<1024x64xf32>,
    %slice3A_57 = vector.extract_strided_slice %max3A_38 {offsets = [0, 320], sizes = [1024, 64], strides = [1, 1]} : vector<1024x512xf32> to vector<1024x64xf32>
    %swap3A_58 = arith.constant 0 : index
    %swap3A_59 = arith.constant 0 : index
    %swap3A_60 = vector.load %arg15[%swap3A_58, %swap3A_59] : memref<1024x64xf32, #tpu.memory_space<vmem>>, vector<1024x64xf32>
    tpu.vector_store %arg15[%swap3A_58, %swap3A_59], %slice3A_57 {strides = array<i32>} : memref<1024x64xf32, #tpu.memory_space<vmem>>, vector<1024x64xf32>,
    %slice3A_61 = vector.extract_strided_slice %max3A_38 {offsets = [0, 384], sizes = [1024, 64], strides = [1, 1]} : vector<1024x512xf32> to vector<1024x64xf32>
    %swap3A_62 = arith.constant 0 : index
    %swap3A_63 = arith.constant 0 : index
    %swap3A_64 = vector.load %arg16[%swap3A_62, %swap3A_63] : memref<1024x64xf32, #tpu.memory_space<vmem>>, vector<1024x64xf32>
    tpu.vector_store %arg16[%swap3A_62, %swap3A_63], %slice3A_61 {strides = array<i32>} : memref<1024x64xf32, #tpu.memory_space<vmem>>, vector<1024x64xf32>,
    %slice3A_65 = vector.extract_strided_slice %max3A_38 {offsets = [0, 448], sizes = [1024, 64], strides = [1, 1]} : vector<1024x512xf32> to vector<1024x64xf32>
    %swap3A_66 = arith.constant 0 : index
    %swap3A_67 = arith.constant 0 : index
    %swap3A_68 = vector.load %arg17[%swap3A_66, %swap3A_67] : memref<1024x64xf32, #tpu.memory_space<vmem>>, vector<1024x64xf32>
    tpu.vector_store %arg17[%swap3A_66, %swap3A_67], %slice3A_65 {strides = array<i32>} : memref<1024x64xf32, #tpu.memory_space<vmem>>, vector<1024x64xf32>,
    return
  }
  func.func @transform_0(%arg0: i32) -> (i32, i32) {
    %c0_i32 = arith.constant 0 : i32
    %c0_i32_0 = arith.constant 0 : i32
    return %arg0, %c0_i32 : i32, i32
  }
  func.func @transform_1(%arg0: i32) -> (i32, i32) {
    %c0_i32 = arith.constant 0 : i32
    %c0_i32_0 = arith.constant 0 : i32
    return %arg0, %c0_i32 : i32, i32
  }
  func.func @transform_2(%arg0: i32) -> (i32, i32) {
    %c0_i32 = arith.constant 0 : i32
    %c0_i32_0 = arith.constant 0 : i32
    return %arg0, %c0_i32 : i32, i32
  }
  func.func @transform_3(%arg0: i32) -> (i32, i32) {
    %c0_i32 = arith.constant 0 : i32
    %c0_i32_0 = arith.constant 0 : i32
    return %arg0, %c0_i32 : i32, i32
  }
  func.func @transform_4(%arg0: i32) -> (i32, i32) {
    %c0_i32 = arith.constant 0 : i32
    %c0_i32_0 = arith.constant 0 : i32
    return %arg0, %c0_i32 : i32, i32
  }
  func.func @transform_5(%arg0: i32) -> (i32, i32) {
    %c0_i32 = arith.constant 0 : i32
    %c0_i32_0 = arith.constant 0 : i32
    return %arg0, %c0_i32 : i32, i32
  }
  func.func @transform_6(%arg0: i32) -> (i32, i32) {
    %c0_i32 = arith.constant 0 : i32
    %c0_i32_0 = arith.constant 0 : i32
    %c0_i32_1 = arith.constant 0 : i32
    return %c0_i32, %c0_i32_0 : i32, i32
  }
  func.func @transform_7(%arg0: i32) -> (i32, i32) {
    %c0_i32 = arith.constant 0 : i32
    %c0_i32_0 = arith.constant 0 : i32
    %c0_i32_1 = arith.constant 0 : i32
    return %c0_i32, %c0_i32_0 : i32, i32
  }
  func.func @transform_8(%arg0: i32) -> (i32, i32) {
    %c0_i32 = arith.constant 0 : i32
    %c0_i32_0 = arith.constant 0 : i32
    %c0_i32_1 = arith.constant 0 : i32
    return %c0_i32, %c0_i32_0 : i32, i32
  }
  func.func @transform_9(%arg0: i32) -> (i32, i32) {
    %c0_i32 = arith.constant 0 : i32
    %c0_i32_0 = arith.constant 0 : i32
    return %arg0, %c0_i32 : i32, i32
  }
  func.func @transform_10(%arg0: i32) -> (i32, i32) {
    %c0_i32 = arith.constant 0 : i32
    %c0_i32_0 = arith.constant 0 : i32
    return %arg0, %c0_i32 : i32, i32
  }
  func.func @transform_11(%arg0: i32) -> (i32, i32) {
    %c0_i32 = arith.constant 0 : i32
    %c0_i32_0 = arith.constant 0 : i32
    return %arg0, %c0_i32 : i32, i32
  }
  func.func @transform_12(%arg0: i32) -> (i32, i32) {
    %c0_i32 = arith.constant 0 : i32
    %c0_i32_0 = arith.constant 0 : i32
    return %arg0, %c0_i32 : i32, i32
  }
  func.func @transform_13(%arg0: i32) -> (i32, i32) {
    %c0_i32 = arith.constant 0 : i32
    %c0_i32_0 = arith.constant 0 : i32
    return %arg0, %c0_i32 : i32, i32
  }
  func.func @transform_14(%arg0: i32) -> (i32, i32) {
    %c0_i32 = arith.constant 0 : i32
    %c0_i32_0 = arith.constant 0 : i32
    return %arg0, %c0_i32 : i32, i32
  }
  func.func @transform_15(%arg0: i32) -> (i32, i32) {
    %c0_i32 = arith.constant 0 : i32
    %c0_i32_0 = arith.constant 0 : i32
    return %arg0, %c0_i32 : i32, i32
  }
  func.func @transform_16(%arg0: i32) -> (i32, i32) {
    %c0_i32 = arith.constant 0 : i32
    %c0_i32_0 = arith.constant 0 : i32
    return %arg0, %c0_i32 : i32, i32
  }
}

module attributes {stable_mosaic.version = 14 : i64} {
  func.func @bodyfn(%arg0: i32, %arg1: memref<1024x64xf32, #tpu.memory_space<vmem>>, %arg2: memref<1024x64xf32, #tpu.memory_space<vmem>>, %arg3: memref<1024x64xf32, #tpu.memory_space<vmem>>, %arg4: memref<1024x64xf32, #tpu.memory_space<vmem>>, %arg5: memref<1024x64xf32, #tpu.memory_space<vmem>>, %arg6: memref<1024x64xf32, #tpu.memory_space<vmem>>, %arg7: memref<1024x64xf32, #tpu.memory_space<vmem>>, %arg8: memref<1024x64xf32, #tpu.memory_space<vmem>>, %arg9: memref<1024x64xf32, #tpu.memory_space<vmem>>, %arg10: memref<1024x64xf32, #tpu.memory_space<vmem>>, %arg11: memref<1024x64xf32, #tpu.memory_space<vmem>>, %arg12: memref<1024x64xf32, #tpu.memory_space<vmem>>, %arg13: memref<1024x64xf32, #tpu.memory_space<vmem>>, %arg14: memref<1024x64xf32, #tpu.memory_space<vmem>>, %arg15: memref<1024x64xf32, #tpu.memory_space<vmem>>, %arg16: memref<1024x64xf32, #tpu.memory_space<vmem>>, %arg17: memref<1024x1xf32, #tpu.memory_space<vmem>>, %arg18: memref<512x256xf32, #tpu.memory_space<vmem>>, %arg19: memref<512x256xf32, #tpu.memory_space<vmem>>, %arg20: memref<1x256xf32, #tpu.memory_space<vmem>>, %arg21: memref<1024x256xf32, #tpu.memory_space<vmem>>) attributes {dimension_semantics = [#tpu.dimension_semantics<arbitrary>], iteration_bounds = array<i64: 10>, scalar_prefetch = 0 : i64, scratch_operands = 0 : i64, tpu.core_type = #tpu.core_type<tc>, window_params = [{transform_indices = @transform_0, window_bounds = array<i64: 1024, 64>}, {transform_indices = @transform_1, window_bounds = array<i64: 1024, 64>}, {transform_indices = @transform_2, window_bounds = array<i64: 1024, 64>}, {transform_indices = @transform_3, window_bounds = array<i64: 1024, 64>}, {transform_indices = @transform_4, window_bounds = array<i64: 1024, 64>}, {transform_indices = @transform_5, window_bounds = array<i64: 1024, 64>}, {transform_indices = @transform_6, window_bounds = array<i64: 1024, 64>}, {transform_indices = @transform_7, window_bounds = array<i64: 1024, 64>}, {transform_indices = @transform_8, window_bounds = array<i64: 1024, 64>}, {transform_indices = @transform_9, window_bounds = array<i64: 1024, 64>}, {transform_indices = @transform_10, window_bounds = array<i64: 1024, 64>}, {transform_indices = @transform_11, window_bounds = array<i64: 1024, 64>}, {transform_indices = @transform_12, window_bounds = array<i64: 1024, 64>}, {transform_indices = @transform_13, window_bounds = array<i64: 1024, 64>}, {transform_indices = @transform_14, window_bounds = array<i64: 1024, 64>}, {transform_indices = @transform_15, window_bounds = array<i64: 1024, 64>}, {transform_indices = @transform_16, window_bounds = array<i64: 1024, 1>}, {pipeline_mode = #tpu.pipeline_mode<synchronous>, transform_indices = @transform_17, window_bounds = array<i64: 512, 256>}, {pipeline_mode = #tpu.pipeline_mode<synchronous>, transform_indices = @transform_18, window_bounds = array<i64: 512, 256>}, {pipeline_mode = #tpu.pipeline_mode<synchronous>, transform_indices = @transform_19, window_bounds = array<i64: 1, 256>}, {transform_indices = @transform_20, window_bounds = array<i64: 1024, 256>}]} {
    %get3A = arith.constant 0 : index
    %get3A_0 = arith.constant 0 : index
    %get3A_1 = vector.load %arg17[%get3A, %get3A_0] : memref<1024x1xf32, #tpu.memory_space<vmem>>, vector<1024x1xf32>
    %max3A = arith.constant 1.000000e+00 : f32
    %max3A_2 = vector.broadcast %max3A : f32 to vector<1024x1xf32>
    %max3A_3 = arith.maximumf %get3A_1, %max3A_2 : vector<1024x1xf32>
    %div3A = arith.constant 1.000000e+00 : f32
    %div3A_4 = vector.broadcast %div3A : f32 to vector<1024x1xf32>
    %div3A_5 = arith.divf %div3A_4, %max3A_3 : vector<1024x1xf32>
    %get3A_6 = arith.constant 0 : index
    %get3A_7 = arith.constant 0 : index
    %get3A_8 = vector.load %arg1[%get3A_6, %get3A_7] : memref<1024x64xf32, #tpu.memory_space<vmem>>, vector<1024x64xf32>
    %get3A_9 = arith.constant 0 : index
    %get3A_10 = arith.constant 0 : index
    %get3A_11 = vector.load %arg2[%get3A_9, %get3A_10] : memref<1024x64xf32, #tpu.memory_space<vmem>>, vector<1024x64xf32>
    %get3A_12 = arith.constant 0 : index
    %get3A_13 = arith.constant 0 : index
    %get3A_14 = vector.load %arg3[%get3A_12, %get3A_13] : memref<1024x64xf32, #tpu.memory_space<vmem>>, vector<1024x64xf32>
    %get3A_15 = arith.constant 0 : index
    %get3A_16 = arith.constant 0 : index
    %get3A_17 = vector.load %arg4[%get3A_15, %get3A_16] : memref<1024x64xf32, #tpu.memory_space<vmem>>, vector<1024x64xf32>
    %get3A_18 = arith.constant 0 : index
    %get3A_19 = arith.constant 0 : index
    %get3A_20 = vector.load %arg5[%get3A_18, %get3A_19] : memref<1024x64xf32, #tpu.memory_space<vmem>>, vector<1024x64xf32>
    %get3A_21 = arith.constant 0 : index
    %get3A_22 = arith.constant 0 : index
    %get3A_23 = vector.load %arg6[%get3A_21, %get3A_22] : memref<1024x64xf32, #tpu.memory_space<vmem>>, vector<1024x64xf32>
    %get3A_24 = arith.constant 0 : index
    %get3A_25 = arith.constant 0 : index
    %get3A_26 = vector.load %arg7[%get3A_24, %get3A_25] : memref<1024x64xf32, #tpu.memory_space<vmem>>, vector<1024x64xf32>
    %get3A_27 = arith.constant 0 : index
    %get3A_28 = arith.constant 0 : index
    %get3A_29 = vector.load %arg8[%get3A_27, %get3A_28] : memref<1024x64xf32, #tpu.memory_space<vmem>>, vector<1024x64xf32>
    %concatenate3A = tpu.concatenate %get3A_8, %get3A_11, %get3A_14, %get3A_17, %get3A_20, %get3A_23, %get3A_26, %get3A_29 in 1 : vector<1024x64xf32>, vector<1024x64xf32>, vector<1024x64xf32>, vector<1024x64xf32>, vector<1024x64xf32>, vector<1024x64xf32>, vector<1024x64xf32>, vector<1024x64xf32> -> vector<1024x512xf32>
    %mul3A = vector.broadcast %div3A_5 : vector<1024x1xf32> to vector<1024x512xf32>
    %mul3A_30 = arith.mulf %concatenate3A, %mul3A : vector<1024x512xf32>
    %get3A_31 = arith.constant 0 : index
    %get3A_32 = arith.constant 0 : index
    %get3A_33 = vector.load %arg9[%get3A_31, %get3A_32] : memref<1024x64xf32, #tpu.memory_space<vmem>>, vector<1024x64xf32>
    %get3A_34 = arith.constant 0 : index
    %get3A_35 = arith.constant 0 : index
    %get3A_36 = vector.load %arg10[%get3A_34, %get3A_35] : memref<1024x64xf32, #tpu.memory_space<vmem>>, vector<1024x64xf32>
    %get3A_37 = arith.constant 0 : index
    %get3A_38 = arith.constant 0 : index
    %get3A_39 = vector.load %arg11[%get3A_37, %get3A_38] : memref<1024x64xf32, #tpu.memory_space<vmem>>, vector<1024x64xf32>
    %get3A_40 = arith.constant 0 : index
    %get3A_41 = arith.constant 0 : index
    %get3A_42 = vector.load %arg12[%get3A_40, %get3A_41] : memref<1024x64xf32, #tpu.memory_space<vmem>>, vector<1024x64xf32>
    %get3A_43 = arith.constant 0 : index
    %get3A_44 = arith.constant 0 : index
    %get3A_45 = vector.load %arg13[%get3A_43, %get3A_44] : memref<1024x64xf32, #tpu.memory_space<vmem>>, vector<1024x64xf32>
    %get3A_46 = arith.constant 0 : index
    %get3A_47 = arith.constant 0 : index
    %get3A_48 = vector.load %arg14[%get3A_46, %get3A_47] : memref<1024x64xf32, #tpu.memory_space<vmem>>, vector<1024x64xf32>
    %get3A_49 = arith.constant 0 : index
    %get3A_50 = arith.constant 0 : index
    %get3A_51 = vector.load %arg15[%get3A_49, %get3A_50] : memref<1024x64xf32, #tpu.memory_space<vmem>>, vector<1024x64xf32>
    %get3A_52 = arith.constant 0 : index
    %get3A_53 = arith.constant 0 : index
    %get3A_54 = vector.load %arg16[%get3A_52, %get3A_53] : memref<1024x64xf32, #tpu.memory_space<vmem>>, vector<1024x64xf32>
    %concatenate3A_55 = tpu.concatenate %get3A_33, %get3A_36, %get3A_39, %get3A_42, %get3A_45, %get3A_48, %get3A_51, %get3A_54 in 1 : vector<1024x64xf32>, vector<1024x64xf32>, vector<1024x64xf32>, vector<1024x64xf32>, vector<1024x64xf32>, vector<1024x64xf32>, vector<1024x64xf32>, vector<1024x64xf32> -> vector<1024x512xf32>
    %get3A_56 = arith.constant 0 : index
    %get3A_57 = arith.constant 0 : index
    %get3A_58 = vector.load %arg19[%get3A_56, %get3A_57] : memref<512x256xf32, #tpu.memory_space<vmem>>, vector<512x256xf32>
    %dot_general3A = arith.constant dense<0.000000e+00> : vector<1024x256xf32>
    %dot_general3A_59 = tpu.matmul %mul3A_30, %get3A_58, %dot_general3A {dimension_numbers = #tpu.dot_dimension_numbers<[1], [0], [0], [1], [0, 0, 1, 1], [], []>, transpose_lhs_hint = false} : vector<1024x512xf32>, vector<512x256xf32>, vector<1024x256xf32> -> vector<1024x256xf32>
    %get3A_60 = arith.constant 0 : index
    %get3A_61 = arith.constant 0 : index
    %get3A_62 = vector.load %arg18[%get3A_60, %get3A_61] : memref<512x256xf32, #tpu.memory_space<vmem>>, vector<512x256xf32>
    %dot_general3A_63 = arith.constant dense<0.000000e+00> : vector<1024x256xf32>
    %dot_general3A_64 = tpu.matmul %concatenate3A_55, %get3A_62, %dot_general3A_63 {dimension_numbers = #tpu.dot_dimension_numbers<[1], [0], [0], [1], [0, 0, 1, 1], [], []>, transpose_lhs_hint = false} : vector<1024x512xf32>, vector<512x256xf32>, vector<1024x256xf32> -> vector<1024x256xf32>
    %add3A = arith.addf %dot_general3A_59, %dot_general3A_64 : vector<1024x256xf32>
    %get3A_65 = arith.constant 0 : index
    %get3A_66 = arith.constant 0 : index
    %get3A_67 = vector.load %arg20[%get3A_65, %get3A_66] : memref<1x256xf32, #tpu.memory_space<vmem>>, vector<1x256xf32>
    %add3A_68 = vector.broadcast %get3A_67 : vector<1x256xf32> to vector<1024x256xf32>
    %add3A_69 = arith.addf %add3A, %add3A_68 : vector<1024x256xf32>
    %swap3A = arith.constant 0 : index
    %swap3A_70 = arith.constant 0 : index
    %swap3A_71 = vector.load %arg21[%swap3A, %swap3A_70] : memref<1024x256xf32, #tpu.memory_space<vmem>>, vector<1024x256xf32>
    tpu.vector_store %arg21[%swap3A, %swap3A_70], %add3A_69 {strides = array<i32>} : memref<1024x256xf32, #tpu.memory_space<vmem>>, vector<1024x256xf32>,
    return
  }
  func.func @transform_0(%arg0: i32) -> (i32, i32) {
    %c0_i32 = arith.constant 0 : i32
    %c0_i32_0 = arith.constant 0 : i32
    return %arg0, %c0_i32 : i32, i32
  }
  func.func @transform_1(%arg0: i32) -> (i32, i32) {
    %c0_i32 = arith.constant 0 : i32
    %c0_i32_0 = arith.constant 0 : i32
    return %arg0, %c0_i32 : i32, i32
  }
  func.func @transform_2(%arg0: i32) -> (i32, i32) {
    %c0_i32 = arith.constant 0 : i32
    %c0_i32_0 = arith.constant 0 : i32
    return %arg0, %c0_i32 : i32, i32
  }
  func.func @transform_3(%arg0: i32) -> (i32, i32) {
    %c0_i32 = arith.constant 0 : i32
    %c0_i32_0 = arith.constant 0 : i32
    return %arg0, %c0_i32 : i32, i32
  }
  func.func @transform_4(%arg0: i32) -> (i32, i32) {
    %c0_i32 = arith.constant 0 : i32
    %c0_i32_0 = arith.constant 0 : i32
    return %arg0, %c0_i32 : i32, i32
  }
  func.func @transform_5(%arg0: i32) -> (i32, i32) {
    %c0_i32 = arith.constant 0 : i32
    %c0_i32_0 = arith.constant 0 : i32
    return %arg0, %c0_i32 : i32, i32
  }
  func.func @transform_6(%arg0: i32) -> (i32, i32) {
    %c0_i32 = arith.constant 0 : i32
    %c0_i32_0 = arith.constant 0 : i32
    return %arg0, %c0_i32 : i32, i32
  }
  func.func @transform_7(%arg0: i32) -> (i32, i32) {
    %c0_i32 = arith.constant 0 : i32
    %c0_i32_0 = arith.constant 0 : i32
    return %arg0, %c0_i32 : i32, i32
  }
  func.func @transform_8(%arg0: i32) -> (i32, i32) {
    %c0_i32 = arith.constant 0 : i32
    %c0_i32_0 = arith.constant 0 : i32
    return %arg0, %c0_i32 : i32, i32
  }
  func.func @transform_9(%arg0: i32) -> (i32, i32) {
    %c0_i32 = arith.constant 0 : i32
    %c0_i32_0 = arith.constant 0 : i32
    return %arg0, %c0_i32 : i32, i32
  }
  func.func @transform_10(%arg0: i32) -> (i32, i32) {
    %c0_i32 = arith.constant 0 : i32
    %c0_i32_0 = arith.constant 0 : i32
    return %arg0, %c0_i32 : i32, i32
  }
  func.func @transform_11(%arg0: i32) -> (i32, i32) {
    %c0_i32 = arith.constant 0 : i32
    %c0_i32_0 = arith.constant 0 : i32
    return %arg0, %c0_i32 : i32, i32
  }
  func.func @transform_12(%arg0: i32) -> (i32, i32) {
    %c0_i32 = arith.constant 0 : i32
    %c0_i32_0 = arith.constant 0 : i32
    return %arg0, %c0_i32 : i32, i32
  }
  func.func @transform_13(%arg0: i32) -> (i32, i32) {
    %c0_i32 = arith.constant 0 : i32
    %c0_i32_0 = arith.constant 0 : i32
    return %arg0, %c0_i32 : i32, i32
  }
  func.func @transform_14(%arg0: i32) -> (i32, i32) {
    %c0_i32 = arith.constant 0 : i32
    %c0_i32_0 = arith.constant 0 : i32
    return %arg0, %c0_i32 : i32, i32
  }
  func.func @transform_15(%arg0: i32) -> (i32, i32) {
    %c0_i32 = arith.constant 0 : i32
    %c0_i32_0 = arith.constant 0 : i32
    return %arg0, %c0_i32 : i32, i32
  }
  func.func @transform_16(%arg0: i32) -> (i32, i32) {
    %c0_i32 = arith.constant 0 : i32
    %c0_i32_0 = arith.constant 0 : i32
    return %arg0, %c0_i32 : i32, i32
  }
  func.func @transform_17(%arg0: i32) -> (i32, i32) {
    %c0_i32 = arith.constant 0 : i32
    %c0_i32_0 = arith.constant 0 : i32
    %c0_i32_1 = arith.constant 0 : i32
    return %c0_i32, %c0_i32_0 : i32, i32
  }
  func.func @transform_18(%arg0: i32) -> (i32, i32) {
    %c0_i32 = arith.constant 0 : i32
    %c0_i32_0 = arith.constant 0 : i32
    %c0_i32_1 = arith.constant 0 : i32
    return %c0_i32, %c0_i32_0 : i32, i32
  }
  func.func @transform_19(%arg0: i32) -> (i32, i32) {
    %c0_i32 = arith.constant 0 : i32
    %c0_i32_0 = arith.constant 0 : i32
    %c0_i32_1 = arith.constant 0 : i32
    return %c0_i32, %c0_i32_0 : i32, i32
  }
  func.func @transform_20(%arg0: i32) -> (i32, i32) {
    %c0_i32 = arith.constant 0 : i32
    %c0_i32_0 = arith.constant 0 : i32
    return %arg0, %c0_i32 : i32, i32
  }
}

</mosaic_0001>

<sc_bundles>
// kernel: kernel.6.cloned.1.call-start
scs
__scs_entry_jumppad:
0x0: {  	(pc) =	sbr.rel $0x88, $3  }
0x1: {  	(tag) =	ssettag $0x0;
	lr =	simm.s32 $0x1  }
0x2: {  	[smem:$0x3F99] =	sst lr;
	_ =	strace $0xD0000000  }
0x3: {  	_ = 	snop  }
0x4: {  	_ = 	snop  }
0x5: {  	_ = 	snop  }
0x6: {  	_ = 	snop  }
0x7: {  	_ = 	snop  }
__scs_overlays_trampoline_lowered:
0x8: {  	[smem:$0x3FA8] =	sst s0  }
0x9: {  	[smem:$0x3FA9] =	sst s1  }
0xa: {  	[smem:$0x3FAA] =	sst s2  }
0xb: {  	[smem:$0x3FAB] =	sst s3  }
0xc: {  	[smem:$0x3FAC] =	sst s4  }
0xd: {  	[smem:$0x3FAD] =	sst s5  }
0xe: {  	[smem:$0x3FAE] =	sst s6  }
0xf: {  	[smem:$0x3FAF] =	sst s7  }
0x10: {  	[smem:$0x3FB0] =	sst s8  }
0x11: {  	[smem:$0x3FB1] =	sst s9;
	s0 =	simm.s32 @!p0 $0x0  }
0x12: {  	s1 =	sld [smem:$0x3F97];
	s0 =	simm.s32 @p0 $0x1  }
0x13: {  	[smem:$0x3FB2] =	sst s0;
	s0 =	simm.s32 @!p1 $0x0  }
0x14: {  	s2 =	sld [smem:$0x3F96];
	s0 =	simm.s32 @p1 $0x1  }
0x15: {  	[smem:$0x3FB3] =	sst s0;
	s0 =	simm.s32 @!p2 $0x0  }
0x16: {  	s3 =	sld [smem:$0x3FDB];
	s0 =	simm.s32 @p2 $0x1  }
0x17: {  	s4 =	simm.s32 $0x1BF5;
	[smem:$0x3FB5] =	sst s0  }
0x18: {  	s0 =	sld [smem:$0x3F98];
	_ =	swait.ge [sflag:s4], $0x0  }
0x19: {  	s7 =	sld [smem:$0x3F99]  }
0x1a: {  	s8 =	sadd.s32 $0xFFFFE003, lr  }
0x1b: {  	s9 =	sadd.s32 $0xFFFFFEF7, lr;
	s5 =	simm.s32 $0xFFFFFFFF;
	p2 =	slt.u32 s8, $0xFFFFF086  }
0x1c: {  	p1 =	slt.u32 s9, $0xF7A;
	s5 =	simm.s32 @!p2 $0x0  }
0x1d: {  	s5 =	simm.s32 @p1 $0x1;
	p0 =	seq.s32 s7, s2  }
0x1e: {  	s7 =	smul.u32 @!p0 $0xF7A, s2;
	p2 =	seq.s32 @!p0 s5, $0x0  }
0x1f: {  	s9 =	smul.u32 $0xF7A, s1;
	s8 =	simm.s32 @!p0 $0x1BF5;
	p2 =	por !p2, p0  }
0x20: {  	[sflag:s8] =	ssyncset.s32 @!p0 $0xFFFFF086;
	s6 =	sadd.s32 @!p0 s3, s7;
	s7 =	simm.s32 @!p0 $0x108  }
0x21: {  	s3 =	sadd.s32 s3, s9;
	s6 =	sadd.s32 @!p0 $0x88, s6;
	s7 =	simm.s32 @p2 $0x1082  }
0x22: {  	[simem:s7], [sflag:s8] =	dma.local @!p0 [hbm:s6], $0xF7A  }
0x23: {  	s9 =	sor.u32 $0xD0000000, s2;
	s6 =	simm.s32 $0x108;
	_ =	swait.ge @!p0 [sflag:s8], $0x0  }
0x24: {  	s3 =	sadd.s32 $0x88, s3;
	s6 =	simm.s32 @!p1 $0x1082;
	[sflag:s4] =	ssyncset.s32 $0xFFFFF086  }
0x25: {  	[simem:s6], [sflag:s4] =	dma.local [hbm:s3], $0xF7A  }
0x26: {  	[smem:$0x3F99] =	sst s1;
	(tag) =	ssettag s2;
	_ =	strace s9  }
0x27: {  	s1 =	sld [smem:$0x3FA9]  }
0x28: {  	s2 =	sld [smem:$0x3FAA]  }
0x29: {  	s4 =	sld [smem:$0x3FAC]  }
0x2a: {  	p0 =	seq.s32 s5, $0x0;
	s5 =	sld [smem:$0x3FAD]  }
0x2b: {  	s6 =	sld [smem:$0x3FAE]  }
0x2c: {  	s7 =	sld [smem:$0x3FAF]  }
0x2d: {  	s3 =	simm.s32 $0x108;
	s8 =	sld [smem:$0x3FB0]  }
0x2e: {  	s3 =	simm.s32 @!p0 $0x1082;
	s9 =	sld [smem:$0x3FB1]  }
0x2f: {  	lr =	sadd.s32 s0, s3;
	s0 =	sld [smem:$0x3FA8]  }
0x30: {  	s3 =	sld [smem:$0x3FAB]  }
0x31: {  	[smem:$0x3FB4] =	sst s10  }
0x32: {  	s10 =	sld [smem:$0x3FB2];
	_ =	sdelay $0x3  }
0x33: {  	p0 =	seq.s32 s10, $0x1;
	s10 =	sld [smem:$0x3FB4];
	_ =	sdelay $0x3  }
0x34: {  	[smem:$0x3FB4] =	sst s10  }
0x35: {  	s10 =	sld [smem:$0x3FB3];
	_ =	sdelay $0x3  }
0x36: {  	p1 =	seq.s32 s10, $0x1;
	s10 =	sld [smem:$0x3FB4];
	_ =	sdelay $0x3  }
0x37: {  	[smem:$0x3FB4] =	sst s10  }
0x38: {  	s10 =	sld [smem:$0x3FB5]  }
0x39: {  	_ = 	snop;
	(pc) =	sbr.ind lr, $3  }
0x3a: {  	_ = 	snop  }
0x3b: {  	_ = 	snop  }
0x3c: {  	p2 =	seq.s32 s10, $0x1;
	s10 =	sld [smem:$0x3FB4]  }
0x3d: {  	_ =	shalt  }
0x3e: {  	_ =	shalt  }
0x3f: {  	_ =	shalt  }
0x40: {  	_ =	shalt  }
0x41: {  	_ =	shalt  }
0x42: {  	_ =	shalt  }
0x43: {  	_ =	shalt  }
0x44: {  	_ =	shalt  }
0x45: {  	_ =	shalt  }
0x46: {  	_ =	shalt  }
0x47: {  	_ =	shalt  }
0x48: {  	_ =	shalt  }
0x49: {  	_ =	shalt  }
0x4a: {  	_ =	shalt  }
0x4b: {  	_ =	shalt  }
0x4c: {  	_ =	shalt  }
0x4d: {  	_ =	shalt  }
0x4e: {  	_ =	shalt  }
0x4f: {  	_ =	shalt  }
0x50: {  	_ =	shalt  }
0x51: {  	_ =	shalt  }
0x52: {  	_ =	shalt  }
0x53: {  	_ =	shalt  }
0x54: {  	_ =	shalt  }
0x55: {  	_ =	shalt  }
0x56: {  	_ =	shalt  }
0x57: {  	_ =	shalt  }
0x58: {  	_ =	shalt  }
0x59: {  	_ =	shalt  }
0x5a: {  	_ =	shalt  }
0x5b: {  	_ =	shalt  }
0x5c: {  	_ =	shalt  }
0x5d: {  	_ =	shalt  }
0x5e: {  	_ =	shalt  }
0x5f: {  	_ =	shalt  }
0x60: {  	_ =	shalt  }
0x61: {  	_ =	shalt  }
0x62: {  	_ =	shalt  }
0x63: {  	_ =	shalt  }
0x64: {  	_ =	shalt  }
0x65: {  	_ =	shalt  }
0x66: {  	_ =	shalt  }
0x67: {  	_ =	shalt  }
0x68: {  	_ =	shalt  }
0x69: {  	_ =	shalt  }
0x6a: {  	_ =	shalt  }
0x6b: {  	_ =	shalt  }
0x6c: {  	_ =	shalt  }
0x6d: {  	_ =	shalt  }
0x6e: {  	_ =	shalt  }
0x6f: {  	_ =	shalt  }
0x70: {  	_ =	shalt  }
0x71: {  	_ =	shalt  }
0x72: {  	_ =	shalt  }
0x73: {  	_ =	shalt  }
0x74: {  	_ =	shalt  }
0x75: {  	_ =	shalt  }
0x76: {  	_ =	shalt  }
0x77: {  	_ =	shalt  }
0x78: {  	_ =	shalt  }
0x79: {  	_ =	shalt  }
0x7a: {  	_ =	shalt  }
0x7b: {  	_ =	shalt  }
0x7c: {  	_ =	shalt  }
0x7d: {  	_ =	shalt  }
0x7e: {  	_ =	shalt  }
0x7f: {  	_ =	shalt  }
0x80: {  	_ =	shalt  }
0x81: {  	_ =	shalt  }
0x82: {  	_ =	shalt  }
0x83: {  	_ =	shalt  }
0x84: {  	_ =	shalt  }
0x85: {  	_ =	shalt  }
0x86: {  	_ =	shalt  }
0x87: {  	_ =	shalt  }
.Lfunc_end0:
.L_simem_size_0:
called_computation_lowered:
.L_overlay_start_0:
0x88: {  	s2 =	sld [smem:$0x3FD9]  }
0x89: {  	s3 =	sld [smem:$0x3FFE];
	_ =	sdelay $0x1  }
0x8a: {  	s1 =	srdreg.scid  }
0x8b: {  	s0 =	sand.u32 $0x1, s1  }
0x8c: {  	s17 =	sshll.u32 s0, $0xA;
	s2 =	sadd.s32 s3, s2  }
0x8d: {  	s2 =	sadd.s32 s2, s17  }
0x8e: {  	[smem:$0x3FC0] =	sst s2  }
0x8f: {  	_ = 	snop  }
0x90: {  	s2 =	sld [smem:$0x3FD0];
	(tm) =	ssettm $0x1  }
0x91: {  	s18 =	sld [smem:$0x3FFB];
	_ =	sdelay $0x3  }
0x92: {  	_ =	strace s18  }
0x93: {  	s3 =	sld [smem:$0x3FFC];
	_ =	sdelay $0x3  }
0x94: {  	_ =	strace s3  }
0x95: {  	s3 =	sld [smem:$0x3FFD];
	_ =	sdelay $0x3  }
0x96: {  	_ =	strace s3  }
0x97: {  	_ =	strace $0x8FFFFFFF  }
0x98: {  	s19 =	sld [smem:$0x3FDB];
	_ =	sdelay $0x1  }
0x99: {  	s4 =	simm.s32 $_scs_section_size  }
0x9a: {  	s5 =	simm.s32 $_size__tile_overlayer_lowered;
	s6 =	simm.s32 $_tile_overlayer_lowered  }
0x9b: {  	s22 =	simm.s32 $0x1BFF;
	s21 =	sshll.u32 s6, $0x1;
	s3 =	sadd.s32 s4, s19  }
0x9c: {  	s7 =	simm.s32 $0x0;
	s20 =	sshll.u32 s5, $0x1;
	s5 =	sadd.s32 s21, s3  }
0x9d: {  	[timem:s7], [sflag:s22] =	dma.local [hbm:s5], s20  }
0x9e: {  	_ =	swait.ge [sflag:s22], s20  }
0x9f: {  	s4 =	ssub.s32 $0x0, s20;
	[sflag:s22] =	ssyncset.done $0x0  }
0xa0: {  	[sflag:s22] =	ssyncadd.s32 s4;
	_ =	sdelay $0x1  }
0xa1: {  	s23 =	simm.s32 $0x1B8B  }
0xa2: {  	_ =	swait.ge [sflag:s23], $0x1  }
0xa3: {  	[sflag:s23] =	ssyncset.done $0x0  }
0xa4: {  	s25 =	simm.s32 $0x1B8E;
	s24 =	sld [smem:$0x3FFE];
	[sflag:s23] =	ssyncadd.s32 $0xFFFFFFFF  }
0xa5: {  	s26 =	simm.s32 $execute0_lowered;
	[smem:$0x3FD2] =	sst s25  }
0xa6: {  	s5 =	sshll.u32 s26, $0x1;
	_ =	strace $0x80000046;
	[dreg:$0x1] =	wrdreg $0xFFFFFFFF  }
0xa7: {  	s28 =	simm.s32 $_size_execute0_lowered;
	s3 =	sadd.s32 s3, s5;
	[dreg:$0x0] =	wrdreg $0x0  }
0xa8: {  	s5 =	sshll.u32 s28, $0x1;
	[dreg:$0x2] =	wrdreg s3  }
0xa9: {  	[dreg:$0x3] =	wrdreg s5  }
0xaa: {  	[dreg:$0x4] =	wrdreg $0xC0  }
0xab: {  	_ =	task [dreg:s7], $0x5FFFF  }
0xac: {  	[dreg:$0x1] =	wrdreg $0xFFFFFFFF  }
0xad: {  	[dreg:$0x0] =	wrdreg $0x60  }
0xae: {  	[dreg:$0x2] =	wrdreg s24  }
0xaf: {  	[dreg:$0x3] =	wrdreg s2  }
0xb0: {  	[dreg:$0x4] =	wrdreg $0x150000  }
0xb1: {  	[dreg:$0x5] =	wrdreg $0x1F3000  }
0xb2: {  	[dreg:$0x6] =	wrdreg $0x9  }
0xb3: {  	_ =	task.clear_ibuf [dreg:s7], $0x7FFFF;
	_ =	strace $0x90000046  }
0xb4: {  	s29 =	simm.s32 $0x9;
	_ =	strace $0x80000048  }
0xb5: {  	_ =	swait.ge [sflag:s29], $0x1  }
0xb6: {  	[sflag:s29] =	ssyncadd.s32 $0xFFFFFFFF  }
0xb7: {  	_ =	strace $0x90000048  }
0xb8: {  	_ =	sfence  }
0xb9: {  	s30 =	sld [smem:$0x0];
	_ =	sdelay $0x2  }
0xba: {  	s31 =	sshll.u32 s1, $0xD;
	s1 =	sshrl.u32 s1, $0x2  }
0xbb: {  	s3 =	sand.u32 $0x4000, s31;
	s1 =	sadd.s32 s1, s30  }
0xbc: {  	s0 =	sor.u32 s3, s0;
	s1 =	sshll.u32 s1, $0x11  }
0xbd: {  	s0 =	sor.u32 s1, s0  }
0xbe: {  	s0 =	sadd.s32 $0x8F2B, s0  }
0xbf: {  	[sflag:s0] =	ssyncadd.remote.s32 $0x1  }
0xc0: {  	_ =	sfence.sel $0xFFFF  }
0xc1: {  	[dreg:$0x0] =	wrdreg $0xFFFFFFFF;
	(pc) =	sbr.abs _section_cstart, $3  }
0xc2: {  	[dreg:$0x1] =	wrdreg $0xFFFFFFFF  }
0xc3: {  	_ =	task.clear_ibuf [dreg:s7], $0x2FFFF;
	_ =	strace $0x9FFFFFFF  }
0xc4: {  	(tm) =	ssettm $0x7FFFFFFF  }
0xc5: {  	_ =	shalt  }
tec
execute0_lowered:
.L_overlay_start_1:
0x0: {  	(tag) =	ssettag $0x1  }
0x1: {  	s0 =	rddreg [dreg:$0x0]  }
0x2: {  	s1 =	rddreg [dreg:$0x1]  }
0x3: {  	s2 =	rddreg [dreg:$0x2]  }
0x4: {  	s3 =	rddreg [dreg:$0x3];
	s11 =	stileid.u32  }
0x5: {  	s4 =	simm.s32 $0x0;
	s10 =	srdreg.scid;
	s28 =	simm.s32 $0x80  }
0x6: {  	s29 =	simm.s32 $0x5000;
	s30 =	simm.s32 $0x2980;
	s31 =	simm.s32 $0x2  }
0x7: {  	s5 =	smul.u32 $0x500, s11;
	[smem:$0x7FF] =	sst s4;
	s6 =	sadd.s32 $0x5E000, s0  }
0x8: {  	s19 =	sadd.s32 $0x5E200, s0;
	s7 =	sadd.s32 $0x40600, s0;
	s20 =	smul.u32 $0xA000, s11  }
0x9: {  	s8 =	sadd.s32 $0x2CC00, s0;
	s9 =	sadd.s32 $0x19200, s0;
	s12 =	smul.u32 $0x280, s11  }
0xa: {  	s10 =	sand.u32 $0x1, s10;
	_ =	strace $0x80000047;
	[dreg:$0x5] =	wrdreg s6  }
0xb: {  	s11 =	sadd.s32 $0x5800, s0;
	s15 =	sadd.s32 $0x86A00, s0;
	[dreg:$0x6] =	wrdreg s19  }
0xc: {  	s17 =	sadd.s32 $0x9AA00, s0;
	s14 =	ssub.s32 $0x2, s10;
	[dreg:$0x8] =	wrdreg s15  }
0xd: {  	[dreg:$0x9] =	wrdreg s17;
	p0 =	sne.s32 s10, $0x0;
	s10 =	simm.s32 $0x2800  }
0xe: {  	s6 =	simm.s32 $0x1F080;
	s5 =	sadd.s32 s5, s0;
	s18 =	sshrl.u32 s20, $0x3  }
0xf: {  	s21 =	sshrl.u32 s12, $0x3;
	s16 =	sshrl.u32 s14, $0x1;
	s23 =	sadd.s32 s20, s2  }
0x10: {  	s25 =	sadd.s32 s12, s3;
	s12 =	simm.s32 $0x3;
	s13 =	sadd.s32 s18, s0  }
0x11: {  	s0 =	sadd.s32 s21, s0;
	s14 =	ssub.s32 s14, s16;
	[dreg:$0xc] =	wrdreg s23  }
0x12: {  	s22 =	sadd.s32 $0x54000, s5;
	s5 =	sadd.s32 $0x59000, s5;
	[dreg:$0xe] =	wrdreg s25  }
0x13: {  	[dreg:$0x7] =	wrdreg s18;
	s1 =	sadd.s32 s1, s18;
	s23 =	simm.s32 $0x4  }
0x14: {  	s25 =	simm.s32 $0x1F000;
	s21 =	simm.s32 $0x1;
	[dreg:$0xa] =	wrdreg s22  }
.Ltmp0:
0x15: {  	s18 =	simm.s32 $0x0;
	[dreg:$0xb] =	wrdreg s5;
	(pc) =	sbr.rel .LBB2_1-.Ltmp0, $4  }
0x16: {  	s17 =	sadd.s32 $0x5E400, s13;
	s24 =	sadd.s32 $0x72400, s13;
	[dreg:$0xf] =	wrdreg s1  }
0x17: {  	s0 =	sadd.s32 $0x86400, s0;
	s26 =	smax.u32 s14, $0x1;
	[dreg:$0xd] =	wrdreg s24  }
0x18: {  	s13 =	simm.s32 $0xB000;
	s22 =	simm.s32 $0x2880;
	[dreg:$0x10] =	wrdreg s0  }
0x19: {  	[dreg:$0x11] =	wrdreg s26;
	s0 =	simm.s32 $0x9000;
	s24 =	simm.s32 $0x2900  }
.LBB2_13:
0x1a: {  	[spmem:s2] =	stream.indirect.scatter.add.f32 [tilespmem:s19], [sflag:$0x2], $0x40, s26, s28, $0xb8;
	[tilespmem:$0x1F580] =	vst v63  }
0x1b: {  	s6 =	rddreg [dreg:$0x9]  }
.LBB2_14:
0x1c: {  	_ =	swait.ge [sflag:s31], $0x2000  }
0x1d: {  	[sflag:s31] =	ssyncset.done $0x0  }
0x1e: {  	[sflag:s31] =	ssyncadd.s32 $0xFFFFE000  }
0x1f: {  	_ =	swait.ge [sflag:s31], $0x2000  }
0x20: {  	[sflag:s31] =	ssyncset.done $0x0  }
0x21: {  	[sflag:s31] =	ssyncadd.s32 $0xFFFFE000  }
0x22: {  	_ =	swait.ge [sflag:s31], $0x2000  }
0x23: {  	[sflag:s31] =	ssyncset.done $0x0  }
0x24: {  	[sflag:s31] =	ssyncadd.s32 $0xFFFFE000  }
0x25: {  	_ =	swait.ge [sflag:s31], $0x2000  }
0x26: {  	[sflag:s31] =	ssyncset.done $0x0  }
0x27: {  	s5 =	rddreg [dreg:$0x7];
	[sflag:s31] =	ssyncadd.s32 $0xFFFFE000  }
0x28: {  	s5 =	sadd.s32 s6, s5;
	[bflag:$0x0] =	sbarrier.arrive $0xFFFF  }
0x29: {  	[hbm:s5], [sflag:s20] =	dma.local [spmem:s1], $0x1400  }
0x2a: {  	_ =	swait.ge [sflag:s23], $0x1400  }
0x2b: {  	s18 =	sadd.s32 $0x1, s18;
	s26 =	rddreg [dreg:$0x11]  }
0x2c: {  	p1 =	sne.s32 s18, s26  }
.Ltmp1:
0x2d: {  	_ = 	snop;
	(pc) =	sbr.rel @!p1 .LBB2_15-.Ltmp1, $3  }
0x2e: {  	_ =	sdelay $0x1  }
0x2f: {  	[sflag:s23] =	ssyncset.done $0x0  }
0x30: {  	s10 =	simm.s32 $0x2800;
	s6 =	simm.s32 $0x1F080;
	[sflag:s23] =	ssyncadd.s32 $0xFFFFEC00  }
.LBB2_1:
0x31: {  	s1 =	rddreg [dreg:$0xa]  }
0x32: {  	[tilespmem:s4], [sflag:$0x4] =	stream.linear.gather [hbm4b:s1+s4], $0x2800, $0x38;
	[tilespmem:$0x1F580] =	vst v63  }
0x33: {  	_ =	swait.ge [sflag:s23], $0x2800  }
0x34: {  	[sflag:s23] =	ssyncset.done $0x0  }
0x35: {  	s15 =	rddreg [dreg:$0xb];
	[sflag:s23] =	ssyncadd.s32 $0xFFFFD800  }
0x36: {  	[tilespmem:s10], [sflag:$0x4] =	stream.linear.gather [hbm4b:s15+s4], $0x2800, $0x38;
	[tilespmem:$0x1F580] =	vst v63  }
0x37: {  	_ =	swait.ge [sflag:s23], $0x2800  }
0x38: {  	[sflag:s23] =	ssyncset.done $0x0  }
0x39: {  	s16 =	rddreg [dreg:$0x5];
	[sflag:s23] =	ssyncadd.s32 $0xFFFFD800  }
0x3a: {  	[tilespmem:s25], [sflag:$0x4] =	stream.linear.gather [hbm4b:s16+s4], $0x80, $0x38;
	[tilespmem:$0x1F580] =	vst v63  }
0x3b: {  	_ =	swait.ge [sflag:s23], $0x80  }
0x3c: {  	[sflag:s23] =	ssyncset.done $0x0  }
0x3d: {  	s20 =	stileid.u32;
	s19 =	rddreg [dreg:$0x6];
	[sflag:s23] =	ssyncadd.s32 $0xFFFFFF80  }
0x3e: {  	[tilespmem:s6], [sflag:$0x4] =	stream.linear.gather [hbm4b:s19+s4], $0x280, $0x38;
	[tilespmem:$0x1F580] =	vst v63  }
0x3f: {  	s1 =	sshll.u32 s20, $0x6;
	_ =	swait.ge [sflag:s23], $0x280  }
0x40: {  	s20 =	sor.u32 $0x1C04, s1;
	[sflag:s23] =	ssyncset.done $0x0;
	s26 =	rddreg [dreg:$0xc]  }
.Ltmp2:
0x41: {  	[sflag:s23] =	ssyncadd.s32 $0xFFFFFD80;
	s1 =	sshrl.u32 s26, $0x3;
	(pc) =	sbr.rel @p0 .LBB2_9-.Ltmp2, $4  }
0x42: {  	[spmem:s1], [sflag:s20] =	dma.local [hbm:s17], $0x1400  }
0x43: {  	_ =	swait.ge [sflag:s23], $0x1400  }
0x44: {  	[sflag:s23] =	ssyncset.done $0x0  }
0x45: {  	[sflag:s23] =	ssyncadd.s32 $0xFFFFEC00  }
0x46: {  	s5 =	rddreg [dreg:$0xe];
	s16 =	simm.s32 $0x4  }
0x47: {  	[spmem:s5] =	stream.linear.scatter [tilespmem:s6], [sflag:$0x4], $0x280, $0x38;
	[tilespmem:$0x1F580] =	vst v63  }
0x48: {  	_ =	swait.ge [sflag:s16], $0x280  }
0x49: {  	[sflag:s16] =	ssyncset.done $0x0  }
0x4a: {  	[sflag:s16] =	ssyncadd.s32 $0xFFFFFD80  }
0x4b: {  	[bflag:$0x0] =	sbarrier.arrive $0xFFFF  }
0x4c: {  	[tilespmem:s29], [sflag:$0x1] =	stream.indirect.gather [hbm4b:s7+s28], $0x40, s4, s28, $0xb8;
	[tilespmem:$0x1F580] =	vst v63  }
0x4d: {  	s14 =	simm.s32 $0x7000  }
0x4e: {  	[tilespmem:s14], [sflag:$0x1] =	stream.indirect.gather [hbm4b:s7+s28], $0x40, s28, s28, $0xb8;
	[tilespmem:$0x1F580] =	vst v63  }
0x4f: {  	s19 =	simm.s32 $0x100  }
0x50: {  	[tilespmem:s0], [sflag:$0x1] =	stream.indirect.gather [hbm4b:s7+s28], $0x40, s19, s28, $0xb8;
	[tilespmem:$0x1F580] =	vst v63  }
0x51: {  	s22 =	simm.s32 $0x180  }
0x52: {  	[tilespmem:s13], [sflag:$0x1] =	stream.indirect.gather [hbm4b:s7+s28], $0x40, s22, s28, $0xb8;
	[tilespmem:$0x1F580] =	vst v63  }
0x53: {  	s24 =	simm.s32 $0x200;
	s26 =	simm.s32 $0xD000  }
0x54: {  	[tilespmem:s26], [sflag:$0x1] =	stream.indirect.gather [hbm4b:s7+s28], $0x40, s24, s28, $0xb8;
	[tilespmem:$0x1F580] =	vst v63  }
0x55: {  	_ =	swait.ge [sflag:s21], $0x2000  }
0x56: {  	[sflag:s21] =	ssyncset.done $0x0  }
0x57: {  	[sflag:s21] =	ssyncadd.s32 $0xFFFFE000  }
0x58: {  	[spmem:s2] =	stream.indirect.scatter.add.f32 [tilespmem:s29], [sflag:$0x2], $0x40, s10, s28, $0xb8;
	[tilespmem:$0x1F580] =	vst v63  }
0x59: {  	_ = 	snop  }
0x5a: {  	[spmem:s3] =	stream.indirect.scatter.add.f32 [tilespmem:s25], [sflag:$0x3], $0x1, s10, s28, $0xb8;
	[tilespmem:$0x1F580] =	vst v63  }
0x5b: {  	s15 =	simm.s32 $0x280;
	s16 =	simm.s32 $0xF000  }
0x5c: {  	[tilespmem:s16], [sflag:$0x1] =	stream.indirect.gather [hbm4b:s7+s28], $0x40, s15, s28, $0xb8;
	[tilespmem:$0x1F580] =	vst v63  }
0x5d: {  	_ =	swait.ge [sflag:s21], $0x2000  }
0x5e: {  	[sflag:s21] =	ssyncset.done $0x0  }
0x5f: {  	s19 =	simm.s32 $0x2880;
	[sflag:s21] =	ssyncadd.s32 $0xFFFFE000  }
0x60: {  	[spmem:s2] =	stream.indirect.scatter.add.f32 [tilespmem:s14], [sflag:$0x2], $0x40, s19, s28, $0xb8;
	[tilespmem:$0x1F580] =	vst v63  }
0x61: {  	_ = 	snop  }
0x62: {  	[spmem:s3] =	stream.indirect.scatter.add.f32 [tilespmem:s25], [sflag:$0x3], $0x1, s19, s28, $0xb8;
	[tilespmem:$0x1F580] =	vst v63  }
0x63: {  	s24 =	simm.s32 $0x300;
	s26 =	simm.s32 $0x11000  }
0x64: {  	[tilespmem:s26], [sflag:$0x1] =	stream.indirect.gather [hbm4b:s7+s28], $0x40, s24, s28, $0xb8;
	[tilespmem:$0x1F580] =	vst v63  }
0x65: {  	_ =	swait.ge [sflag:s21], $0x2000  }
0x66: {  	[sflag:s21] =	ssyncset.done $0x0  }
0x67: {  	s10 =	simm.s32 $0x2900;
	[sflag:s21] =	ssyncadd.s32 $0xFFFFE000  }
0x68: {  	[spmem:s2] =	stream.indirect.scatter.add.f32 [tilespmem:s0], [sflag:$0x2], $0x40, s10, s28, $0xb8;
	[tilespmem:$0x1F580] =	vst v63  }
0x69: {  	_ = 	snop  }
0x6a: {  	[spmem:s3] =	stream.indirect.scatter.add.f32 [tilespmem:s25], [sflag:$0x3], $0x1, s10, s28, $0xb8;
	[tilespmem:$0x1F580] =	vst v63  }
0x6b: {  	s15 =	simm.s32 $0x13000;
	s14 =	simm.s32 $0x380  }
0x6c: {  	[tilespmem:s15], [sflag:$0x1] =	stream.indirect.gather [hbm4b:s7+s28], $0x40, s14, s28, $0xb8;
	[tilespmem:$0x1F580] =	vst v63  }
0x6d: {  	p1 =	por $0x0, $0x0;
	_ =	swait.ge [sflag:s21], $0x2000  }
0x6e: {  	s6 =	simm.s32 $0x40000;
	p1 =	por p1, p1;
	[sflag:s21] =	ssyncset.done $0x0  }
0x6f: {  	s6 =	sand.u32 @!p1 $0x38000, s6;
	s16 =	simm.s32 $0x2980;
	[sflag:s21] =	ssyncadd.s32 $0xFFFFE000  }
0x70: {  	[spmem:s2] =	stream.indirect.scatter.add.f32 [tilespmem:s13], [sflag:$0x2], $0x40, s16, s28, $0xb8;
	[tilespmem:$0x1F580] =	vst v63  }
0x71: {  	s30 =	simm.s32 $0x2980;
	s6 =	sshrl.u32 @!p1 s6, $0x2  }
0x72: {  	[spmem:s3] =	stream.indirect.scatter.add.f32 [tilespmem:s25], [sflag:$0x3], $0x1, s16, s28, $0xb8;
	[tilespmem:$0x1F580] =	vst v63  }
0x73: {  	s6 =	sadd.s32 @!p1 $0x5000, s6;
	s22 =	simm.s32 $0x2880;
	_ =	swait.ge [sflag:s31], $0x2000  }
0x74: {  	s19 =	simm.s32 $0x20000;
	s24 =	simm.s32 $0x2900;
	[sflag:s31] =	ssyncset.done $0x0  }
0x75: {  	s10 =	simm.s32 $0x400;
	s16 =	simm.s32 @!p1 $0x80;
	[sflag:s31] =	ssyncadd.s32 $0xFFFFE000  }
0x76: {  	[tilespmem:s6], [sflag:$0x1] =	stream.indirect.gather @!p1 [hbm4b:s7+s16], $0x40, s10, s16, $0xb8;
	[tilespmem:$0x1F580] =	vst v63  }
0x77: {  	s26 =	sand.u32 $0x38000, s19;
	s14 =	simm.s32 $0x2A00;
	_ =	swait.ge [sflag:s21], $0x2000  }
0x78: {  	s6 =	sshrl.u32 s26, $0x2;
	p1 =	por $0x0, $0x0;
	[sflag:s21] =	ssyncset.done $0x0  }
0x79: {  	s16 =	simm.s32 $0x6;
	s6 =	sadd.s32 $0x5000, s6;
	[sflag:s21] =	ssyncadd.s32 $0xFFFFE000  }
0x7a: {  	[spmem:s2] =	stream.indirect.scatter.add.f32 [tilespmem:s6], [sflag:$0x2], $0x40, s14, s28, $0xb8;
	[tilespmem:$0x1F580] =	vst v63  }
0x7b: {  	s26 =	simm.s32 $0x2A80;
	s10 =	simm.s32 $0x48000;
	s6 =	simm.s32 $0x480  }
.LBB2_3:
0x7c: {  	[spmem:s3] =	stream.indirect.scatter.add.f32 [tilespmem:s25], [sflag:$0x3], $0x1, s14, s28, $0xb8;
	[tilespmem:$0x1F580] =	vst v63  }
0x7d: {  	s14 =	smov.u32 s26;
	p2 =	por p1, p1;
	p1 =	sgt.u32 s16, $0x4B  }
0x7e: {  	s5 =	sadd.s32 $0xFFFE0000, s10;
	_ =	swait.ge [sflag:s31], $0x2000;
	s19 =	sand.u32 @!p2 $0x38000, s10  }
0x7f: {  	s16 =	sadd.s32 $0x1, s16;
	[sflag:s31] =	ssyncset.done $0x0;
	s19 =	sshrl.u32 @!p2 s19, $0x2  }
0x80: {  	s15 =	simm.s32 @!p2 $0x80;
	[sflag:s31] =	ssyncadd.s32 $0xFFFFE000;
	s19 =	sadd.s32 @!p2 $0x5000, s19  }
0x81: {  	[tilespmem:s19], [sflag:$0x1] =	stream.indirect.gather @!p2 [hbm4b:s7+s15], $0x40, s6, s15, $0xb8;
	[tilespmem:$0x1F580] =	vst v63  }
0x82: {  	p2 =	sne.s32 s16, $0x50  }
.Ltmp3:
0x83: {  	s5 =	sand.u32 $0x38000, s5;
	_ =	swait.ge [sflag:s21], $0x2000;
	(pc) =	sbr.rel @p2 .LBB2_3-.Ltmp3, $4  }
0x84: {  	s5 =	sshrl.u32 s5, $0x2;
	[sflag:s21] =	ssyncset.done $0x0  }
0x85: {  	s5 =	sadd.s32 $0x5000, s5;
	[sflag:s21] =	ssyncadd.s32 $0xFFFFE000  }
0x86: {  	[spmem:s2] =	stream.indirect.scatter.add.f32 [tilespmem:s5], [sflag:$0x2], $0x40, s26, s28, $0xb8;
	[tilespmem:$0x1F580] =	vst v63  }
0x87: {  	s10 =	sadd.s32 $0x8000, s10;
	s6 =	sadd.s32 $0x80, s6;
	s26 =	sadd.s32 $0x80, s26  }
0x88: {  	[spmem:s3] =	stream.indirect.scatter.add.f32 [tilespmem:s25], [sflag:$0x3], $0x1, s14, s28, $0xb8;
	[tilespmem:$0x1F580] =	vst v63  }
0x89: {  	p1 =	por p1, p1  }
0x8a: {  	_ =	swait.ge [sflag:s31], $0x2000;
	s5 =	sand.u32 @!p1 $0x38000, s10  }
0x8b: {  	s16 =	sadd.s32 $0xFFFE0000, s10;
	[sflag:s31] =	ssyncset.done $0x0;
	s5 =	sshrl.u32 @!p1 s5, $0x2  }
0x8c: {  	s14 =	simm.s32 @!p1 $0x80;
	[sflag:s31] =	ssyncadd.s32 $0xFFFFE000;
	s5 =	sadd.s32 @!p1 $0x5000, s5  }
0x8d: {  	[tilespmem:s5], [sflag:$0x1] =	stream.indirect.gather @!p1 [hbm4b:s7+s14], $0x40, s6, s14, $0xb8;
	[tilespmem:$0x1F580] =	vst v63  }
0x8e: {  	s19 =	sand.u32 $0x38000, s16;
	_ =	swait.ge [sflag:s21], $0x2000  }
0x8f: {  	s5 =	sshrl.u32 s19, $0x2;
	[sflag:s21] =	ssyncset.done $0x0  }
0x90: {  	s5 =	sadd.s32 $0x5000, s5;
	[sflag:s21] =	ssyncadd.s32 $0xFFFFE000  }
0x91: {  	[spmem:s2] =	stream.indirect.scatter.add.f32 [tilespmem:s5], [sflag:$0x2], $0x40, s26, s28, $0xb8;
	[tilespmem:$0x1F580] =	vst v63  }
0x92: {  	_ = 	snop  }
0x93: {  	[spmem:s3] =	stream.indirect.scatter.add.f32 [tilespmem:s25], [sflag:$0x3], $0x1, s26, s28, $0xb8;
	[tilespmem:$0x1F580] =	vst v63  }
0x94: {  	_ =	swait.ge [sflag:s31], $0x2000  }
0x95: {  	[sflag:s31] =	ssyncset.done $0x0  }
0x96: {  	[sflag:s31] =	ssyncadd.s32 $0xFFFFE000  }
0x97: {  	_ =	swait.ge [sflag:s31], $0x2000  }
0x98: {  	[sflag:s31] =	ssyncset.done $0x0  }
0x99: {  	[sflag:s31] =	ssyncadd.s32 $0xFFFFE000  }
0x9a: {  	_ =	swait.ge [sflag:s31], $0x2000  }
0x9b: {  	[sflag:s31] =	ssyncset.done $0x0  }
0x9c: {  	[sflag:s31] =	ssyncadd.s32 $0xFFFFE000  }
0x9d: {  	_ =	swait.ge [sflag:s31], $0x2000  }
0x9e: {  	[sflag:s31] =	ssyncset.done $0x0  }
0x9f: {  	[sflag:s31] =	ssyncadd.s32 $0xFFFFE000  }
0xa0: {  	_ =	swait.ge [sflag:s12], $0x80  }
0xa1: {  	s6 =	simm.s32 $0x4F;
	[sflag:s12] =	ssyncset.done $0x0  }
.LBB2_5:
0xa2: {  	p1 =	sne.s32 s6, $0x1;
	s6 =	sadd.s32 $0xFFFFFFFF, s6;
	[sflag:s12] =	ssyncadd.s32 $0xFFFFFF80  }
.Ltmp4:
0xa3: {  	(pc) =	sbr.rel @p1 .LBB2_5-.Ltmp4, $3  }
0xa4: {  	_ =	sdelay $0x1  }
0xa5: {  	_ =	swait.ge [sflag:s12], $0x80  }
0xa6: {  	[sflag:s12] =	ssyncset.done $0x0  }
0xa7: {  	[sflag:s12] =	ssyncadd.s32 $0xFFFFFF80  }
0xa8: {  	[bflag:$0x0] =	sbarrier.arrive $0xFFFF  }
0xa9: {  	s19 =	simm.s32 $0x4;
	s5 =	rddreg [dreg:$0xf]  }
0xaa: {  	[hbm:s5], [sflag:s20] =	dma.local [spmem:s1], $0x1400  }
0xab: {  	_ =	swait.ge [sflag:s19], $0x1400  }
0xac: {  	[sflag:s19] =	ssyncset.done $0x0;
	s6 =	rddreg [dreg:$0xe]  }
0xad: {  	s10 =	rddreg [dreg:$0x10];
	[sflag:s19] =	ssyncadd.s32 $0xFFFFEC00;
	s6 =	sshrl.u32 s6, $0x3  }
0xae: {  	[hbm:s10], [sflag:s20] =	dma.local [spmem:s6], $0x50  }
0xaf: {  	_ =	swait.ge [sflag:s19], $0x50  }
0xb0: {  	[sflag:s19] =	ssyncset.done $0x0  }
0xb1: {  	[sflag:s19] =	ssyncadd.s32 $0xFFFFFFB0  }
0xb2: {  	[spmem:s1], [sflag:s20] =	dma.local [hbm:s17], $0x1400  }
0xb3: {  	_ =	swait.ge [sflag:s19], $0x1400  }
0xb4: {  	[sflag:s19] =	ssyncset.done $0x0  }
0xb5: {  	[sflag:s19] =	ssyncadd.s32 $0xFFFFEC00  }
0xb6: {  	[bflag:$0x0] =	sbarrier.arrive $0xFFFF  }
0xb7: {  	[tilespmem:s29], [sflag:$0x1] =	stream.indirect.gather [hbm4b:s9+s28], $0x40, s4, s28, $0xb8;
	[tilespmem:$0x1F580] =	vst v63  }
0xb8: {  	s10 =	simm.s32 $0x7000  }
0xb9: {  	[tilespmem:s10], [sflag:$0x1] =	stream.indirect.gather [hbm4b:s9+s28], $0x40, s28, s28, $0xb8;
	[tilespmem:$0x1F580] =	vst v63  }
0xba: {  	s26 =	simm.s32 $0x100  }
0xbb: {  	[tilespmem:s0], [sflag:$0x1] =	stream.indirect.gather [hbm4b:s9+s28], $0x40, s26, s28, $0xb8;
	[tilespmem:$0x1F580] =	vst v63  }
0xbc: {  	s6 =	simm.s32 $0x180  }
0xbd: {  	[tilespmem:s13], [sflag:$0x1] =	stream.indirect.gather [hbm4b:s9+s28], $0x40, s6, s28, $0xb8;
	[tilespmem:$0x1F580] =	vst v63  }
0xbe: {  	s14 =	simm.s32 $0x200;
	s15 =	simm.s32 $0xD000  }
0xbf: {  	[tilespmem:s15], [sflag:$0x1] =	stream.indirect.gather [hbm4b:s9+s28], $0x40, s14, s28, $0xb8;
	[tilespmem:$0x1F580] =	vst v63  }
0xc0: {  	_ =	swait.ge [sflag:s21], $0x2000  }
0xc1: {  	[sflag:s21] =	ssyncset.done $0x0  }
0xc2: {  	s16 =	simm.s32 $0x2800;
	[sflag:s21] =	ssyncadd.s32 $0xFFFFE000  }
0xc3: {  	[spmem:s2] =	stream.indirect.scatter.add.f32 [tilespmem:s29], [sflag:$0x2], $0x40, s16, s28, $0xb8;
	[tilespmem:$0x1F580] =	vst v63  }
0xc4: {  	s19 =	simm.s32 $0x280;
	s26 =	simm.s32 $0xF000  }
0xc5: {  	[tilespmem:s26], [sflag:$0x1] =	stream.indirect.gather [hbm4b:s9+s28], $0x40, s19, s28, $0xb8;
	[tilespmem:$0x1F580] =	vst v63  }
0xc6: {  	_ =	swait.ge [sflag:s21], $0x2000  }
0xc7: {  	[sflag:s21] =	ssyncset.done $0x0  }
0xc8: {  	[sflag:s21] =	ssyncadd.s32 $0xFFFFE000  }
0xc9: {  	[spmem:s2] =	stream.indirect.scatter.add.f32 [tilespmem:s10], [sflag:$0x2], $0x40, s22, s28, $0xb8;
	[tilespmem:$0x1F580] =	vst v63  }
0xca: {  	s14 =	simm.s32 $0x11000;
	s10 =	simm.s32 $0x300  }
0xcb: {  	[tilespmem:s14], [sflag:$0x1] =	stream.indirect.gather [hbm4b:s9+s28], $0x40, s10, s28, $0xb8;
	[tilespmem:$0x1F580] =	vst v63  }
0xcc: {  	_ =	swait.ge [sflag:s21], $0x2000  }
0xcd: {  	[sflag:s21] =	ssyncset.done $0x0  }
0xce: {  	[sflag:s21] =	ssyncadd.s32 $0xFFFFE000  }
0xcf: {  	[spmem:s2] =	stream.indirect.scatter.add.f32 [tilespmem:s0], [sflag:$0x2], $0x40, s24, s28, $0xb8;
	[tilespmem:$0x1F580] =	vst v63  }
0xd0: {  	s15 =	simm.s32 $0x380;
	s16 =	simm.s32 $0x13000  }
0xd1: {  	[tilespmem:s16], [sflag:$0x1] =	stream.indirect.gather [hbm4b:s9+s28], $0x40, s15, s28, $0xb8;
	[tilespmem:$0x1F580] =	vst v63  }
0xd2: {  	p1 =	por $0x0, $0x0;
	s6 =	simm.s32 $0x40000;
	_ =	swait.ge [sflag:s21], $0x2000  }
0xd3: {  	s5 =	sand.u32 @!p1 $0x38000, s6;
	[sflag:s21] =	ssyncset.done $0x0  }
0xd4: {  	s5 =	sshrl.u32 @!p1 s5, $0x2;
	[sflag:s21] =	ssyncadd.s32 $0xFFFFE000  }
0xd5: {  	[spmem:s2] =	stream.indirect.scatter.add.f32 [tilespmem:s13], [sflag:$0x2], $0x40, s30, s28, $0xb8;
	[tilespmem:$0x1F580] =	vst v63  }
0xd6: {  	s6 =	simm.s32 $0x5;
	s5 =	sadd.s32 @!p1 $0x5000, s5;
	_ =	swait.ge [sflag:s31], $0x2000  }
0xd7: {  	s26 =	simm.s32 $0x2A00;
	s10 =	simm.s32 $0x400;
	[sflag:s31] =	ssyncset.done $0x0  }
0xd8: {  	s14 =	simm.s32 $0x20000;
	s15 =	simm.s32 @!p1 $0x80;
	[sflag:s31] =	ssyncadd.s32 $0xFFFFE000  }
0xd9: {  	[tilespmem:s5], [sflag:$0x1] =	stream.indirect.gather @!p1 [hbm4b:s9+s15], $0x40, s10, s15, $0xb8;
	[tilespmem:$0x1F580] =	vst v63  }
0xda: {  	s19 =	sand.u32 $0x38000, s14;
	s14 =	simm.s32 $0x48000;
	_ =	swait.ge [sflag:s21], $0x2000  }
0xdb: {  	s16 =	simm.s32 $0x2A80;
	s5 =	sshrl.u32 s19, $0x2;
	[sflag:s21] =	ssyncset.done $0x0  }
0xdc: {  	s10 =	simm.s32 $0x480;
	s19 =	sadd.s32 $0x5000, s5;
	[sflag:s21] =	ssyncadd.s32 $0xFFFFE000  }
.LBB2_7:
0xdd: {  	[spmem:s2] =	stream.indirect.scatter.add.f32 [tilespmem:s19], [sflag:$0x2], $0x40, s26, s28, $0xb8;
	[tilespmem:$0x1F580] =	vst v63  }
0xde: {  	s26 =	smov.u32 s16  }
0xdf: {  	p2 =	sgt.u32 s6, $0x4B;
	s6 =	sadd.s32 $0x1, s6;
	_ =	swait.ge [sflag:s31], $0x2000  }
0xe0: {  	s5 =	sand.u32 @!p2 $0x38000, s14;
	p1 =	seq.s32 s6, $0x50;
	[sflag:s31] =	ssyncset.done $0x0  }
0xe1: {  	s15 =	sadd.s32 $0xFFFE0000, s14;
	s5 =	sshrl.u32 @!p2 s5, $0x2;
	[sflag:s31] =	ssyncadd.s32 $0xFFFFE000  }
.Ltmp5:
0xe2: {  	s19 =	simm.s32 @!p2 $0x80;
	s5 =	sadd.s32 @!p2 $0x5000, s5;
	(pc) =	sbr.rel @!p1 .LBB2_7-.Ltmp5, $4  }
0xe3: {  	[tilespmem:s5], [sflag:$0x1] =	stream.indirect.gather @!p2 [hbm4b:s9+s19], $0x40, s10, s19, $0xb8;
	[tilespmem:$0x1F580] =	vst v63  }
0xe4: {  	s5 =	sand.u32 $0x38000, s15;
	s10 =	sadd.s32 $0x80, s10;
	_ =	swait.ge [sflag:s21], $0x2000  }
0xe5: {  	s14 =	sadd.s32 $0x8000, s14;
	s5 =	sshrl.u32 s5, $0x2;
	[sflag:s21] =	ssyncset.done $0x0  }
0xe6: {  	s16 =	sadd.s32 $0x80, s16;
	s19 =	sadd.s32 $0x5000, s5;
	[sflag:s21] =	ssyncadd.s32 $0xFFFFE000  }
.Ltmp6:
0xe7: {  	(pc) =	sbr.rel .LBB2_14-.Ltmp6, $3  }
0xe8: {  	_ =	sdelay $0x1  }
0xe9: {  	[spmem:s2] =	stream.indirect.scatter.add.f32 [tilespmem:s19], [sflag:$0x2], $0x40, s26, s28, $0xb8;
	[tilespmem:$0x1F580] =	vst v63  }
0xea: {  	s6 =	rddreg [dreg:$0x8]  }
.LBB2_9:
0xeb: {  	[bflag:$0x0] =	sbarrier.arrive $0xFFFF  }
0xec: {  	[tilespmem:s29], [sflag:$0x1] =	stream.indirect.gather [hbm4b:s8+s28], $0x40, s4, s28, $0xb8;
	[tilespmem:$0x1F580] =	vst v63  }
0xed: {  	s14 =	simm.s32 $0x7000  }
0xee: {  	[tilespmem:s14], [sflag:$0x1] =	stream.indirect.gather [hbm4b:s8+s28], $0x40, s28, s28, $0xb8;
	[tilespmem:$0x1F580] =	vst v63  }
0xef: {  	s5 =	simm.s32 $0x100  }
0xf0: {  	[tilespmem:s0], [sflag:$0x1] =	stream.indirect.gather [hbm4b:s8+s28], $0x40, s5, s28, $0xb8;
	[tilespmem:$0x1F580] =	vst v63  }
0xf1: {  	s6 =	simm.s32 $0x180  }
0xf2: {  	[tilespmem:s13], [sflag:$0x1] =	stream.indirect.gather [hbm4b:s8+s28], $0x40, s6, s28, $0xb8;
	[tilespmem:$0x1F580] =	vst v63  }
0xf3: {  	s15 =	simm.s32 $0x200;
	s6 =	simm.s32 $0xD000  }
0xf4: {  	[tilespmem:s6], [sflag:$0x1] =	stream.indirect.gather [hbm4b:s8+s28], $0x40, s15, s28, $0xb8;
	[tilespmem:$0x1F580] =	vst v63  }
0xf5: {  	_ =	swait.ge [sflag:s21], $0x2000  }
0xf6: {  	[sflag:s21] =	ssyncset.done $0x0  }
0xf7: {  	s16 =	simm.s32 $0x5000;
	[sflag:s21] =	ssyncadd.s32 $0xFFFFE000  }
0xf8: {  	[spmem:s2] =	stream.indirect.scatter.add.f32 [tilespmem:s16], [sflag:$0x2], $0x40, s10, s28, $0xb8;
	[tilespmem:$0x1F580] =	vst v63  }
0xf9: {  	s19 =	simm.s32 $0x280;
	s26 =	simm.s32 $0xF000  }
0xfa: {  	[tilespmem:s26], [sflag:$0x1] =	stream.indirect.gather [hbm4b:s8+s28], $0x40, s19, s28, $0xb8;
	[tilespmem:$0x1F580] =	vst v63  }
0xfb: {  	_ =	swait.ge [sflag:s21], $0x2000  }
0xfc: {  	[sflag:s21] =	ssyncset.done $0x0  }
0xfd: {  	[sflag:s21] =	ssyncadd.s32 $0xFFFFE000  }
0xfe: {  	[spmem:s2] =	stream.indirect.scatter.add.f32 [tilespmem:s14], [sflag:$0x2], $0x40, s22, s28, $0xb8;
	[tilespmem:$0x1F580] =	vst v63  }
0xff: {  	s6 =	simm.s32 $0x300;
	s10 =	simm.s32 $0x11000  }
0x100: {  	[tilespmem:s10], [sflag:$0x1] =	stream.indirect.gather [hbm4b:s8+s28], $0x40, s6, s28, $0xb8;
	[tilespmem:$0x1F580] =	vst v63  }
0x101: {  	_ =	swait.ge [sflag:s21], $0x2000  }
0x102: {  	[sflag:s21] =	ssyncset.done $0x0  }
0x103: {  	[sflag:s21] =	ssyncadd.s32 $0xFFFFE000  }
0x104: {  	[spmem:s2] =	stream.indirect.scatter.add.f32 [tilespmem:s0], [sflag:$0x2], $0x40, s24, s28, $0xb8;
	[tilespmem:$0x1F580] =	vst v63  }
0x105: {  	s15 =	simm.s32 $0x13000;
	s14 =	simm.s32 $0x380  }
0x106: {  	[tilespmem:s15], [sflag:$0x1] =	stream.indirect.gather [hbm4b:s8+s28], $0x40, s14, s28, $0xb8;
	[tilespmem:$0x1F580] =	vst v63  }
0x107: {  	p1 =	por $0x0, $0x0;
	s5 =	simm.s32 $0x40000;
	_ =	swait.ge [sflag:s21], $0x2000  }
0x108: {  	s5 =	sand.u32 @!p1 $0x38000, s5;
	[sflag:s21] =	ssyncset.done $0x0  }
0x109: {  	s29 =	simm.s32 $0x2800;
	s5 =	sshrl.u32 @!p1 s5, $0x2;
	[sflag:s21] =	ssyncadd.s32 $0xFFFFE000  }
0x10a: {  	[spmem:s2] =	stream.indirect.scatter.add.f32 [tilespmem:s13], [sflag:$0x2], $0x40, s30, s28, $0xb8;
	[tilespmem:$0x1F580] =	vst v63  }
0x10b: {  	s5 =	sadd.s32 @!p1 $0x5000, s5;
	s16 =	simm.s32 $0x20000;
	_ =	swait.ge [sflag:s31], $0x2000  }
0x10c: {  	s26 =	simm.s32 $0x2A00;
	s19 =	sand.u32 $0x38000, s16;
	[sflag:s31] =	ssyncset.done $0x0  }
0x10d: {  	s10 =	simm.s32 $0x400;
	s15 =	simm.s32 @!p1 $0x80;
	[sflag:s31] =	ssyncadd.s32 $0xFFFFE000  }
0x10e: {  	[tilespmem:s5], [sflag:$0x1] =	stream.indirect.gather @!p1 [hbm4b:s8+s15], $0x40, s10, s15, $0xb8;
	[tilespmem:$0x1F580] =	vst v63  }
0x10f: {  	s16 =	simm.s32 $0x2A80;
	s6 =	simm.s32 $0x5;
	_ =	swait.ge [sflag:s21], $0x2000  }
0x110: {  	s14 =	simm.s32 $0x48000;
	s5 =	sshrl.u32 s19, $0x2;
	[sflag:s21] =	ssyncset.done $0x0  }
0x111: {  	s10 =	simm.s32 $0x480;
	s19 =	sadd.s32 $0x5000, s5;
	[sflag:s21] =	ssyncadd.s32 $0xFFFFE000  }
.LBB2_10:
0x112: {  	[spmem:s2] =	stream.indirect.scatter.add.f32 [tilespmem:s19], [sflag:$0x2], $0x40, s26, s28, $0xb8;
	[tilespmem:$0x1F580] =	vst v63  }
0x113: {  	s26 =	smov.u32 s16  }
0x114: {  	p2 =	sgt.u32 s6, $0x4B;
	s6 =	sadd.s32 $0x1, s6;
	_ =	swait.ge [sflag:s31], $0x2000  }
0x115: {  	s5 =	sand.u32 @!p2 $0x38000, s14;
	p1 =	seq.s32 s6, $0x50;
	[sflag:s31] =	ssyncset.done $0x0  }
0x116: {  	s15 =	sadd.s32 $0xFFFE0000, s14;
	s5 =	sshrl.u32 @!p2 s5, $0x2;
	[sflag:s31] =	ssyncadd.s32 $0xFFFFE000  }
.Ltmp7:
0x117: {  	s19 =	simm.s32 @!p2 $0x80;
	s5 =	sadd.s32 @!p2 $0x5000, s5;
	(pc) =	sbr.rel @!p1 .LBB2_10-.Ltmp7, $4  }
0x118: {  	[tilespmem:s5], [sflag:$0x1] =	stream.indirect.gather @!p2 [hbm4b:s8+s19], $0x40, s10, s19, $0xb8;
	[tilespmem:$0x1F580] =	vst v63  }
0x119: {  	s5 =	sand.u32 $0x38000, s15;
	s10 =	sadd.s32 $0x80, s10;
	_ =	swait.ge [sflag:s21], $0x2000  }
0x11a: {  	s14 =	sadd.s32 $0x8000, s14;
	s5 =	sshrl.u32 s5, $0x2;
	[sflag:s21] =	ssyncset.done $0x0  }
0x11b: {  	s16 =	sadd.s32 $0x80, s16;
	s19 =	sadd.s32 $0x5000, s5;
	[sflag:s21] =	ssyncadd.s32 $0xFFFFE000  }
0x11c: {  	[spmem:s2] =	stream.indirect.scatter.add.f32 [tilespmem:s19], [sflag:$0x2], $0x40, s26, s28, $0xb8;
	[tilespmem:$0x1F580] =	vst v63  }
0x11d: {  	_ =	swait.ge [sflag:s31], $0x2000  }
0x11e: {  	[sflag:s31] =	ssyncset.done $0x0  }
0x11f: {  	[sflag:s31] =	ssyncadd.s32 $0xFFFFE000  }
0x120: {  	_ =	swait.ge [sflag:s31], $0x2000  }
0x121: {  	[sflag:s31] =	ssyncset.done $0x0  }
0x122: {  	[sflag:s31] =	ssyncadd.s32 $0xFFFFE000  }
0x123: {  	_ =	swait.ge [sflag:s31], $0x2000  }
0x124: {  	[sflag:s31] =	ssyncset.done $0x0  }
0x125: {  	[sflag:s31] =	ssyncadd.s32 $0xFFFFE000  }
0x126: {  	_ =	swait.ge [sflag:s31], $0x2000  }
0x127: {  	[sflag:s31] =	ssyncset.done $0x0  }
0x128: {  	[sflag:s31] =	ssyncadd.s32 $0xFFFFE000  }
0x129: {  	[bflag:$0x0] =	sbarrier.arrive $0xFFFF  }
0x12a: {  	s26 =	simm.s32 $0x4;
	s5 =	rddreg [dreg:$0xd]  }
0x12b: {  	[hbm:s5], [sflag:s20] =	dma.local [spmem:s1], $0x1400  }
0x12c: {  	_ =	swait.ge [sflag:s26], $0x1400  }
0x12d: {  	[sflag:s26] =	ssyncset.done $0x0  }
0x12e: {  	[sflag:s26] =	ssyncadd.s32 $0xFFFFEC00  }
0x12f: {  	[spmem:s1], [sflag:s20] =	dma.local [hbm:s17], $0x1400  }
0x130: {  	_ =	swait.ge [sflag:s26], $0x1400  }
0x131: {  	[sflag:s26] =	ssyncset.done $0x0  }
0x132: {  	[sflag:s26] =	ssyncadd.s32 $0xFFFFEC00  }
0x133: {  	s10 =	simm.s32 $0x5000;
	[bflag:$0x0] =	sbarrier.arrive $0xFFFF  }
0x134: {  	[tilespmem:s10], [sflag:$0x1] =	stream.indirect.gather [hbm4b:s11+s28], $0x40, s4, s28, $0xb8;
	[tilespmem:$0x1F580] =	vst v63  }
0x135: {  	s14 =	simm.s32 $0x7000  }
0x136: {  	[tilespmem:s14], [sflag:$0x1] =	stream.indirect.gather [hbm4b:s11+s28], $0x40, s28, s28, $0xb8;
	[tilespmem:$0x1F580] =	vst v63  }
0x137: {  	s6 =	simm.s32 $0x100  }
0x138: {  	[tilespmem:s0], [sflag:$0x1] =	stream.indirect.gather [hbm4b:s11+s28], $0x40, s6, s28, $0xb8;
	[tilespmem:$0x1F580] =	vst v63  }
0x139: {  	s15 =	simm.s32 $0x180  }
0x13a: {  	[tilespmem:s13], [sflag:$0x1] =	stream.indirect.gather [hbm4b:s11+s28], $0x40, s15, s28, $0xb8;
	[tilespmem:$0x1F580] =	vst v63  }
0x13b: {  	s16 =	simm.s32 $0x200;
	s6 =	simm.s32 $0xD000  }
0x13c: {  	[tilespmem:s6], [sflag:$0x1] =	stream.indirect.gather [hbm4b:s11+s28], $0x40, s16, s28, $0xb8;
	[tilespmem:$0x1F580] =	vst v63  }
0x13d: {  	_ =	swait.ge [sflag:s21], $0x2000  }
0x13e: {  	[sflag:s21] =	ssyncset.done $0x0  }
0x13f: {  	[sflag:s21] =	ssyncadd.s32 $0xFFFFE000  }
0x140: {  	[spmem:s2] =	stream.indirect.scatter.add.f32 [tilespmem:s10], [sflag:$0x2], $0x40, s29, s28, $0xb8;
	[tilespmem:$0x1F580] =	vst v63  }
0x141: {  	s19 =	simm.s32 $0x280;
	s26 =	simm.s32 $0xF000  }
0x142: {  	[tilespmem:s26], [sflag:$0x1] =	stream.indirect.gather [hbm4b:s11+s28], $0x40, s19, s28, $0xb8;
	[tilespmem:$0x1F580] =	vst v63  }
0x143: {  	_ =	swait.ge [sflag:s21], $0x2000  }
0x144: {  	[sflag:s21] =	ssyncset.done $0x0  }
0x145: {  	[sflag:s21] =	ssyncadd.s32 $0xFFFFE000  }
0x146: {  	[spmem:s2] =	stream.indirect.scatter.add.f32 [tilespmem:s14], [sflag:$0x2], $0x40, s22, s28, $0xb8;
	[tilespmem:$0x1F580] =	vst v63  }
0x147: {  	s6 =	simm.s32 $0x300;
	s10 =	simm.s32 $0x11000  }
0x148: {  	[tilespmem:s10], [sflag:$0x1] =	stream.indirect.gather [hbm4b:s11+s28], $0x40, s6, s28, $0xb8;
	[tilespmem:$0x1F580] =	vst v63  }
0x149: {  	_ =	swait.ge [sflag:s21], $0x2000  }
0x14a: {  	[sflag:s21] =	ssyncset.done $0x0  }
0x14b: {  	p1 =	por $0x0, $0x0;
	[sflag:s21] =	ssyncadd.s32 $0xFFFFE000  }
0x14c: {  	[spmem:s2] =	stream.indirect.scatter.add.f32 [tilespmem:s0], [sflag:$0x2], $0x40, s24, s28, $0xb8;
	[tilespmem:$0x1F580] =	vst v63  }
0x14d: {  	s5 =	simm.s32 $0x40000;
	s15 =	simm.s32 $0x13000;
	s14 =	simm.s32 $0x380  }
0x14e: {  	[tilespmem:s15], [sflag:$0x1] =	stream.indirect.gather [hbm4b:s11+s28], $0x40, s14, s28, $0xb8;
	[tilespmem:$0x1F580] =	vst v63  }
0x14f: {  	s5 =	sand.u32 @!p1 $0x38000, s5;
	_ =	swait.ge [sflag:s21], $0x2000  }
0x150: {  	s5 =	sshrl.u32 @!p1 s5, $0x2;
	[sflag:s21] =	ssyncset.done $0x0  }
0x151: {  	s5 =	sadd.s32 @!p1 $0x5000, s5;
	[sflag:s21] =	ssyncadd.s32 $0xFFFFE000  }
0x152: {  	[spmem:s2] =	stream.indirect.scatter.add.f32 [tilespmem:s13], [sflag:$0x2], $0x40, s30, s28, $0xb8;
	[tilespmem:$0x1F580] =	vst v63  }
0x153: {  	s16 =	simm.s32 $0x20000;
	s29 =	simm.s32 $0x5000;
	_ =	swait.ge [sflag:s31], $0x2000  }
0x154: {  	s26 =	simm.s32 $0x2A00;
	s19 =	sand.u32 $0x38000, s16;
	[sflag:s31] =	ssyncset.done $0x0  }
0x155: {  	s10 =	simm.s32 $0x400;
	s15 =	simm.s32 @!p1 $0x80;
	[sflag:s31] =	ssyncadd.s32 $0xFFFFE000  }
0x156: {  	[tilespmem:s5], [sflag:$0x1] =	stream.indirect.gather @!p1 [hbm4b:s11+s15], $0x40, s10, s15, $0xb8;
	[tilespmem:$0x1F580] =	vst v63  }
0x157: {  	s16 =	simm.s32 $0x2A80;
	s6 =	simm.s32 $0x5;
	_ =	swait.ge [sflag:s21], $0x2000  }
0x158: {  	s14 =	simm.s32 $0x48000;
	s5 =	sshrl.u32 s19, $0x2;
	[sflag:s21] =	ssyncset.done $0x0  }
0x159: {  	s10 =	simm.s32 $0x480;
	s19 =	sadd.s32 $0x5000, s5;
	[sflag:s21] =	ssyncadd.s32 $0xFFFFE000  }
.LBB2_12:
0x15a: {  	[spmem:s2] =	stream.indirect.scatter.add.f32 [tilespmem:s19], [sflag:$0x2], $0x40, s26, s28, $0xb8;
	[tilespmem:$0x1F580] =	vst v63  }
0x15b: {  	s26 =	smov.u32 s16  }
0x15c: {  	p2 =	sgt.u32 s6, $0x4B;
	s6 =	sadd.s32 $0x1, s6;
	_ =	swait.ge [sflag:s31], $0x2000  }
0x15d: {  	s5 =	sand.u32 @!p2 $0x38000, s14;
	p1 =	sne.s32 s6, $0x50;
	[sflag:s31] =	ssyncset.done $0x0  }
0x15e: {  	s15 =	sadd.s32 $0xFFFE0000, s14;
	s5 =	sshrl.u32 @!p2 s5, $0x2;
	[sflag:s31] =	ssyncadd.s32 $0xFFFFE000  }
.Ltmp8:
0x15f: {  	s19 =	simm.s32 @!p2 $0x80;
	s5 =	sadd.s32 @!p2 $0x5000, s5;
	(pc) =	sbr.rel @p1 .LBB2_12-.Ltmp8, $4  }
0x160: {  	[tilespmem:s5], [sflag:$0x1] =	stream.indirect.gather @!p2 [hbm4b:s11+s19], $0x40, s10, s19, $0xb8;
	[tilespmem:$0x1F580] =	vst v63  }
0x161: {  	s5 =	sand.u32 $0x38000, s15;
	s10 =	sadd.s32 $0x80, s10;
	_ =	swait.ge [sflag:s21], $0x2000  }
0x162: {  	s14 =	sadd.s32 $0x8000, s14;
	s5 =	sshrl.u32 s5, $0x2;
	[sflag:s21] =	ssyncset.done $0x0  }
0x163: {  	s16 =	sadd.s32 $0x80, s16;
	s19 =	sadd.s32 $0x5000, s5;
	[sflag:s21] =	ssyncadd.s32 $0xFFFFE000  }
.Ltmp9:
0x164: {  	_ = 	snop;
	(pc) =	sbr.rel .LBB2_13-.Ltmp9, $1  }
0x165: {  	_ =	sdelay $0x3  }
.LBB2_15:
0x166: {  	_ =	sfence.sel $0x180000  }
0x167: {  	[bflag:$0x0] =	sbarrier.arrive $0xFFFF  }
0x168: {  	_ =	strace $0x90000047  }
0x169: {  	s0 =	stileid.u32;
	[bflag:$0x2] =	sbarrier.arrive $0xFFFF  }
0x16a: {  	p0 =	sne.s32 s0, $0x0;
	s0 =	rddreg [dreg:$0x4]  }
0x16b: {  	s0 =	sadd.s32 @!p0 $0x100000, s0  }
0x16c: {  	[sflag:s0] =	ssyncadd.tile.s32 @!p0 $0x1;
	_ =	shalt  }
.Lfunc_end2:
_tile_overlayer_lowered:
.L_overlay_start_2:
0x16d: {  	(tag) =	ssettag $0x2  }
0x16e: {  	s0 =	rddreg [dreg:$0x0];
	s2 =	stileid.u32  }
0x16f: {  	s1 =	rddreg [dreg:$0x1];
	p0 =	sne.s32 s2, $0x0  }
0x170: {  	s3 =	rddreg [dreg:$0x2];
	[bflag:$0x3] =	sbarrier.arrive $0xFFFF;
	s2 =	simm.s32 @!p0 $0x1C04  }
0x171: {  	[timem:s3], [sflag:s2] =	dma.local @!p0 [hbm:s0], s1  }
0x172: {  	s0 =	simm.s32 @!p0 $0x4  }
0x173: {  	_ =	swait.ge @!p0 [sflag:s0], s1  }
0x174: {  	s1 =	ssub.s32 @!p0 $0x0, s1;
	[sflag:s0] =	ssyncset.done @!p0 $0x0  }
0x175: {  	[sflag:s0] =	ssyncadd.s32 @!p0 s1  }
0x176: {  	[bflag:$0x3] =	sbarrier.arrive $0xFFFF  }
0x177: {  	_ =	shalt  }

// kernel: kernel.9.cloned.1.call-start
scs
__scs_entry_jumppad:
0x0: {  	(pc) =	sbr.rel $0x88, $3  }
0x1: {  	(tag) =	ssettag $0x0;
	lr =	simm.s32 $0x1  }
0x2: {  	[smem:$0x3F99] =	sst lr;
	_ =	strace $0xD0000000  }
0x3: {  	_ = 	snop  }
0x4: {  	_ = 	snop  }
0x5: {  	_ = 	snop  }
0x6: {  	_ = 	snop  }
0x7: {  	_ = 	snop  }
__scs_overlays_trampoline_lowered:
0x8: {  	[smem:$0x3FA8] =	sst s0  }
0x9: {  	[smem:$0x3FA9] =	sst s1  }
0xa: {  	[smem:$0x3FAA] =	sst s2  }
0xb: {  	[smem:$0x3FAB] =	sst s3  }
0xc: {  	[smem:$0x3FAC] =	sst s4  }
0xd: {  	[smem:$0x3FAD] =	sst s5  }
0xe: {  	[smem:$0x3FAE] =	sst s6  }
0xf: {  	[smem:$0x3FAF] =	sst s7  }
0x10: {  	[smem:$0x3FB0] =	sst s8  }
0x11: {  	[smem:$0x3FB1] =	sst s9;
	s0 =	simm.s32 @!p0 $0x0  }
0x12: {  	s1 =	sld [smem:$0x3F97];
	s0 =	simm.s32 @p0 $0x1  }
0x13: {  	[smem:$0x3FB2] =	sst s0;
	s0 =	simm.s32 @!p1 $0x0  }
0x14: {  	s2 =	sld [smem:$0x3F96];
	s0 =	simm.s32 @p1 $0x1  }
0x15: {  	[smem:$0x3FB3] =	sst s0;
	s0 =	simm.s32 @!p2 $0x0  }
0x16: {  	s3 =	sld [smem:$0x3FDB];
	s0 =	simm.s32 @p2 $0x1  }
0x17: {  	s4 =	simm.s32 $0x1BF5;
	[smem:$0x3FB5] =	sst s0  }
0x18: {  	s0 =	sld [smem:$0x3F98];
	_ =	swait.ge [sflag:s4], $0x0  }
0x19: {  	s7 =	sld [smem:$0x3F99]  }
0x1a: {  	s8 =	sadd.s32 $0xFFFFE003, lr  }
0x1b: {  	s9 =	sadd.s32 $0xFFFFFEF7, lr;
	s5 =	simm.s32 $0xFFFFFFFF;
	p2 =	slt.u32 s8, $0xFFFFF086  }
0x1c: {  	p1 =	slt.u32 s9, $0xF7A;
	s5 =	simm.s32 @!p2 $0x0  }
0x1d: {  	s5 =	simm.s32 @p1 $0x1;
	p0 =	seq.s32 s7, s2  }
0x1e: {  	s7 =	smul.u32 @!p0 $0xF7A, s2;
	p2 =	seq.s32 @!p0 s5, $0x0  }
0x1f: {  	s9 =	smul.u32 $0xF7A, s1;
	s8 =	simm.s32 @!p0 $0x1BF5;
	p2 =	por !p2, p0  }
0x20: {  	[sflag:s8] =	ssyncset.s32 @!p0 $0xFFFFF086;
	s6 =	sadd.s32 @!p0 s3, s7;
	s7 =	simm.s32 @!p0 $0x108  }
0x21: {  	s3 =	sadd.s32 s3, s9;
	s6 =	sadd.s32 @!p0 $0x88, s6;
	s7 =	simm.s32 @p2 $0x1082  }
0x22: {  	[simem:s7], [sflag:s8] =	dma.local @!p0 [hbm:s6], $0xF7A  }
0x23: {  	s9 =	sor.u32 $0xD0000000, s2;
	s6 =	simm.s32 $0x108;
	_ =	swait.ge @!p0 [sflag:s8], $0x0  }
0x24: {  	s3 =	sadd.s32 $0x88, s3;
	s6 =	simm.s32 @!p1 $0x1082;
	[sflag:s4] =	ssyncset.s32 $0xFFFFF086  }
0x25: {  	[simem:s6], [sflag:s4] =	dma.local [hbm:s3], $0xF7A  }
0x26: {  	[smem:$0x3F99] =	sst s1;
	(tag) =	ssettag s2;
	_ =	strace s9  }
0x27: {  	s1 =	sld [smem:$0x3FA9]  }
0x28: {  	s2 =	sld [smem:$0x3FAA]  }
0x29: {  	s4 =	sld [smem:$0x3FAC]  }
0x2a: {  	p0 =	seq.s32 s5, $0x0;
	s5 =	sld [smem:$0x3FAD]  }
0x2b: {  	s6 =	sld [smem:$0x3FAE]  }
0x2c: {  	s7 =	sld [smem:$0x3FAF]  }
0x2d: {  	s3 =	simm.s32 $0x108;
	s8 =	sld [smem:$0x3FB0]  }
0x2e: {  	s3 =	simm.s32 @!p0 $0x1082;
	s9 =	sld [smem:$0x3FB1]  }
0x2f: {  	lr =	sadd.s32 s0, s3;
	s0 =	sld [smem:$0x3FA8]  }
0x30: {  	s3 =	sld [smem:$0x3FAB]  }
0x31: {  	[smem:$0x3FB4] =	sst s10  }
0x32: {  	s10 =	sld [smem:$0x3FB2];
	_ =	sdelay $0x3  }
0x33: {  	p0 =	seq.s32 s10, $0x1;
	s10 =	sld [smem:$0x3FB4];
	_ =	sdelay $0x3  }
0x34: {  	[smem:$0x3FB4] =	sst s10  }
0x35: {  	s10 =	sld [smem:$0x3FB3];
	_ =	sdelay $0x3  }
0x36: {  	p1 =	seq.s32 s10, $0x1;
	s10 =	sld [smem:$0x3FB4];
	_ =	sdelay $0x3  }
0x37: {  	[smem:$0x3FB4] =	sst s10  }
0x38: {  	s10 =	sld [smem:$0x3FB5]  }
0x39: {  	_ = 	snop;
	(pc) =	sbr.ind lr, $3  }
0x3a: {  	_ = 	snop  }
0x3b: {  	_ = 	snop  }
0x3c: {  	p2 =	seq.s32 s10, $0x1;
	s10 =	sld [smem:$0x3FB4]  }
0x3d: {  	_ =	shalt  }
0x3e: {  	_ =	shalt  }
0x3f: {  	_ =	shalt  }
0x40: {  	_ =	shalt  }
0x41: {  	_ =	shalt  }
0x42: {  	_ =	shalt  }
0x43: {  	_ =	shalt  }
0x44: {  	_ =	shalt  }
0x45: {  	_ =	shalt  }
0x46: {  	_ =	shalt  }
0x47: {  	_ =	shalt  }
0x48: {  	_ =	shalt  }
0x49: {  	_ =	shalt  }
0x4a: {  	_ =	shalt  }
0x4b: {  	_ =	shalt  }
0x4c: {  	_ =	shalt  }
0x4d: {  	_ =	shalt  }
0x4e: {  	_ =	shalt  }
0x4f: {  	_ =	shalt  }
0x50: {  	_ =	shalt  }
0x51: {  	_ =	shalt  }
0x52: {  	_ =	shalt  }
0x53: {  	_ =	shalt  }
0x54: {  	_ =	shalt  }
0x55: {  	_ =	shalt  }
0x56: {  	_ =	shalt  }
0x57: {  	_ =	shalt  }
0x58: {  	_ =	shalt  }
0x59: {  	_ =	shalt  }
0x5a: {  	_ =	shalt  }
0x5b: {  	_ =	shalt  }
0x5c: {  	_ =	shalt  }
0x5d: {  	_ =	shalt  }
0x5e: {  	_ =	shalt  }
0x5f: {  	_ =	shalt  }
0x60: {  	_ =	shalt  }
0x61: {  	_ =	shalt  }
0x62: {  	_ =	shalt  }
0x63: {  	_ =	shalt  }
0x64: {  	_ =	shalt  }
0x65: {  	_ =	shalt  }
0x66: {  	_ =	shalt  }
0x67: {  	_ =	shalt  }
0x68: {  	_ =	shalt  }
0x69: {  	_ =	shalt  }
0x6a: {  	_ =	shalt  }
0x6b: {  	_ =	shalt  }
0x6c: {  	_ =	shalt  }
0x6d: {  	_ =	shalt  }
0x6e: {  	_ =	shalt  }
0x6f: {  	_ =	shalt  }
0x70: {  	_ =	shalt  }
0x71: {  	_ =	shalt  }
0x72: {  	_ =	shalt  }
0x73: {  	_ =	shalt  }
0x74: {  	_ =	shalt  }
0x75: {  	_ =	shalt  }
0x76: {  	_ =	shalt  }
0x77: {  	_ =	shalt  }
0x78: {  	_ =	shalt  }
0x79: {  	_ =	shalt  }
0x7a: {  	_ =	shalt  }
0x7b: {  	_ =	shalt  }
0x7c: {  	_ =	shalt  }
0x7d: {  	_ =	shalt  }
0x7e: {  	_ =	shalt  }
0x7f: {  	_ =	shalt  }
0x80: {  	_ =	shalt  }
0x81: {  	_ =	shalt  }
0x82: {  	_ =	shalt  }
0x83: {  	_ =	shalt  }
0x84: {  	_ =	shalt  }
0x85: {  	_ =	shalt  }
0x86: {  	_ =	shalt  }
0x87: {  	_ =	shalt  }
.Lfunc_end0:
.L_simem_size_0:
called_computation.1_lowered:
.L_overlay_start_0:
0x88: {  	s2 =	sld [smem:$0x3FD9]  }
0x89: {  	s3 =	sld [smem:$0x3FFE];
	_ =	sdelay $0x1  }
0x8a: {  	s1 =	srdreg.scid  }
0x8b: {  	s0 =	sand.u32 $0x1, s1  }
0x8c: {  	s17 =	sshll.u32 s0, $0xA;
	s2 =	sadd.s32 s3, s2  }
0x8d: {  	s2 =	sadd.s32 s2, s17  }
0x8e: {  	[smem:$0x3FC0] =	sst s2  }
0x8f: {  	_ = 	snop  }
0x90: {  	s2 =	sld [smem:$0x3FD0];
	(tm) =	ssettm $0x1  }
0x91: {  	s18 =	sld [smem:$0x3FFB];
	_ =	sdelay $0x3  }
0x92: {  	_ =	strace s18  }
0x93: {  	s3 =	sld [smem:$0x3FFC];
	_ =	sdelay $0x3  }
0x94: {  	_ =	strace s3  }
0x95: {  	s3 =	sld [smem:$0x3FFD];
	_ =	sdelay $0x3  }
0x96: {  	_ =	strace s3  }
0x97: {  	_ =	strace $0x8FFFFFFF  }
0x98: {  	s19 =	sld [smem:$0x3FDB];
	_ =	sdelay $0x1  }
0x99: {  	s4 =	simm.s32 $_scs_section_size  }
0x9a: {  	s5 =	simm.s32 $_size__tile_overlayer_lowered;
	s6 =	simm.s32 $_tile_overlayer_lowered  }
0x9b: {  	s22 =	simm.s32 $0x1BFF;
	s21 =	sshll.u32 s6, $0x1;
	s3 =	sadd.s32 s4, s19  }
0x9c: {  	s7 =	simm.s32 $0x0;
	s20 =	sshll.u32 s5, $0x1;
	s5 =	sadd.s32 s21, s3  }
0x9d: {  	[timem:s7], [sflag:s22] =	dma.local [hbm:s5], s20  }
0x9e: {  	_ =	swait.ge [sflag:s22], s20  }
0x9f: {  	s4 =	ssub.s32 $0x0, s20;
	[sflag:s22] =	ssyncset.done $0x0  }
0xa0: {  	[sflag:s22] =	ssyncadd.s32 s4;
	_ =	sdelay $0x1  }
0xa1: {  	s23 =	simm.s32 $0x1B8B  }
0xa2: {  	_ =	swait.ge [sflag:s23], $0x1  }
0xa3: {  	[sflag:s23] =	ssyncset.done $0x0  }
0xa4: {  	s25 =	simm.s32 $0x1B8E;
	s24 =	sld [smem:$0x3FFE];
	[sflag:s23] =	ssyncadd.s32 $0xFFFFFFFF  }
0xa5: {  	s26 =	simm.s32 $execute0_lowered;
	[smem:$0x3FD2] =	sst s25  }
0xa6: {  	s5 =	sshll.u32 s26, $0x1;
	_ =	strace $0x80000049;
	[dreg:$0x1] =	wrdreg $0xFFFFFFFF  }
0xa7: {  	s28 =	simm.s32 $_size_execute0_lowered;
	s3 =	sadd.s32 s3, s5;
	[dreg:$0x0] =	wrdreg $0x0  }
0xa8: {  	s5 =	sshll.u32 s28, $0x1;
	[dreg:$0x2] =	wrdreg s3  }
0xa9: {  	[dreg:$0x3] =	wrdreg s5  }
0xaa: {  	[dreg:$0x4] =	wrdreg $0xC0  }
0xab: {  	_ =	task [dreg:s7], $0x5FFFF  }
0xac: {  	[dreg:$0x1] =	wrdreg $0xFFFFFFFF  }
0xad: {  	[dreg:$0x0] =	wrdreg $0x60  }
0xae: {  	[dreg:$0x2] =	wrdreg s24  }
0xaf: {  	[dreg:$0x3] =	wrdreg s2  }
0xb0: {  	[dreg:$0x4] =	wrdreg $0x150000  }
0xb1: {  	[dreg:$0x5] =	wrdreg $0x9  }
0xb2: {  	_ =	task.clear_ibuf [dreg:s7], $0x6FFFF;
	_ =	strace $0x90000049  }
0xb3: {  	s29 =	simm.s32 $0x9;
	_ =	strace $0x8000004B  }
0xb4: {  	_ =	swait.ge [sflag:s29], $0x1  }
0xb5: {  	[sflag:s29] =	ssyncadd.s32 $0xFFFFFFFF  }
0xb6: {  	_ =	strace $0x9000004B  }
0xb7: {  	_ =	sfence  }
0xb8: {  	s30 =	sld [smem:$0x0];
	_ =	sdelay $0x2  }
0xb9: {  	s31 =	sshll.u32 s1, $0xD;
	s1 =	sshrl.u32 s1, $0x2  }
0xba: {  	s3 =	sand.u32 $0x4000, s31;
	s1 =	sadd.s32 s1, s30  }
0xbb: {  	s0 =	sor.u32 s3, s0;
	s1 =	sshll.u32 s1, $0x11  }
0xbc: {  	s0 =	sor.u32 s1, s0  }
0xbd: {  	s0 =	sadd.s32 $0x8F2B, s0  }
0xbe: {  	[sflag:s0] =	ssyncadd.remote.s32 $0x1  }
0xbf: {  	_ =	sfence.sel $0xFFFF  }
0xc0: {  	[dreg:$0x0] =	wrdreg $0xFFFFFFFF;
	(pc) =	sbr.abs _section_cstart, $3  }
0xc1: {  	[dreg:$0x1] =	wrdreg $0xFFFFFFFF  }
0xc2: {  	_ =	task.clear_ibuf [dreg:s7], $0x2FFFF;
	_ =	strace $0x9FFFFFFF  }
0xc3: {  	(tm) =	ssettm $0x7FFFFFFF  }
tec
execute0_lowered:
.L_overlay_start_1:
0x0: {  	(tag) =	ssettag $0x1  }
0x1: {  	s0 =	rddreg [dreg:$0x0]  }
0x2: {  	s2 =	rddreg [dreg:$0x1]  }
0x3: {  	s3 =	rddreg [dreg:$0x2];
	s8 =	stileid.u32  }
0x4: {  	s4 =	simm.s32 $0x0;
	s11 =	srdreg.scid;
	s29 =	simm.s32 $0x5000  }
0x5: {  	s1 =	smul.u32 $0x500, s8;
	[smem:$0x7FF] =	sst s4;
	s5 =	sadd.s32 $0x9A400, s0  }
0x6: {  	s6 =	sadd.s32 $0x2D800, s0;
	s7 =	sadd.s32 $0x1C6A00, s0;
	s12 =	smul.u32 $0xA000, s8  }
0x7: {  	s28 =	simm.s32 $0x80;
	s8 =	sadd.s32 $0x1DAA00, s0;
	s9 =	sadd.s32 $0x1EEA00, s0  }
0x8: {  	s10 =	sadd.s32 $0x202A00, s0;
	s15 =	sand.u32 $0x1, s11;
	s11 =	sadd.s32 $0x216A00, s0  }
0x9: {  	s1 =	sadd.s32 s1, s0;
	s13 =	sshrl.u32 s12, $0x3;
	s12 =	sadd.s32 s12, s3  }
0xa: {  	_ =	strace $0x8000004A;
	s14 =	sadd.s32 $0x54000, s1;
	[dreg:$0xa] =	wrdreg s12  }
0xb: {  	s0 =	sadd.s32 s13, s0;
	s1 =	sadd.s32 $0x59000, s1;
	[dreg:$0x4] =	wrdreg s14  }
0xc: {  	s30 =	simm.s32 $0x7000;
	[dreg:$0x5] =	wrdreg s1;
	s16 =	sadd.s32 $0x22AA00, s0  }
0xd: {  	s17 =	simm.s32 $0x0;
	s21 =	sadd.s32 $0x23EA00, s0;
	[dreg:$0x6] =	wrdreg s16  }
0xe: {  	s19 =	ssub.s32 $0x2, s15;
	s22 =	sadd.s32 $0x252A00, s0;
	[dreg:$0x7] =	wrdreg s21  }
0xf: {  	p0 =	sne.s32 s15, $0x0;
	s23 =	sadd.s32 $0x266A00, s0;
	[dreg:$0x8] =	wrdreg s22  }
0x10: {  	s15 =	simm.s32 $0x2;
	s24 =	sadd.s32 $0x27AA00, s0;
	[dreg:$0x9] =	wrdreg s23  }
0x11: {  	s20 =	sshrl.u32 s19, $0x1;
	s25 =	sadd.s32 $0x28EA00, s0;
	[dreg:$0xb] =	wrdreg s24  }
.Ltmp0:
0x12: {  	s26 =	sadd.s32 $0x2A2A00, s0;
	[dreg:$0xc] =	wrdreg s25;
	(pc) =	sbr.rel .LBB2_1-.Ltmp0, $4  }
0x13: {  	s14 =	sadd.s32 $0x5E400, s0;
	s0 =	sadd.s32 $0x2B6A00, s0;
	[dreg:$0xd] =	wrdreg s26  }
0x14: {  	s1 =	ssub.s32 s19, s20;
	s20 =	simm.s32 $0x1;
	[dreg:$0xe] =	wrdreg s0  }
0x15: {  	s31 =	smax.u32 s1, $0x1;
	s25 =	simm.s32 $0x3;
	s26 =	simm.s32 $0x2800  }
0x16: {  	s0 =	simm.s32 $0x9000;
	s16 =	simm.s32 $0xB000;
	[dreg:$0xf] =	wrdreg s31  }
.LBB2_19:
0x17: {  	[spmem:s3] =	stream.indirect.scatter.add.f32 [tilespmem:s19], [sflag:$0x2], $0x40, s22, s28, $0xb8;
	[tilespmem:$0x1F000] =	vst v63  }
0x18: {  	_ =	swait.ge [sflag:s15], $0x2000  }
0x19: {  	[sflag:s15] =	ssyncset.done $0x0  }
0x1a: {  	[sflag:s15] =	ssyncadd.s32 $0xFFFFE000  }
0x1b: {  	_ =	swait.ge [sflag:s15], $0x2000  }
0x1c: {  	[sflag:s15] =	ssyncset.done $0x0  }
0x1d: {  	[sflag:s15] =	ssyncadd.s32 $0xFFFFE000  }
0x1e: {  	_ =	swait.ge [sflag:s15], $0x2000  }
0x1f: {  	[sflag:s15] =	ssyncset.done $0x0  }
0x20: {  	[sflag:s15] =	ssyncadd.s32 $0xFFFFE000  }
0x21: {  	_ =	swait.ge [sflag:s15], $0x2000  }
0x22: {  	[sflag:s15] =	ssyncset.done $0x0  }
0x23: {  	[sflag:s15] =	ssyncadd.s32 $0xFFFFE000  }
0x24: {  	[bflag:$0x0] =	sbarrier.arrive $0xFFFF  }
0x25: {  	s1 =	rddreg [dreg:$0xe]  }
0x26: {  	[hbm:s1], [sflag:s18] =	dma.local [spmem:s21], $0x1400  }
0x27: {  	_ =	swait.ge [sflag:s25], $0x1400  }
0x28: {  	[sflag:s25] =	ssyncset.done $0x0  }
0x29: {  	[sflag:s25] =	ssyncadd.s32 $0xFFFFEC00  }
.LBB2_20:
0x2a: {  	s17 =	sadd.s32 $0x1, s17;
	s1 =	rddreg [dreg:$0xf]  }
0x2b: {  	p1 =	sne.s32 s17, s1  }
.Ltmp1:
0x2c: {  	_ = 	snop;
	(pc) =	sbr.rel @!p1 .LBB2_21-.Ltmp1, $1  }
0x2d: {  	_ =	sdelay $0x3  }
.LBB2_1:
0x2e: {  	s1 =	rddreg [dreg:$0x4]  }
0x2f: {  	[tilespmem:s4], [sflag:$0x3] =	stream.linear.gather [hbm4b:s1+s4], $0x2800, $0x38;
	[tilespmem:$0x1F000] =	vst v63  }
0x30: {  	_ =	swait.ge [sflag:s25], $0x2800  }
0x31: {  	[sflag:s25] =	ssyncset.done $0x0  }
0x32: {  	s23 =	rddreg [dreg:$0x5];
	[sflag:s25] =	ssyncadd.s32 $0xFFFFD800  }
0x33: {  	[tilespmem:s26], [sflag:$0x3] =	stream.linear.gather [hbm4b:s23+s4], $0x2800, $0x38;
	[tilespmem:$0x1F000] =	vst v63  }
0x34: {  	s24 =	stileid.u32;
	_ =	swait.ge [sflag:s25], $0x2800  }
0x35: {  	s1 =	sshll.u32 s24, $0x6;
	[sflag:s25] =	ssyncset.done $0x0;
	s31 =	rddreg [dreg:$0xa]  }
0x36: {  	s18 =	sor.u32 $0x1C03, s1;
	[sflag:s25] =	ssyncadd.s32 $0xFFFFD800;
	s21 =	sshrl.u32 s31, $0x3  }
0x37: {  	[spmem:s21], [sflag:s18] =	dma.local [hbm:s14], $0x1400  }
.Ltmp2:
0x38: {  	_ =	swait.ge [sflag:s25], $0x1400;
	(pc) =	sbr.rel @p0 .LBB2_11-.Ltmp2, $3  }
0x39: {  	[sflag:s25] =	ssyncset.done $0x0  }
0x3a: {  	[sflag:s25] =	ssyncadd.s32 $0xFFFFEC00  }
0x3b: {  	[bflag:$0x0] =	sbarrier.arrive $0xFFFF;
	_ =	sdelay $0x1  }
0x3c: {  	[tilespmem:s29], [sflag:$0x1] =	stream.indirect.gather [hbm4b:s2+s28], $0x40, s4, s28, $0xb8;
	[tilespmem:$0x1F000] =	vst v63  }
0x3d: {  	_ = 	snop  }
0x3e: {  	[tilespmem:s30], [sflag:$0x1] =	stream.indirect.gather [hbm4b:s2+s28], $0x40, s28, s28, $0xb8;
	[tilespmem:$0x1F000] =	vst v63  }
0x3f: {  	s1 =	simm.s32 $0x100  }
0x40: {  	[tilespmem:s0], [sflag:$0x1] =	stream.indirect.gather [hbm4b:s2+s28], $0x40, s1, s28, $0xb8;
	[tilespmem:$0x1F000] =	vst v63  }
0x41: {  	s19 =	simm.s32 $0x180  }
0x42: {  	[tilespmem:s16], [sflag:$0x1] =	stream.indirect.gather [hbm4b:s2+s28], $0x40, s19, s28, $0xb8;
	[tilespmem:$0x1F000] =	vst v63  }
0x43: {  	s22 =	simm.s32 $0x200;
	s12 =	simm.s32 $0xD000  }
0x44: {  	[tilespmem:s12], [sflag:$0x1] =	stream.indirect.gather [hbm4b:s2+s28], $0x40, s22, s28, $0xb8;
	[tilespmem:$0x1F000] =	vst v63  }
0x45: {  	_ =	swait.ge [sflag:s20], $0x2000  }
0x46: {  	[sflag:s20] =	ssyncset.done $0x0  }
0x47: {  	[sflag:s20] =	ssyncadd.s32 $0xFFFFE000  }
0x48: {  	[spmem:s3] =	stream.indirect.scatter.add.f32 [tilespmem:s29], [sflag:$0x2], $0x40, s26, s28, $0xb8;
	[tilespmem:$0x1F000] =	vst v63  }
0x49: {  	s23 =	simm.s32 $0x280;
	s24 =	simm.s32 $0xF000  }
0x4a: {  	[tilespmem:s24], [sflag:$0x1] =	stream.indirect.gather [hbm4b:s2+s28], $0x40, s23, s28, $0xb8;
	[tilespmem:$0x1F000] =	vst v63  }
0x4b: {  	_ =	swait.ge [sflag:s20], $0x2000  }
0x4c: {  	[sflag:s20] =	ssyncset.done $0x0  }
0x4d: {  	s31 =	simm.s32 $0x2880;
	[sflag:s20] =	ssyncadd.s32 $0xFFFFE000  }
0x4e: {  	[spmem:s3] =	stream.indirect.scatter.add.f32 [tilespmem:s30], [sflag:$0x2], $0x40, s31, s28, $0xb8;
	[tilespmem:$0x1F000] =	vst v63  }
0x4f: {  	s13 =	simm.s32 $0x11000;
	s12 =	simm.s32 $0x300  }
0x50: {  	[tilespmem:s13], [sflag:$0x1] =	stream.indirect.gather [hbm4b:s2+s28], $0x40, s12, s28, $0xb8;
	[tilespmem:$0x1F000] =	vst v63  }
0x51: {  	_ =	swait.ge [sflag:s20], $0x2000  }
0x52: {  	[sflag:s20] =	ssyncset.done $0x0  }
0x53: {  	s19 =	simm.s32 $0x2900;
	[sflag:s20] =	ssyncadd.s32 $0xFFFFE000  }
0x54: {  	[spmem:s3] =	stream.indirect.scatter.add.f32 [tilespmem:s0], [sflag:$0x2], $0x40, s19, s28, $0xb8;
	[tilespmem:$0x1F000] =	vst v63  }
0x55: {  	s22 =	simm.s32 $0x380;
	s23 =	simm.s32 $0x13000  }
0x56: {  	[tilespmem:s23], [sflag:$0x1] =	stream.indirect.gather [hbm4b:s2+s28], $0x40, s22, s28, $0xb8;
	[tilespmem:$0x1F000] =	vst v63  }
0x57: {  	p1 =	por $0x0, $0x0;
	s1 =	simm.s32 $0x40000;
	_ =	swait.ge [sflag:s20], $0x2000  }
0x58: {  	s1 =	sand.u32 @!p1 $0x38000, s1;
	[sflag:s20] =	ssyncset.done $0x0  }
0x59: {  	s1 =	sshrl.u32 @!p1 s1, $0x2;
	s24 =	simm.s32 $0x2980;
	[sflag:s20] =	ssyncadd.s32 $0xFFFFE000  }
0x5a: {  	[spmem:s3] =	stream.indirect.scatter.add.f32 [tilespmem:s16], [sflag:$0x2], $0x40, s24, s28, $0xb8;
	[tilespmem:$0x1F000] =	vst v63  }
0x5b: {  	s1 =	sadd.s32 @!p1 $0x5000, s1;
	s13 =	simm.s32 $0x20000;
	_ =	swait.ge [sflag:s15], $0x2000  }
0x5c: {  	s12 =	simm.s32 $0x400;
	s31 =	sand.u32 $0x38000, s13;
	[sflag:s15] =	ssyncset.done $0x0  }
0x5d: {  	s13 =	sshrl.u32 s31, $0x2;
	s19 =	simm.s32 @!p1 $0x80;
	[sflag:s15] =	ssyncadd.s32 $0xFFFFE000  }
0x5e: {  	[tilespmem:s1], [sflag:$0x1] =	stream.indirect.gather @!p1 [hbm4b:s2+s19], $0x40, s12, s19, $0xb8;
	[tilespmem:$0x1F000] =	vst v63  }
0x5f: {  	s22 =	simm.s32 $0x2A00;
	s23 =	simm.s32 $0x5;
	_ =	swait.ge [sflag:s20], $0x2000  }
0x60: {  	s1 =	simm.s32 $0x480;
	s12 =	simm.s32 $0x48000;
	[sflag:s20] =	ssyncset.done $0x0  }
0x61: {  	s19 =	sadd.s32 $0x5000, s13;
	s13 =	simm.s32 $0x2A80;
	[sflag:s20] =	ssyncadd.s32 $0xFFFFE000  }
.LBB2_3:
0x62: {  	[spmem:s3] =	stream.indirect.scatter.add.f32 [tilespmem:s19], [sflag:$0x2], $0x40, s22, s28, $0xb8;
	[tilespmem:$0x1F000] =	vst v63  }
0x63: {  	s22 =	smov.u32 s13  }
0x64: {  	p2 =	sgt.u32 s23, $0x4B;
	s23 =	sadd.s32 $0x1, s23;
	_ =	swait.ge [sflag:s15], $0x2000  }
0x65: {  	s19 =	sand.u32 @!p2 $0x38000, s12;
	p1 =	sne.s32 s23, $0x50;
	[sflag:s15] =	ssyncset.done $0x0  }
0x66: {  	s24 =	sadd.s32 $0xFFFE0000, s12;
	s19 =	sshrl.u32 @!p2 s19, $0x2;
	[sflag:s15] =	ssyncadd.s32 $0xFFFFE000  }
.Ltmp3:
0x67: {  	s31 =	simm.s32 @!p2 $0x80;
	s19 =	sadd.s32 @!p2 $0x5000, s19;
	(pc) =	sbr.rel @p1 .LBB2_3-.Ltmp3, $4  }
0x68: {  	[tilespmem:s19], [sflag:$0x1] =	stream.indirect.gather @!p2 [hbm4b:s2+s31], $0x40, s1, s31, $0xb8;
	[tilespmem:$0x1F000] =	vst v63  }
0x69: {  	s19 =	sand.u32 $0x38000, s24;
	s1 =	sadd.s32 $0x80, s1;
	_ =	swait.ge [sflag:s20], $0x2000  }
0x6a: {  	s12 =	sadd.s32 $0x8000, s12;
	s19 =	sshrl.u32 s19, $0x2;
	[sflag:s20] =	ssyncset.done $0x0  }
0x6b: {  	s13 =	sadd.s32 $0x80, s13;
	s19 =	sadd.s32 $0x5000, s19;
	[sflag:s20] =	ssyncadd.s32 $0xFFFFE000  }
0x6c: {  	[spmem:s3] =	stream.indirect.scatter.add.f32 [tilespmem:s19], [sflag:$0x2], $0x40, s22, s28, $0xb8;
	[tilespmem:$0x1F000] =	vst v63  }
0x6d: {  	_ =	swait.ge [sflag:s15], $0x2000  }
0x6e: {  	[sflag:s15] =	ssyncset.done $0x0  }
0x6f: {  	[sflag:s15] =	ssyncadd.s32 $0xFFFFE000  }
0x70: {  	_ =	swait.ge [sflag:s15], $0x2000  }
0x71: {  	[sflag:s15] =	ssyncset.done $0x0  }
0x72: {  	[sflag:s15] =	ssyncadd.s32 $0xFFFFE000  }
0x73: {  	_ =	swait.ge [sflag:s15], $0x2000  }
0x74: {  	[sflag:s15] =	ssyncset.done $0x0  }
0x75: {  	[sflag:s15] =	ssyncadd.s32 $0xFFFFE000  }
0x76: {  	_ =	swait.ge [sflag:s15], $0x2000  }
0x77: {  	[sflag:s15] =	ssyncset.done $0x0  }
0x78: {  	[sflag:s15] =	ssyncadd.s32 $0xFFFFE000  }
0x79: {  	[bflag:$0x0] =	sbarrier.arrive $0xFFFF  }
0x7a: {  	s1 =	rddreg [dreg:$0x7]  }
0x7b: {  	[hbm:s1], [sflag:s18] =	dma.local [spmem:s21], $0x1400  }
0x7c: {  	_ =	swait.ge [sflag:s25], $0x1400  }
0x7d: {  	[sflag:s25] =	ssyncset.done $0x0  }
0x7e: {  	[sflag:s25] =	ssyncadd.s32 $0xFFFFEC00  }
0x7f: {  	[spmem:s21], [sflag:s18] =	dma.local [hbm:s14], $0x1400  }
0x80: {  	_ =	swait.ge [sflag:s25], $0x1400  }
0x81: {  	[sflag:s25] =	ssyncset.done $0x0  }
0x82: {  	[sflag:s25] =	ssyncadd.s32 $0xFFFFEC00  }
0x83: {  	[bflag:$0x0] =	sbarrier.arrive $0xFFFF  }
0x84: {  	[tilespmem:s29], [sflag:$0x1] =	stream.indirect.gather [hbm4b:s6+s28], $0x40, s4, s28, $0xb8;
	[tilespmem:$0x1F000] =	vst v63  }
0x85: {  	_ = 	snop  }
0x86: {  	[tilespmem:s30], [sflag:$0x1] =	stream.indirect.gather [hbm4b:s6+s28], $0x40, s28, s28, $0xb8;
	[tilespmem:$0x1F000] =	vst v63  }
0x87: {  	s13 =	simm.s32 $0x100  }
0x88: {  	[tilespmem:s0], [sflag:$0x1] =	stream.indirect.gather [hbm4b:s6+s28], $0x40, s13, s28, $0xb8;
	[tilespmem:$0x1F000] =	vst v63  }
0x89: {  	s19 =	simm.s32 $0x180  }
0x8a: {  	[tilespmem:s16], [sflag:$0x1] =	stream.indirect.gather [hbm4b:s6+s28], $0x40, s19, s28, $0xb8;
	[tilespmem:$0x1F000] =	vst v63  }
0x8b: {  	s22 =	simm.s32 $0x200;
	s12 =	simm.s32 $0xD000  }
0x8c: {  	[tilespmem:s12], [sflag:$0x1] =	stream.indirect.gather [hbm4b:s6+s28], $0x40, s22, s28, $0xb8;
	[tilespmem:$0x1F000] =	vst v63  }
0x8d: {  	_ =	swait.ge [sflag:s20], $0x2000  }
0x8e: {  	[sflag:s20] =	ssyncset.done $0x0  }
0x8f: {  	[sflag:s20] =	ssyncadd.s32 $0xFFFFE000  }
0x90: {  	[spmem:s3] =	stream.indirect.scatter.add.f32 [tilespmem:s29], [sflag:$0x2], $0x40, s26, s28, $0xb8;
	[tilespmem:$0x1F000] =	vst v63  }
0x91: {  	s23 =	simm.s32 $0x280;
	s24 =	simm.s32 $0xF000  }
0x92: {  	[tilespmem:s24], [sflag:$0x1] =	stream.indirect.gather [hbm4b:s6+s28], $0x40, s23, s28, $0xb8;
	[tilespmem:$0x1F000] =	vst v63  }
0x93: {  	_ =	swait.ge [sflag:s20], $0x2000  }
0x94: {  	[sflag:s20] =	ssyncset.done $0x0  }
0x95: {  	s31 =	simm.s32 $0x2880;
	[sflag:s20] =	ssyncadd.s32 $0xFFFFE000  }
0x96: {  	[spmem:s3] =	stream.indirect.scatter.add.f32 [tilespmem:s30], [sflag:$0x2], $0x40, s31, s28, $0xb8;
	[tilespmem:$0x1F000] =	vst v63  }
0x97: {  	s13 =	simm.s32 $0x11000;
	s12 =	simm.s32 $0x300  }
0x98: {  	[tilespmem:s13], [sflag:$0x1] =	stream.indirect.gather [hbm4b:s6+s28], $0x40, s12, s28, $0xb8;
	[tilespmem:$0x1F000] =	vst v63  }
0x99: {  	_ =	swait.ge [sflag:s20], $0x2000  }
0x9a: {  	[sflag:s20] =	ssyncset.done $0x0  }
0x9b: {  	s19 =	simm.s32 $0x2900;
	[sflag:s20] =	ssyncadd.s32 $0xFFFFE000  }
0x9c: {  	[spmem:s3] =	stream.indirect.scatter.add.f32 [tilespmem:s0], [sflag:$0x2], $0x40, s19, s28, $0xb8;
	[tilespmem:$0x1F000] =	vst v63  }
0x9d: {  	s22 =	simm.s32 $0x380;
	s23 =	simm.s32 $0x13000  }
0x9e: {  	[tilespmem:s23], [sflag:$0x1] =	stream.indirect.gather [hbm4b:s6+s28], $0x40, s22, s28, $0xb8;
	[tilespmem:$0x1F000] =	vst v63  }
0x9f: {  	p1 =	por $0x0, $0x0;
	_ =	swait.ge [sflag:s20], $0x2000  }
0xa0: {  	s1 =	simm.s32 $0x400;
	s24 =	simm.s32 $0x2980;
	[sflag:s20] =	ssyncset.done $0x0  }
0xa1: {  	s12 =	simm.s32 $0x40000;
	s13 =	simm.s32 $0x20000;
	[sflag:s20] =	ssyncadd.s32 $0xFFFFE000  }
0xa2: {  	[spmem:s3] =	stream.indirect.scatter.add.f32 [tilespmem:s16], [sflag:$0x2], $0x40, s24, s28, $0xb8;
	[tilespmem:$0x1F000] =	vst v63  }
0xa3: {  	s12 =	sand.u32 @!p1 $0x38000, s12;
	s31 =	sand.u32 $0x38000, s13;
	_ =	swait.ge [sflag:s15], $0x2000  }
0xa4: {  	s12 =	sshrl.u32 @!p1 s12, $0x2;
	s13 =	sshrl.u32 s31, $0x2;
	[sflag:s15] =	ssyncset.done $0x0  }
0xa5: {  	s12 =	sadd.s32 @!p1 $0x5000, s12;
	s19 =	simm.s32 @!p1 $0x80;
	[sflag:s15] =	ssyncadd.s32 $0xFFFFE000  }
0xa6: {  	[tilespmem:s12], [sflag:$0x1] =	stream.indirect.gather @!p1 [hbm4b:s6+s19], $0x40, s1, s19, $0xb8;
	[tilespmem:$0x1F000] =	vst v63  }
0xa7: {  	s22 =	simm.s32 $0x2A00;
	s23 =	simm.s32 $0x5;
	_ =	swait.ge [sflag:s20], $0x2000  }
0xa8: {  	s1 =	simm.s32 $0x480;
	s12 =	simm.s32 $0x48000;
	[sflag:s20] =	ssyncset.done $0x0  }
0xa9: {  	s19 =	sadd.s32 $0x5000, s13;
	s13 =	simm.s32 $0x2A80;
	[sflag:s20] =	ssyncadd.s32 $0xFFFFE000  }
.LBB2_5:
0xaa: {  	[spmem:s3] =	stream.indirect.scatter.add.f32 [tilespmem:s19], [sflag:$0x2], $0x40, s22, s28, $0xb8;
	[tilespmem:$0x1F000] =	vst v63  }
0xab: {  	s22 =	smov.u32 s13  }
0xac: {  	p2 =	sgt.u32 s23, $0x4B;
	s23 =	sadd.s32 $0x1, s23;
	_ =	swait.ge [sflag:s15], $0x2000  }
0xad: {  	s19 =	sand.u32 @!p2 $0x38000, s12;
	p1 =	seq.s32 s23, $0x50;
	[sflag:s15] =	ssyncset.done $0x0  }
0xae: {  	s24 =	sadd.s32 $0xFFFE0000, s12;
	s19 =	sshrl.u32 @!p2 s19, $0x2;
	[sflag:s15] =	ssyncadd.s32 $0xFFFFE000  }
.Ltmp4:
0xaf: {  	s31 =	simm.s32 @!p2 $0x80;
	s19 =	sadd.s32 @!p2 $0x5000, s19;
	(pc) =	sbr.rel @!p1 .LBB2_5-.Ltmp4, $4  }
0xb0: {  	[tilespmem:s19], [sflag:$0x1] =	stream.indirect.gather @!p2 [hbm4b:s6+s31], $0x40, s1, s31, $0xb8;
	[tilespmem:$0x1F000] =	vst v63  }
0xb1: {  	s19 =	sand.u32 $0x38000, s24;
	s1 =	sadd.s32 $0x80, s1;
	_ =	swait.ge [sflag:s20], $0x2000  }
0xb2: {  	s12 =	sadd.s32 $0x8000, s12;
	s19 =	sshrl.u32 s19, $0x2;
	[sflag:s20] =	ssyncset.done $0x0  }
0xb3: {  	s13 =	sadd.s32 $0x80, s13;
	s19 =	sadd.s32 $0x5000, s19;
	[sflag:s20] =	ssyncadd.s32 $0xFFFFE000  }
0xb4: {  	[spmem:s3] =	stream.indirect.scatter.add.f32 [tilespmem:s19], [sflag:$0x2], $0x40, s22, s28, $0xb8;
	[tilespmem:$0x1F000] =	vst v63  }
0xb5: {  	_ =	swait.ge [sflag:s15], $0x2000  }
0xb6: {  	[sflag:s15] =	ssyncset.done $0x0  }
0xb7: {  	[sflag:s15] =	ssyncadd.s32 $0xFFFFE000  }
0xb8: {  	_ =	swait.ge [sflag:s15], $0x2000  }
0xb9: {  	[sflag:s15] =	ssyncset.done $0x0  }
0xba: {  	[sflag:s15] =	ssyncadd.s32 $0xFFFFE000  }
0xbb: {  	_ =	swait.ge [sflag:s15], $0x2000  }
0xbc: {  	[sflag:s15] =	ssyncset.done $0x0  }
0xbd: {  	[sflag:s15] =	ssyncadd.s32 $0xFFFFE000  }
0xbe: {  	_ =	swait.ge [sflag:s15], $0x2000  }
0xbf: {  	[sflag:s15] =	ssyncset.done $0x0  }
0xc0: {  	[sflag:s15] =	ssyncadd.s32 $0xFFFFE000  }
0xc1: {  	[bflag:$0x0] =	sbarrier.arrive $0xFFFF  }
0xc2: {  	s1 =	rddreg [dreg:$0x8]  }
0xc3: {  	[hbm:s1], [sflag:s18] =	dma.local [spmem:s21], $0x1400  }
0xc4: {  	_ =	swait.ge [sflag:s25], $0x1400  }
0xc5: {  	[sflag:s25] =	ssyncset.done $0x0  }
0xc6: {  	[sflag:s25] =	ssyncadd.s32 $0xFFFFEC00  }
0xc7: {  	[spmem:s21], [sflag:s18] =	dma.local [hbm:s14], $0x1400  }
0xc8: {  	_ =	swait.ge [sflag:s25], $0x1400  }
0xc9: {  	[sflag:s25] =	ssyncset.done $0x0  }
0xca: {  	[sflag:s25] =	ssyncadd.s32 $0xFFFFEC00  }
0xcb: {  	[bflag:$0x0] =	sbarrier.arrive $0xFFFF  }
0xcc: {  	[tilespmem:s29], [sflag:$0x1] =	stream.indirect.gather [hbm4b:s8+s28], $0x40, s4, s28, $0xb8;
	[tilespmem:$0x1F000] =	vst v63  }
0xcd: {  	_ = 	snop  }
0xce: {  	[tilespmem:s30], [sflag:$0x1] =	stream.indirect.gather [hbm4b:s8+s28], $0x40, s28, s28, $0xb8;
	[tilespmem:$0x1F000] =	vst v63  }
0xcf: {  	s13 =	simm.s32 $0x100  }
0xd0: {  	[tilespmem:s0], [sflag:$0x1] =	stream.indirect.gather [hbm4b:s8+s28], $0x40, s13, s28, $0xb8;
	[tilespmem:$0x1F000] =	vst v63  }
0xd1: {  	s19 =	simm.s32 $0x180  }
0xd2: {  	[tilespmem:s16], [sflag:$0x1] =	stream.indirect.gather [hbm4b:s8+s28], $0x40, s19, s28, $0xb8;
	[tilespmem:$0x1F000] =	vst v63  }
0xd3: {  	s22 =	simm.s32 $0x200;
	s12 =	simm.s32 $0xD000  }
0xd4: {  	[tilespmem:s12], [sflag:$0x1] =	stream.indirect.gather [hbm4b:s8+s28], $0x40, s22, s28, $0xb8;
	[tilespmem:$0x1F000] =	vst v63  }
0xd5: {  	_ =	swait.ge [sflag:s20], $0x2000  }
0xd6: {  	[sflag:s20] =	ssyncset.done $0x0  }
0xd7: {  	[sflag:s20] =	ssyncadd.s32 $0xFFFFE000  }
0xd8: {  	[spmem:s3] =	stream.indirect.scatter.add.f32 [tilespmem:s29], [sflag:$0x2], $0x40, s26, s28, $0xb8;
	[tilespmem:$0x1F000] =	vst v63  }
0xd9: {  	s23 =	simm.s32 $0x280;
	s24 =	simm.s32 $0xF000  }
0xda: {  	[tilespmem:s24], [sflag:$0x1] =	stream.indirect.gather [hbm4b:s8+s28], $0x40, s23, s28, $0xb8;
	[tilespmem:$0x1F000] =	vst v63  }
0xdb: {  	_ =	swait.ge [sflag:s20], $0x2000  }
0xdc: {  	[sflag:s20] =	ssyncset.done $0x0  }
0xdd: {  	s31 =	simm.s32 $0x2880;
	[sflag:s20] =	ssyncadd.s32 $0xFFFFE000  }
0xde: {  	[spmem:s3] =	stream.indirect.scatter.add.f32 [tilespmem:s30], [sflag:$0x2], $0x40, s31, s28, $0xb8;
	[tilespmem:$0x1F000] =	vst v63  }
0xdf: {  	s13 =	simm.s32 $0x11000;
	s12 =	simm.s32 $0x300  }
0xe0: {  	[tilespmem:s13], [sflag:$0x1] =	stream.indirect.gather [hbm4b:s8+s28], $0x40, s12, s28, $0xb8;
	[tilespmem:$0x1F000] =	vst v63  }
0xe1: {  	_ =	swait.ge [sflag:s20], $0x2000  }
0xe2: {  	[sflag:s20] =	ssyncset.done $0x0  }
0xe3: {  	s19 =	simm.s32 $0x2900;
	[sflag:s20] =	ssyncadd.s32 $0xFFFFE000  }
0xe4: {  	[spmem:s3] =	stream.indirect.scatter.add.f32 [tilespmem:s0], [sflag:$0x2], $0x40, s19, s28, $0xb8;
	[tilespmem:$0x1F000] =	vst v63  }
0xe5: {  	s22 =	simm.s32 $0x380;
	s23 =	simm.s32 $0x13000  }
0xe6: {  	[tilespmem:s23], [sflag:$0x1] =	stream.indirect.gather [hbm4b:s8+s28], $0x40, s22, s28, $0xb8;
	[tilespmem:$0x1F000] =	vst v63  }
0xe7: {  	p1 =	por $0x0, $0x0;
	s1 =	simm.s32 $0x40000;
	_ =	swait.ge [sflag:s20], $0x2000  }
0xe8: {  	s1 =	sand.u32 @!p1 $0x38000, s1;
	[sflag:s20] =	ssyncset.done $0x0  }
0xe9: {  	s1 =	sshrl.u32 @!p1 s1, $0x2;
	s24 =	simm.s32 $0x2980;
	[sflag:s20] =	ssyncadd.s32 $0xFFFFE000  }
0xea: {  	[spmem:s3] =	stream.indirect.scatter.add.f32 [tilespmem:s16], [sflag:$0x2], $0x40, s24, s28, $0xb8;
	[tilespmem:$0x1F000] =	vst v63  }
0xeb: {  	s1 =	sadd.s32 @!p1 $0x5000, s1;
	s13 =	simm.s32 $0x20000;
	_ =	swait.ge [sflag:s15], $0x2000  }
0xec: {  	s12 =	simm.s32 $0x400;
	s31 =	sand.u32 $0x38000, s13;
	[sflag:s15] =	ssyncset.done $0x0  }
0xed: {  	s13 =	sshrl.u32 s31, $0x2;
	s19 =	simm.s32 @!p1 $0x80;
	[sflag:s15] =	ssyncadd.s32 $0xFFFFE000  }
0xee: {  	[tilespmem:s1], [sflag:$0x1] =	stream.indirect.gather @!p1 [hbm4b:s8+s19], $0x40, s12, s19, $0xb8;
	[tilespmem:$0x1F000] =	vst v63  }
0xef: {  	s22 =	simm.s32 $0x2A00;
	s23 =	simm.s32 $0x5;
	_ =	swait.ge [sflag:s20], $0x2000  }
0xf0: {  	s1 =	simm.s32 $0x480;
	s12 =	simm.s32 $0x48000;
	[sflag:s20] =	ssyncset.done $0x0  }
0xf1: {  	s19 =	sadd.s32 $0x5000, s13;
	s13 =	simm.s32 $0x2A80;
	[sflag:s20] =	ssyncadd.s32 $0xFFFFE000  }
.LBB2_7:
0xf2: {  	[spmem:s3] =	stream.indirect.scatter.add.f32 [tilespmem:s19], [sflag:$0x2], $0x40, s22, s28, $0xb8;
	[tilespmem:$0x1F000] =	vst v63  }
0xf3: {  	s22 =	smov.u32 s13  }
0xf4: {  	p2 =	sgt.u32 s23, $0x4B;
	s23 =	sadd.s32 $0x1, s23;
	_ =	swait.ge [sflag:s15], $0x2000  }
0xf5: {  	s19 =	sand.u32 @!p2 $0x38000, s12;
	p1 =	sne.s32 s23, $0x50;
	[sflag:s15] =	ssyncset.done $0x0  }
0xf6: {  	s24 =	sadd.s32 $0xFFFE0000, s12;
	s19 =	sshrl.u32 @!p2 s19, $0x2;
	[sflag:s15] =	ssyncadd.s32 $0xFFFFE000  }
.Ltmp5:
0xf7: {  	s31 =	simm.s32 @!p2 $0x80;
	s19 =	sadd.s32 @!p2 $0x5000, s19;
	(pc) =	sbr.rel @p1 .LBB2_7-.Ltmp5, $4  }
0xf8: {  	[tilespmem:s19], [sflag:$0x1] =	stream.indirect.gather @!p2 [hbm4b:s8+s31], $0x40, s1, s31, $0xb8;
	[tilespmem:$0x1F000] =	vst v63  }
0xf9: {  	s19 =	sand.u32 $0x38000, s24;
	s1 =	sadd.s32 $0x80, s1;
	_ =	swait.ge [sflag:s20], $0x2000  }
0xfa: {  	s12 =	sadd.s32 $0x8000, s12;
	s19 =	sshrl.u32 s19, $0x2;
	[sflag:s20] =	ssyncset.done $0x0  }
0xfb: {  	s13 =	sadd.s32 $0x80, s13;
	s19 =	sadd.s32 $0x5000, s19;
	[sflag:s20] =	ssyncadd.s32 $0xFFFFE000  }
0xfc: {  	[spmem:s3] =	stream.indirect.scatter.add.f32 [tilespmem:s19], [sflag:$0x2], $0x40, s22, s28, $0xb8;
	[tilespmem:$0x1F000] =	vst v63  }
0xfd: {  	_ =	swait.ge [sflag:s15], $0x2000  }
0xfe: {  	[sflag:s15] =	ssyncset.done $0x0  }
0xff: {  	[sflag:s15] =	ssyncadd.s32 $0xFFFFE000  }
0x100: {  	_ =	swait.ge [sflag:s15], $0x2000  }
0x101: {  	[sflag:s15] =	ssyncset.done $0x0  }
0x102: {  	[sflag:s15] =	ssyncadd.s32 $0xFFFFE000  }
0x103: {  	_ =	swait.ge [sflag:s15], $0x2000  }
0x104: {  	[sflag:s15] =	ssyncset.done $0x0  }
0x105: {  	[sflag:s15] =	ssyncadd.s32 $0xFFFFE000  }
0x106: {  	_ =	swait.ge [sflag:s15], $0x2000  }
0x107: {  	[sflag:s15] =	ssyncset.done $0x0  }
0x108: {  	[sflag:s15] =	ssyncadd.s32 $0xFFFFE000  }
0x109: {  	[bflag:$0x0] =	sbarrier.arrive $0xFFFF  }
0x10a: {  	s1 =	rddreg [dreg:$0xb]  }
0x10b: {  	[hbm:s1], [sflag:s18] =	dma.local [spmem:s21], $0x1400  }
0x10c: {  	_ =	swait.ge [sflag:s25], $0x1400  }
0x10d: {  	[sflag:s25] =	ssyncset.done $0x0  }
0x10e: {  	[sflag:s25] =	ssyncadd.s32 $0xFFFFEC00  }
0x10f: {  	[spmem:s21], [sflag:s18] =	dma.local [hbm:s14], $0x1400  }
0x110: {  	_ =	swait.ge [sflag:s25], $0x1400  }
0x111: {  	[sflag:s25] =	ssyncset.done $0x0  }
0x112: {  	[sflag:s25] =	ssyncadd.s32 $0xFFFFEC00  }
0x113: {  	[bflag:$0x0] =	sbarrier.arrive $0xFFFF  }
0x114: {  	[tilespmem:s29], [sflag:$0x1] =	stream.indirect.gather [hbm4b:s10+s28], $0x40, s4, s28, $0xb8;
	[tilespmem:$0x1F000] =	vst v63  }
0x115: {  	_ = 	snop  }
0x116: {  	[tilespmem:s30], [sflag:$0x1] =	stream.indirect.gather [hbm4b:s10+s28], $0x40, s28, s28, $0xb8;
	[tilespmem:$0x1F000] =	vst v63  }
0x117: {  	s13 =	simm.s32 $0x100  }
0x118: {  	[tilespmem:s0], [sflag:$0x1] =	stream.indirect.gather [hbm4b:s10+s28], $0x40, s13, s28, $0xb8;
	[tilespmem:$0x1F000] =	vst v63  }
0x119: {  	s19 =	simm.s32 $0x180  }
0x11a: {  	[tilespmem:s16], [sflag:$0x1] =	stream.indirect.gather [hbm4b:s10+s28], $0x40, s19, s28, $0xb8;
	[tilespmem:$0x1F000] =	vst v63  }
0x11b: {  	s22 =	simm.s32 $0x200;
	s12 =	simm.s32 $0xD000  }
0x11c: {  	[tilespmem:s12], [sflag:$0x1] =	stream.indirect.gather [hbm4b:s10+s28], $0x40, s22, s28, $0xb8;
	[tilespmem:$0x1F000] =	vst v63  }
0x11d: {  	_ =	swait.ge [sflag:s20], $0x2000  }
0x11e: {  	[sflag:s20] =	ssyncset.done $0x0  }
0x11f: {  	[sflag:s20] =	ssyncadd.s32 $0xFFFFE000  }
0x120: {  	[spmem:s3] =	stream.indirect.scatter.add.f32 [tilespmem:s29], [sflag:$0x2], $0x40, s26, s28, $0xb8;
	[tilespmem:$0x1F000] =	vst v63  }
0x121: {  	s23 =	simm.s32 $0x280;
	s24 =	simm.s32 $0xF000  }
0x122: {  	[tilespmem:s24], [sflag:$0x1] =	stream.indirect.gather [hbm4b:s10+s28], $0x40, s23, s28, $0xb8;
	[tilespmem:$0x1F000] =	vst v63  }
0x123: {  	_ =	swait.ge [sflag:s20], $0x2000  }
0x124: {  	[sflag:s20] =	ssyncset.done $0x0  }
0x125: {  	s31 =	simm.s32 $0x2880;
	[sflag:s20] =	ssyncadd.s32 $0xFFFFE000  }
0x126: {  	[spmem:s3] =	stream.indirect.scatter.add.f32 [tilespmem:s30], [sflag:$0x2], $0x40, s31, s28, $0xb8;
	[tilespmem:$0x1F000] =	vst v63  }
0x127: {  	s13 =	simm.s32 $0x11000;
	s12 =	simm.s32 $0x300  }
0x128: {  	[tilespmem:s13], [sflag:$0x1] =	stream.indirect.gather [hbm4b:s10+s28], $0x40, s12, s28, $0xb8;
	[tilespmem:$0x1F000] =	vst v63  }
0x129: {  	_ =	swait.ge [sflag:s20], $0x2000  }
0x12a: {  	[sflag:s20] =	ssyncset.done $0x0  }
0x12b: {  	s19 =	simm.s32 $0x2900;
	[sflag:s20] =	ssyncadd.s32 $0xFFFFE000  }
0x12c: {  	[spmem:s3] =	stream.indirect.scatter.add.f32 [tilespmem:s0], [sflag:$0x2], $0x40, s19, s28, $0xb8;
	[tilespmem:$0x1F000] =	vst v63  }
0x12d: {  	s22 =	simm.s32 $0x380;
	s23 =	simm.s32 $0x13000  }
0x12e: {  	[tilespmem:s23], [sflag:$0x1] =	stream.indirect.gather [hbm4b:s10+s28], $0x40, s22, s28, $0xb8;
	[tilespmem:$0x1F000] =	vst v63  }
0x12f: {  	p1 =	por $0x0, $0x0;
	_ =	swait.ge [sflag:s20], $0x2000  }
0x130: {  	s1 =	simm.s32 $0x400;
	s24 =	simm.s32 $0x2980;
	[sflag:s20] =	ssyncset.done $0x0  }
0x131: {  	s12 =	simm.s32 $0x40000;
	s13 =	simm.s32 $0x20000;
	[sflag:s20] =	ssyncadd.s32 $0xFFFFE000  }
0x132: {  	[spmem:s3] =	stream.indirect.scatter.add.f32 [tilespmem:s16], [sflag:$0x2], $0x40, s24, s28, $0xb8;
	[tilespmem:$0x1F000] =	vst v63  }
0x133: {  	s12 =	sand.u32 @!p1 $0x38000, s12;
	s31 =	sand.u32 $0x38000, s13;
	_ =	swait.ge [sflag:s15], $0x2000  }
0x134: {  	s12 =	sshrl.u32 @!p1 s12, $0x2;
	s13 =	sshrl.u32 s31, $0x2;
	[sflag:s15] =	ssyncset.done $0x0  }
0x135: {  	s12 =	sadd.s32 @!p1 $0x5000, s12;
	s19 =	simm.s32 @!p1 $0x80;
	[sflag:s15] =	ssyncadd.s32 $0xFFFFE000  }
0x136: {  	[tilespmem:s12], [sflag:$0x1] =	stream.indirect.gather @!p1 [hbm4b:s10+s19], $0x40, s1, s19, $0xb8;
	[tilespmem:$0x1F000] =	vst v63  }
0x137: {  	s22 =	simm.s32 $0x2A00;
	s23 =	simm.s32 $0x5;
	_ =	swait.ge [sflag:s20], $0x2000  }
0x138: {  	s1 =	simm.s32 $0x480;
	s12 =	simm.s32 $0x48000;
	[sflag:s20] =	ssyncset.done $0x0  }
0x139: {  	s19 =	sadd.s32 $0x5000, s13;
	s13 =	simm.s32 $0x2A80;
	[sflag:s20] =	ssyncadd.s32 $0xFFFFE000  }
.LBB2_9:
0x13a: {  	[spmem:s3] =	stream.indirect.scatter.add.f32 [tilespmem:s19], [sflag:$0x2], $0x40, s22, s28, $0xb8;
	[tilespmem:$0x1F000] =	vst v63  }
0x13b: {  	s22 =	smov.u32 s13  }
0x13c: {  	p2 =	sgt.u32 s23, $0x4B;
	s23 =	sadd.s32 $0x1, s23;
	_ =	swait.ge [sflag:s15], $0x2000  }
0x13d: {  	s19 =	sand.u32 @!p2 $0x38000, s12;
	p1 =	sne.s32 s23, $0x50;
	[sflag:s15] =	ssyncset.done $0x0  }
0x13e: {  	s24 =	sadd.s32 $0xFFFE0000, s12;
	s19 =	sshrl.u32 @!p2 s19, $0x2;
	[sflag:s15] =	ssyncadd.s32 $0xFFFFE000  }
.Ltmp6:
0x13f: {  	s31 =	simm.s32 @!p2 $0x80;
	s19 =	sadd.s32 @!p2 $0x5000, s19;
	(pc) =	sbr.rel @p1 .LBB2_9-.Ltmp6, $4  }
0x140: {  	[tilespmem:s19], [sflag:$0x1] =	stream.indirect.gather @!p2 [hbm4b:s10+s31], $0x40, s1, s31, $0xb8;
	[tilespmem:$0x1F000] =	vst v63  }
0x141: {  	s19 =	sand.u32 $0x38000, s24;
	s1 =	sadd.s32 $0x80, s1;
	_ =	swait.ge [sflag:s20], $0x2000  }
0x142: {  	s12 =	sadd.s32 $0x8000, s12;
	s19 =	sshrl.u32 s19, $0x2;
	[sflag:s20] =	ssyncset.done $0x0  }
0x143: {  	s13 =	sadd.s32 $0x80, s13;
	s19 =	sadd.s32 $0x5000, s19;
	[sflag:s20] =	ssyncadd.s32 $0xFFFFE000  }
0x144: {  	[spmem:s3] =	stream.indirect.scatter.add.f32 [tilespmem:s19], [sflag:$0x2], $0x40, s22, s28, $0xb8;
	[tilespmem:$0x1F000] =	vst v63  }
0x145: {  	_ =	swait.ge [sflag:s15], $0x2000  }
0x146: {  	[sflag:s15] =	ssyncset.done $0x0  }
0x147: {  	[sflag:s15] =	ssyncadd.s32 $0xFFFFE000  }
0x148: {  	_ =	swait.ge [sflag:s15], $0x2000  }
0x149: {  	[sflag:s15] =	ssyncset.done $0x0  }
0x14a: {  	[sflag:s15] =	ssyncadd.s32 $0xFFFFE000  }
0x14b: {  	_ =	swait.ge [sflag:s15], $0x2000  }
0x14c: {  	[sflag:s15] =	ssyncset.done $0x0  }
0x14d: {  	[sflag:s15] =	ssyncadd.s32 $0xFFFFE000  }
0x14e: {  	_ =	swait.ge [sflag:s15], $0x2000  }
0x14f: {  	[sflag:s15] =	ssyncset.done $0x0  }
0x150: {  	[sflag:s15] =	ssyncadd.s32 $0xFFFFE000  }
0x151: {  	[bflag:$0x0] =	sbarrier.arrive $0xFFFF  }
.Ltmp7:
0x152: {  	s1 =	rddreg [dreg:$0xd];
	(pc) =	sbr.rel .LBB2_20-.Ltmp7, $4  }
0x153: {  	[hbm:s1], [sflag:s18] =	dma.local [spmem:s21], $0x1400  }
0x154: {  	_ =	swait.ge [sflag:s25], $0x1400  }
0x155: {  	[sflag:s25] =	ssyncset.done $0x0  }
0x156: {  	[sflag:s25] =	ssyncadd.s32 $0xFFFFEC00  }
.LBB2_11:
0x157: {  	[tilespmem:s29], [sflag:$0x1] =	stream.indirect.gather [hbm4b:s5+s28], $0x40, s4, s28, $0xb8;
	[tilespmem:$0x1F000] =	vst v63  }
0x158: {  	_ = 	snop  }
0x159: {  	[tilespmem:s30], [sflag:$0x1] =	stream.indirect.gather [hbm4b:s5+s28], $0x40, s28, s28, $0xb8;
	[tilespmem:$0x1F000] =	vst v63  }
0x15a: {  	s1 =	simm.s32 $0x100  }
0x15b: {  	[tilespmem:s0], [sflag:$0x1] =	stream.indirect.gather [hbm4b:s5+s28], $0x40, s1, s28, $0xb8;
	[tilespmem:$0x1F000] =	vst v63  }
0x15c: {  	s19 =	simm.s32 $0x180  }
0x15d: {  	[tilespmem:s16], [sflag:$0x1] =	stream.indirect.gather [hbm4b:s5+s28], $0x40, s19, s28, $0xb8;
	[tilespmem:$0x1F000] =	vst v63  }
0x15e: {  	s22 =	simm.s32 $0x200;
	s12 =	simm.s32 $0xD000  }
0x15f: {  	[tilespmem:s12], [sflag:$0x1] =	stream.indirect.gather [hbm4b:s5+s28], $0x40, s22, s28, $0xb8;
	[tilespmem:$0x1F000] =	vst v63  }
0x160: {  	_ =	swait.ge [sflag:s20], $0x2000  }
0x161: {  	[sflag:s20] =	ssyncset.done $0x0  }
0x162: {  	[sflag:s20] =	ssyncadd.s32 $0xFFFFE000  }
0x163: {  	[spmem:s3] =	stream.indirect.scatter.add.f32 [tilespmem:s29], [sflag:$0x2], $0x40, s26, s28, $0xb8;
	[tilespmem:$0x1F000] =	vst v63  }
0x164: {  	s23 =	simm.s32 $0x280;
	s24 =	simm.s32 $0xF000  }
0x165: {  	[tilespmem:s24], [sflag:$0x1] =	stream.indirect.gather [hbm4b:s5+s28], $0x40, s23, s28, $0xb8;
	[tilespmem:$0x1F000] =	vst v63  }
0x166: {  	_ =	swait.ge [sflag:s20], $0x2000  }
0x167: {  	[sflag:s20] =	ssyncset.done $0x0  }
0x168: {  	s31 =	simm.s32 $0x2880;
	[sflag:s20] =	ssyncadd.s32 $0xFFFFE000  }
0x169: {  	[spmem:s3] =	stream.indirect.scatter.add.f32 [tilespmem:s30], [sflag:$0x2], $0x40, s31, s28, $0xb8;
	[tilespmem:$0x1F000] =	vst v63  }
0x16a: {  	s13 =	simm.s32 $0x11000;
	s12 =	simm.s32 $0x300  }
0x16b: {  	[tilespmem:s13], [sflag:$0x1] =	stream.indirect.gather [hbm4b:s5+s28], $0x40, s12, s28, $0xb8;
	[tilespmem:$0x1F000] =	vst v63  }
0x16c: {  	_ =	swait.ge [sflag:s20], $0x2000  }
0x16d: {  	[sflag:s20] =	ssyncset.done $0x0  }
0x16e: {  	s19 =	simm.s32 $0x2900;
	[sflag:s20] =	ssyncadd.s32 $0xFFFFE000  }
0x16f: {  	[spmem:s3] =	stream.indirect.scatter.add.f32 [tilespmem:s0], [sflag:$0x2], $0x40, s19, s28, $0xb8;
	[tilespmem:$0x1F000] =	vst v63  }
0x170: {  	s22 =	simm.s32 $0x380;
	s23 =	simm.s32 $0x13000  }
0x171: {  	[tilespmem:s23], [sflag:$0x1] =	stream.indirect.gather [hbm4b:s5+s28], $0x40, s22, s28, $0xb8;
	[tilespmem:$0x1F000] =	vst v63  }
0x172: {  	p1 =	por $0x0, $0x0;
	s1 =	simm.s32 $0x40000;
	_ =	swait.ge [sflag:s20], $0x2000  }
0x173: {  	s1 =	sand.u32 @!p1 $0x38000, s1;
	[sflag:s20] =	ssyncset.done $0x0  }
0x174: {  	s1 =	sshrl.u32 @!p1 s1, $0x2;
	s24 =	simm.s32 $0x2980;
	[sflag:s20] =	ssyncadd.s32 $0xFFFFE000  }
0x175: {  	[spmem:s3] =	stream.indirect.scatter.add.f32 [tilespmem:s16], [sflag:$0x2], $0x40, s24, s28, $0xb8;
	[tilespmem:$0x1F000] =	vst v63  }
0x176: {  	s1 =	sadd.s32 @!p1 $0x5000, s1;
	s13 =	simm.s32 $0x20000;
	_ =	swait.ge [sflag:s15], $0x2000  }
0x177: {  	s12 =	simm.s32 $0x400;
	s31 =	sand.u32 $0x38000, s13;
	[sflag:s15] =	ssyncset.done $0x0  }
0x178: {  	s13 =	sshrl.u32 s31, $0x2;
	s19 =	simm.s32 @!p1 $0x80;
	[sflag:s15] =	ssyncadd.s32 $0xFFFFE000  }
0x179: {  	[tilespmem:s1], [sflag:$0x1] =	stream.indirect.gather @!p1 [hbm4b:s5+s19], $0x40, s12, s19, $0xb8;
	[tilespmem:$0x1F000] =	vst v63  }
0x17a: {  	s22 =	simm.s32 $0x2A00;
	s23 =	simm.s32 $0x5;
	_ =	swait.ge [sflag:s20], $0x2000  }
0x17b: {  	s1 =	simm.s32 $0x480;
	s12 =	simm.s32 $0x48000;
	[sflag:s20] =	ssyncset.done $0x0  }
0x17c: {  	s19 =	sadd.s32 $0x5000, s13;
	s13 =	simm.s32 $0x2A80;
	[sflag:s20] =	ssyncadd.s32 $0xFFFFE000  }
.LBB2_12:
0x17d: {  	[spmem:s3] =	stream.indirect.scatter.add.f32 [tilespmem:s19], [sflag:$0x2], $0x40, s22, s28, $0xb8;
	[tilespmem:$0x1F000] =	vst v63  }
0x17e: {  	s22 =	smov.u32 s13  }
0x17f: {  	p2 =	sgt.u32 s23, $0x4B;
	s23 =	sadd.s32 $0x1, s23;
	_ =	swait.ge [sflag:s15], $0x2000  }
0x180: {  	s19 =	sand.u32 @!p2 $0x38000, s12;
	p1 =	seq.s32 s23, $0x50;
	[sflag:s15] =	ssyncset.done $0x0  }
0x181: {  	s24 =	sadd.s32 $0xFFFE0000, s12;
	s19 =	sshrl.u32 @!p2 s19, $0x2;
	[sflag:s15] =	ssyncadd.s32 $0xFFFFE000  }
.Ltmp8:
0x182: {  	s31 =	simm.s32 @!p2 $0x80;
	s19 =	sadd.s32 @!p2 $0x5000, s19;
	(pc) =	sbr.rel @!p1 .LBB2_12-.Ltmp8, $4  }
0x183: {  	[tilespmem:s19], [sflag:$0x1] =	stream.indirect.gather @!p2 [hbm4b:s5+s31], $0x40, s1, s31, $0xb8;
	[tilespmem:$0x1F000] =	vst v63  }
0x184: {  	s19 =	sand.u32 $0x38000, s24;
	s1 =	sadd.s32 $0x80, s1;
	_ =	swait.ge [sflag:s20], $0x2000  }
0x185: {  	s12 =	sadd.s32 $0x8000, s12;
	s19 =	sshrl.u32 s19, $0x2;
	[sflag:s20] =	ssyncset.done $0x0  }
0x186: {  	s13 =	sadd.s32 $0x80, s13;
	s19 =	sadd.s32 $0x5000, s19;
	[sflag:s20] =	ssyncadd.s32 $0xFFFFE000  }
0x187: {  	[spmem:s3] =	stream.indirect.scatter.add.f32 [tilespmem:s19], [sflag:$0x2], $0x40, s22, s28, $0xb8;
	[tilespmem:$0x1F000] =	vst v63  }
0x188: {  	_ =	swait.ge [sflag:s15], $0x2000  }
0x189: {  	[sflag:s15] =	ssyncset.done $0x0  }
0x18a: {  	[sflag:s15] =	ssyncadd.s32 $0xFFFFE000  }
0x18b: {  	_ =	swait.ge [sflag:s15], $0x2000  }
0x18c: {  	[sflag:s15] =	ssyncset.done $0x0  }
0x18d: {  	[sflag:s15] =	ssyncadd.s32 $0xFFFFE000  }
0x18e: {  	_ =	swait.ge [sflag:s15], $0x2000  }
0x18f: {  	[sflag:s15] =	ssyncset.done $0x0  }
0x190: {  	[sflag:s15] =	ssyncadd.s32 $0xFFFFE000  }
0x191: {  	_ =	swait.ge [sflag:s15], $0x2000  }
0x192: {  	[sflag:s15] =	ssyncset.done $0x0  }
0x193: {  	[sflag:s15] =	ssyncadd.s32 $0xFFFFE000  }
0x194: {  	[bflag:$0x0] =	sbarrier.arrive $0xFFFF  }
0x195: {  	s1 =	rddreg [dreg:$0x6]  }
0x196: {  	[hbm:s1], [sflag:s18] =	dma.local [spmem:s21], $0x1400  }
0x197: {  	_ =	swait.ge [sflag:s25], $0x1400  }
0x198: {  	[sflag:s25] =	ssyncset.done $0x0  }
0x199: {  	[sflag:s25] =	ssyncadd.s32 $0xFFFFEC00  }
0x19a: {  	[spmem:s21], [sflag:s18] =	dma.local [hbm:s14], $0x1400  }
0x19b: {  	_ =	swait.ge [sflag:s25], $0x1400  }
0x19c: {  	[sflag:s25] =	ssyncset.done $0x0  }
0x19d: {  	[sflag:s25] =	ssyncadd.s32 $0xFFFFEC00  }
0x19e: {  	[bflag:$0x0] =	sbarrier.arrive $0xFFFF  }
0x19f: {  	[tilespmem:s29], [sflag:$0x1] =	stream.indirect.gather [hbm4b:s7+s28], $0x40, s4, s28, $0xb8;
	[tilespmem:$0x1F000] =	vst v63  }
0x1a0: {  	_ = 	snop  }
0x1a1: {  	[tilespmem:s30], [sflag:$0x1] =	stream.indirect.gather [hbm4b:s7+s28], $0x40, s28, s28, $0xb8;
	[tilespmem:$0x1F000] =	vst v63  }
0x1a2: {  	s13 =	simm.s32 $0x100  }
0x1a3: {  	[tilespmem:s0], [sflag:$0x1] =	stream.indirect.gather [hbm4b:s7+s28], $0x40, s13, s28, $0xb8;
	[tilespmem:$0x1F000] =	vst v63  }
0x1a4: {  	s19 =	simm.s32 $0x180  }
0x1a5: {  	[tilespmem:s16], [sflag:$0x1] =	stream.indirect.gather [hbm4b:s7+s28], $0x40, s19, s28, $0xb8;
	[tilespmem:$0x1F000] =	vst v63  }
0x1a6: {  	s22 =	simm.s32 $0x200;
	s12 =	simm.s32 $0xD000  }
0x1a7: {  	[tilespmem:s12], [sflag:$0x1] =	stream.indirect.gather [hbm4b:s7+s28], $0x40, s22, s28, $0xb8;
	[tilespmem:$0x1F000] =	vst v63  }
0x1a8: {  	_ =	swait.ge [sflag:s20], $0x2000  }
0x1a9: {  	[sflag:s20] =	ssyncset.done $0x0  }
0x1aa: {  	[sflag:s20] =	ssyncadd.s32 $0xFFFFE000  }
0x1ab: {  	[spmem:s3] =	stream.indirect.scatter.add.f32 [tilespmem:s29], [sflag:$0x2], $0x40, s26, s28, $0xb8;
	[tilespmem:$0x1F000] =	vst v63  }
0x1ac: {  	s23 =	simm.s32 $0x280;
	s24 =	simm.s32 $0xF000  }
0x1ad: {  	[tilespmem:s24], [sflag:$0x1] =	stream.indirect.gather [hbm4b:s7+s28], $0x40, s23, s28, $0xb8;
	[tilespmem:$0x1F000] =	vst v63  }
0x1ae: {  	_ =	swait.ge [sflag:s20], $0x2000  }
0x1af: {  	[sflag:s20] =	ssyncset.done $0x0  }
0x1b0: {  	s31 =	simm.s32 $0x2880;
	[sflag:s20] =	ssyncadd.s32 $0xFFFFE000  }
0x1b1: {  	[spmem:s3] =	stream.indirect.scatter.add.f32 [tilespmem:s30], [sflag:$0x2], $0x40, s31, s28, $0xb8;
	[tilespmem:$0x1F000] =	vst v63  }
0x1b2: {  	s13 =	simm.s32 $0x11000;
	s12 =	simm.s32 $0x300  }
0x1b3: {  	[tilespmem:s13], [sflag:$0x1] =	stream.indirect.gather [hbm4b:s7+s28], $0x40, s12, s28, $0xb8;
	[tilespmem:$0x1F000] =	vst v63  }
0x1b4: {  	_ =	swait.ge [sflag:s20], $0x2000  }
0x1b5: {  	[sflag:s20] =	ssyncset.done $0x0  }
0x1b6: {  	s19 =	simm.s32 $0x2900;
	[sflag:s20] =	ssyncadd.s32 $0xFFFFE000  }
0x1b7: {  	[spmem:s3] =	stream.indirect.scatter.add.f32 [tilespmem:s0], [sflag:$0x2], $0x40, s19, s28, $0xb8;
	[tilespmem:$0x1F000] =	vst v63  }
0x1b8: {  	s22 =	simm.s32 $0x380;
	s23 =	simm.s32 $0x13000  }
0x1b9: {  	[tilespmem:s23], [sflag:$0x1] =	stream.indirect.gather [hbm4b:s7+s28], $0x40, s22, s28, $0xb8;
	[tilespmem:$0x1F000] =	vst v63  }
0x1ba: {  	p1 =	por $0x0, $0x0;
	s1 =	simm.s32 $0x40000;
	_ =	swait.ge [sflag:s20], $0x2000  }
0x1bb: {  	s1 =	sand.u32 @!p1 $0x38000, s1;
	[sflag:s20] =	ssyncset.done $0x0  }
0x1bc: {  	s1 =	sshrl.u32 @!p1 s1, $0x2;
	s24 =	simm.s32 $0x2980;
	[sflag:s20] =	ssyncadd.s32 $0xFFFFE000  }
0x1bd: {  	[spmem:s3] =	stream.indirect.scatter.add.f32 [tilespmem:s16], [sflag:$0x2], $0x40, s24, s28, $0xb8;
	[tilespmem:$0x1F000] =	vst v63  }
0x1be: {  	s1 =	sadd.s32 @!p1 $0x5000, s1;
	s13 =	simm.s32 $0x20000;
	_ =	swait.ge [sflag:s15], $0x2000  }
0x1bf: {  	s12 =	simm.s32 $0x400;
	s31 =	sand.u32 $0x38000, s13;
	[sflag:s15] =	ssyncset.done $0x0  }
0x1c0: {  	s13 =	sshrl.u32 s31, $0x2;
	s19 =	simm.s32 @!p1 $0x80;
	[sflag:s15] =	ssyncadd.s32 $0xFFFFE000  }
0x1c1: {  	[tilespmem:s1], [sflag:$0x1] =	stream.indirect.gather @!p1 [hbm4b:s7+s19], $0x40, s12, s19, $0xb8;
	[tilespmem:$0x1F000] =	vst v63  }
0x1c2: {  	s22 =	simm.s32 $0x2A00;
	s23 =	simm.s32 $0x5;
	_ =	swait.ge [sflag:s20], $0x2000  }
0x1c3: {  	s1 =	simm.s32 $0x480;
	s12 =	simm.s32 $0x48000;
	[sflag:s20] =	ssyncset.done $0x0  }
0x1c4: {  	s19 =	sadd.s32 $0x5000, s13;
	s13 =	simm.s32 $0x2A80;
	[sflag:s20] =	ssyncadd.s32 $0xFFFFE000  }
.LBB2_14:
0x1c5: {  	[spmem:s3] =	stream.indirect.scatter.add.f32 [tilespmem:s19], [sflag:$0x2], $0x40, s22, s28, $0xb8;
	[tilespmem:$0x1F000] =	vst v63  }
0x1c6: {  	s22 =	smov.u32 s13  }
0x1c7: {  	p2 =	sgt.u32 s23, $0x4B;
	s23 =	sadd.s32 $0x1, s23;
	_ =	swait.ge [sflag:s15], $0x2000  }
0x1c8: {  	s19 =	sand.u32 @!p2 $0x38000, s12;
	p1 =	sne.s32 s23, $0x50;
	[sflag:s15] =	ssyncset.done $0x0  }
0x1c9: {  	s24 =	sadd.s32 $0xFFFE0000, s12;
	s19 =	sshrl.u32 @!p2 s19, $0x2;
	[sflag:s15] =	ssyncadd.s32 $0xFFFFE000  }
.Ltmp9:
0x1ca: {  	s31 =	simm.s32 @!p2 $0x80;
	s19 =	sadd.s32 @!p2 $0x5000, s19;
	(pc) =	sbr.rel @p1 .LBB2_14-.Ltmp9, $4  }
0x1cb: {  	[tilespmem:s19], [sflag:$0x1] =	stream.indirect.gather @!p2 [hbm4b:s7+s31], $0x40, s1, s31, $0xb8;
	[tilespmem:$0x1F000] =	vst v63  }
0x1cc: {  	s19 =	sand.u32 $0x38000, s24;
	s1 =	sadd.s32 $0x80, s1;
	_ =	swait.ge [sflag:s20], $0x2000  }
0x1cd: {  	s12 =	sadd.s32 $0x8000, s12;
	s19 =	sshrl.u32 s19, $0x2;
	[sflag:s20] =	ssyncset.done $0x0  }
0x1ce: {  	s13 =	sadd.s32 $0x80, s13;
	s19 =	sadd.s32 $0x5000, s19;
	[sflag:s20] =	ssyncadd.s32 $0xFFFFE000  }
0x1cf: {  	[spmem:s3] =	stream.indirect.scatter.add.f32 [tilespmem:s19], [sflag:$0x2], $0x40, s22, s28, $0xb8;
	[tilespmem:$0x1F000] =	vst v63  }
0x1d0: {  	_ =	swait.ge [sflag:s15], $0x2000  }
0x1d1: {  	[sflag:s15] =	ssyncset.done $0x0  }
0x1d2: {  	[sflag:s15] =	ssyncadd.s32 $0xFFFFE000  }
0x1d3: {  	_ =	swait.ge [sflag:s15], $0x2000  }
0x1d4: {  	[sflag:s15] =	ssyncset.done $0x0  }
0x1d5: {  	[sflag:s15] =	ssyncadd.s32 $0xFFFFE000  }
0x1d6: {  	_ =	swait.ge [sflag:s15], $0x2000  }
0x1d7: {  	[sflag:s15] =	ssyncset.done $0x0  }
0x1d8: {  	[sflag:s15] =	ssyncadd.s32 $0xFFFFE000  }
0x1d9: {  	_ =	swait.ge [sflag:s15], $0x2000  }
0x1da: {  	[sflag:s15] =	ssyncset.done $0x0  }
0x1db: {  	[sflag:s15] =	ssyncadd.s32 $0xFFFFE000  }
0x1dc: {  	[bflag:$0x0] =	sbarrier.arrive $0xFFFF  }
0x1dd: {  	s1 =	rddreg [dreg:$0x9]  }
0x1de: {  	[hbm:s1], [sflag:s18] =	dma.local [spmem:s21], $0x1400  }
0x1df: {  	_ =	swait.ge [sflag:s25], $0x1400  }
0x1e0: {  	[sflag:s25] =	ssyncset.done $0x0  }
0x1e1: {  	[sflag:s25] =	ssyncadd.s32 $0xFFFFEC00  }
0x1e2: {  	[spmem:s21], [sflag:s18] =	dma.local [hbm:s14], $0x1400  }
0x1e3: {  	_ =	swait.ge [sflag:s25], $0x1400  }
0x1e4: {  	[sflag:s25] =	ssyncset.done $0x0  }
0x1e5: {  	[sflag:s25] =	ssyncadd.s32 $0xFFFFEC00  }
0x1e6: {  	[bflag:$0x0] =	sbarrier.arrive $0xFFFF  }
0x1e7: {  	[tilespmem:s29], [sflag:$0x1] =	stream.indirect.gather [hbm4b:s9+s28], $0x40, s4, s28, $0xb8;
	[tilespmem:$0x1F000] =	vst v63  }
0x1e8: {  	_ = 	snop  }
0x1e9: {  	[tilespmem:s30], [sflag:$0x1] =	stream.indirect.gather [hbm4b:s9+s28], $0x40, s28, s28, $0xb8;
	[tilespmem:$0x1F000] =	vst v63  }
0x1ea: {  	s13 =	simm.s32 $0x100  }
0x1eb: {  	[tilespmem:s0], [sflag:$0x1] =	stream.indirect.gather [hbm4b:s9+s28], $0x40, s13, s28, $0xb8;
	[tilespmem:$0x1F000] =	vst v63  }
0x1ec: {  	s19 =	simm.s32 $0x180  }
0x1ed: {  	[tilespmem:s16], [sflag:$0x1] =	stream.indirect.gather [hbm4b:s9+s28], $0x40, s19, s28, $0xb8;
	[tilespmem:$0x1F000] =	vst v63  }
0x1ee: {  	s22 =	simm.s32 $0x200;
	s12 =	simm.s32 $0xD000  }
0x1ef: {  	[tilespmem:s12], [sflag:$0x1] =	stream.indirect.gather [hbm4b:s9+s28], $0x40, s22, s28, $0xb8;
	[tilespmem:$0x1F000] =	vst v63  }
0x1f0: {  	_ =	swait.ge [sflag:s20], $0x2000  }
0x1f1: {  	[sflag:s20] =	ssyncset.done $0x0  }
0x1f2: {  	[sflag:s20] =	ssyncadd.s32 $0xFFFFE000  }
0x1f3: {  	[spmem:s3] =	stream.indirect.scatter.add.f32 [tilespmem:s29], [sflag:$0x2], $0x40, s26, s28, $0xb8;
	[tilespmem:$0x1F000] =	vst v63  }
0x1f4: {  	s23 =	simm.s32 $0x280;
	s24 =	simm.s32 $0xF000  }
0x1f5: {  	[tilespmem:s24], [sflag:$0x1] =	stream.indirect.gather [hbm4b:s9+s28], $0x40, s23, s28, $0xb8;
	[tilespmem:$0x1F000] =	vst v63  }
0x1f6: {  	_ =	swait.ge [sflag:s20], $0x2000  }
0x1f7: {  	[sflag:s20] =	ssyncset.done $0x0  }
0x1f8: {  	s31 =	simm.s32 $0x2880;
	[sflag:s20] =	ssyncadd.s32 $0xFFFFE000  }
0x1f9: {  	[spmem:s3] =	stream.indirect.scatter.add.f32 [tilespmem:s30], [sflag:$0x2], $0x40, s31, s28, $0xb8;
	[tilespmem:$0x1F000] =	vst v63  }
0x1fa: {  	s13 =	simm.s32 $0x11000;
	s12 =	simm.s32 $0x300  }
0x1fb: {  	[tilespmem:s13], [sflag:$0x1] =	stream.indirect.gather [hbm4b:s9+s28], $0x40, s12, s28, $0xb8;
	[tilespmem:$0x1F000] =	vst v63  }
0x1fc: {  	_ =	swait.ge [sflag:s20], $0x2000  }
0x1fd: {  	[sflag:s20] =	ssyncset.done $0x0  }
0x1fe: {  	s19 =	simm.s32 $0x2900;
	[sflag:s20] =	ssyncadd.s32 $0xFFFFE000  }
0x1ff: {  	[spmem:s3] =	stream.indirect.scatter.add.f32 [tilespmem:s0], [sflag:$0x2], $0x40, s19, s28, $0xb8;
	[tilespmem:$0x1F000] =	vst v63  }
0x200: {  	s22 =	simm.s32 $0x380;
	s23 =	simm.s32 $0x13000  }
0x201: {  	[tilespmem:s23], [sflag:$0x1] =	stream.indirect.gather [hbm4b:s9+s28], $0x40, s22, s28, $0xb8;
	[tilespmem:$0x1F000] =	vst v63  }
0x202: {  	p1 =	por $0x0, $0x0;
	_ =	swait.ge [sflag:s20], $0x2000  }
0x203: {  	s1 =	simm.s32 $0x400;
	s24 =	simm.s32 $0x2980;
	[sflag:s20] =	ssyncset.done $0x0  }
0x204: {  	s12 =	simm.s32 $0x40000;
	s13 =	simm.s32 $0x20000;
	[sflag:s20] =	ssyncadd.s32 $0xFFFFE000  }
0x205: {  	[spmem:s3] =	stream.indirect.scatter.add.f32 [tilespmem:s16], [sflag:$0x2], $0x40, s24, s28, $0xb8;
	[tilespmem:$0x1F000] =	vst v63  }
0x206: {  	s12 =	sand.u32 @!p1 $0x38000, s12;
	s31 =	sand.u32 $0x38000, s13;
	_ =	swait.ge [sflag:s15], $0x2000  }
0x207: {  	s12 =	sshrl.u32 @!p1 s12, $0x2;
	s13 =	sshrl.u32 s31, $0x2;
	[sflag:s15] =	ssyncset.done $0x0  }
0x208: {  	s12 =	sadd.s32 @!p1 $0x5000, s12;
	s19 =	simm.s32 @!p1 $0x80;
	[sflag:s15] =	ssyncadd.s32 $0xFFFFE000  }
0x209: {  	[tilespmem:s12], [sflag:$0x1] =	stream.indirect.gather @!p1 [hbm4b:s9+s19], $0x40, s1, s19, $0xb8;
	[tilespmem:$0x1F000] =	vst v63  }
0x20a: {  	s22 =	simm.s32 $0x2A00;
	s23 =	simm.s32 $0x5;
	_ =	swait.ge [sflag:s20], $0x2000  }
0x20b: {  	s1 =	simm.s32 $0x480;
	s12 =	simm.s32 $0x48000;
	[sflag:s20] =	ssyncset.done $0x0  }
0x20c: {  	s19 =	sadd.s32 $0x5000, s13;
	s13 =	simm.s32 $0x2A80;
	[sflag:s20] =	ssyncadd.s32 $0xFFFFE000  }
.LBB2_16:
0x20d: {  	[spmem:s3] =	stream.indirect.scatter.add.f32 [tilespmem:s19], [sflag:$0x2], $0x40, s22, s28, $0xb8;
	[tilespmem:$0x1F000] =	vst v63  }
0x20e: {  	s22 =	smov.u32 s13  }
0x20f: {  	p2 =	sgt.u32 s23, $0x4B;
	s23 =	sadd.s32 $0x1, s23;
	_ =	swait.ge [sflag:s15], $0x2000  }
0x210: {  	s19 =	sand.u32 @!p2 $0x38000, s12;
	p1 =	sne.s32 s23, $0x50;
	[sflag:s15] =	ssyncset.done $0x0  }
0x211: {  	s24 =	sadd.s32 $0xFFFE0000, s12;
	s19 =	sshrl.u32 @!p2 s19, $0x2;
	[sflag:s15] =	ssyncadd.s32 $0xFFFFE000  }
.Ltmp10:
0x212: {  	s31 =	simm.s32 @!p2 $0x80;
	s19 =	sadd.s32 @!p2 $0x5000, s19;
	(pc) =	sbr.rel @p1 .LBB2_16-.Ltmp10, $4  }
0x213: {  	[tilespmem:s19], [sflag:$0x1] =	stream.indirect.gather @!p2 [hbm4b:s9+s31], $0x40, s1, s31, $0xb8;
	[tilespmem:$0x1F000] =	vst v63  }
0x214: {  	s19 =	sand.u32 $0x38000, s24;
	s1 =	sadd.s32 $0x80, s1;
	_ =	swait.ge [sflag:s20], $0x2000  }
0x215: {  	s12 =	sadd.s32 $0x8000, s12;
	s19 =	sshrl.u32 s19, $0x2;
	[sflag:s20] =	ssyncset.done $0x0  }
0x216: {  	s13 =	sadd.s32 $0x80, s13;
	s19 =	sadd.s32 $0x5000, s19;
	[sflag:s20] =	ssyncadd.s32 $0xFFFFE000  }
0x217: {  	[spmem:s3] =	stream.indirect.scatter.add.f32 [tilespmem:s19], [sflag:$0x2], $0x40, s22, s28, $0xb8;
	[tilespmem:$0x1F000] =	vst v63  }
0x218: {  	_ =	swait.ge [sflag:s15], $0x2000  }
0x219: {  	[sflag:s15] =	ssyncset.done $0x0  }
0x21a: {  	[sflag:s15] =	ssyncadd.s32 $0xFFFFE000  }
0x21b: {  	_ =	swait.ge [sflag:s15], $0x2000  }
0x21c: {  	[sflag:s15] =	ssyncset.done $0x0  }
0x21d: {  	[sflag:s15] =	ssyncadd.s32 $0xFFFFE000  }
0x21e: {  	_ =	swait.ge [sflag:s15], $0x2000  }
0x21f: {  	[sflag:s15] =	ssyncset.done $0x0  }
0x220: {  	[sflag:s15] =	ssyncadd.s32 $0xFFFFE000  }
0x221: {  	_ =	swait.ge [sflag:s15], $0x2000  }
0x222: {  	[sflag:s15] =	ssyncset.done $0x0  }
0x223: {  	[sflag:s15] =	ssyncadd.s32 $0xFFFFE000  }
0x224: {  	[bflag:$0x0] =	sbarrier.arrive $0xFFFF  }
0x225: {  	s1 =	rddreg [dreg:$0xc]  }
0x226: {  	[hbm:s1], [sflag:s18] =	dma.local [spmem:s21], $0x1400  }
0x227: {  	_ =	swait.ge [sflag:s25], $0x1400  }
0x228: {  	[sflag:s25] =	ssyncset.done $0x0  }
0x229: {  	[sflag:s25] =	ssyncadd.s32 $0xFFFFEC00  }
0x22a: {  	[spmem:s21], [sflag:s18] =	dma.local [hbm:s14], $0x1400  }
0x22b: {  	_ =	swait.ge [sflag:s25], $0x1400  }
0x22c: {  	[sflag:s25] =	ssyncset.done $0x0  }
0x22d: {  	[sflag:s25] =	ssyncadd.s32 $0xFFFFEC00  }
0x22e: {  	[bflag:$0x0] =	sbarrier.arrive $0xFFFF  }
0x22f: {  	[tilespmem:s29], [sflag:$0x1] =	stream.indirect.gather [hbm4b:s11+s28], $0x40, s4, s28, $0xb8;
	[tilespmem:$0x1F000] =	vst v63  }
0x230: {  	_ = 	snop  }
0x231: {  	[tilespmem:s30], [sflag:$0x1] =	stream.indirect.gather [hbm4b:s11+s28], $0x40, s28, s28, $0xb8;
	[tilespmem:$0x1F000] =	vst v63  }
0x232: {  	s13 =	simm.s32 $0x100  }
0x233: {  	[tilespmem:s0], [sflag:$0x1] =	stream.indirect.gather [hbm4b:s11+s28], $0x40, s13, s28, $0xb8;
	[tilespmem:$0x1F000] =	vst v63  }
0x234: {  	s19 =	simm.s32 $0x180  }
0x235: {  	[tilespmem:s16], [sflag:$0x1] =	stream.indirect.gather [hbm4b:s11+s28], $0x40, s19, s28, $0xb8;
	[tilespmem:$0x1F000] =	vst v63  }
0x236: {  	s22 =	simm.s32 $0x200;
	s12 =	simm.s32 $0xD000  }
0x237: {  	[tilespmem:s12], [sflag:$0x1] =	stream.indirect.gather [hbm4b:s11+s28], $0x40, s22, s28, $0xb8;
	[tilespmem:$0x1F000] =	vst v63  }
0x238: {  	_ =	swait.ge [sflag:s20], $0x2000  }
0x239: {  	[sflag:s20] =	ssyncset.done $0x0  }
0x23a: {  	[sflag:s20] =	ssyncadd.s32 $0xFFFFE000  }
0x23b: {  	[spmem:s3] =	stream.indirect.scatter.add.f32 [tilespmem:s29], [sflag:$0x2], $0x40, s26, s28, $0xb8;
	[tilespmem:$0x1F000] =	vst v63  }
0x23c: {  	s23 =	simm.s32 $0x280;
	s24 =	simm.s32 $0xF000  }
0x23d: {  	[tilespmem:s24], [sflag:$0x1] =	stream.indirect.gather [hbm4b:s11+s28], $0x40, s23, s28, $0xb8;
	[tilespmem:$0x1F000] =	vst v63  }
0x23e: {  	_ =	swait.ge [sflag:s20], $0x2000  }
0x23f: {  	[sflag:s20] =	ssyncset.done $0x0  }
0x240: {  	s31 =	simm.s32 $0x2880;
	[sflag:s20] =	ssyncadd.s32 $0xFFFFE000  }
0x241: {  	[spmem:s3] =	stream.indirect.scatter.add.f32 [tilespmem:s30], [sflag:$0x2], $0x40, s31, s28, $0xb8;
	[tilespmem:$0x1F000] =	vst v63  }
0x242: {  	s13 =	simm.s32 $0x11000;
	s12 =	simm.s32 $0x300  }
0x243: {  	[tilespmem:s13], [sflag:$0x1] =	stream.indirect.gather [hbm4b:s11+s28], $0x40, s12, s28, $0xb8;
	[tilespmem:$0x1F000] =	vst v63  }
0x244: {  	_ =	swait.ge [sflag:s20], $0x2000  }
0x245: {  	[sflag:s20] =	ssyncset.done $0x0  }
0x246: {  	s19 =	simm.s32 $0x2900;
	[sflag:s20] =	ssyncadd.s32 $0xFFFFE000  }
0x247: {  	[spmem:s3] =	stream.indirect.scatter.add.f32 [tilespmem:s0], [sflag:$0x2], $0x40, s19, s28, $0xb8;
	[tilespmem:$0x1F000] =	vst v63  }
0x248: {  	s22 =	simm.s32 $0x380;
	s23 =	simm.s32 $0x13000  }
0x249: {  	[tilespmem:s23], [sflag:$0x1] =	stream.indirect.gather [hbm4b:s11+s28], $0x40, s22, s28, $0xb8;
	[tilespmem:$0x1F000] =	vst v63  }
0x24a: {  	p1 =	por $0x0, $0x0;
	_ =	swait.ge [sflag:s20], $0x2000  }
0x24b: {  	s1 =	simm.s32 $0x400;
	s24 =	simm.s32 $0x2980;
	[sflag:s20] =	ssyncset.done $0x0  }
0x24c: {  	s12 =	simm.s32 $0x40000;
	s13 =	simm.s32 $0x20000;
	[sflag:s20] =	ssyncadd.s32 $0xFFFFE000  }
0x24d: {  	[spmem:s3] =	stream.indirect.scatter.add.f32 [tilespmem:s16], [sflag:$0x2], $0x40, s24, s28, $0xb8;
	[tilespmem:$0x1F000] =	vst v63  }
0x24e: {  	s12 =	sand.u32 @!p1 $0x38000, s12;
	s31 =	sand.u32 $0x38000, s13;
	_ =	swait.ge [sflag:s15], $0x2000  }
0x24f: {  	s12 =	sshrl.u32 @!p1 s12, $0x2;
	s13 =	sshrl.u32 s31, $0x2;
	[sflag:s15] =	ssyncset.done $0x0  }
0x250: {  	s12 =	sadd.s32 @!p1 $0x5000, s12;
	s19 =	simm.s32 @!p1 $0x80;
	[sflag:s15] =	ssyncadd.s32 $0xFFFFE000  }
0x251: {  	[tilespmem:s12], [sflag:$0x1] =	stream.indirect.gather @!p1 [hbm4b:s11+s19], $0x40, s1, s19, $0xb8;
	[tilespmem:$0x1F000] =	vst v63  }
0x252: {  	s22 =	simm.s32 $0x2A00;
	s23 =	simm.s32 $0x5;
	_ =	swait.ge [sflag:s20], $0x2000  }
0x253: {  	s1 =	simm.s32 $0x480;
	s12 =	simm.s32 $0x48000;
	[sflag:s20] =	ssyncset.done $0x0  }
0x254: {  	s19 =	sadd.s32 $0x5000, s13;
	s13 =	simm.s32 $0x2A80;
	[sflag:s20] =	ssyncadd.s32 $0xFFFFE000  }
.LBB2_18:
0x255: {  	[spmem:s3] =	stream.indirect.scatter.add.f32 [tilespmem:s19], [sflag:$0x2], $0x40, s22, s28, $0xb8;
	[tilespmem:$0x1F000] =	vst v63  }
0x256: {  	s22 =	smov.u32 s13  }
0x257: {  	p2 =	sgt.u32 s23, $0x4B;
	s23 =	sadd.s32 $0x1, s23;
	_ =	swait.ge [sflag:s15], $0x2000  }
0x258: {  	s19 =	sand.u32 @!p2 $0x38000, s12;
	p1 =	sne.s32 s23, $0x50;
	[sflag:s15] =	ssyncset.done $0x0  }
0x259: {  	s24 =	sadd.s32 $0xFFFE0000, s12;
	s19 =	sshrl.u32 @!p2 s19, $0x2;
	[sflag:s15] =	ssyncadd.s32 $0xFFFFE000  }
.Ltmp11:
0x25a: {  	s31 =	simm.s32 @!p2 $0x80;
	s19 =	sadd.s32 @!p2 $0x5000, s19;
	(pc) =	sbr.rel @p1 .LBB2_18-.Ltmp11, $4  }
0x25b: {  	[tilespmem:s19], [sflag:$0x1] =	stream.indirect.gather @!p2 [hbm4b:s11+s31], $0x40, s1, s31, $0xb8;
	[tilespmem:$0x1F000] =	vst v63  }
0x25c: {  	s19 =	sand.u32 $0x38000, s24;
	s1 =	sadd.s32 $0x80, s1;
	_ =	swait.ge [sflag:s20], $0x2000  }
0x25d: {  	s12 =	sadd.s32 $0x8000, s12;
	s19 =	sshrl.u32 s19, $0x2;
	[sflag:s20] =	ssyncset.done $0x0  }
0x25e: {  	s13 =	sadd.s32 $0x80, s13;
	s19 =	sadd.s32 $0x5000, s19;
	[sflag:s20] =	ssyncadd.s32 $0xFFFFE000  }
.Ltmp12:
0x25f: {  	_ = 	snop;
	(pc) =	sbr.rel .LBB2_19-.Ltmp12, $1  }
0x260: {  	_ =	sdelay $0x3  }
.LBB2_21:
0x261: {  	_ =	sfence.sel $0x180000  }
0x262: {  	[bflag:$0x0] =	sbarrier.arrive $0xFFFF  }
0x263: {  	_ =	strace $0x9000004A  }
0x264: {  	s0 =	stileid.u32;
	[bflag:$0x2] =	sbarrier.arrive $0xFFFF  }
0x265: {  	p0 =	sne.s32 s0, $0x0;
	s0 =	rddreg [dreg:$0x3]  }
0x266: {  	s0 =	sadd.s32 @!p0 $0x100000, s0  }
0x267: {  	[sflag:s0] =	ssyncadd.tile.s32 @!p0 $0x1;
	_ =	shalt  }
.Lfunc_end2:
_tile_overlayer_lowered:
.L_overlay_start_2:
0x268: {  	(tag) =	ssettag $0x2  }
0x269: {  	s0 =	rddreg [dreg:$0x0];
	s2 =	stileid.u32  }
0x26a: {  	s1 =	rddreg [dreg:$0x1];
	p0 =	sne.s32 s2, $0x0  }
0x26b: {  	s3 =	rddreg [dreg:$0x2];
	[bflag:$0x3] =	sbarrier.arrive $0xFFFF;
	s2 =	simm.s32 @!p0 $0x1C03  }
0x26c: {  	[timem:s3], [sflag:s2] =	dma.local @!p0 [hbm:s0], s1  }
0x26d: {  	s0 =	simm.s32 @!p0 $0x3  }
0x26e: {  	_ =	swait.ge @!p0 [sflag:s0], s1  }
0x26f: {  	s1 =	ssub.s32 @!p0 $0x0, s1;
	[sflag:s0] =	ssyncset.done @!p0 $0x0  }
0x270: {  	[sflag:s0] =	ssyncadd.s32 @!p0 s1  }
0x271: {  	[bflag:$0x3] =	sbarrier.arrive $0xFFFF  }
0x272: {  	_ =	shalt  }

</sc_bundles>
